<compile_context>
chip_gen: v7x
topology: tpu7x:2x2x1
jax: 0.10.2.dev20260603
libtpu: 0.0.44.dev20260713+nightly
codegen_flags: <defaults>
</compile_context>

<pallas_src>
import functools

import jax
import jax.numpy as jnp
from jax import lax
from jax.experimental import pallas as pl
from jax.experimental.pallas import tpu as pltpu
from jax.experimental.pallas import tpu_sc as plsc


def _lane_allsum(v):
    idx = lax.iota(jnp.int32, 16)
    for sh in (8, 4, 2, 1):
        v = v + v.at[idx ^ sh].get(mode="promise_in_bounds")
    return v


def _round_bf16(v):
    u = lax.bitcast_convert_type(v, jnp.int32)
    u = (u + 0x7FFF + (lax.shift_right_logical(u, 16) & 1)) & (-65536)
    return lax.bitcast_convert_type(u, jnp.float32)


L = 16
NB = 6
NT = 13
RT = 6
NO = 90
XR = 0
WB = 80 * 80
AX = WB + 80 * (NB // 2) * L


def _body(pack_hbm, out_hbm, xs_v, wb_v, ax_v, est_v, hacc_v, sem):
    tid = lax.axis_index("s")

    @pl.when(tid < NT)
    def _work():
        cp1 = pltpu.async_copy(
            pack_hbm.at[pl.ds(XR + (RT * tid + 1) * 80, RT * 80)], xs_v, sem)
        cp2 = pltpu.async_copy(
            pack_hbm.at[pl.ds(WB, 80 * (NB // 2) * L)], wb_v, sem)
        cp3 = pltpu.async_copy(
            pack_hbm.at[pl.ds(AX, 2 * NB * L + 80)], ax_v, sem)
        cp1.wait()
        cp2.wait()
        cp3.wait()

        X10 = 2 * NB * L
        nrows = RT + 1

        def kb_step(kb, carry):
            accs = [list(row) for row in carry]
            xblk = [xs_v[pl.ds(r * 80 + kb * L, L)] for r in range(RT)]
            xblk.append(ax_v[pl.ds(X10 + kb * L, L)])
            for l in range(L):
                k = kb * L + l
                wv = []
                for p in range(NB // 2):
                    pair = plsc.bitcast(
                        wb_v[pl.ds((k * (NB // 2) + p) * L, L)], jnp.bfloat16)
                    wa, wbv = plsc.unpack(pair,
                                          format=plsc.PackFormat.INTERLEAVED)
                    wv.extend((wa, wbv))
                for r in range(nrows):
                    c = xblk[r][l]
                    for b in range(NB):
                        accs[r][b] = accs[r][b] + c * wv[b]
            return tuple(tuple(row) for row in accs)

        zero = jnp.zeros((L,), jnp.float32)
        accs = lax.fori_loop(
            0, 5, kb_step,
            tuple(tuple(zero for _ in range(NB)) for _ in range(nrows)))

        for r in range(RT):
            for b in range(NB):
                hacc_v[pl.ds((r * NB + b) * L, L)] = accs[r][b]

        sacc = jnp.zeros((L,), jnp.float32)
        for b in range(NB):
            sacc = sacc + _round_bf16(accs[RT][b]) * ax_v[pl.ds(b * L, L)]
        s_vec = _lane_allsum(sacc)

        lane = lax.iota(jnp.int32, L)

        def e_step(r, res):
            tacc = jnp.zeros((L,), jnp.float32)
            for b in range(NB):
                hv = _round_bf16(hacc_v[pl.ds(r * (NB * L) + b * L, L)])
                tacc = tacc + hv * ax_v[pl.ds(NB * L + b * L, L)]
            t = _lane_allsum(tacc) + s_vec
            e = jnp.where(t >= 0.0, t, 0.2 * t)
            return jnp.where(lane == r, e, res)

        est_v[...] = lax.fori_loop(0, RT, e_step, zero)
        pltpu.sync_copy(est_v, out_hbm.at[pl.ds(tid * L, L)])


@functools.partial(
    pl.kernel,
    out_type=jax.ShapeDtypeStruct((NT * L,), jnp.float32),
    mesh=plsc.VectorSubcoreMesh(core_axis_name="c", subcore_axis_name="s",
                                num_cores=1),
    scratch_types=[
        pltpu.VMEM((RT * 80,), jnp.float32),
        pltpu.VMEM((80 * (NB // 2) * L,), jnp.float32),
        pltpu.VMEM((2 * NB * L + 80,), jnp.float32),
        pltpu.VMEM((L,), jnp.float32),
        pltpu.VMEM((RT * NB * L,), jnp.float32),
        pltpu.SemaphoreType.DMA,
    ],
    compiler_params=pltpu.CompilerParams(needs_layout_passes=False),
    name="similarity_sc",
)
def _similarity_sc(pack_hbm, out_hbm, *scratch):
    _body(pack_hbm, out_hbm, *scratch)


def kernel(chicago_region_representations, W_lin, W_attn):
    f32 = jnp.float32
    x = jnp.asarray(chicago_region_representations, f32)
    xbf = _round_bf16(x)
    wbf = _round_bf16(jnp.asarray(W_lin, f32))
    abf = _round_bf16(jnp.asarray(W_attn, f32))[0]
    xrows = jnp.zeros((80, 80), f32).at[0].set(xbf[10]).at[1:78].set(xbf[:77])
    wb96 = jnp.zeros((80, NB * L), f32).at[:, :NO].set(wbf.T)
    wpairs = wb96.reshape(80, NB // 2, 2, L).transpose(0, 1, 3, 2)
    wb = lax.bitcast_convert_type(
        wpairs.astype(jnp.bfloat16), f32)
    a1 = jnp.zeros((NB * L,), f32).at[:NO].set(abf[:NO])
    a2 = jnp.zeros((NB * L,), f32).at[:NO].set(abf[NO:])
    pack = jnp.concatenate([
        xrows.reshape(-1), wb.reshape(-1), a1, a2, xbf[10],
    ])
    e = _similarity_sc(pack)
    return e.reshape(NT, L)[:, :RT].reshape(-1)[:77].reshape(77, 1)

# --- scband reference (transcript-rebuilt; emitter-appended) ---
"""Pipeline reference for scband-similarity-61495341744394 (READ-ONLY COPY).

The authoritative reference and input builder live on the scoring server;
editing this copy changes nothing except your own understanding.
"""

import jax, jax.numpy as jnp
import numpy as np

REGION = 10
IN_FEATURES = 80
OUT_FEATURES = 90  # new_size + 10


def setup_inputs(seed: int = 0) -> dict:
    key = jax.random.key(seed)
    k1, k2, k3 = jax.random.split(key, 3)
    x = jax.random.normal(k1, (77, IN_FEATURES), dtype=jnp.float32)
    # nn.Linear(in_features=80, out_features=90, bias=False): weight [out, in]
    bound1 = 1.0 / np.sqrt(IN_FEATURES)
    W_lin = jax.random.uniform(k2, (OUT_FEATURES, IN_FEATURES), dtype=jnp.float32, minval=-bound1, maxval=bound1)
    # nn.Linear(2*out_features, 1, bias=False): weight [1, 180]
    bound2 = 1.0 / np.sqrt(2 * OUT_FEATURES)
    W_attn = jax.random.uniform(k3, (1, 2 * OUT_FEATURES), dtype=jnp.float32, minval=-bound2, maxval=bound2)
    return {"chicago_region_representations": x, "W_lin": W_lin, "W_attn": W_attn}


def _leaky_relu(v, negative_slope=0.2):
    return jnp.where(v >= 0, v, negative_slope * v)


def reference(chicago_region_representations, W_lin, W_attn):
    x = chicago_region_representations
    # torch.tensor(list-of-rows) detaches from the autograd graph; replicate with stop_gradient
    target_row = x[REGION][None, :]
    input_matrix = jnp.concatenate([target_row, x[:77]], axis=0)  # [78, 80]
    input_matrix = jax.lax.stop_gradient(input_matrix.astype(jnp.float32))
    # NOTE: the original code computes F.dropout(h) into `x` but never uses it;
    # the linear is applied to the undropped input, so dropout is a no-op.
    h = input_matrix @ W_lin.T  # [78, 90]
    source = jnp.zeros((77,), dtype=jnp.int32)
    target = jnp.arange(1, 78, dtype=jnp.int32)
    a_input = jnp.concatenate([jnp.take(h, source, axis=0), jnp.take(h, target, axis=0)], axis=1)  # [77, 180]
    e = _leaky_relu(a_input @ W_attn.T, 0.2)  # [77, 1]
    return e

if __name__ == "__main__":
    import jax
    _d = setup_inputs()
    print(jax.jit(kernel)(*tuple(_d.values())))

</pallas_src>

<mosaic_0001>
#map = affine_map<(d0, d1) -> (0)>
module attributes {stable_mosaic.version = 14 : i64} {
  func.func @similarity_sc(%arg0: i32, %arg1: i32, %arg2: memref<10512xf32, #tpu.memory_space<hbm>>, %arg3: memref<208xf32, #tpu.memory_space<hbm>>, %arg4: memref<480xf32, #tpu.memory_space<vmem>>, %arg5: memref<3840xf32, #tpu.memory_space<vmem>>, %arg6: memref<272xf32, #tpu.memory_space<vmem>>, %arg7: memref<16xf32, #tpu.memory_space<vmem>>, %arg8: memref<576xf32, #tpu.memory_space<vmem>>, %arg9: memref<!tpu.dma_semaphore, #tpu.memory_space<semaphore_mem>>) attributes {dimension_semantics = [#tpu.dimension_semantics<core_parallel>, #tpu.dimension_semantics<subcore_parallel>], iteration_bounds = array<i64: 1, 16>, scalar_prefetch = 0 : i64, scratch_operands = 6 : i64, tpu.core_type = #tpu.core_type<sc_vector_subcore>, window_params = [{transform_indices = #map}, {transform_indices = #map}]} {
    %lt3A = arith.constant 13 : i32
    %lt3A_0 = arith.cmpi slt, %arg1, %lt3A : i32
    %convert_element_type3A = arith.extui %lt3A_0 : i1 to i32
    %cond3A = arith.constant 0 : i32
    %cond3A_1 = arith.cmpi ne, %convert_element_type3A, %cond3A : i32
    scf.if %cond3A_1 {
      %mul3A = arith.constant 6 : i32
      %mul3A_2 = arith.muli %mul3A, %arg1 : i32
      %add3A = arith.constant 1 : i32
      %add3A_3 = arith.addi %mul3A_2, %add3A : i32
      %mul3A_4 = arith.constant 80 : i32
      %mul3A_5 = arith.muli %add3A_3, %mul3A_4 : i32
      %add3A_6 = arith.constant 0 : i32
      %add3A_7 = arith.addi %add3A_6, %mul3A_5 : i32
      %dma_start3A = tpu.memref_slice %arg2[%add3A_7] : memref<10512xf32, #tpu.memory_space<hbm>> -> memref<480xf32, #tpu.memory_space<hbm>>
      %dma_start3A_8 = tpu.memref_slice %arg2[%add3A_7] : memref<10512xf32, #tpu.memory_space<hbm>> -> memref<480xf32, #tpu.memory_space<hbm>>
      tpu.enqueue_dma source(%dma_start3A_8 : memref<480xf32, #tpu.memory_space<hbm>>) target(%arg4 : memref<480xf32, #tpu.memory_space<vmem>>) target_semaphore(%arg9 : memref<!tpu.dma_semaphore, #tpu.memory_space<semaphore_mem>>)
      %dma_start3A_9 = arith.constant 6400 : i32
      %dma_start3A_10 = tpu.memref_slice %arg2[%dma_start3A_9] : memref<10512xf32, #tpu.memory_space<hbm>> -> memref<3840xf32, #tpu.memory_space<hbm>>
      %dma_start3A_11 = arith.constant 6400 : i32
      %dma_start3A_12 = tpu.memref_slice %arg2[%dma_start3A_11] : memref<10512xf32, #tpu.memory_space<hbm>> -> memref<3840xf32, #tpu.memory_space<hbm>>
      tpu.enqueue_dma source(%dma_start3A_12 : memref<3840xf32, #tpu.memory_space<hbm>>) target(%arg5 : memref<3840xf32, #tpu.memory_space<vmem>>) target_semaphore(%arg9 : memref<!tpu.dma_semaphore, #tpu.memory_space<semaphore_mem>>)
      %dma_start3A_13 = arith.constant 10240 : i32
      %dma_start3A_14 = tpu.memref_slice %arg2[%dma_start3A_13] : memref<10512xf32, #tpu.memory_space<hbm>> -> memref<272xf32, #tpu.memory_space<hbm>>
      %dma_start3A_15 = arith.constant 10240 : i32
      %dma_start3A_16 = tpu.memref_slice %arg2[%dma_start3A_15] : memref<10512xf32, #tpu.memory_space<hbm>> -> memref<272xf32, #tpu.memory_space<hbm>>
      tpu.enqueue_dma source(%dma_start3A_16 : memref<272xf32, #tpu.memory_space<hbm>>) target(%arg6 : memref<272xf32, #tpu.memory_space<vmem>>) target_semaphore(%arg9 : memref<!tpu.dma_semaphore, #tpu.memory_space<semaphore_mem>>)
      %dma_wait3A = tpu.memref_slice %arg2[%add3A_7] : memref<10512xf32, #tpu.memory_space<hbm>> -> memref<480xf32, #tpu.memory_space<hbm>>
      %dma_wait3A_17 = tpu.memref_slice %arg2[%add3A_7] : memref<10512xf32, #tpu.memory_space<hbm>> -> memref<480xf32, #tpu.memory_space<hbm>>
      tpu.wait_dma2 semaphore(%arg9 : memref<!tpu.dma_semaphore, #tpu.memory_space<semaphore_mem>>) src(%dma_wait3A_17 : memref<480xf32, #tpu.memory_space<hbm>>) dst(%arg4 : memref<480xf32, #tpu.memory_space<vmem>>)
      %dma_wait3A_18 = arith.constant 6400 : i32
      %dma_wait3A_19 = tpu.memref_slice %arg2[%dma_wait3A_18] : memref<10512xf32, #tpu.memory_space<hbm>> -> memref<3840xf32, #tpu.memory_space<hbm>>
      %dma_wait3A_20 = arith.constant 6400 : i32
      %dma_wait3A_21 = tpu.memref_slice %arg2[%dma_wait3A_20] : memref<10512xf32, #tpu.memory_space<hbm>> -> memref<3840xf32, #tpu.memory_space<hbm>>
      tpu.wait_dma2 semaphore(%arg9 : memref<!tpu.dma_semaphore, #tpu.memory_space<semaphore_mem>>) src(%dma_wait3A_21 : memref<3840xf32, #tpu.memory_space<hbm>>) dst(%arg5 : memref<3840xf32, #tpu.memory_space<vmem>>)
      %dma_wait3A_22 = arith.constant 10240 : i32
      %dma_wait3A_23 = tpu.memref_slice %arg2[%dma_wait3A_22] : memref<10512xf32, #tpu.memory_space<hbm>> -> memref<272xf32, #tpu.memory_space<hbm>>
      %dma_wait3A_24 = arith.constant 10240 : i32
      %dma_wait3A_25 = tpu.memref_slice %arg2[%dma_wait3A_24] : memref<10512xf32, #tpu.memory_space<hbm>> -> memref<272xf32, #tpu.memory_space<hbm>>
      tpu.wait_dma2 semaphore(%arg9 : memref<!tpu.dma_semaphore, #tpu.memory_space<semaphore_mem>>) src(%dma_wait3A_25 : memref<272xf32, #tpu.memory_space<hbm>>) dst(%arg6 : memref<272xf32, #tpu.memory_space<vmem>>)
      %broadcast_in_dim3A = arith.constant 0.000000e+00 : f32
      %broadcast_in_dim3A_26 = vector.broadcast %broadcast_in_dim3A : f32 to vector<16xf32>
      %scan3A = arith.constant 0 : i32
      %scan3A_27 = arith.constant 5 : i32
      %scan3A_28 = arith.addi %scan3A, %scan3A_27 : i32
      %scan3A_29 = arith.constant 1 : i32
      %scan3A_30:42 = scf.for %scan3A_279 = %scan3A to %scan3A_28 step %scan3A_29 iter_args(%scan3A_280 = %broadcast_in_dim3A_26, %scan3A_281 = %broadcast_in_dim3A_26, %scan3A_282 = %broadcast_in_dim3A_26, %scan3A_283 = %broadcast_in_dim3A_26, %scan3A_284 = %broadcast_in_dim3A_26, %scan3A_285 = %broadcast_in_dim3A_26, %scan3A_286 = %broadcast_in_dim3A_26, %scan3A_287 = %broadcast_in_dim3A_26, %scan3A_288 = %broadcast_in_dim3A_26, %scan3A_289 = %broadcast_in_dim3A_26, %scan3A_290 = %broadcast_in_dim3A_26, %scan3A_291 = %broadcast_in_dim3A_26, %scan3A_292 = %broadcast_in_dim3A_26, %scan3A_293 = %broadcast_in_dim3A_26, %scan3A_294 = %broadcast_in_dim3A_26, %scan3A_295 = %broadcast_in_dim3A_26, %scan3A_296 = %broadcast_in_dim3A_26, %scan3A_297 = %broadcast_in_dim3A_26, %scan3A_298 = %broadcast_in_dim3A_26, %scan3A_299 = %broadcast_in_dim3A_26, %scan3A_300 = %broadcast_in_dim3A_26, %scan3A_301 = %broadcast_in_dim3A_26, %scan3A_302 = %broadcast_in_dim3A_26, %scan3A_303 = %broadcast_in_dim3A_26, %scan3A_304 = %broadcast_in_dim3A_26, %scan3A_305 = %broadcast_in_dim3A_26, %scan3A_306 = %broadcast_in_dim3A_26, %scan3A_307 = %broadcast_in_dim3A_26, %scan3A_308 = %broadcast_in_dim3A_26, %scan3A_309 = %broadcast_in_dim3A_26, %scan3A_310 = %broadcast_in_dim3A_26, %scan3A_311 = %broadcast_in_dim3A_26, %scan3A_312 = %broadcast_in_dim3A_26, %scan3A_313 = %broadcast_in_dim3A_26, %scan3A_314 = %broadcast_in_dim3A_26, %scan3A_315 = %broadcast_in_dim3A_26, %scan3A_316 = %broadcast_in_dim3A_26, %scan3A_317 = %broadcast_in_dim3A_26, %scan3A_318 = %broadcast_in_dim3A_26, %scan3A_319 = %broadcast_in_dim3A_26, %scan3A_320 = %broadcast_in_dim3A_26, %scan3A_321 = %broadcast_in_dim3A_26) -> (vector<16xf32>, vector<16xf32>, vector<16xf32>, vector<16xf32>, vector<16xf32>, vector<16xf32>, vector<16xf32>, vector<16xf32>, vector<16xf32>, vector<16xf32>, vector<16xf32>, vector<16xf32>, vector<16xf32>, vector<16xf32>, vector<16xf32>, vector<16xf32>, vector<16xf32>, vector<16xf32>, vector<16xf32>, vector<16xf32>, vector<16xf32>, vector<16xf32>, vector<16xf32>, vector<16xf32>, vector<16xf32>, vector<16xf32>, vector<16xf32>, vector<16xf32>, vector<16xf32>, vector<16xf32>, vector<16xf32>, vector<16xf32>, vector<16xf32>, vector<16xf32>, vector<16xf32>, vector<16xf32>, vector<16xf32>, vector<16xf32>, vector<16xf32>, vector<16xf32>, vector<16xf32>, vector<16xf32>)  : i32 {
        %mul3A_322 = arith.constant 16 : i32
        %mul3A_323 = arith.muli %scan3A_279, %mul3A_322 : i32
        %add3A_324 = arith.constant 0 : i32
        %add3A_325 = arith.addi %add3A_324, %mul3A_323 : i32
        %get3A_326 = arith.index_cast %add3A_325 : i32 to index
        %get3A_327 = tpu.vector_load %arg4[%get3A_326] {strides = array<i32>} : memref<480xf32, #tpu.memory_space<vmem>>, vector<16xf32>,
        %mul3A_328 = arith.constant 16 : i32
        %mul3A_329 = arith.muli %scan3A_279, %mul3A_328 : i32
        %add3A_330 = arith.constant 80 : i32
        %add3A_331 = arith.addi %add3A_330, %mul3A_329 : i32
        %get3A_332 = arith.index_cast %add3A_331 : i32 to index
        %get3A_333 = tpu.vector_load %arg4[%get3A_332] {strides = array<i32>} : memref<480xf32, #tpu.memory_space<vmem>>, vector<16xf32>,
        %mul3A_334 = arith.constant 16 : i32
        %mul3A_335 = arith.muli %scan3A_279, %mul3A_334 : i32
        %add3A_336 = arith.constant 160 : i32
        %add3A_337 = arith.addi %add3A_336, %mul3A_335 : i32
        %get3A_338 = arith.index_cast %add3A_337 : i32 to index
        %get3A_339 = tpu.vector_load %arg4[%get3A_338] {strides = array<i32>} : memref<480xf32, #tpu.memory_space<vmem>>, vector<16xf32>,
        %mul3A_340 = arith.constant 16 : i32
        %mul3A_341 = arith.muli %scan3A_279, %mul3A_340 : i32
        %add3A_342 = arith.constant 240 : i32
        %add3A_343 = arith.addi %add3A_342, %mul3A_341 : i32
        %get3A_344 = arith.index_cast %add3A_343 : i32 to index
        %get3A_345 = tpu.vector_load %arg4[%get3A_344] {strides = array<i32>} : memref<480xf32, #tpu.memory_space<vmem>>, vector<16xf32>,
        %mul3A_346 = arith.constant 16 : i32
        %mul3A_347 = arith.muli %scan3A_279, %mul3A_346 : i32
        %add3A_348 = arith.constant 320 : i32
        %add3A_349 = arith.addi %add3A_348, %mul3A_347 : i32
        %get3A_350 = arith.index_cast %add3A_349 : i32 to index
        %get3A_351 = tpu.vector_load %arg4[%get3A_350] {strides = array<i32>} : memref<480xf32, #tpu.memory_space<vmem>>, vector<16xf32>,
        %mul3A_352 = arith.constant 16 : i32
        %mul3A_353 = arith.muli %scan3A_279, %mul3A_352 : i32
        %add3A_354 = arith.constant 400 : i32
        %add3A_355 = arith.addi %add3A_354, %mul3A_353 : i32
        %get3A_356 = arith.index_cast %add3A_355 : i32 to index
        %get3A_357 = tpu.vector_load %arg4[%get3A_356] {strides = array<i32>} : memref<480xf32, #tpu.memory_space<vmem>>, vector<16xf32>,
        %mul3A_358 = arith.constant 16 : i32
        %mul3A_359 = arith.muli %scan3A_279, %mul3A_358 : i32
        %add3A_360 = arith.constant 192 : i32
        %add3A_361 = arith.addi %add3A_360, %mul3A_359 : i32
        %get3A_362 = arith.index_cast %add3A_361 : i32 to index
        %get3A_363 = tpu.vector_load %arg6[%get3A_362] {strides = array<i32>} : memref<272xf32, #tpu.memory_space<vmem>>, vector<16xf32>,
        %mul3A_364 = arith.constant 16 : i32
        %mul3A_365 = arith.muli %scan3A_279, %mul3A_364 : i32
        %add3A_366 = arith.constant 0 : i32
        %add3A_367 = arith.addi %mul3A_365, %add3A_366 : i32
        %mul3A_368 = arith.constant 3 : i32
        %mul3A_369 = arith.muli %add3A_367, %mul3A_368 : i32
        %add3A_370 = arith.constant 0 : i32
        %add3A_371 = arith.addi %mul3A_369, %add3A_370 : i32
        %mul3A_372 = arith.constant 16 : i32
        %mul3A_373 = arith.muli %add3A_371, %mul3A_372 : i32
        %get3A_374 = arith.index_cast %mul3A_373 : i32 to index
        %get3A_375 = tpu.vector_load %arg5[%get3A_374] {strides = array<i32>} : memref<3840xf32, #tpu.memory_space<vmem>>, vector<16xf32>,
        %bitcast3A = vector.bitcast %get3A_375 : vector<16xf32> to vector<32xbf16>
        %unpack3A = tpu.unpack_subelements %bitcast3A, 0 {pack_format = #tpu.pack_format<interleaved>} : vector<32xbf16> -> vector<16xf32>
        %unpack3A_376 = tpu.unpack_subelements %bitcast3A, 1 {pack_format = #tpu.pack_format<interleaved>} : vector<32xbf16> -> vector<16xf32>
        %mul3A_377 = arith.constant 3 : i32
        %mul3A_378 = arith.muli %add3A_367, %mul3A_377 : i32
        %add3A_379 = arith.constant 1 : i32
        %add3A_380 = arith.addi %mul3A_378, %add3A_379 : i32
        %mul3A_381 = arith.constant 16 : i32
        %mul3A_382 = arith.muli %add3A_380, %mul3A_381 : i32
        %get3A_383 = arith.index_cast %mul3A_382 : i32 to index
        %get3A_384 = tpu.vector_load %arg5[%get3A_383] {strides = array<i32>} : memref<3840xf32, #tpu.memory_space<vmem>>, vector<16xf32>,
        %bitcast3A_385 = vector.bitcast %get3A_384 : vector<16xf32> to vector<32xbf16>
        %unpack3A_386 = tpu.unpack_subelements %bitcast3A_385, 0 {pack_format = #tpu.pack_format<interleaved>} : vector<32xbf16> -> vector<16xf32>
        %unpack3A_387 = tpu.unpack_subelements %bitcast3A_385, 1 {pack_format = #tpu.pack_format<interleaved>} : vector<32xbf16> -> vector<16xf32>
        %mul3A_388 = arith.constant 3 : i32
        %mul3A_389 = arith.muli %add3A_367, %mul3A_388 : i32
        %add3A_390 = arith.constant 2 : i32
        %add3A_391 = arith.addi %mul3A_389, %add3A_390 : i32
        %mul3A_392 = arith.constant 16 : i32
        %mul3A_393 = arith.muli %add3A_391, %mul3A_392 : i32
        %get3A_394 = arith.index_cast %mul3A_393 : i32 to index
        %get3A_395 = tpu.vector_load %arg5[%get3A_394] {strides = array<i32>} : memref<3840xf32, #tpu.memory_space<vmem>>, vector<16xf32>,
        %bitcast3A_396 = vector.bitcast %get3A_395 : vector<16xf32> to vector<32xbf16>
        %unpack3A_397 = tpu.unpack_subelements %bitcast3A_396, 0 {pack_format = #tpu.pack_format<interleaved>} : vector<32xbf16> -> vector<16xf32>
        %unpack3A_398 = tpu.unpack_subelements %bitcast3A_396, 1 {pack_format = #tpu.pack_format<interleaved>} : vector<32xbf16> -> vector<16xf32>
        %slice3A = vector.extract_strided_slice %get3A_327 {offsets = [0], sizes = [1], strides = [1]} : vector<16xf32> to vector<1xf32>
        %squeeze3A = vector.extract %slice3A[0] : f32 from vector<1xf32>
        %mul3A_399 = vector.broadcast %squeeze3A : f32 to vector<16xf32>
        %mul3A_400 = arith.mulf %mul3A_399, %unpack3A : vector<16xf32>
        %add3A_401 = arith.addf %scan3A_280, %mul3A_400 : vector<16xf32>
        %mul3A_402 = vector.broadcast %squeeze3A : f32 to vector<16xf32>
        %mul3A_403 = arith.mulf %mul3A_402, %unpack3A_376 : vector<16xf32>
        %add3A_404 = arith.addf %scan3A_281, %mul3A_403 : vector<16xf32>
        %mul3A_405 = vector.broadcast %squeeze3A : f32 to vector<16xf32>
        %mul3A_406 = arith.mulf %mul3A_405, %unpack3A_386 : vector<16xf32>
        %add3A_407 = arith.addf %scan3A_282, %mul3A_406 : vector<16xf32>
        %mul3A_408 = vector.broadcast %squeeze3A : f32 to vector<16xf32>
        %mul3A_409 = arith.mulf %mul3A_408, %unpack3A_387 : vector<16xf32>
        %add3A_410 = arith.addf %scan3A_283, %mul3A_409 : vector<16xf32>
        %mul3A_411 = vector.broadcast %squeeze3A : f32 to vector<16xf32>
        %mul3A_412 = arith.mulf %mul3A_411, %unpack3A_397 : vector<16xf32>
        %add3A_413 = arith.addf %scan3A_284, %mul3A_412 : vector<16xf32>
        %mul3A_414 = vector.broadcast %squeeze3A : f32 to vector<16xf32>
        %mul3A_415 = arith.mulf %mul3A_414, %unpack3A_398 : vector<16xf32>
        %add3A_416 = arith.addf %scan3A_285, %mul3A_415 : vector<16xf32>
        %slice3A_417 = vector.extract_strided_slice %get3A_333 {offsets = [0], sizes = [1], strides = [1]} : vector<16xf32> to vector<1xf32>
        %squeeze3A_418 = vector.extract %slice3A_417[0] : f32 from vector<1xf32>
        %mul3A_419 = vector.broadcast %squeeze3A_418 : f32 to vector<16xf32>
        %mul3A_420 = arith.mulf %mul3A_419, %unpack3A : vector<16xf32>
        %add3A_421 = arith.addf %scan3A_286, %mul3A_420 : vector<16xf32>
        %mul3A_422 = vector.broadcast %squeeze3A_418 : f32 to vector<16xf32>
        %mul3A_423 = arith.mulf %mul3A_422, %unpack3A_376 : vector<16xf32>
        %add3A_424 = arith.addf %scan3A_287, %mul3A_423 : vector<16xf32>
        %mul3A_425 = vector.broadcast %squeeze3A_418 : f32 to vector<16xf32>
        %mul3A_426 = arith.mulf %mul3A_425, %unpack3A_386 : vector<16xf32>
        %add3A_427 = arith.addf %scan3A_288, %mul3A_426 : vector<16xf32>
        %mul3A_428 = vector.broadcast %squeeze3A_418 : f32 to vector<16xf32>
        %mul3A_429 = arith.mulf %mul3A_428, %unpack3A_387 : vector<16xf32>
        %add3A_430 = arith.addf %scan3A_289, %mul3A_429 : vector<16xf32>
        %mul3A_431 = vector.broadcast %squeeze3A_418 : f32 to vector<16xf32>
        %mul3A_432 = arith.mulf %mul3A_431, %unpack3A_397 : vector<16xf32>
        %add3A_433 = arith.addf %scan3A_290, %mul3A_432 : vector<16xf32>
        %mul3A_434 = vector.broadcast %squeeze3A_418 : f32 to vector<16xf32>
        %mul3A_435 = arith.mulf %mul3A_434, %unpack3A_398 : vector<16xf32>
        %add3A_436 = arith.addf %scan3A_291, %mul3A_435 : vector<16xf32>
        %slice3A_437 = vector.extract_strided_slice %get3A_339 {offsets = [0], sizes = [1], strides = [1]} : vector<16xf32> to vector<1xf32>
        %squeeze3A_438 = vector.extract %slice3A_437[0] : f32 from vector<1xf32>
        %mul3A_439 = vector.broadcast %squeeze3A_438 : f32 to vector<16xf32>
        %mul3A_440 = arith.mulf %mul3A_439, %unpack3A : vector<16xf32>
        %add3A_441 = arith.addf %scan3A_292, %mul3A_440 : vector<16xf32>
        %mul3A_442 = vector.broadcast %squeeze3A_438 : f32 to vector<16xf32>
        %mul3A_443 = arith.mulf %mul3A_442, %unpack3A_376 : vector<16xf32>
        %add3A_444 = arith.addf %scan3A_293, %mul3A_443 : vector<16xf32>
        %mul3A_445 = vector.broadcast %squeeze3A_438 : f32 to vector<16xf32>
        %mul3A_446 = arith.mulf %mul3A_445, %unpack3A_386 : vector<16xf32>
        %add3A_447 = arith.addf %scan3A_294, %mul3A_446 : vector<16xf32>
        %mul3A_448 = vector.broadcast %squeeze3A_438 : f32 to vector<16xf32>
        %mul3A_449 = arith.mulf %mul3A_448, %unpack3A_387 : vector<16xf32>
        %add3A_450 = arith.addf %scan3A_295, %mul3A_449 : vector<16xf32>
        %mul3A_451 = vector.broadcast %squeeze3A_438 : f32 to vector<16xf32>
        %mul3A_452 = arith.mulf %mul3A_451, %unpack3A_397 : vector<16xf32>
        %add3A_453 = arith.addf %scan3A_296, %mul3A_452 : vector<16xf32>
        %mul3A_454 = vector.broadcast %squeeze3A_438 : f32 to vector<16xf32>
        %mul3A_455 = arith.mulf %mul3A_454, %unpack3A_398 : vector<16xf32>
        %add3A_456 = arith.addf %scan3A_297, %mul3A_455 : vector<16xf32>
        %slice3A_457 = vector.extract_strided_slice %get3A_345 {offsets = [0], sizes = [1], strides = [1]} : vector<16xf32> to vector<1xf32>
        %squeeze3A_458 = vector.extract %slice3A_457[0] : f32 from vector<1xf32>
        %mul3A_459 = vector.broadcast %squeeze3A_458 : f32 to vector<16xf32>
        %mul3A_460 = arith.mulf %mul3A_459, %unpack3A : vector<16xf32>
        %add3A_461 = arith.addf %scan3A_298, %mul3A_460 : vector<16xf32>
        %mul3A_462 = vector.broadcast %squeeze3A_458 : f32 to vector<16xf32>
        %mul3A_463 = arith.mulf %mul3A_462, %unpack3A_376 : vector<16xf32>
        %add3A_464 = arith.addf %scan3A_299, %mul3A_463 : vector<16xf32>
        %mul3A_465 = vector.broadcast %squeeze3A_458 : f32 to vector<16xf32>
        %mul3A_466 = arith.mulf %mul3A_465, %unpack3A_386 : vector<16xf32>
        %add3A_467 = arith.addf %scan3A_300, %mul3A_466 : vector<16xf32>
        %mul3A_468 = vector.broadcast %squeeze3A_458 : f32 to vector<16xf32>
        %mul3A_469 = arith.mulf %mul3A_468, %unpack3A_387 : vector<16xf32>
        %add3A_470 = arith.addf %scan3A_301, %mul3A_469 : vector<16xf32>
        %mul3A_471 = vector.broadcast %squeeze3A_458 : f32 to vector<16xf32>
        %mul3A_472 = arith.mulf %mul3A_471, %unpack3A_397 : vector<16xf32>
        %add3A_473 = arith.addf %scan3A_302, %mul3A_472 : vector<16xf32>
        %mul3A_474 = vector.broadcast %squeeze3A_458 : f32 to vector<16xf32>
        %mul3A_475 = arith.mulf %mul3A_474, %unpack3A_398 : vector<16xf32>
        %add3A_476 = arith.addf %scan3A_303, %mul3A_475 : vector<16xf32>
        %slice3A_477 = vector.extract_strided_slice %get3A_351 {offsets = [0], sizes = [1], strides = [1]} : vector<16xf32> to vector<1xf32>
        %squeeze3A_478 = vector.extract %slice3A_477[0] : f32 from vector<1xf32>
        %mul3A_479 = vector.broadcast %squeeze3A_478 : f32 to vector<16xf32>
        %mul3A_480 = arith.mulf %mul3A_479, %unpack3A : vector<16xf32>
        %add3A_481 = arith.addf %scan3A_304, %mul3A_480 : vector<16xf32>
        %mul3A_482 = vector.broadcast %squeeze3A_478 : f32 to vector<16xf32>
        %mul3A_483 = arith.mulf %mul3A_482, %unpack3A_376 : vector<16xf32>
        %add3A_484 = arith.addf %scan3A_305, %mul3A_483 : vector<16xf32>
        %mul3A_485 = vector.broadcast %squeeze3A_478 : f32 to vector<16xf32>
        %mul3A_486 = arith.mulf %mul3A_485, %unpack3A_386 : vector<16xf32>
        %add3A_487 = arith.addf %scan3A_306, %mul3A_486 : vector<16xf32>
        %mul3A_488 = vector.broadcast %squeeze3A_478 : f32 to vector<16xf32>
        %mul3A_489 = arith.mulf %mul3A_488, %unpack3A_387 : vector<16xf32>
        %add3A_490 = arith.addf %scan3A_307, %mul3A_489 : vector<16xf32>
        %mul3A_491 = vector.broadcast %squeeze3A_478 : f32 to vector<16xf32>
        %mul3A_492 = arith.mulf %mul3A_491, %unpack3A_397 : vector<16xf32>
        %add3A_493 = arith.addf %scan3A_308, %mul3A_492 : vector<16xf32>
        %mul3A_494 = vector.broadcast %squeeze3A_478 : f32 to vector<16xf32>
        %mul3A_495 = arith.mulf %mul3A_494, %unpack3A_398 : vector<16xf32>
        %add3A_496 = arith.addf %scan3A_309, %mul3A_495 : vector<16xf32>
        %slice3A_497 = vector.extract_strided_slice %get3A_357 {offsets = [0], sizes = [1], strides = [1]} : vector<16xf32> to vector<1xf32>
        %squeeze3A_498 = vector.extract %slice3A_497[0] : f32 from vector<1xf32>
        %mul3A_499 = vector.broadcast %squeeze3A_498 : f32 to vector<16xf32>
        %mul3A_500 = arith.mulf %mul3A_499, %unpack3A : vector<16xf32>
        %add3A_501 = arith.addf %scan3A_310, %mul3A_500 : vector<16xf32>
        %mul3A_502 = vector.broadcast %squeeze3A_498 : f32 to vector<16xf32>
        %mul3A_503 = arith.mulf %mul3A_502, %unpack3A_376 : vector<16xf32>
        %add3A_504 = arith.addf %scan3A_311, %mul3A_503 : vector<16xf32>
        %mul3A_505 = vector.broadcast %squeeze3A_498 : f32 to vector<16xf32>
        %mul3A_506 = arith.mulf %mul3A_505, %unpack3A_386 : vector<16xf32>
        %add3A_507 = arith.addf %scan3A_312, %mul3A_506 : vector<16xf32>
        %mul3A_508 = vector.broadcast %squeeze3A_498 : f32 to vector<16xf32>
        %mul3A_509 = arith.mulf %mul3A_508, %unpack3A_387 : vector<16xf32>
        %add3A_510 = arith.addf %scan3A_313, %mul3A_509 : vector<16xf32>
        %mul3A_511 = vector.broadcast %squeeze3A_498 : f32 to vector<16xf32>
        %mul3A_512 = arith.mulf %mul3A_511, %unpack3A_397 : vector<16xf32>
        %add3A_513 = arith.addf %scan3A_314, %mul3A_512 : vector<16xf32>
        %mul3A_514 = vector.broadcast %squeeze3A_498 : f32 to vector<16xf32>
        %mul3A_515 = arith.mulf %mul3A_514, %unpack3A_398 : vector<16xf32>
        %add3A_516 = arith.addf %scan3A_315, %mul3A_515 : vector<16xf32>
        %slice3A_517 = vector.extract_strided_slice %get3A_363 {offsets = [0], sizes = [1], strides = [1]} : vector<16xf32> to vector<1xf32>
        %squeeze3A_518 = vector.extract %slice3A_517[0] : f32 from vector<1xf32>
        %mul3A_519 = vector.broadcast %squeeze3A_518 : f32 to vector<16xf32>
        %mul3A_520 = arith.mulf %mul3A_519, %unpack3A : vector<16xf32>
        %add3A_521 = arith.addf %scan3A_316, %mul3A_520 : vector<16xf32>
        %mul3A_522 = vector.broadcast %squeeze3A_518 : f32 to vector<16xf32>
        %mul3A_523 = arith.mulf %mul3A_522, %unpack3A_376 : vector<16xf32>
        %add3A_524 = arith.addf %scan3A_317, %mul3A_523 : vector<16xf32>
        %mul3A_525 = vector.broadcast %squeeze3A_518 : f32 to vector<16xf32>
        %mul3A_526 = arith.mulf %mul3A_525, %unpack3A_386 : vector<16xf32>
        %add3A_527 = arith.addf %scan3A_318, %mul3A_526 : vector<16xf32>
        %mul3A_528 = vector.broadcast %squeeze3A_518 : f32 to vector<16xf32>
        %mul3A_529 = arith.mulf %mul3A_528, %unpack3A_387 : vector<16xf32>
        %add3A_530 = arith.addf %scan3A_319, %mul3A_529 : vector<16xf32>
        %mul3A_531 = vector.broadcast %squeeze3A_518 : f32 to vector<16xf32>
        %mul3A_532 = arith.mulf %mul3A_531, %unpack3A_397 : vector<16xf32>
        %add3A_533 = arith.addf %scan3A_320, %mul3A_532 : vector<16xf32>
        %mul3A_534 = vector.broadcast %squeeze3A_518 : f32 to vector<16xf32>
        %mul3A_535 = arith.mulf %mul3A_534, %unpack3A_398 : vector<16xf32>
        %add3A_536 = arith.addf %scan3A_321, %mul3A_535 : vector<16xf32>
        %mul3A_537 = arith.constant 16 : i32
        %mul3A_538 = arith.muli %scan3A_279, %mul3A_537 : i32
        %add3A_539 = arith.constant 1 : i32
        %add3A_540 = arith.addi %mul3A_538, %add3A_539 : i32
        %mul3A_541 = arith.constant 3 : i32
        %mul3A_542 = arith.muli %add3A_540, %mul3A_541 : i32
        %add3A_543 = arith.constant 0 : i32
        %add3A_544 = arith.addi %mul3A_542, %add3A_543 : i32
        %mul3A_545 = arith.constant 16 : i32
        %mul3A_546 = arith.muli %add3A_544, %mul3A_545 : i32
        %get3A_547 = arith.index_cast %mul3A_546 : i32 to index
        %get3A_548 = tpu.vector_load %arg5[%get3A_547] {strides = array<i32>} : memref<3840xf32, #tpu.memory_space<vmem>>, vector<16xf32>,
        %bitcast3A_549 = vector.bitcast %get3A_548 : vector<16xf32> to vector<32xbf16>
        %unpack3A_550 = tpu.unpack_subelements %bitcast3A_549, 0 {pack_format = #tpu.pack_format<interleaved>} : vector<32xbf16> -> vector<16xf32>
        %unpack3A_551 = tpu.unpack_subelements %bitcast3A_549, 1 {pack_format = #tpu.pack_format<interleaved>} : vector<32xbf16> -> vector<16xf32>
        %mul3A_552 = arith.constant 3 : i32
        %mul3A_553 = arith.muli %add3A_540, %mul3A_552 : i32
        %add3A_554 = arith.constant 1 : i32
        %add3A_555 = arith.addi %mul3A_553, %add3A_554 : i32
        %mul3A_556 = arith.constant 16 : i32
        %mul3A_557 = arith.muli %add3A_555, %mul3A_556 : i32
        %get3A_558 = arith.index_cast %mul3A_557 : i32 to index
        %get3A_559 = tpu.vector_load %arg5[%get3A_558] {strides = array<i32>} : memref<3840xf32, #tpu.memory_space<vmem>>, vector<16xf32>,
        %bitcast3A_560 = vector.bitcast %get3A_559 : vector<16xf32> to vector<32xbf16>
        %unpack3A_561 = tpu.unpack_subelements %bitcast3A_560, 0 {pack_format = #tpu.pack_format<interleaved>} : vector<32xbf16> -> vector<16xf32>
        %unpack3A_562 = tpu.unpack_subelements %bitcast3A_560, 1 {pack_format = #tpu.pack_format<interleaved>} : vector<32xbf16> -> vector<16xf32>
        %mul3A_563 = arith.constant 3 : i32
        %mul3A_564 = arith.muli %add3A_540, %mul3A_563 : i32
        %add3A_565 = arith.constant 2 : i32
        %add3A_566 = arith.addi %mul3A_564, %add3A_565 : i32
        %mul3A_567 = arith.constant 16 : i32
        %mul3A_568 = arith.muli %add3A_566, %mul3A_567 : i32
        %get3A_569 = arith.index_cast %mul3A_568 : i32 to index
        %get3A_570 = tpu.vector_load %arg5[%get3A_569] {strides = array<i32>} : memref<3840xf32, #tpu.memory_space<vmem>>, vector<16xf32>,
        %bitcast3A_571 = vector.bitcast %get3A_570 : vector<16xf32> to vector<32xbf16>
        %unpack3A_572 = tpu.unpack_subelements %bitcast3A_571, 0 {pack_format = #tpu.pack_format<interleaved>} : vector<32xbf16> -> vector<16xf32>
        %unpack3A_573 = tpu.unpack_subelements %bitcast3A_571, 1 {pack_format = #tpu.pack_format<interleaved>} : vector<32xbf16> -> vector<16xf32>
        %slice3A_574 = vector.extract_strided_slice %get3A_327 {offsets = [1], sizes = [1], strides = [1]} : vector<16xf32> to vector<1xf32>
        %squeeze3A_575 = vector.extract %slice3A_574[0] : f32 from vector<1xf32>
        %mul3A_576 = vector.broadcast %squeeze3A_575 : f32 to vector<16xf32>
        %mul3A_577 = arith.mulf %mul3A_576, %unpack3A_550 : vector<16xf32>
        %add3A_578 = arith.addf %add3A_401, %mul3A_577 : vector<16xf32>
        %mul3A_579 = vector.broadcast %squeeze3A_575 : f32 to vector<16xf32>
        %mul3A_580 = arith.mulf %mul3A_579, %unpack3A_551 : vector<16xf32>
        %add3A_581 = arith.addf %add3A_404, %mul3A_580 : vector<16xf32>
        %mul3A_582 = vector.broadcast %squeeze3A_575 : f32 to vector<16xf32>
        %mul3A_583 = arith.mulf %mul3A_582, %unpack3A_561 : vector<16xf32>
        %add3A_584 = arith.addf %add3A_407, %mul3A_583 : vector<16xf32>
        %mul3A_585 = vector.broadcast %squeeze3A_575 : f32 to vector<16xf32>
        %mul3A_586 = arith.mulf %mul3A_585, %unpack3A_562 : vector<16xf32>
        %add3A_587 = arith.addf %add3A_410, %mul3A_586 : vector<16xf32>
        %mul3A_588 = vector.broadcast %squeeze3A_575 : f32 to vector<16xf32>
        %mul3A_589 = arith.mulf %mul3A_588, %unpack3A_572 : vector<16xf32>
        %add3A_590 = arith.addf %add3A_413, %mul3A_589 : vector<16xf32>
        %mul3A_591 = vector.broadcast %squeeze3A_575 : f32 to vector<16xf32>
        %mul3A_592 = arith.mulf %mul3A_591, %unpack3A_573 : vector<16xf32>
        %add3A_593 = arith.addf %add3A_416, %mul3A_592 : vector<16xf32>
        %slice3A_594 = vector.extract_strided_slice %get3A_333 {offsets = [1], sizes = [1], strides = [1]} : vector<16xf32> to vector<1xf32>
        %squeeze3A_595 = vector.extract %slice3A_594[0] : f32 from vector<1xf32>
        %mul3A_596 = vector.broadcast %squeeze3A_595 : f32 to vector<16xf32>
        %mul3A_597 = arith.mulf %mul3A_596, %unpack3A_550 : vector<16xf32>
        %add3A_598 = arith.addf %add3A_421, %mul3A_597 : vector<16xf32>
        %mul3A_599 = vector.broadcast %squeeze3A_595 : f32 to vector<16xf32>
        %mul3A_600 = arith.mulf %mul3A_599, %unpack3A_551 : vector<16xf32>
        %add3A_601 = arith.addf %add3A_424, %mul3A_600 : vector<16xf32>
        %mul3A_602 = vector.broadcast %squeeze3A_595 : f32 to vector<16xf32>
        %mul3A_603 = arith.mulf %mul3A_602, %unpack3A_561 : vector<16xf32>
        %add3A_604 = arith.addf %add3A_427, %mul3A_603 : vector<16xf32>
        %mul3A_605 = vector.broadcast %squeeze3A_595 : f32 to vector<16xf32>
        %mul3A_606 = arith.mulf %mul3A_605, %unpack3A_562 : vector<16xf32>
        %add3A_607 = arith.addf %add3A_430, %mul3A_606 : vector<16xf32>
        %mul3A_608 = vector.broadcast %squeeze3A_595 : f32 to vector<16xf32>
        %mul3A_609 = arith.mulf %mul3A_608, %unpack3A_572 : vector<16xf32>
        %add3A_610 = arith.addf %add3A_433, %mul3A_609 : vector<16xf32>
        %mul3A_611 = vector.broadcast %squeeze3A_595 : f32 to vector<16xf32>
        %mul3A_612 = arith.mulf %mul3A_611, %unpack3A_573 : vector<16xf32>
        %add3A_613 = arith.addf %add3A_436, %mul3A_612 : vector<16xf32>
        %slice3A_614 = vector.extract_strided_slice %get3A_339 {offsets = [1], sizes = [1], strides = [1]} : vector<16xf32> to vector<1xf32>
        %squeeze3A_615 = vector.extract %slice3A_614[0] : f32 from vector<1xf32>
        %mul3A_616 = vector.broadcast %squeeze3A_615 : f32 to vector<16xf32>
        %mul3A_617 = arith.mulf %mul3A_616, %unpack3A_550 : vector<16xf32>
        %add3A_618 = arith.addf %add3A_441, %mul3A_617 : vector<16xf32>
        %mul3A_619 = vector.broadcast %squeeze3A_615 : f32 to vector<16xf32>
        %mul3A_620 = arith.mulf %mul3A_619, %unpack3A_551 : vector<16xf32>
        %add3A_621 = arith.addf %add3A_444, %mul3A_620 : vector<16xf32>
        %mul3A_622 = vector.broadcast %squeeze3A_615 : f32 to vector<16xf32>
        %mul3A_623 = arith.mulf %mul3A_622, %unpack3A_561 : vector<16xf32>
        %add3A_624 = arith.addf %add3A_447, %mul3A_623 : vector<16xf32>
        %mul3A_625 = vector.broadcast %squeeze3A_615 : f32 to vector<16xf32>
        %mul3A_626 = arith.mulf %mul3A_625, %unpack3A_562 : vector<16xf32>
        %add3A_627 = arith.addf %add3A_450, %mul3A_626 : vector<16xf32>
        %mul3A_628 = vector.broadcast %squeeze3A_615 : f32 to vector<16xf32>
        %mul3A_629 = arith.mulf %mul3A_628, %unpack3A_572 : vector<16xf32>
        %add3A_630 = arith.addf %add3A_453, %mul3A_629 : vector<16xf32>
        %mul3A_631 = vector.broadcast %squeeze3A_615 : f32 to vector<16xf32>
        %mul3A_632 = arith.mulf %mul3A_631, %unpack3A_573 : vector<16xf32>
        %add3A_633 = arith.addf %add3A_456, %mul3A_632 : vector<16xf32>
        %slice3A_634 = vector.extract_strided_slice %get3A_345 {offsets = [1], sizes = [1], strides = [1]} : vector<16xf32> to vector<1xf32>
        %squeeze3A_635 = vector.extract %slice3A_634[0] : f32 from vector<1xf32>
        %mul3A_636 = vector.broadcast %squeeze3A_635 : f32 to vector<16xf32>
        %mul3A_637 = arith.mulf %mul3A_636, %unpack3A_550 : vector<16xf32>
        %add3A_638 = arith.addf %add3A_461, %mul3A_637 : vector<16xf32>
        %mul3A_639 = vector.broadcast %squeeze3A_635 : f32 to vector<16xf32>
        %mul3A_640 = arith.mulf %mul3A_639, %unpack3A_551 : vector<16xf32>
        %add3A_641 = arith.addf %add3A_464, %mul3A_640 : vector<16xf32>
        %mul3A_642 = vector.broadcast %squeeze3A_635 : f32 to vector<16xf32>
        %mul3A_643 = arith.mulf %mul3A_642, %unpack3A_561 : vector<16xf32>
        %add3A_644 = arith.addf %add3A_467, %mul3A_643 : vector<16xf32>
        %mul3A_645 = vector.broadcast %squeeze3A_635 : f32 to vector<16xf32>
        %mul3A_646 = arith.mulf %mul3A_645, %unpack3A_562 : vector<16xf32>
        %add3A_647 = arith.addf %add3A_470, %mul3A_646 : vector<16xf32>
        %mul3A_648 = vector.broadcast %squeeze3A_635 : f32 to vector<16xf32>
        %mul3A_649 = arith.mulf %mul3A_648, %unpack3A_572 : vector<16xf32>
        %add3A_650 = arith.addf %add3A_473, %mul3A_649 : vector<16xf32>
        %mul3A_651 = vector.broadcast %squeeze3A_635 : f32 to vector<16xf32>
        %mul3A_652 = arith.mulf %mul3A_651, %unpack3A_573 : vector<16xf32>
        %add3A_653 = arith.addf %add3A_476, %mul3A_652 : vector<16xf32>
        %slice3A_654 = vector.extract_strided_slice %get3A_351 {offsets = [1], sizes = [1], strides = [1]} : vector<16xf32> to vector<1xf32>
        %squeeze3A_655 = vector.extract %slice3A_654[0] : f32 from vector<1xf32>
        %mul3A_656 = vector.broadcast %squeeze3A_655 : f32 to vector<16xf32>
        %mul3A_657 = arith.mulf %mul3A_656, %unpack3A_550 : vector<16xf32>
        %add3A_658 = arith.addf %add3A_481, %mul3A_657 : vector<16xf32>
        %mul3A_659 = vector.broadcast %squeeze3A_655 : f32 to vector<16xf32>
        %mul3A_660 = arith.mulf %mul3A_659, %unpack3A_551 : vector<16xf32>
        %add3A_661 = arith.addf %add3A_484, %mul3A_660 : vector<16xf32>
        %mul3A_662 = vector.broadcast %squeeze3A_655 : f32 to vector<16xf32>
        %mul3A_663 = arith.mulf %mul3A_662, %unpack3A_561 : vector<16xf32>
        %add3A_664 = arith.addf %add3A_487, %mul3A_663 : vector<16xf32>
        %mul3A_665 = vector.broadcast %squeeze3A_655 : f32 to vector<16xf32>
        %mul3A_666 = arith.mulf %mul3A_665, %unpack3A_562 : vector<16xf32>
        %add3A_667 = arith.addf %add3A_490, %mul3A_666 : vector<16xf32>
        %mul3A_668 = vector.broadcast %squeeze3A_655 : f32 to vector<16xf32>
        %mul3A_669 = arith.mulf %mul3A_668, %unpack3A_572 : vector<16xf32>
        %add3A_670 = arith.addf %add3A_493, %mul3A_669 : vector<16xf32>
        %mul3A_671 = vector.broadcast %squeeze3A_655 : f32 to vector<16xf32>
        %mul3A_672 = arith.mulf %mul3A_671, %unpack3A_573 : vector<16xf32>
        %add3A_673 = arith.addf %add3A_496, %mul3A_672 : vector<16xf32>
        %slice3A_674 = vector.extract_strided_slice %get3A_357 {offsets = [1], sizes = [1], strides = [1]} : vector<16xf32> to vector<1xf32>
        %squeeze3A_675 = vector.extract %slice3A_674[0] : f32 from vector<1xf32>
        %mul3A_676 = vector.broadcast %squeeze3A_675 : f32 to vector<16xf32>
        %mul3A_677 = arith.mulf %mul3A_676, %unpack3A_550 : vector<16xf32>
        %add3A_678 = arith.addf %add3A_501, %mul3A_677 : vector<16xf32>
        %mul3A_679 = vector.broadcast %squeeze3A_675 : f32 to vector<16xf32>
        %mul3A_680 = arith.mulf %mul3A_679, %unpack3A_551 : vector<16xf32>
        %add3A_681 = arith.addf %add3A_504, %mul3A_680 : vector<16xf32>
        %mul3A_682 = vector.broadcast %squeeze3A_675 : f32 to vector<16xf32>
        %mul3A_683 = arith.mulf %mul3A_682, %unpack3A_561 : vector<16xf32>
        %add3A_684 = arith.addf %add3A_507, %mul3A_683 : vector<16xf32>
        %mul3A_685 = vector.broadcast %squeeze3A_675 : f32 to vector<16xf32>
        %mul3A_686 = arith.mulf %mul3A_685, %unpack3A_562 : vector<16xf32>
        %add3A_687 = arith.addf %add3A_510, %mul3A_686 : vector<16xf32>
        %mul3A_688 = vector.broadcast %squeeze3A_675 : f32 to vector<16xf32>
        %mul3A_689 = arith.mulf %mul3A_688, %unpack3A_572 : vector<16xf32>
        %add3A_690 = arith.addf %add3A_513, %mul3A_689 : vector<16xf32>
        %mul3A_691 = vector.broadcast %squeeze3A_675 : f32 to vector<16xf32>
        %mul3A_692 = arith.mulf %mul3A_691, %unpack3A_573 : vector<16xf32>
        %add3A_693 = arith.addf %add3A_516, %mul3A_692 : vector<16xf32>
        %slice3A_694 = vector.extract_strided_slice %get3A_363 {offsets = [1], sizes = [1], strides = [1]} : vector<16xf32> to vector<1xf32>
        %squeeze3A_695 = vector.extract %slice3A_694[0] : f32 from vector<1xf32>
        %mul3A_696 = vector.broadcast %squeeze3A_695 : f32 to vector<16xf32>
        %mul3A_697 = arith.mulf %mul3A_696, %unpack3A_550 : vector<16xf32>
        %add3A_698 = arith.addf %add3A_521, %mul3A_697 : vector<16xf32>
        %mul3A_699 = vector.broadcast %squeeze3A_695 : f32 to vector<16xf32>
        %mul3A_700 = arith.mulf %mul3A_699, %unpack3A_551 : vector<16xf32>
        %add3A_701 = arith.addf %add3A_524, %mul3A_700 : vector<16xf32>
        %mul3A_702 = vector.broadcast %squeeze3A_695 : f32 to vector<16xf32>
        %mul3A_703 = arith.mulf %mul3A_702, %unpack3A_561 : vector<16xf32>
        %add3A_704 = arith.addf %add3A_527, %mul3A_703 : vector<16xf32>
        %mul3A_705 = vector.broadcast %squeeze3A_695 : f32 to vector<16xf32>
        %mul3A_706 = arith.mulf %mul3A_705, %unpack3A_562 : vector<16xf32>
        %add3A_707 = arith.addf %add3A_530, %mul3A_706 : vector<16xf32>
        %mul3A_708 = vector.broadcast %squeeze3A_695 : f32 to vector<16xf32>
        %mul3A_709 = arith.mulf %mul3A_708, %unpack3A_572 : vector<16xf32>
        %add3A_710 = arith.addf %add3A_533, %mul3A_709 : vector<16xf32>
        %mul3A_711 = vector.broadcast %squeeze3A_695 : f32 to vector<16xf32>
        %mul3A_712 = arith.mulf %mul3A_711, %unpack3A_573 : vector<16xf32>
        %add3A_713 = arith.addf %add3A_536, %mul3A_712 : vector<16xf32>
        %mul3A_714 = arith.constant 16 : i32
        %mul3A_715 = arith.muli %scan3A_279, %mul3A_714 : i32
        %add3A_716 = arith.constant 2 : i32
        %add3A_717 = arith.addi %mul3A_715, %add3A_716 : i32
        %mul3A_718 = arith.constant 3 : i32
        %mul3A_719 = arith.muli %add3A_717, %mul3A_718 : i32
        %add3A_720 = arith.constant 0 : i32
        %add3A_721 = arith.addi %mul3A_719, %add3A_720 : i32
        %mul3A_722 = arith.constant 16 : i32
        %mul3A_723 = arith.muli %add3A_721, %mul3A_722 : i32
        %get3A_724 = arith.index_cast %mul3A_723 : i32 to index
        %get3A_725 = tpu.vector_load %arg5[%get3A_724] {strides = array<i32>} : memref<3840xf32, #tpu.memory_space<vmem>>, vector<16xf32>,
        %bitcast3A_726 = vector.bitcast %get3A_725 : vector<16xf32> to vector<32xbf16>
        %unpack3A_727 = tpu.unpack_subelements %bitcast3A_726, 0 {pack_format = #tpu.pack_format<interleaved>} : vector<32xbf16> -> vector<16xf32>
        %unpack3A_728 = tpu.unpack_subelements %bitcast3A_726, 1 {pack_format = #tpu.pack_format<interleaved>} : vector<32xbf16> -> vector<16xf32>
        %mul3A_729 = arith.constant 3 : i32
        %mul3A_730 = arith.muli %add3A_717, %mul3A_729 : i32
        %add3A_731 = arith.constant 1 : i32
        %add3A_732 = arith.addi %mul3A_730, %add3A_731 : i32
        %mul3A_733 = arith.constant 16 : i32
        %mul3A_734 = arith.muli %add3A_732, %mul3A_733 : i32
        %get3A_735 = arith.index_cast %mul3A_734 : i32 to index
        %get3A_736 = tpu.vector_load %arg5[%get3A_735] {strides = array<i32>} : memref<3840xf32, #tpu.memory_space<vmem>>, vector<16xf32>,
        %bitcast3A_737 = vector.bitcast %get3A_736 : vector<16xf32> to vector<32xbf16>
        %unpack3A_738 = tpu.unpack_subelements %bitcast3A_737, 0 {pack_format = #tpu.pack_format<interleaved>} : vector<32xbf16> -> vector<16xf32>
        %unpack3A_739 = tpu.unpack_subelements %bitcast3A_737, 1 {pack_format = #tpu.pack_format<interleaved>} : vector<32xbf16> -> vector<16xf32>
        %mul3A_740 = arith.constant 3 : i32
        %mul3A_741 = arith.muli %add3A_717, %mul3A_740 : i32
        %add3A_742 = arith.constant 2 : i32
        %add3A_743 = arith.addi %mul3A_741, %add3A_742 : i32
        %mul3A_744 = arith.constant 16 : i32
        %mul3A_745 = arith.muli %add3A_743, %mul3A_744 : i32
        %get3A_746 = arith.index_cast %mul3A_745 : i32 to index
        %get3A_747 = tpu.vector_load %arg5[%get3A_746] {strides = array<i32>} : memref<3840xf32, #tpu.memory_space<vmem>>, vector<16xf32>,
        %bitcast3A_748 = vector.bitcast %get3A_747 : vector<16xf32> to vector<32xbf16>
        %unpack3A_749 = tpu.unpack_subelements %bitcast3A_748, 0 {pack_format = #tpu.pack_format<interleaved>} : vector<32xbf16> -> vector<16xf32>
        %unpack3A_750 = tpu.unpack_subelements %bitcast3A_748, 1 {pack_format = #tpu.pack_format<interleaved>} : vector<32xbf16> -> vector<16xf32>
        %slice3A_751 = vector.extract_strided_slice %get3A_327 {offsets = [2], sizes = [1], strides = [1]} : vector<16xf32> to vector<1xf32>
        %squeeze3A_752 = vector.extract %slice3A_751[0] : f32 from vector<1xf32>
        %mul3A_753 = vector.broadcast %squeeze3A_752 : f32 to vector<16xf32>
        %mul3A_754 = arith.mulf %mul3A_753, %unpack3A_727 : vector<16xf32>
        %add3A_755 = arith.addf %add3A_578, %mul3A_754 : vector<16xf32>
        %mul3A_756 = vector.broadcast %squeeze3A_752 : f32 to vector<16xf32>
        %mul3A_757 = arith.mulf %mul3A_756, %unpack3A_728 : vector<16xf32>
        %add3A_758 = arith.addf %add3A_581, %mul3A_757 : vector<16xf32>
        %mul3A_759 = vector.broadcast %squeeze3A_752 : f32 to vector<16xf32>
        %mul3A_760 = arith.mulf %mul3A_759, %unpack3A_738 : vector<16xf32>
        %add3A_761 = arith.addf %add3A_584, %mul3A_760 : vector<16xf32>
        %mul3A_762 = vector.broadcast %squeeze3A_752 : f32 to vector<16xf32>
        %mul3A_763 = arith.mulf %mul3A_762, %unpack3A_739 : vector<16xf32>
        %add3A_764 = arith.addf %add3A_587, %mul3A_763 : vector<16xf32>
        %mul3A_765 = vector.broadcast %squeeze3A_752 : f32 to vector<16xf32>
        %mul3A_766 = arith.mulf %mul3A_765, %unpack3A_749 : vector<16xf32>
        %add3A_767 = arith.addf %add3A_590, %mul3A_766 : vector<16xf32>
        %mul3A_768 = vector.broadcast %squeeze3A_752 : f32 to vector<16xf32>
        %mul3A_769 = arith.mulf %mul3A_768, %unpack3A_750 : vector<16xf32>
        %add3A_770 = arith.addf %add3A_593, %mul3A_769 : vector<16xf32>
        %slice3A_771 = vector.extract_strided_slice %get3A_333 {offsets = [2], sizes = [1], strides = [1]} : vector<16xf32> to vector<1xf32>
        %squeeze3A_772 = vector.extract %slice3A_771[0] : f32 from vector<1xf32>
        %mul3A_773 = vector.broadcast %squeeze3A_772 : f32 to vector<16xf32>
        %mul3A_774 = arith.mulf %mul3A_773, %unpack3A_727 : vector<16xf32>
        %add3A_775 = arith.addf %add3A_598, %mul3A_774 : vector<16xf32>
        %mul3A_776 = vector.broadcast %squeeze3A_772 : f32 to vector<16xf32>
        %mul3A_777 = arith.mulf %mul3A_776, %unpack3A_728 : vector<16xf32>
        %add3A_778 = arith.addf %add3A_601, %mul3A_777 : vector<16xf32>
        %mul3A_779 = vector.broadcast %squeeze3A_772 : f32 to vector<16xf32>
        %mul3A_780 = arith.mulf %mul3A_779, %unpack3A_738 : vector<16xf32>
        %add3A_781 = arith.addf %add3A_604, %mul3A_780 : vector<16xf32>
        %mul3A_782 = vector.broadcast %squeeze3A_772 : f32 to vector<16xf32>
        %mul3A_783 = arith.mulf %mul3A_782, %unpack3A_739 : vector<16xf32>
        %add3A_784 = arith.addf %add3A_607, %mul3A_783 : vector<16xf32>
        %mul3A_785 = vector.broadcast %squeeze3A_772 : f32 to vector<16xf32>
        %mul3A_786 = arith.mulf %mul3A_785, %unpack3A_749 : vector<16xf32>
        %add3A_787 = arith.addf %add3A_610, %mul3A_786 : vector<16xf32>
        %mul3A_788 = vector.broadcast %squeeze3A_772 : f32 to vector<16xf32>
        %mul3A_789 = arith.mulf %mul3A_788, %unpack3A_750 : vector<16xf32>
        %add3A_790 = arith.addf %add3A_613, %mul3A_789 : vector<16xf32>
        %slice3A_791 = vector.extract_strided_slice %get3A_339 {offsets = [2], sizes = [1], strides = [1]} : vector<16xf32> to vector<1xf32>
        %squeeze3A_792 = vector.extract %slice3A_791[0] : f32 from vector<1xf32>
        %mul3A_793 = vector.broadcast %squeeze3A_792 : f32 to vector<16xf32>
        %mul3A_794 = arith.mulf %mul3A_793, %unpack3A_727 : vector<16xf32>
        %add3A_795 = arith.addf %add3A_618, %mul3A_794 : vector<16xf32>
        %mul3A_796 = vector.broadcast %squeeze3A_792 : f32 to vector<16xf32>
        %mul3A_797 = arith.mulf %mul3A_796, %unpack3A_728 : vector<16xf32>
        %add3A_798 = arith.addf %add3A_621, %mul3A_797 : vector<16xf32>
        %mul3A_799 = vector.broadcast %squeeze3A_792 : f32 to vector<16xf32>
        %mul3A_800 = arith.mulf %mul3A_799, %unpack3A_738 : vector<16xf32>
        %add3A_801 = arith.addf %add3A_624, %mul3A_800 : vector<16xf32>
        %mul3A_802 = vector.broadcast %squeeze3A_792 : f32 to vector<16xf32>
        %mul3A_803 = arith.mulf %mul3A_802, %unpack3A_739 : vector<16xf32>
        %add3A_804 = arith.addf %add3A_627, %mul3A_803 : vector<16xf32>
        %mul3A_805 = vector.broadcast %squeeze3A_792 : f32 to vector<16xf32>
        %mul3A_806 = arith.mulf %mul3A_805, %unpack3A_749 : vector<16xf32>
        %add3A_807 = arith.addf %add3A_630, %mul3A_806 : vector<16xf32>
        %mul3A_808 = vector.broadcast %squeeze3A_792 : f32 to vector<16xf32>
        %mul3A_809 = arith.mulf %mul3A_808, %unpack3A_750 : vector<16xf32>
        %add3A_810 = arith.addf %add3A_633, %mul3A_809 : vector<16xf32>
        %slice3A_811 = vector.extract_strided_slice %get3A_345 {offsets = [2], sizes = [1], strides = [1]} : vector<16xf32> to vector<1xf32>
        %squeeze3A_812 = vector.extract %slice3A_811[0] : f32 from vector<1xf32>
        %mul3A_813 = vector.broadcast %squeeze3A_812 : f32 to vector<16xf32>
        %mul3A_814 = arith.mulf %mul3A_813, %unpack3A_727 : vector<16xf32>
        %add3A_815 = arith.addf %add3A_638, %mul3A_814 : vector<16xf32>
        %mul3A_816 = vector.broadcast %squeeze3A_812 : f32 to vector<16xf32>
        %mul3A_817 = arith.mulf %mul3A_816, %unpack3A_728 : vector<16xf32>
        %add3A_818 = arith.addf %add3A_641, %mul3A_817 : vector<16xf32>
        %mul3A_819 = vector.broadcast %squeeze3A_812 : f32 to vector<16xf32>
        %mul3A_820 = arith.mulf %mul3A_819, %unpack3A_738 : vector<16xf32>
        %add3A_821 = arith.addf %add3A_644, %mul3A_820 : vector<16xf32>
        %mul3A_822 = vector.broadcast %squeeze3A_812 : f32 to vector<16xf32>
        %mul3A_823 = arith.mulf %mul3A_822, %unpack3A_739 : vector<16xf32>
        %add3A_824 = arith.addf %add3A_647, %mul3A_823 : vector<16xf32>
        %mul3A_825 = vector.broadcast %squeeze3A_812 : f32 to vector<16xf32>
        %mul3A_826 = arith.mulf %mul3A_825, %unpack3A_749 : vector<16xf32>
        %add3A_827 = arith.addf %add3A_650, %mul3A_826 : vector<16xf32>
        %mul3A_828 = vector.broadcast %squeeze3A_812 : f32 to vector<16xf32>
        %mul3A_829 = arith.mulf %mul3A_828, %unpack3A_750 : vector<16xf32>
        %add3A_830 = arith.addf %add3A_653, %mul3A_829 : vector<16xf32>
        %slice3A_831 = vector.extract_strided_slice %get3A_351 {offsets = [2], sizes = [1], strides = [1]} : vector<16xf32> to vector<1xf32>
        %squeeze3A_832 = vector.extract %slice3A_831[0] : f32 from vector<1xf32>
        %mul3A_833 = vector.broadcast %squeeze3A_832 : f32 to vector<16xf32>
        %mul3A_834 = arith.mulf %mul3A_833, %unpack3A_727 : vector<16xf32>
        %add3A_835 = arith.addf %add3A_658, %mul3A_834 : vector<16xf32>
        %mul3A_836 = vector.broadcast %squeeze3A_832 : f32 to vector<16xf32>
        %mul3A_837 = arith.mulf %mul3A_836, %unpack3A_728 : vector<16xf32>
        %add3A_838 = arith.addf %add3A_661, %mul3A_837 : vector<16xf32>
        %mul3A_839 = vector.broadcast %squeeze3A_832 : f32 to vector<16xf32>
        %mul3A_840 = arith.mulf %mul3A_839, %unpack3A_738 : vector<16xf32>
        %add3A_841 = arith.addf %add3A_664, %mul3A_840 : vector<16xf32>
        %mul3A_842 = vector.broadcast %squeeze3A_832 : f32 to vector<16xf32>
        %mul3A_843 = arith.mulf %mul3A_842, %unpack3A_739 : vector<16xf32>
        %add3A_844 = arith.addf %add3A_667, %mul3A_843 : vector<16xf32>
        %mul3A_845 = vector.broadcast %squeeze3A_832 : f32 to vector<16xf32>
        %mul3A_846 = arith.mulf %mul3A_845, %unpack3A_749 : vector<16xf32>
        %add3A_847 = arith.addf %add3A_670, %mul3A_846 : vector<16xf32>
        %mul3A_848 = vector.broadcast %squeeze3A_832 : f32 to vector<16xf32>
        %mul3A_849 = arith.mulf %mul3A_848, %unpack3A_750 : vector<16xf32>
        %add3A_850 = arith.addf %add3A_673, %mul3A_849 : vector<16xf32>
        %slice3A_851 = vector.extract_strided_slice %get3A_357 {offsets = [2], sizes = [1], strides = [1]} : vector<16xf32> to vector<1xf32>
        %squeeze3A_852 = vector.extract %slice3A_851[0] : f32 from vector<1xf32>
        %mul3A_853 = vector.broadcast %squeeze3A_852 : f32 to vector<16xf32>
        %mul3A_854 = arith.mulf %mul3A_853, %unpack3A_727 : vector<16xf32>
        %add3A_855 = arith.addf %add3A_678, %mul3A_854 : vector<16xf32>
        %mul3A_856 = vector.broadcast %squeeze3A_852 : f32 to vector<16xf32>
        %mul3A_857 = arith.mulf %mul3A_856, %unpack3A_728 : vector<16xf32>
        %add3A_858 = arith.addf %add3A_681, %mul3A_857 : vector<16xf32>
        %mul3A_859 = vector.broadcast %squeeze3A_852 : f32 to vector<16xf32>
        %mul3A_860 = arith.mulf %mul3A_859, %unpack3A_738 : vector<16xf32>
        %add3A_861 = arith.addf %add3A_684, %mul3A_860 : vector<16xf32>
        %mul3A_862 = vector.broadcast %squeeze3A_852 : f32 to vector<16xf32>
        %mul3A_863 = arith.mulf %mul3A_862, %unpack3A_739 : vector<16xf32>
        %add3A_864 = arith.addf %add3A_687, %mul3A_863 : vector<16xf32>
        %mul3A_865 = vector.broadcast %squeeze3A_852 : f32 to vector<16xf32>
        %mul3A_866 = arith.mulf %mul3A_865, %unpack3A_749 : vector<16xf32>
        %add3A_867 = arith.addf %add3A_690, %mul3A_866 : vector<16xf32>
        %mul3A_868 = vector.broadcast %squeeze3A_852 : f32 to vector<16xf32>
        %mul3A_869 = arith.mulf %mul3A_868, %unpack3A_750 : vector<16xf32>
        %add3A_870 = arith.addf %add3A_693, %mul3A_869 : vector<16xf32>
        %slice3A_871 = vector.extract_strided_slice %get3A_363 {offsets = [2], sizes = [1], strides = [1]} : vector<16xf32> to vector<1xf32>
        %squeeze3A_872 = vector.extract %slice3A_871[0] : f32 from vector<1xf32>
        %mul3A_873 = vector.broadcast %squeeze3A_872 : f32 to vector<16xf32>
        %mul3A_874 = arith.mulf %mul3A_873, %unpack3A_727 : vector<16xf32>
        %add3A_875 = arith.addf %add3A_698, %mul3A_874 : vector<16xf32>
        %mul3A_876 = vector.broadcast %squeeze3A_872 : f32 to vector<16xf32>
        %mul3A_877 = arith.mulf %mul3A_876, %unpack3A_728 : vector<16xf32>
        %add3A_878 = arith.addf %add3A_701, %mul3A_877 : vector<16xf32>
        %mul3A_879 = vector.broadcast %squeeze3A_872 : f32 to vector<16xf32>
        %mul3A_880 = arith.mulf %mul3A_879, %unpack3A_738 : vector<16xf32>
        %add3A_881 = arith.addf %add3A_704, %mul3A_880 : vector<16xf32>
        %mul3A_882 = vector.broadcast %squeeze3A_872 : f32 to vector<16xf32>
        %mul3A_883 = arith.mulf %mul3A_882, %unpack3A_739 : vector<16xf32>
        %add3A_884 = arith.addf %add3A_707, %mul3A_883 : vector<16xf32>
        %mul3A_885 = vector.broadcast %squeeze3A_872 : f32 to vector<16xf32>
        %mul3A_886 = arith.mulf %mul3A_885, %unpack3A_749 : vector<16xf32>
        %add3A_887 = arith.addf %add3A_710, %mul3A_886 : vector<16xf32>
        %mul3A_888 = vector.broadcast %squeeze3A_872 : f32 to vector<16xf32>
        %mul3A_889 = arith.mulf %mul3A_888, %unpack3A_750 : vector<16xf32>
        %add3A_890 = arith.addf %add3A_713, %mul3A_889 : vector<16xf32>
        %mul3A_891 = arith.constant 16 : i32
        %mul3A_892 = arith.muli %scan3A_279, %mul3A_891 : i32
        %add3A_893 = arith.constant 3 : i32
        %add3A_894 = arith.addi %mul3A_892, %add3A_893 : i32
        %mul3A_895 = arith.constant 3 : i32
        %mul3A_896 = arith.muli %add3A_894, %mul3A_895 : i32
        %add3A_897 = arith.constant 0 : i32
        %add3A_898 = arith.addi %mul3A_896, %add3A_897 : i32
        %mul3A_899 = arith.constant 16 : i32
        %mul3A_900 = arith.muli %add3A_898, %mul3A_899 : i32
        %get3A_901 = arith.index_cast %mul3A_900 : i32 to index
        %get3A_902 = tpu.vector_load %arg5[%get3A_901] {strides = array<i32>} : memref<3840xf32, #tpu.memory_space<vmem>>, vector<16xf32>,
        %bitcast3A_903 = vector.bitcast %get3A_902 : vector<16xf32> to vector<32xbf16>
        %unpack3A_904 = tpu.unpack_subelements %bitcast3A_903, 0 {pack_format = #tpu.pack_format<interleaved>} : vector<32xbf16> -> vector<16xf32>
        %unpack3A_905 = tpu.unpack_subelements %bitcast3A_903, 1 {pack_format = #tpu.pack_format<interleaved>} : vector<32xbf16> -> vector<16xf32>
        %mul3A_906 = arith.constant 3 : i32
        %mul3A_907 = arith.muli %add3A_894, %mul3A_906 : i32
        %add3A_908 = arith.constant 1 : i32
        %add3A_909 = arith.addi %mul3A_907, %add3A_908 : i32
        %mul3A_910 = arith.constant 16 : i32
        %mul3A_911 = arith.muli %add3A_909, %mul3A_910 : i32
        %get3A_912 = arith.index_cast %mul3A_911 : i32 to index
        %get3A_913 = tpu.vector_load %arg5[%get3A_912] {strides = array<i32>} : memref<3840xf32, #tpu.memory_space<vmem>>, vector<16xf32>,
        %bitcast3A_914 = vector.bitcast %get3A_913 : vector<16xf32> to vector<32xbf16>
        %unpack3A_915 = tpu.unpack_subelements %bitcast3A_914, 0 {pack_format = #tpu.pack_format<interleaved>} : vector<32xbf16> -> vector<16xf32>
        %unpack3A_916 = tpu.unpack_subelements %bitcast3A_914, 1 {pack_format = #tpu.pack_format<interleaved>} : vector<32xbf16> -> vector<16xf32>
        %mul3A_917 = arith.constant 3 : i32
        %mul3A_918 = arith.muli %add3A_894, %mul3A_917 : i32
        %add3A_919 = arith.constant 2 : i32
        %add3A_920 = arith.addi %mul3A_918, %add3A_919 : i32
        %mul3A_921 = arith.constant 16 : i32
        %mul3A_922 = arith.muli %add3A_920, %mul3A_921 : i32
        %get3A_923 = arith.index_cast %mul3A_922 : i32 to index
        %get3A_924 = tpu.vector_load %arg5[%get3A_923] {strides = array<i32>} : memref<3840xf32, #tpu.memory_space<vmem>>, vector<16xf32>,
        %bitcast3A_925 = vector.bitcast %get3A_924 : vector<16xf32> to vector<32xbf16>
        %unpack3A_926 = tpu.unpack_subelements %bitcast3A_925, 0 {pack_format = #tpu.pack_format<interleaved>} : vector<32xbf16> -> vector<16xf32>
        %unpack3A_927 = tpu.unpack_subelements %bitcast3A_925, 1 {pack_format = #tpu.pack_format<interleaved>} : vector<32xbf16> -> vector<16xf32>
        %slice3A_928 = vector.extract_strided_slice %get3A_327 {offsets = [3], sizes = [1], strides = [1]} : vector<16xf32> to vector<1xf32>
        %squeeze3A_929 = vector.extract %slice3A_928[0] : f32 from vector<1xf32>
        %mul3A_930 = vector.broadcast %squeeze3A_929 : f32 to vector<16xf32>
        %mul3A_931 = arith.mulf %mul3A_930, %unpack3A_904 : vector<16xf32>
        %add3A_932 = arith.addf %add3A_755, %mul3A_931 : vector<16xf32>
        %mul3A_933 = vector.broadcast %squeeze3A_929 : f32 to vector<16xf32>
        %mul3A_934 = arith.mulf %mul3A_933, %unpack3A_905 : vector<16xf32>
        %add3A_935 = arith.addf %add3A_758, %mul3A_934 : vector<16xf32>
        %mul3A_936 = vector.broadcast %squeeze3A_929 : f32 to vector<16xf32>
        %mul3A_937 = arith.mulf %mul3A_936, %unpack3A_915 : vector<16xf32>
        %add3A_938 = arith.addf %add3A_761, %mul3A_937 : vector<16xf32>
        %mul3A_939 = vector.broadcast %squeeze3A_929 : f32 to vector<16xf32>
        %mul3A_940 = arith.mulf %mul3A_939, %unpack3A_916 : vector<16xf32>
        %add3A_941 = arith.addf %add3A_764, %mul3A_940 : vector<16xf32>
        %mul3A_942 = vector.broadcast %squeeze3A_929 : f32 to vector<16xf32>
        %mul3A_943 = arith.mulf %mul3A_942, %unpack3A_926 : vector<16xf32>
        %add3A_944 = arith.addf %add3A_767, %mul3A_943 : vector<16xf32>
        %mul3A_945 = vector.broadcast %squeeze3A_929 : f32 to vector<16xf32>
        %mul3A_946 = arith.mulf %mul3A_945, %unpack3A_927 : vector<16xf32>
        %add3A_947 = arith.addf %add3A_770, %mul3A_946 : vector<16xf32>
        %slice3A_948 = vector.extract_strided_slice %get3A_333 {offsets = [3], sizes = [1], strides = [1]} : vector<16xf32> to vector<1xf32>
        %squeeze3A_949 = vector.extract %slice3A_948[0] : f32 from vector<1xf32>
        %mul3A_950 = vector.broadcast %squeeze3A_949 : f32 to vector<16xf32>
        %mul3A_951 = arith.mulf %mul3A_950, %unpack3A_904 : vector<16xf32>
        %add3A_952 = arith.addf %add3A_775, %mul3A_951 : vector<16xf32>
        %mul3A_953 = vector.broadcast %squeeze3A_949 : f32 to vector<16xf32>
        %mul3A_954 = arith.mulf %mul3A_953, %unpack3A_905 : vector<16xf32>
        %add3A_955 = arith.addf %add3A_778, %mul3A_954 : vector<16xf32>
        %mul3A_956 = vector.broadcast %squeeze3A_949 : f32 to vector<16xf32>
        %mul3A_957 = arith.mulf %mul3A_956, %unpack3A_915 : vector<16xf32>
        %add3A_958 = arith.addf %add3A_781, %mul3A_957 : vector<16xf32>
        %mul3A_959 = vector.broadcast %squeeze3A_949 : f32 to vector<16xf32>
        %mul3A_960 = arith.mulf %mul3A_959, %unpack3A_916 : vector<16xf32>
        %add3A_961 = arith.addf %add3A_784, %mul3A_960 : vector<16xf32>
        %mul3A_962 = vector.broadcast %squeeze3A_949 : f32 to vector<16xf32>
        %mul3A_963 = arith.mulf %mul3A_962, %unpack3A_926 : vector<16xf32>
        %add3A_964 = arith.addf %add3A_787, %mul3A_963 : vector<16xf32>
        %mul3A_965 = vector.broadcast %squeeze3A_949 : f32 to vector<16xf32>
        %mul3A_966 = arith.mulf %mul3A_965, %unpack3A_927 : vector<16xf32>
        %add3A_967 = arith.addf %add3A_790, %mul3A_966 : vector<16xf32>
        %slice3A_968 = vector.extract_strided_slice %get3A_339 {offsets = [3], sizes = [1], strides = [1]} : vector<16xf32> to vector<1xf32>
        %squeeze3A_969 = vector.extract %slice3A_968[0] : f32 from vector<1xf32>
        %mul3A_970 = vector.broadcast %squeeze3A_969 : f32 to vector<16xf32>
        %mul3A_971 = arith.mulf %mul3A_970, %unpack3A_904 : vector<16xf32>
        %add3A_972 = arith.addf %add3A_795, %mul3A_971 : vector<16xf32>
        %mul3A_973 = vector.broadcast %squeeze3A_969 : f32 to vector<16xf32>
        %mul3A_974 = arith.mulf %mul3A_973, %unpack3A_905 : vector<16xf32>
        %add3A_975 = arith.addf %add3A_798, %mul3A_974 : vector<16xf32>
        %mul3A_976 = vector.broadcast %squeeze3A_969 : f32 to vector<16xf32>
        %mul3A_977 = arith.mulf %mul3A_976, %unpack3A_915 : vector<16xf32>
        %add3A_978 = arith.addf %add3A_801, %mul3A_977 : vector<16xf32>
        %mul3A_979 = vector.broadcast %squeeze3A_969 : f32 to vector<16xf32>
        %mul3A_980 = arith.mulf %mul3A_979, %unpack3A_916 : vector<16xf32>
        %add3A_981 = arith.addf %add3A_804, %mul3A_980 : vector<16xf32>
        %mul3A_982 = vector.broadcast %squeeze3A_969 : f32 to vector<16xf32>
        %mul3A_983 = arith.mulf %mul3A_982, %unpack3A_926 : vector<16xf32>
        %add3A_984 = arith.addf %add3A_807, %mul3A_983 : vector<16xf32>
        %mul3A_985 = vector.broadcast %squeeze3A_969 : f32 to vector<16xf32>
        %mul3A_986 = arith.mulf %mul3A_985, %unpack3A_927 : vector<16xf32>
        %add3A_987 = arith.addf %add3A_810, %mul3A_986 : vector<16xf32>
        %slice3A_988 = vector.extract_strided_slice %get3A_345 {offsets = [3], sizes = [1], strides = [1]} : vector<16xf32> to vector<1xf32>
        %squeeze3A_989 = vector.extract %slice3A_988[0] : f32 from vector<1xf32>
        %mul3A_990 = vector.broadcast %squeeze3A_989 : f32 to vector<16xf32>
        %mul3A_991 = arith.mulf %mul3A_990, %unpack3A_904 : vector<16xf32>
        %add3A_992 = arith.addf %add3A_815, %mul3A_991 : vector<16xf32>
        %mul3A_993 = vector.broadcast %squeeze3A_989 : f32 to vector<16xf32>
        %mul3A_994 = arith.mulf %mul3A_993, %unpack3A_905 : vector<16xf32>
        %add3A_995 = arith.addf %add3A_818, %mul3A_994 : vector<16xf32>
        %mul3A_996 = vector.broadcast %squeeze3A_989 : f32 to vector<16xf32>
        %mul3A_997 = arith.mulf %mul3A_996, %unpack3A_915 : vector<16xf32>
        %add3A_998 = arith.addf %add3A_821, %mul3A_997 : vector<16xf32>
        %mul3A_999 = vector.broadcast %squeeze3A_989 : f32 to vector<16xf32>
        %mul3A_1000 = arith.mulf %mul3A_999, %unpack3A_916 : vector<16xf32>
        %add3A_1001 = arith.addf %add3A_824, %mul3A_1000 : vector<16xf32>
        %mul3A_1002 = vector.broadcast %squeeze3A_989 : f32 to vector<16xf32>
        %mul3A_1003 = arith.mulf %mul3A_1002, %unpack3A_926 : vector<16xf32>
        %add3A_1004 = arith.addf %add3A_827, %mul3A_1003 : vector<16xf32>
        %mul3A_1005 = vector.broadcast %squeeze3A_989 : f32 to vector<16xf32>
        %mul3A_1006 = arith.mulf %mul3A_1005, %unpack3A_927 : vector<16xf32>
        %add3A_1007 = arith.addf %add3A_830, %mul3A_1006 : vector<16xf32>
        %slice3A_1008 = vector.extract_strided_slice %get3A_351 {offsets = [3], sizes = [1], strides = [1]} : vector<16xf32> to vector<1xf32>
        %squeeze3A_1009 = vector.extract %slice3A_1008[0] : f32 from vector<1xf32>
        %mul3A_1010 = vector.broadcast %squeeze3A_1009 : f32 to vector<16xf32>
        %mul3A_1011 = arith.mulf %mul3A_1010, %unpack3A_904 : vector<16xf32>
        %add3A_1012 = arith.addf %add3A_835, %mul3A_1011 : vector<16xf32>
        %mul3A_1013 = vector.broadcast %squeeze3A_1009 : f32 to vector<16xf32>
        %mul3A_1014 = arith.mulf %mul3A_1013, %unpack3A_905 : vector<16xf32>
        %add3A_1015 = arith.addf %add3A_838, %mul3A_1014 : vector<16xf32>
        %mul3A_1016 = vector.broadcast %squeeze3A_1009 : f32 to vector<16xf32>
        %mul3A_1017 = arith.mulf %mul3A_1016, %unpack3A_915 : vector<16xf32>
        %add3A_1018 = arith.addf %add3A_841, %mul3A_1017 : vector<16xf32>
        %mul3A_1019 = vector.broadcast %squeeze3A_1009 : f32 to vector<16xf32>
        %mul3A_1020 = arith.mulf %mul3A_1019, %unpack3A_916 : vector<16xf32>
        %add3A_1021 = arith.addf %add3A_844, %mul3A_1020 : vector<16xf32>
        %mul3A_1022 = vector.broadcast %squeeze3A_1009 : f32 to vector<16xf32>
        %mul3A_1023 = arith.mulf %mul3A_1022, %unpack3A_926 : vector<16xf32>
        %add3A_1024 = arith.addf %add3A_847, %mul3A_1023 : vector<16xf32>
        %mul3A_1025 = vector.broadcast %squeeze3A_1009 : f32 to vector<16xf32>
        %mul3A_1026 = arith.mulf %mul3A_1025, %unpack3A_927 : vector<16xf32>
        %add3A_1027 = arith.addf %add3A_850, %mul3A_1026 : vector<16xf32>
        %slice3A_1028 = vector.extract_strided_slice %get3A_357 {offsets = [3], sizes = [1], strides = [1]} : vector<16xf32> to vector<1xf32>
        %squeeze3A_1029 = vector.extract %slice3A_1028[0] : f32 from vector<1xf32>
        %mul3A_1030 = vector.broadcast %squeeze3A_1029 : f32 to vector<16xf32>
        %mul3A_1031 = arith.mulf %mul3A_1030, %unpack3A_904 : vector<16xf32>
        %add3A_1032 = arith.addf %add3A_855, %mul3A_1031 : vector<16xf32>
        %mul3A_1033 = vector.broadcast %squeeze3A_1029 : f32 to vector<16xf32>
        %mul3A_1034 = arith.mulf %mul3A_1033, %unpack3A_905 : vector<16xf32>
        %add3A_1035 = arith.addf %add3A_858, %mul3A_1034 : vector<16xf32>
        %mul3A_1036 = vector.broadcast %squeeze3A_1029 : f32 to vector<16xf32>
        %mul3A_1037 = arith.mulf %mul3A_1036, %unpack3A_915 : vector<16xf32>
        %add3A_1038 = arith.addf %add3A_861, %mul3A_1037 : vector<16xf32>
        %mul3A_1039 = vector.broadcast %squeeze3A_1029 : f32 to vector<16xf32>
        %mul3A_1040 = arith.mulf %mul3A_1039, %unpack3A_916 : vector<16xf32>
        %add3A_1041 = arith.addf %add3A_864, %mul3A_1040 : vector<16xf32>
        %mul3A_1042 = vector.broadcast %squeeze3A_1029 : f32 to vector<16xf32>
        %mul3A_1043 = arith.mulf %mul3A_1042, %unpack3A_926 : vector<16xf32>
        %add3A_1044 = arith.addf %add3A_867, %mul3A_1043 : vector<16xf32>
        %mul3A_1045 = vector.broadcast %squeeze3A_1029 : f32 to vector<16xf32>
        %mul3A_1046 = arith.mulf %mul3A_1045, %unpack3A_927 : vector<16xf32>
        %add3A_1047 = arith.addf %add3A_870, %mul3A_1046 : vector<16xf32>
        %slice3A_1048 = vector.extract_strided_slice %get3A_363 {offsets = [3], sizes = [1], strides = [1]} : vector<16xf32> to vector<1xf32>
        %squeeze3A_1049 = vector.extract %slice3A_1048[0] : f32 from vector<1xf32>
        %mul3A_1050 = vector.broadcast %squeeze3A_1049 : f32 to vector<16xf32>
        %mul3A_1051 = arith.mulf %mul3A_1050, %unpack3A_904 : vector<16xf32>
        %add3A_1052 = arith.addf %add3A_875, %mul3A_1051 : vector<16xf32>
        %mul3A_1053 = vector.broadcast %squeeze3A_1049 : f32 to vector<16xf32>
        %mul3A_1054 = arith.mulf %mul3A_1053, %unpack3A_905 : vector<16xf32>
        %add3A_1055 = arith.addf %add3A_878, %mul3A_1054 : vector<16xf32>
        %mul3A_1056 = vector.broadcast %squeeze3A_1049 : f32 to vector<16xf32>
        %mul3A_1057 = arith.mulf %mul3A_1056, %unpack3A_915 : vector<16xf32>
        %add3A_1058 = arith.addf %add3A_881, %mul3A_1057 : vector<16xf32>
        %mul3A_1059 = vector.broadcast %squeeze3A_1049 : f32 to vector<16xf32>
        %mul3A_1060 = arith.mulf %mul3A_1059, %unpack3A_916 : vector<16xf32>
        %add3A_1061 = arith.addf %add3A_884, %mul3A_1060 : vector<16xf32>
        %mul3A_1062 = vector.broadcast %squeeze3A_1049 : f32 to vector<16xf32>
        %mul3A_1063 = arith.mulf %mul3A_1062, %unpack3A_926 : vector<16xf32>
        %add3A_1064 = arith.addf %add3A_887, %mul3A_1063 : vector<16xf32>
        %mul3A_1065 = vector.broadcast %squeeze3A_1049 : f32 to vector<16xf32>
        %mul3A_1066 = arith.mulf %mul3A_1065, %unpack3A_927 : vector<16xf32>
        %add3A_1067 = arith.addf %add3A_890, %mul3A_1066 : vector<16xf32>
        %mul3A_1068 = arith.constant 16 : i32
        %mul3A_1069 = arith.muli %scan3A_279, %mul3A_1068 : i32
        %add3A_1070 = arith.constant 4 : i32
        %add3A_1071 = arith.addi %mul3A_1069, %add3A_1070 : i32
        %mul3A_1072 = arith.constant 3 : i32
        %mul3A_1073 = arith.muli %add3A_1071, %mul3A_1072 : i32
        %add3A_1074 = arith.constant 0 : i32
        %add3A_1075 = arith.addi %mul3A_1073, %add3A_1074 : i32
        %mul3A_1076 = arith.constant 16 : i32
        %mul3A_1077 = arith.muli %add3A_1075, %mul3A_1076 : i32
        %get3A_1078 = arith.index_cast %mul3A_1077 : i32 to index
        %get3A_1079 = tpu.vector_load %arg5[%get3A_1078] {strides = array<i32>} : memref<3840xf32, #tpu.memory_space<vmem>>, vector<16xf32>,
        %bitcast3A_1080 = vector.bitcast %get3A_1079 : vector<16xf32> to vector<32xbf16>
        %unpack3A_1081 = tpu.unpack_subelements %bitcast3A_1080, 0 {pack_format = #tpu.pack_format<interleaved>} : vector<32xbf16> -> vector<16xf32>
        %unpack3A_1082 = tpu.unpack_subelements %bitcast3A_1080, 1 {pack_format = #tpu.pack_format<interleaved>} : vector<32xbf16> -> vector<16xf32>
        %mul3A_1083 = arith.constant 3 : i32
        %mul3A_1084 = arith.muli %add3A_1071, %mul3A_1083 : i32
        %add3A_1085 = arith.constant 1 : i32
        %add3A_1086 = arith.addi %mul3A_1084, %add3A_1085 : i32
        %mul3A_1087 = arith.constant 16 : i32
        %mul3A_1088 = arith.muli %add3A_1086, %mul3A_1087 : i32
        %get3A_1089 = arith.index_cast %mul3A_1088 : i32 to index
        %get3A_1090 = tpu.vector_load %arg5[%get3A_1089] {strides = array<i32>} : memref<3840xf32, #tpu.memory_space<vmem>>, vector<16xf32>,
        %bitcast3A_1091 = vector.bitcast %get3A_1090 : vector<16xf32> to vector<32xbf16>
        %unpack3A_1092 = tpu.unpack_subelements %bitcast3A_1091, 0 {pack_format = #tpu.pack_format<interleaved>} : vector<32xbf16> -> vector<16xf32>
        %unpack3A_1093 = tpu.unpack_subelements %bitcast3A_1091, 1 {pack_format = #tpu.pack_format<interleaved>} : vector<32xbf16> -> vector<16xf32>
        %mul3A_1094 = arith.constant 3 : i32
        %mul3A_1095 = arith.muli %add3A_1071, %mul3A_1094 : i32
        %add3A_1096 = arith.constant 2 : i32
        %add3A_1097 = arith.addi %mul3A_1095, %add3A_1096 : i32
        %mul3A_1098 = arith.constant 16 : i32
        %mul3A_1099 = arith.muli %add3A_1097, %mul3A_1098 : i32
        %get3A_1100 = arith.index_cast %mul3A_1099 : i32 to index
        %get3A_1101 = tpu.vector_load %arg5[%get3A_1100] {strides = array<i32>} : memref<3840xf32, #tpu.memory_space<vmem>>, vector<16xf32>,
        %bitcast3A_1102 = vector.bitcast %get3A_1101 : vector<16xf32> to vector<32xbf16>
        %unpack3A_1103 = tpu.unpack_subelements %bitcast3A_1102, 0 {pack_format = #tpu.pack_format<interleaved>} : vector<32xbf16> -> vector<16xf32>
        %unpack3A_1104 = tpu.unpack_subelements %bitcast3A_1102, 1 {pack_format = #tpu.pack_format<interleaved>} : vector<32xbf16> -> vector<16xf32>
        %slice3A_1105 = vector.extract_strided_slice %get3A_327 {offsets = [4], sizes = [1], strides = [1]} : vector<16xf32> to vector<1xf32>
        %squeeze3A_1106 = vector.extract %slice3A_1105[0] : f32 from vector<1xf32>
        %mul3A_1107 = vector.broadcast %squeeze3A_1106 : f32 to vector<16xf32>
        %mul3A_1108 = arith.mulf %mul3A_1107, %unpack3A_1081 : vector<16xf32>
        %add3A_1109 = arith.addf %add3A_932, %mul3A_1108 : vector<16xf32>
        %mul3A_1110 = vector.broadcast %squeeze3A_1106 : f32 to vector<16xf32>
        %mul3A_1111 = arith.mulf %mul3A_1110, %unpack3A_1082 : vector<16xf32>
        %add3A_1112 = arith.addf %add3A_935, %mul3A_1111 : vector<16xf32>
        %mul3A_1113 = vector.broadcast %squeeze3A_1106 : f32 to vector<16xf32>
        %mul3A_1114 = arith.mulf %mul3A_1113, %unpack3A_1092 : vector<16xf32>
        %add3A_1115 = arith.addf %add3A_938, %mul3A_1114 : vector<16xf32>
        %mul3A_1116 = vector.broadcast %squeeze3A_1106 : f32 to vector<16xf32>
        %mul3A_1117 = arith.mulf %mul3A_1116, %unpack3A_1093 : vector<16xf32>
        %add3A_1118 = arith.addf %add3A_941, %mul3A_1117 : vector<16xf32>
        %mul3A_1119 = vector.broadcast %squeeze3A_1106 : f32 to vector<16xf32>
        %mul3A_1120 = arith.mulf %mul3A_1119, %unpack3A_1103 : vector<16xf32>
        %add3A_1121 = arith.addf %add3A_944, %mul3A_1120 : vector<16xf32>
        %mul3A_1122 = vector.broadcast %squeeze3A_1106 : f32 to vector<16xf32>
        %mul3A_1123 = arith.mulf %mul3A_1122, %unpack3A_1104 : vector<16xf32>
        %add3A_1124 = arith.addf %add3A_947, %mul3A_1123 : vector<16xf32>
        %slice3A_1125 = vector.extract_strided_slice %get3A_333 {offsets = [4], sizes = [1], strides = [1]} : vector<16xf32> to vector<1xf32>
        %squeeze3A_1126 = vector.extract %slice3A_1125[0] : f32 from vector<1xf32>
        %mul3A_1127 = vector.broadcast %squeeze3A_1126 : f32 to vector<16xf32>
        %mul3A_1128 = arith.mulf %mul3A_1127, %unpack3A_1081 : vector<16xf32>
        %add3A_1129 = arith.addf %add3A_952, %mul3A_1128 : vector<16xf32>
        %mul3A_1130 = vector.broadcast %squeeze3A_1126 : f32 to vector<16xf32>
        %mul3A_1131 = arith.mulf %mul3A_1130, %unpack3A_1082 : vector<16xf32>
        %add3A_1132 = arith.addf %add3A_955, %mul3A_1131 : vector<16xf32>
        %mul3A_1133 = vector.broadcast %squeeze3A_1126 : f32 to vector<16xf32>
        %mul3A_1134 = arith.mulf %mul3A_1133, %unpack3A_1092 : vector<16xf32>
        %add3A_1135 = arith.addf %add3A_958, %mul3A_1134 : vector<16xf32>
        %mul3A_1136 = vector.broadcast %squeeze3A_1126 : f32 to vector<16xf32>
        %mul3A_1137 = arith.mulf %mul3A_1136, %unpack3A_1093 : vector<16xf32>
        %add3A_1138 = arith.addf %add3A_961, %mul3A_1137 : vector<16xf32>
        %mul3A_1139 = vector.broadcast %squeeze3A_1126 : f32 to vector<16xf32>
        %mul3A_1140 = arith.mulf %mul3A_1139, %unpack3A_1103 : vector<16xf32>
        %add3A_1141 = arith.addf %add3A_964, %mul3A_1140 : vector<16xf32>
        %mul3A_1142 = vector.broadcast %squeeze3A_1126 : f32 to vector<16xf32>
        %mul3A_1143 = arith.mulf %mul3A_1142, %unpack3A_1104 : vector<16xf32>
        %add3A_1144 = arith.addf %add3A_967, %mul3A_1143 : vector<16xf32>
        %slice3A_1145 = vector.extract_strided_slice %get3A_339 {offsets = [4], sizes = [1], strides = [1]} : vector<16xf32> to vector<1xf32>
        %squeeze3A_1146 = vector.extract %slice3A_1145[0] : f32 from vector<1xf32>
        %mul3A_1147 = vector.broadcast %squeeze3A_1146 : f32 to vector<16xf32>
        %mul3A_1148 = arith.mulf %mul3A_1147, %unpack3A_1081 : vector<16xf32>
        %add3A_1149 = arith.addf %add3A_972, %mul3A_1148 : vector<16xf32>
        %mul3A_1150 = vector.broadcast %squeeze3A_1146 : f32 to vector<16xf32>
        %mul3A_1151 = arith.mulf %mul3A_1150, %unpack3A_1082 : vector<16xf32>
        %add3A_1152 = arith.addf %add3A_975, %mul3A_1151 : vector<16xf32>
        %mul3A_1153 = vector.broadcast %squeeze3A_1146 : f32 to vector<16xf32>
        %mul3A_1154 = arith.mulf %mul3A_1153, %unpack3A_1092 : vector<16xf32>
        %add3A_1155 = arith.addf %add3A_978, %mul3A_1154 : vector<16xf32>
        %mul3A_1156 = vector.broadcast %squeeze3A_1146 : f32 to vector<16xf32>
        %mul3A_1157 = arith.mulf %mul3A_1156, %unpack3A_1093 : vector<16xf32>
        %add3A_1158 = arith.addf %add3A_981, %mul3A_1157 : vector<16xf32>
        %mul3A_1159 = vector.broadcast %squeeze3A_1146 : f32 to vector<16xf32>
        %mul3A_1160 = arith.mulf %mul3A_1159, %unpack3A_1103 : vector<16xf32>
        %add3A_1161 = arith.addf %add3A_984, %mul3A_1160 : vector<16xf32>
        %mul3A_1162 = vector.broadcast %squeeze3A_1146 : f32 to vector<16xf32>
        %mul3A_1163 = arith.mulf %mul3A_1162, %unpack3A_1104 : vector<16xf32>
        %add3A_1164 = arith.addf %add3A_987, %mul3A_1163 : vector<16xf32>
        %slice3A_1165 = vector.extract_strided_slice %get3A_345 {offsets = [4], sizes = [1], strides = [1]} : vector<16xf32> to vector<1xf32>
        %squeeze3A_1166 = vector.extract %slice3A_1165[0] : f32 from vector<1xf32>
        %mul3A_1167 = vector.broadcast %squeeze3A_1166 : f32 to vector<16xf32>
        %mul3A_1168 = arith.mulf %mul3A_1167, %unpack3A_1081 : vector<16xf32>
        %add3A_1169 = arith.addf %add3A_992, %mul3A_1168 : vector<16xf32>
        %mul3A_1170 = vector.broadcast %squeeze3A_1166 : f32 to vector<16xf32>
        %mul3A_1171 = arith.mulf %mul3A_1170, %unpack3A_1082 : vector<16xf32>
        %add3A_1172 = arith.addf %add3A_995, %mul3A_1171 : vector<16xf32>
        %mul3A_1173 = vector.broadcast %squeeze3A_1166 : f32 to vector<16xf32>
        %mul3A_1174 = arith.mulf %mul3A_1173, %unpack3A_1092 : vector<16xf32>
        %add3A_1175 = arith.addf %add3A_998, %mul3A_1174 : vector<16xf32>
        %mul3A_1176 = vector.broadcast %squeeze3A_1166 : f32 to vector<16xf32>
        %mul3A_1177 = arith.mulf %mul3A_1176, %unpack3A_1093 : vector<16xf32>
        %add3A_1178 = arith.addf %add3A_1001, %mul3A_1177 : vector<16xf32>
        %mul3A_1179 = vector.broadcast %squeeze3A_1166 : f32 to vector<16xf32>
        %mul3A_1180 = arith.mulf %mul3A_1179, %unpack3A_1103 : vector<16xf32>
        %add3A_1181 = arith.addf %add3A_1004, %mul3A_1180 : vector<16xf32>
        %mul3A_1182 = vector.broadcast %squeeze3A_1166 : f32 to vector<16xf32>
        %mul3A_1183 = arith.mulf %mul3A_1182, %unpack3A_1104 : vector<16xf32>
        %add3A_1184 = arith.addf %add3A_1007, %mul3A_1183 : vector<16xf32>
        %slice3A_1185 = vector.extract_strided_slice %get3A_351 {offsets = [4], sizes = [1], strides = [1]} : vector<16xf32> to vector<1xf32>
        %squeeze3A_1186 = vector.extract %slice3A_1185[0] : f32 from vector<1xf32>
        %mul3A_1187 = vector.broadcast %squeeze3A_1186 : f32 to vector<16xf32>
        %mul3A_1188 = arith.mulf %mul3A_1187, %unpack3A_1081 : vector<16xf32>
        %add3A_1189 = arith.addf %add3A_1012, %mul3A_1188 : vector<16xf32>
        %mul3A_1190 = vector.broadcast %squeeze3A_1186 : f32 to vector<16xf32>
        %mul3A_1191 = arith.mulf %mul3A_1190, %unpack3A_1082 : vector<16xf32>
        %add3A_1192 = arith.addf %add3A_1015, %mul3A_1191 : vector<16xf32>
        %mul3A_1193 = vector.broadcast %squeeze3A_1186 : f32 to vector<16xf32>
        %mul3A_1194 = arith.mulf %mul3A_1193, %unpack3A_1092 : vector<16xf32>
        %add3A_1195 = arith.addf %add3A_1018, %mul3A_1194 : vector<16xf32>
        %mul3A_1196 = vector.broadcast %squeeze3A_1186 : f32 to vector<16xf32>
        %mul3A_1197 = arith.mulf %mul3A_1196, %unpack3A_1093 : vector<16xf32>
        %add3A_1198 = arith.addf %add3A_1021, %mul3A_1197 : vector<16xf32>
        %mul3A_1199 = vector.broadcast %squeeze3A_1186 : f32 to vector<16xf32>
        %mul3A_1200 = arith.mulf %mul3A_1199, %unpack3A_1103 : vector<16xf32>
        %add3A_1201 = arith.addf %add3A_1024, %mul3A_1200 : vector<16xf32>
        %mul3A_1202 = vector.broadcast %squeeze3A_1186 : f32 to vector<16xf32>
        %mul3A_1203 = arith.mulf %mul3A_1202, %unpack3A_1104 : vector<16xf32>
        %add3A_1204 = arith.addf %add3A_1027, %mul3A_1203 : vector<16xf32>
        %slice3A_1205 = vector.extract_strided_slice %get3A_357 {offsets = [4], sizes = [1], strides = [1]} : vector<16xf32> to vector<1xf32>
        %squeeze3A_1206 = vector.extract %slice3A_1205[0] : f32 from vector<1xf32>
        %mul3A_1207 = vector.broadcast %squeeze3A_1206 : f32 to vector<16xf32>
        %mul3A_1208 = arith.mulf %mul3A_1207, %unpack3A_1081 : vector<16xf32>
        %add3A_1209 = arith.addf %add3A_1032, %mul3A_1208 : vector<16xf32>
        %mul3A_1210 = vector.broadcast %squeeze3A_1206 : f32 to vector<16xf32>
        %mul3A_1211 = arith.mulf %mul3A_1210, %unpack3A_1082 : vector<16xf32>
        %add3A_1212 = arith.addf %add3A_1035, %mul3A_1211 : vector<16xf32>
        %mul3A_1213 = vector.broadcast %squeeze3A_1206 : f32 to vector<16xf32>
        %mul3A_1214 = arith.mulf %mul3A_1213, %unpack3A_1092 : vector<16xf32>
        %add3A_1215 = arith.addf %add3A_1038, %mul3A_1214 : vector<16xf32>
        %mul3A_1216 = vector.broadcast %squeeze3A_1206 : f32 to vector<16xf32>
        %mul3A_1217 = arith.mulf %mul3A_1216, %unpack3A_1093 : vector<16xf32>
        %add3A_1218 = arith.addf %add3A_1041, %mul3A_1217 : vector<16xf32>
        %mul3A_1219 = vector.broadcast %squeeze3A_1206 : f32 to vector<16xf32>
        %mul3A_1220 = arith.mulf %mul3A_1219, %unpack3A_1103 : vector<16xf32>
        %add3A_1221 = arith.addf %add3A_1044, %mul3A_1220 : vector<16xf32>
        %mul3A_1222 = vector.broadcast %squeeze3A_1206 : f32 to vector<16xf32>
        %mul3A_1223 = arith.mulf %mul3A_1222, %unpack3A_1104 : vector<16xf32>
        %add3A_1224 = arith.addf %add3A_1047, %mul3A_1223 : vector<16xf32>
        %slice3A_1225 = vector.extract_strided_slice %get3A_363 {offsets = [4], sizes = [1], strides = [1]} : vector<16xf32> to vector<1xf32>
        %squeeze3A_1226 = vector.extract %slice3A_1225[0] : f32 from vector<1xf32>
        %mul3A_1227 = vector.broadcast %squeeze3A_1226 : f32 to vector<16xf32>
        %mul3A_1228 = arith.mulf %mul3A_1227, %unpack3A_1081 : vector<16xf32>
        %add3A_1229 = arith.addf %add3A_1052, %mul3A_1228 : vector<16xf32>
        %mul3A_1230 = vector.broadcast %squeeze3A_1226 : f32 to vector<16xf32>
        %mul3A_1231 = arith.mulf %mul3A_1230, %unpack3A_1082 : vector<16xf32>
        %add3A_1232 = arith.addf %add3A_1055, %mul3A_1231 : vector<16xf32>
        %mul3A_1233 = vector.broadcast %squeeze3A_1226 : f32 to vector<16xf32>
        %mul3A_1234 = arith.mulf %mul3A_1233, %unpack3A_1092 : vector<16xf32>
        %add3A_1235 = arith.addf %add3A_1058, %mul3A_1234 : vector<16xf32>
        %mul3A_1236 = vector.broadcast %squeeze3A_1226 : f32 to vector<16xf32>
        %mul3A_1237 = arith.mulf %mul3A_1236, %unpack3A_1093 : vector<16xf32>
        %add3A_1238 = arith.addf %add3A_1061, %mul3A_1237 : vector<16xf32>
        %mul3A_1239 = vector.broadcast %squeeze3A_1226 : f32 to vector<16xf32>
        %mul3A_1240 = arith.mulf %mul3A_1239, %unpack3A_1103 : vector<16xf32>
        %add3A_1241 = arith.addf %add3A_1064, %mul3A_1240 : vector<16xf32>
        %mul3A_1242 = vector.broadcast %squeeze3A_1226 : f32 to vector<16xf32>
        %mul3A_1243 = arith.mulf %mul3A_1242, %unpack3A_1104 : vector<16xf32>
        %add3A_1244 = arith.addf %add3A_1067, %mul3A_1243 : vector<16xf32>
        %mul3A_1245 = arith.constant 16 : i32
        %mul3A_1246 = arith.muli %scan3A_279, %mul3A_1245 : i32
        %add3A_1247 = arith.constant 5 : i32
        %add3A_1248 = arith.addi %mul3A_1246, %add3A_1247 : i32
        %mul3A_1249 = arith.constant 3 : i32
        %mul3A_1250 = arith.muli %add3A_1248, %mul3A_1249 : i32
        %add3A_1251 = arith.constant 0 : i32
        %add3A_1252 = arith.addi %mul3A_1250, %add3A_1251 : i32
        %mul3A_1253 = arith.constant 16 : i32
        %mul3A_1254 = arith.muli %add3A_1252, %mul3A_1253 : i32
        %get3A_1255 = arith.index_cast %mul3A_1254 : i32 to index
        %get3A_1256 = tpu.vector_load %arg5[%get3A_1255] {strides = array<i32>} : memref<3840xf32, #tpu.memory_space<vmem>>, vector<16xf32>,
        %bitcast3A_1257 = vector.bitcast %get3A_1256 : vector<16xf32> to vector<32xbf16>
        %unpack3A_1258 = tpu.unpack_subelements %bitcast3A_1257, 0 {pack_format = #tpu.pack_format<interleaved>} : vector<32xbf16> -> vector<16xf32>
        %unpack3A_1259 = tpu.unpack_subelements %bitcast3A_1257, 1 {pack_format = #tpu.pack_format<interleaved>} : vector<32xbf16> -> vector<16xf32>
        %mul3A_1260 = arith.constant 3 : i32
        %mul3A_1261 = arith.muli %add3A_1248, %mul3A_1260 : i32
        %add3A_1262 = arith.constant 1 : i32
        %add3A_1263 = arith.addi %mul3A_1261, %add3A_1262 : i32
        %mul3A_1264 = arith.constant 16 : i32
        %mul3A_1265 = arith.muli %add3A_1263, %mul3A_1264 : i32
        %get3A_1266 = arith.index_cast %mul3A_1265 : i32 to index
        %get3A_1267 = tpu.vector_load %arg5[%get3A_1266] {strides = array<i32>} : memref<3840xf32, #tpu.memory_space<vmem>>, vector<16xf32>,
        %bitcast3A_1268 = vector.bitcast %get3A_1267 : vector<16xf32> to vector<32xbf16>
        %unpack3A_1269 = tpu.unpack_subelements %bitcast3A_1268, 0 {pack_format = #tpu.pack_format<interleaved>} : vector<32xbf16> -> vector<16xf32>
        %unpack3A_1270 = tpu.unpack_subelements %bitcast3A_1268, 1 {pack_format = #tpu.pack_format<interleaved>} : vector<32xbf16> -> vector<16xf32>
        %mul3A_1271 = arith.constant 3 : i32
        %mul3A_1272 = arith.muli %add3A_1248, %mul3A_1271 : i32
        %add3A_1273 = arith.constant 2 : i32
        %add3A_1274 = arith.addi %mul3A_1272, %add3A_1273 : i32
        %mul3A_1275 = arith.constant 16 : i32
        %mul3A_1276 = arith.muli %add3A_1274, %mul3A_1275 : i32
        %get3A_1277 = arith.index_cast %mul3A_1276 : i32 to index
        %get3A_1278 = tpu.vector_load %arg5[%get3A_1277] {strides = array<i32>} : memref<3840xf32, #tpu.memory_space<vmem>>, vector<16xf32>,
        %bitcast3A_1279 = vector.bitcast %get3A_1278 : vector<16xf32> to vector<32xbf16>
        %unpack3A_1280 = tpu.unpack_subelements %bitcast3A_1279, 0 {pack_format = #tpu.pack_format<interleaved>} : vector<32xbf16> -> vector<16xf32>
        %unpack3A_1281 = tpu.unpack_subelements %bitcast3A_1279, 1 {pack_format = #tpu.pack_format<interleaved>} : vector<32xbf16> -> vector<16xf32>
        %slice3A_1282 = vector.extract_strided_slice %get3A_327 {offsets = [5], sizes = [1], strides = [1]} : vector<16xf32> to vector<1xf32>
        %squeeze3A_1283 = vector.extract %slice3A_1282[0] : f32 from vector<1xf32>
        %mul3A_1284 = vector.broadcast %squeeze3A_1283 : f32 to vector<16xf32>
        %mul3A_1285 = arith.mulf %mul3A_1284, %unpack3A_1258 : vector<16xf32>
        %add3A_1286 = arith.addf %add3A_1109, %mul3A_1285 : vector<16xf32>
        %mul3A_1287 = vector.broadcast %squeeze3A_1283 : f32 to vector<16xf32>
        %mul3A_1288 = arith.mulf %mul3A_1287, %unpack3A_1259 : vector<16xf32>
        %add3A_1289 = arith.addf %add3A_1112, %mul3A_1288 : vector<16xf32>
        %mul3A_1290 = vector.broadcast %squeeze3A_1283 : f32 to vector<16xf32>
        %mul3A_1291 = arith.mulf %mul3A_1290, %unpack3A_1269 : vector<16xf32>
        %add3A_1292 = arith.addf %add3A_1115, %mul3A_1291 : vector<16xf32>
        %mul3A_1293 = vector.broadcast %squeeze3A_1283 : f32 to vector<16xf32>
        %mul3A_1294 = arith.mulf %mul3A_1293, %unpack3A_1270 : vector<16xf32>
        %add3A_1295 = arith.addf %add3A_1118, %mul3A_1294 : vector<16xf32>
        %mul3A_1296 = vector.broadcast %squeeze3A_1283 : f32 to vector<16xf32>
        %mul3A_1297 = arith.mulf %mul3A_1296, %unpack3A_1280 : vector<16xf32>
        %add3A_1298 = arith.addf %add3A_1121, %mul3A_1297 : vector<16xf32>
        %mul3A_1299 = vector.broadcast %squeeze3A_1283 : f32 to vector<16xf32>
        %mul3A_1300 = arith.mulf %mul3A_1299, %unpack3A_1281 : vector<16xf32>
        %add3A_1301 = arith.addf %add3A_1124, %mul3A_1300 : vector<16xf32>
        %slice3A_1302 = vector.extract_strided_slice %get3A_333 {offsets = [5], sizes = [1], strides = [1]} : vector<16xf32> to vector<1xf32>
        %squeeze3A_1303 = vector.extract %slice3A_1302[0] : f32 from vector<1xf32>
        %mul3A_1304 = vector.broadcast %squeeze3A_1303 : f32 to vector<16xf32>
        %mul3A_1305 = arith.mulf %mul3A_1304, %unpack3A_1258 : vector<16xf32>
        %add3A_1306 = arith.addf %add3A_1129, %mul3A_1305 : vector<16xf32>
        %mul3A_1307 = vector.broadcast %squeeze3A_1303 : f32 to vector<16xf32>
        %mul3A_1308 = arith.mulf %mul3A_1307, %unpack3A_1259 : vector<16xf32>
        %add3A_1309 = arith.addf %add3A_1132, %mul3A_1308 : vector<16xf32>
        %mul3A_1310 = vector.broadcast %squeeze3A_1303 : f32 to vector<16xf32>
        %mul3A_1311 = arith.mulf %mul3A_1310, %unpack3A_1269 : vector<16xf32>
        %add3A_1312 = arith.addf %add3A_1135, %mul3A_1311 : vector<16xf32>
        %mul3A_1313 = vector.broadcast %squeeze3A_1303 : f32 to vector<16xf32>
        %mul3A_1314 = arith.mulf %mul3A_1313, %unpack3A_1270 : vector<16xf32>
        %add3A_1315 = arith.addf %add3A_1138, %mul3A_1314 : vector<16xf32>
        %mul3A_1316 = vector.broadcast %squeeze3A_1303 : f32 to vector<16xf32>
        %mul3A_1317 = arith.mulf %mul3A_1316, %unpack3A_1280 : vector<16xf32>
        %add3A_1318 = arith.addf %add3A_1141, %mul3A_1317 : vector<16xf32>
        %mul3A_1319 = vector.broadcast %squeeze3A_1303 : f32 to vector<16xf32>
        %mul3A_1320 = arith.mulf %mul3A_1319, %unpack3A_1281 : vector<16xf32>
        %add3A_1321 = arith.addf %add3A_1144, %mul3A_1320 : vector<16xf32>
        %slice3A_1322 = vector.extract_strided_slice %get3A_339 {offsets = [5], sizes = [1], strides = [1]} : vector<16xf32> to vector<1xf32>
        %squeeze3A_1323 = vector.extract %slice3A_1322[0] : f32 from vector<1xf32>
        %mul3A_1324 = vector.broadcast %squeeze3A_1323 : f32 to vector<16xf32>
        %mul3A_1325 = arith.mulf %mul3A_1324, %unpack3A_1258 : vector<16xf32>
        %add3A_1326 = arith.addf %add3A_1149, %mul3A_1325 : vector<16xf32>
        %mul3A_1327 = vector.broadcast %squeeze3A_1323 : f32 to vector<16xf32>
        %mul3A_1328 = arith.mulf %mul3A_1327, %unpack3A_1259 : vector<16xf32>
        %add3A_1329 = arith.addf %add3A_1152, %mul3A_1328 : vector<16xf32>
        %mul3A_1330 = vector.broadcast %squeeze3A_1323 : f32 to vector<16xf32>
        %mul3A_1331 = arith.mulf %mul3A_1330, %unpack3A_1269 : vector<16xf32>
        %add3A_1332 = arith.addf %add3A_1155, %mul3A_1331 : vector<16xf32>
        %mul3A_1333 = vector.broadcast %squeeze3A_1323 : f32 to vector<16xf32>
        %mul3A_1334 = arith.mulf %mul3A_1333, %unpack3A_1270 : vector<16xf32>
        %add3A_1335 = arith.addf %add3A_1158, %mul3A_1334 : vector<16xf32>
        %mul3A_1336 = vector.broadcast %squeeze3A_1323 : f32 to vector<16xf32>
        %mul3A_1337 = arith.mulf %mul3A_1336, %unpack3A_1280 : vector<16xf32>
        %add3A_1338 = arith.addf %add3A_1161, %mul3A_1337 : vector<16xf32>
        %mul3A_1339 = vector.broadcast %squeeze3A_1323 : f32 to vector<16xf32>
        %mul3A_1340 = arith.mulf %mul3A_1339, %unpack3A_1281 : vector<16xf32>
        %add3A_1341 = arith.addf %add3A_1164, %mul3A_1340 : vector<16xf32>
        %slice3A_1342 = vector.extract_strided_slice %get3A_345 {offsets = [5], sizes = [1], strides = [1]} : vector<16xf32> to vector<1xf32>
        %squeeze3A_1343 = vector.extract %slice3A_1342[0] : f32 from vector<1xf32>
        %mul3A_1344 = vector.broadcast %squeeze3A_1343 : f32 to vector<16xf32>
        %mul3A_1345 = arith.mulf %mul3A_1344, %unpack3A_1258 : vector<16xf32>
        %add3A_1346 = arith.addf %add3A_1169, %mul3A_1345 : vector<16xf32>
        %mul3A_1347 = vector.broadcast %squeeze3A_1343 : f32 to vector<16xf32>
        %mul3A_1348 = arith.mulf %mul3A_1347, %unpack3A_1259 : vector<16xf32>
        %add3A_1349 = arith.addf %add3A_1172, %mul3A_1348 : vector<16xf32>
        %mul3A_1350 = vector.broadcast %squeeze3A_1343 : f32 to vector<16xf32>
        %mul3A_1351 = arith.mulf %mul3A_1350, %unpack3A_1269 : vector<16xf32>
        %add3A_1352 = arith.addf %add3A_1175, %mul3A_1351 : vector<16xf32>
        %mul3A_1353 = vector.broadcast %squeeze3A_1343 : f32 to vector<16xf32>
        %mul3A_1354 = arith.mulf %mul3A_1353, %unpack3A_1270 : vector<16xf32>
        %add3A_1355 = arith.addf %add3A_1178, %mul3A_1354 : vector<16xf32>
        %mul3A_1356 = vector.broadcast %squeeze3A_1343 : f32 to vector<16xf32>
        %mul3A_1357 = arith.mulf %mul3A_1356, %unpack3A_1280 : vector<16xf32>
        %add3A_1358 = arith.addf %add3A_1181, %mul3A_1357 : vector<16xf32>
        %mul3A_1359 = vector.broadcast %squeeze3A_1343 : f32 to vector<16xf32>
        %mul3A_1360 = arith.mulf %mul3A_1359, %unpack3A_1281 : vector<16xf32>
        %add3A_1361 = arith.addf %add3A_1184, %mul3A_1360 : vector<16xf32>
        %slice3A_1362 = vector.extract_strided_slice %get3A_351 {offsets = [5], sizes = [1], strides = [1]} : vector<16xf32> to vector<1xf32>
        %squeeze3A_1363 = vector.extract %slice3A_1362[0] : f32 from vector<1xf32>
        %mul3A_1364 = vector.broadcast %squeeze3A_1363 : f32 to vector<16xf32>
        %mul3A_1365 = arith.mulf %mul3A_1364, %unpack3A_1258 : vector<16xf32>
        %add3A_1366 = arith.addf %add3A_1189, %mul3A_1365 : vector<16xf32>
        %mul3A_1367 = vector.broadcast %squeeze3A_1363 : f32 to vector<16xf32>
        %mul3A_1368 = arith.mulf %mul3A_1367, %unpack3A_1259 : vector<16xf32>
        %add3A_1369 = arith.addf %add3A_1192, %mul3A_1368 : vector<16xf32>
        %mul3A_1370 = vector.broadcast %squeeze3A_1363 : f32 to vector<16xf32>
        %mul3A_1371 = arith.mulf %mul3A_1370, %unpack3A_1269 : vector<16xf32>
        %add3A_1372 = arith.addf %add3A_1195, %mul3A_1371 : vector<16xf32>
        %mul3A_1373 = vector.broadcast %squeeze3A_1363 : f32 to vector<16xf32>
        %mul3A_1374 = arith.mulf %mul3A_1373, %unpack3A_1270 : vector<16xf32>
        %add3A_1375 = arith.addf %add3A_1198, %mul3A_1374 : vector<16xf32>
        %mul3A_1376 = vector.broadcast %squeeze3A_1363 : f32 to vector<16xf32>
        %mul3A_1377 = arith.mulf %mul3A_1376, %unpack3A_1280 : vector<16xf32>
        %add3A_1378 = arith.addf %add3A_1201, %mul3A_1377 : vector<16xf32>
        %mul3A_1379 = vector.broadcast %squeeze3A_1363 : f32 to vector<16xf32>
        %mul3A_1380 = arith.mulf %mul3A_1379, %unpack3A_1281 : vector<16xf32>
        %add3A_1381 = arith.addf %add3A_1204, %mul3A_1380 : vector<16xf32>
        %slice3A_1382 = vector.extract_strided_slice %get3A_357 {offsets = [5], sizes = [1], strides = [1]} : vector<16xf32> to vector<1xf32>
        %squeeze3A_1383 = vector.extract %slice3A_1382[0] : f32 from vector<1xf32>
        %mul3A_1384 = vector.broadcast %squeeze3A_1383 : f32 to vector<16xf32>
        %mul3A_1385 = arith.mulf %mul3A_1384, %unpack3A_1258 : vector<16xf32>
        %add3A_1386 = arith.addf %add3A_1209, %mul3A_1385 : vector<16xf32>
        %mul3A_1387 = vector.broadcast %squeeze3A_1383 : f32 to vector<16xf32>
        %mul3A_1388 = arith.mulf %mul3A_1387, %unpack3A_1259 : vector<16xf32>
        %add3A_1389 = arith.addf %add3A_1212, %mul3A_1388 : vector<16xf32>
        %mul3A_1390 = vector.broadcast %squeeze3A_1383 : f32 to vector<16xf32>
        %mul3A_1391 = arith.mulf %mul3A_1390, %unpack3A_1269 : vector<16xf32>
        %add3A_1392 = arith.addf %add3A_1215, %mul3A_1391 : vector<16xf32>
        %mul3A_1393 = vector.broadcast %squeeze3A_1383 : f32 to vector<16xf32>
        %mul3A_1394 = arith.mulf %mul3A_1393, %unpack3A_1270 : vector<16xf32>
        %add3A_1395 = arith.addf %add3A_1218, %mul3A_1394 : vector<16xf32>
        %mul3A_1396 = vector.broadcast %squeeze3A_1383 : f32 to vector<16xf32>
        %mul3A_1397 = arith.mulf %mul3A_1396, %unpack3A_1280 : vector<16xf32>
        %add3A_1398 = arith.addf %add3A_1221, %mul3A_1397 : vector<16xf32>
        %mul3A_1399 = vector.broadcast %squeeze3A_1383 : f32 to vector<16xf32>
        %mul3A_1400 = arith.mulf %mul3A_1399, %unpack3A_1281 : vector<16xf32>
        %add3A_1401 = arith.addf %add3A_1224, %mul3A_1400 : vector<16xf32>
        %slice3A_1402 = vector.extract_strided_slice %get3A_363 {offsets = [5], sizes = [1], strides = [1]} : vector<16xf32> to vector<1xf32>
        %squeeze3A_1403 = vector.extract %slice3A_1402[0] : f32 from vector<1xf32>
        %mul3A_1404 = vector.broadcast %squeeze3A_1403 : f32 to vector<16xf32>
        %mul3A_1405 = arith.mulf %mul3A_1404, %unpack3A_1258 : vector<16xf32>
        %add3A_1406 = arith.addf %add3A_1229, %mul3A_1405 : vector<16xf32>
        %mul3A_1407 = vector.broadcast %squeeze3A_1403 : f32 to vector<16xf32>
        %mul3A_1408 = arith.mulf %mul3A_1407, %unpack3A_1259 : vector<16xf32>
        %add3A_1409 = arith.addf %add3A_1232, %mul3A_1408 : vector<16xf32>
        %mul3A_1410 = vector.broadcast %squeeze3A_1403 : f32 to vector<16xf32>
        %mul3A_1411 = arith.mulf %mul3A_1410, %unpack3A_1269 : vector<16xf32>
        %add3A_1412 = arith.addf %add3A_1235, %mul3A_1411 : vector<16xf32>
        %mul3A_1413 = vector.broadcast %squeeze3A_1403 : f32 to vector<16xf32>
        %mul3A_1414 = arith.mulf %mul3A_1413, %unpack3A_1270 : vector<16xf32>
        %add3A_1415 = arith.addf %add3A_1238, %mul3A_1414 : vector<16xf32>
        %mul3A_1416 = vector.broadcast %squeeze3A_1403 : f32 to vector<16xf32>
        %mul3A_1417 = arith.mulf %mul3A_1416, %unpack3A_1280 : vector<16xf32>
        %add3A_1418 = arith.addf %add3A_1241, %mul3A_1417 : vector<16xf32>
        %mul3A_1419 = vector.broadcast %squeeze3A_1403 : f32 to vector<16xf32>
        %mul3A_1420 = arith.mulf %mul3A_1419, %unpack3A_1281 : vector<16xf32>
        %add3A_1421 = arith.addf %add3A_1244, %mul3A_1420 : vector<16xf32>
        %mul3A_1422 = arith.constant 16 : i32
        %mul3A_1423 = arith.muli %scan3A_279, %mul3A_1422 : i32
        %add3A_1424 = arith.constant 6 : i32
        %add3A_1425 = arith.addi %mul3A_1423, %add3A_1424 : i32
        %mul3A_1426 = arith.constant 3 : i32
        %mul3A_1427 = arith.muli %add3A_1425, %mul3A_1426 : i32
        %add3A_1428 = arith.constant 0 : i32
        %add3A_1429 = arith.addi %mul3A_1427, %add3A_1428 : i32
        %mul3A_1430 = arith.constant 16 : i32
        %mul3A_1431 = arith.muli %add3A_1429, %mul3A_1430 : i32
        %get3A_1432 = arith.index_cast %mul3A_1431 : i32 to index
        %get3A_1433 = tpu.vector_load %arg5[%get3A_1432] {strides = array<i32>} : memref<3840xf32, #tpu.memory_space<vmem>>, vector<16xf32>,
        %bitcast3A_1434 = vector.bitcast %get3A_1433 : vector<16xf32> to vector<32xbf16>
        %unpack3A_1435 = tpu.unpack_subelements %bitcast3A_1434, 0 {pack_format = #tpu.pack_format<interleaved>} : vector<32xbf16> -> vector<16xf32>
        %unpack3A_1436 = tpu.unpack_subelements %bitcast3A_1434, 1 {pack_format = #tpu.pack_format<interleaved>} : vector<32xbf16> -> vector<16xf32>
        %mul3A_1437 = arith.constant 3 : i32
        %mul3A_1438 = arith.muli %add3A_1425, %mul3A_1437 : i32
        %add3A_1439 = arith.constant 1 : i32
        %add3A_1440 = arith.addi %mul3A_1438, %add3A_1439 : i32
        %mul3A_1441 = arith.constant 16 : i32
        %mul3A_1442 = arith.muli %add3A_1440, %mul3A_1441 : i32
        %get3A_1443 = arith.index_cast %mul3A_1442 : i32 to index
        %get3A_1444 = tpu.vector_load %arg5[%get3A_1443] {strides = array<i32>} : memref<3840xf32, #tpu.memory_space<vmem>>, vector<16xf32>,
        %bitcast3A_1445 = vector.bitcast %get3A_1444 : vector<16xf32> to vector<32xbf16>
        %unpack3A_1446 = tpu.unpack_subelements %bitcast3A_1445, 0 {pack_format = #tpu.pack_format<interleaved>} : vector<32xbf16> -> vector<16xf32>
        %unpack3A_1447 = tpu.unpack_subelements %bitcast3A_1445, 1 {pack_format = #tpu.pack_format<interleaved>} : vector<32xbf16> -> vector<16xf32>
        %mul3A_1448 = arith.constant 3 : i32
        %mul3A_1449 = arith.muli %add3A_1425, %mul3A_1448 : i32
        %add3A_1450 = arith.constant 2 : i32
        %add3A_1451 = arith.addi %mul3A_1449, %add3A_1450 : i32
        %mul3A_1452 = arith.constant 16 : i32
        %mul3A_1453 = arith.muli %add3A_1451, %mul3A_1452 : i32
        %get3A_1454 = arith.index_cast %mul3A_1453 : i32 to index
        %get3A_1455 = tpu.vector_load %arg5[%get3A_1454] {strides = array<i32>} : memref<3840xf32, #tpu.memory_space<vmem>>, vector<16xf32>,
        %bitcast3A_1456 = vector.bitcast %get3A_1455 : vector<16xf32> to vector<32xbf16>
        %unpack3A_1457 = tpu.unpack_subelements %bitcast3A_1456, 0 {pack_format = #tpu.pack_format<interleaved>} : vector<32xbf16> -> vector<16xf32>
        %unpack3A_1458 = tpu.unpack_subelements %bitcast3A_1456, 1 {pack_format = #tpu.pack_format<interleaved>} : vector<32xbf16> -> vector<16xf32>
        %slice3A_1459 = vector.extract_strided_slice %get3A_327 {offsets = [6], sizes = [1], strides = [1]} : vector<16xf32> to vector<1xf32>
        %squeeze3A_1460 = vector.extract %slice3A_1459[0] : f32 from vector<1xf32>
        %mul3A_1461 = vector.broadcast %squeeze3A_1460 : f32 to vector<16xf32>
        %mul3A_1462 = arith.mulf %mul3A_1461, %unpack3A_1435 : vector<16xf32>
        %add3A_1463 = arith.addf %add3A_1286, %mul3A_1462 : vector<16xf32>
        %mul3A_1464 = vector.broadcast %squeeze3A_1460 : f32 to vector<16xf32>
        %mul3A_1465 = arith.mulf %mul3A_1464, %unpack3A_1436 : vector<16xf32>
        %add3A_1466 = arith.addf %add3A_1289, %mul3A_1465 : vector<16xf32>
        %mul3A_1467 = vector.broadcast %squeeze3A_1460 : f32 to vector<16xf32>
        %mul3A_1468 = arith.mulf %mul3A_1467, %unpack3A_1446 : vector<16xf32>
        %add3A_1469 = arith.addf %add3A_1292, %mul3A_1468 : vector<16xf32>
        %mul3A_1470 = vector.broadcast %squeeze3A_1460 : f32 to vector<16xf32>
        %mul3A_1471 = arith.mulf %mul3A_1470, %unpack3A_1447 : vector<16xf32>
        %add3A_1472 = arith.addf %add3A_1295, %mul3A_1471 : vector<16xf32>
        %mul3A_1473 = vector.broadcast %squeeze3A_1460 : f32 to vector<16xf32>
        %mul3A_1474 = arith.mulf %mul3A_1473, %unpack3A_1457 : vector<16xf32>
        %add3A_1475 = arith.addf %add3A_1298, %mul3A_1474 : vector<16xf32>
        %mul3A_1476 = vector.broadcast %squeeze3A_1460 : f32 to vector<16xf32>
        %mul3A_1477 = arith.mulf %mul3A_1476, %unpack3A_1458 : vector<16xf32>
        %add3A_1478 = arith.addf %add3A_1301, %mul3A_1477 : vector<16xf32>
        %slice3A_1479 = vector.extract_strided_slice %get3A_333 {offsets = [6], sizes = [1], strides = [1]} : vector<16xf32> to vector<1xf32>
        %squeeze3A_1480 = vector.extract %slice3A_1479[0] : f32 from vector<1xf32>
        %mul3A_1481 = vector.broadcast %squeeze3A_1480 : f32 to vector<16xf32>
        %mul3A_1482 = arith.mulf %mul3A_1481, %unpack3A_1435 : vector<16xf32>
        %add3A_1483 = arith.addf %add3A_1306, %mul3A_1482 : vector<16xf32>
        %mul3A_1484 = vector.broadcast %squeeze3A_1480 : f32 to vector<16xf32>
        %mul3A_1485 = arith.mulf %mul3A_1484, %unpack3A_1436 : vector<16xf32>
        %add3A_1486 = arith.addf %add3A_1309, %mul3A_1485 : vector<16xf32>
        %mul3A_1487 = vector.broadcast %squeeze3A_1480 : f32 to vector<16xf32>
        %mul3A_1488 = arith.mulf %mul3A_1487, %unpack3A_1446 : vector<16xf32>
        %add3A_1489 = arith.addf %add3A_1312, %mul3A_1488 : vector<16xf32>
        %mul3A_1490 = vector.broadcast %squeeze3A_1480 : f32 to vector<16xf32>
        %mul3A_1491 = arith.mulf %mul3A_1490, %unpack3A_1447 : vector<16xf32>
        %add3A_1492 = arith.addf %add3A_1315, %mul3A_1491 : vector<16xf32>
        %mul3A_1493 = vector.broadcast %squeeze3A_1480 : f32 to vector<16xf32>
        %mul3A_1494 = arith.mulf %mul3A_1493, %unpack3A_1457 : vector<16xf32>
        %add3A_1495 = arith.addf %add3A_1318, %mul3A_1494 : vector<16xf32>
        %mul3A_1496 = vector.broadcast %squeeze3A_1480 : f32 to vector<16xf32>
        %mul3A_1497 = arith.mulf %mul3A_1496, %unpack3A_1458 : vector<16xf32>
        %add3A_1498 = arith.addf %add3A_1321, %mul3A_1497 : vector<16xf32>
        %slice3A_1499 = vector.extract_strided_slice %get3A_339 {offsets = [6], sizes = [1], strides = [1]} : vector<16xf32> to vector<1xf32>
        %squeeze3A_1500 = vector.extract %slice3A_1499[0] : f32 from vector<1xf32>
        %mul3A_1501 = vector.broadcast %squeeze3A_1500 : f32 to vector<16xf32>
        %mul3A_1502 = arith.mulf %mul3A_1501, %unpack3A_1435 : vector<16xf32>
        %add3A_1503 = arith.addf %add3A_1326, %mul3A_1502 : vector<16xf32>
        %mul3A_1504 = vector.broadcast %squeeze3A_1500 : f32 to vector<16xf32>
        %mul3A_1505 = arith.mulf %mul3A_1504, %unpack3A_1436 : vector<16xf32>
        %add3A_1506 = arith.addf %add3A_1329, %mul3A_1505 : vector<16xf32>
        %mul3A_1507 = vector.broadcast %squeeze3A_1500 : f32 to vector<16xf32>
        %mul3A_1508 = arith.mulf %mul3A_1507, %unpack3A_1446 : vector<16xf32>
        %add3A_1509 = arith.addf %add3A_1332, %mul3A_1508 : vector<16xf32>
        %mul3A_1510 = vector.broadcast %squeeze3A_1500 : f32 to vector<16xf32>
        %mul3A_1511 = arith.mulf %mul3A_1510, %unpack3A_1447 : vector<16xf32>
        %add3A_1512 = arith.addf %add3A_1335, %mul3A_1511 : vector<16xf32>
        %mul3A_1513 = vector.broadcast %squeeze3A_1500 : f32 to vector<16xf32>
        %mul3A_1514 = arith.mulf %mul3A_1513, %unpack3A_1457 : vector<16xf32>
        %add3A_1515 = arith.addf %add3A_1338, %mul3A_1514 : vector<16xf32>
        %mul3A_1516 = vector.broadcast %squeeze3A_1500 : f32 to vector<16xf32>
        %mul3A_1517 = arith.mulf %mul3A_1516, %unpack3A_1458 : vector<16xf32>
        %add3A_1518 = arith.addf %add3A_1341, %mul3A_1517 : vector<16xf32>
        %slice3A_1519 = vector.extract_strided_slice %get3A_345 {offsets = [6], sizes = [1], strides = [1]} : vector<16xf32> to vector<1xf32>
        %squeeze3A_1520 = vector.extract %slice3A_1519[0] : f32 from vector<1xf32>
        %mul3A_1521 = vector.broadcast %squeeze3A_1520 : f32 to vector<16xf32>
        %mul3A_1522 = arith.mulf %mul3A_1521, %unpack3A_1435 : vector<16xf32>
        %add3A_1523 = arith.addf %add3A_1346, %mul3A_1522 : vector<16xf32>
        %mul3A_1524 = vector.broadcast %squeeze3A_1520 : f32 to vector<16xf32>
        %mul3A_1525 = arith.mulf %mul3A_1524, %unpack3A_1436 : vector<16xf32>
        %add3A_1526 = arith.addf %add3A_1349, %mul3A_1525 : vector<16xf32>
        %mul3A_1527 = vector.broadcast %squeeze3A_1520 : f32 to vector<16xf32>
        %mul3A_1528 = arith.mulf %mul3A_1527, %unpack3A_1446 : vector<16xf32>
        %add3A_1529 = arith.addf %add3A_1352, %mul3A_1528 : vector<16xf32>
        %mul3A_1530 = vector.broadcast %squeeze3A_1520 : f32 to vector<16xf32>
        %mul3A_1531 = arith.mulf %mul3A_1530, %unpack3A_1447 : vector<16xf32>
        %add3A_1532 = arith.addf %add3A_1355, %mul3A_1531 : vector<16xf32>
        %mul3A_1533 = vector.broadcast %squeeze3A_1520 : f32 to vector<16xf32>
        %mul3A_1534 = arith.mulf %mul3A_1533, %unpack3A_1457 : vector<16xf32>
        %add3A_1535 = arith.addf %add3A_1358, %mul3A_1534 : vector<16xf32>
        %mul3A_1536 = vector.broadcast %squeeze3A_1520 : f32 to vector<16xf32>
        %mul3A_1537 = arith.mulf %mul3A_1536, %unpack3A_1458 : vector<16xf32>
        %add3A_1538 = arith.addf %add3A_1361, %mul3A_1537 : vector<16xf32>
        %slice3A_1539 = vector.extract_strided_slice %get3A_351 {offsets = [6], sizes = [1], strides = [1]} : vector<16xf32> to vector<1xf32>
        %squeeze3A_1540 = vector.extract %slice3A_1539[0] : f32 from vector<1xf32>
        %mul3A_1541 = vector.broadcast %squeeze3A_1540 : f32 to vector<16xf32>
        %mul3A_1542 = arith.mulf %mul3A_1541, %unpack3A_1435 : vector<16xf32>
        %add3A_1543 = arith.addf %add3A_1366, %mul3A_1542 : vector<16xf32>
        %mul3A_1544 = vector.broadcast %squeeze3A_1540 : f32 to vector<16xf32>
        %mul3A_1545 = arith.mulf %mul3A_1544, %unpack3A_1436 : vector<16xf32>
        %add3A_1546 = arith.addf %add3A_1369, %mul3A_1545 : vector<16xf32>
        %mul3A_1547 = vector.broadcast %squeeze3A_1540 : f32 to vector<16xf32>
        %mul3A_1548 = arith.mulf %mul3A_1547, %unpack3A_1446 : vector<16xf32>
        %add3A_1549 = arith.addf %add3A_1372, %mul3A_1548 : vector<16xf32>
        %mul3A_1550 = vector.broadcast %squeeze3A_1540 : f32 to vector<16xf32>
        %mul3A_1551 = arith.mulf %mul3A_1550, %unpack3A_1447 : vector<16xf32>
        %add3A_1552 = arith.addf %add3A_1375, %mul3A_1551 : vector<16xf32>
        %mul3A_1553 = vector.broadcast %squeeze3A_1540 : f32 to vector<16xf32>
        %mul3A_1554 = arith.mulf %mul3A_1553, %unpack3A_1457 : vector<16xf32>
        %add3A_1555 = arith.addf %add3A_1378, %mul3A_1554 : vector<16xf32>
        %mul3A_1556 = vector.broadcast %squeeze3A_1540 : f32 to vector<16xf32>
        %mul3A_1557 = arith.mulf %mul3A_1556, %unpack3A_1458 : vector<16xf32>
        %add3A_1558 = arith.addf %add3A_1381, %mul3A_1557 : vector<16xf32>
        %slice3A_1559 = vector.extract_strided_slice %get3A_357 {offsets = [6], sizes = [1], strides = [1]} : vector<16xf32> to vector<1xf32>
        %squeeze3A_1560 = vector.extract %slice3A_1559[0] : f32 from vector<1xf32>
        %mul3A_1561 = vector.broadcast %squeeze3A_1560 : f32 to vector<16xf32>
        %mul3A_1562 = arith.mulf %mul3A_1561, %unpack3A_1435 : vector<16xf32>
        %add3A_1563 = arith.addf %add3A_1386, %mul3A_1562 : vector<16xf32>
        %mul3A_1564 = vector.broadcast %squeeze3A_1560 : f32 to vector<16xf32>
        %mul3A_1565 = arith.mulf %mul3A_1564, %unpack3A_1436 : vector<16xf32>
        %add3A_1566 = arith.addf %add3A_1389, %mul3A_1565 : vector<16xf32>
        %mul3A_1567 = vector.broadcast %squeeze3A_1560 : f32 to vector<16xf32>
        %mul3A_1568 = arith.mulf %mul3A_1567, %unpack3A_1446 : vector<16xf32>
        %add3A_1569 = arith.addf %add3A_1392, %mul3A_1568 : vector<16xf32>
        %mul3A_1570 = vector.broadcast %squeeze3A_1560 : f32 to vector<16xf32>
        %mul3A_1571 = arith.mulf %mul3A_1570, %unpack3A_1447 : vector<16xf32>
        %add3A_1572 = arith.addf %add3A_1395, %mul3A_1571 : vector<16xf32>
        %mul3A_1573 = vector.broadcast %squeeze3A_1560 : f32 to vector<16xf32>
        %mul3A_1574 = arith.mulf %mul3A_1573, %unpack3A_1457 : vector<16xf32>
        %add3A_1575 = arith.addf %add3A_1398, %mul3A_1574 : vector<16xf32>
        %mul3A_1576 = vector.broadcast %squeeze3A_1560 : f32 to vector<16xf32>
        %mul3A_1577 = arith.mulf %mul3A_1576, %unpack3A_1458 : vector<16xf32>
        %add3A_1578 = arith.addf %add3A_1401, %mul3A_1577 : vector<16xf32>
        %slice3A_1579 = vector.extract_strided_slice %get3A_363 {offsets = [6], sizes = [1], strides = [1]} : vector<16xf32> to vector<1xf32>
        %squeeze3A_1580 = vector.extract %slice3A_1579[0] : f32 from vector<1xf32>
        %mul3A_1581 = vector.broadcast %squeeze3A_1580 : f32 to vector<16xf32>
        %mul3A_1582 = arith.mulf %mul3A_1581, %unpack3A_1435 : vector<16xf32>
        %add3A_1583 = arith.addf %add3A_1406, %mul3A_1582 : vector<16xf32>
        %mul3A_1584 = vector.broadcast %squeeze3A_1580 : f32 to vector<16xf32>
        %mul3A_1585 = arith.mulf %mul3A_1584, %unpack3A_1436 : vector<16xf32>
        %add3A_1586 = arith.addf %add3A_1409, %mul3A_1585 : vector<16xf32>
        %mul3A_1587 = vector.broadcast %squeeze3A_1580 : f32 to vector<16xf32>
        %mul3A_1588 = arith.mulf %mul3A_1587, %unpack3A_1446 : vector<16xf32>
        %add3A_1589 = arith.addf %add3A_1412, %mul3A_1588 : vector<16xf32>
        %mul3A_1590 = vector.broadcast %squeeze3A_1580 : f32 to vector<16xf32>
        %mul3A_1591 = arith.mulf %mul3A_1590, %unpack3A_1447 : vector<16xf32>
        %add3A_1592 = arith.addf %add3A_1415, %mul3A_1591 : vector<16xf32>
        %mul3A_1593 = vector.broadcast %squeeze3A_1580 : f32 to vector<16xf32>
        %mul3A_1594 = arith.mulf %mul3A_1593, %unpack3A_1457 : vector<16xf32>
        %add3A_1595 = arith.addf %add3A_1418, %mul3A_1594 : vector<16xf32>
        %mul3A_1596 = vector.broadcast %squeeze3A_1580 : f32 to vector<16xf32>
        %mul3A_1597 = arith.mulf %mul3A_1596, %unpack3A_1458 : vector<16xf32>
        %add3A_1598 = arith.addf %add3A_1421, %mul3A_1597 : vector<16xf32>
        %mul3A_1599 = arith.constant 16 : i32
        %mul3A_1600 = arith.muli %scan3A_279, %mul3A_1599 : i32
        %add3A_1601 = arith.constant 7 : i32
        %add3A_1602 = arith.addi %mul3A_1600, %add3A_1601 : i32
        %mul3A_1603 = arith.constant 3 : i32
        %mul3A_1604 = arith.muli %add3A_1602, %mul3A_1603 : i32
        %add3A_1605 = arith.constant 0 : i32
        %add3A_1606 = arith.addi %mul3A_1604, %add3A_1605 : i32
        %mul3A_1607 = arith.constant 16 : i32
        %mul3A_1608 = arith.muli %add3A_1606, %mul3A_1607 : i32
        %get3A_1609 = arith.index_cast %mul3A_1608 : i32 to index
        %get3A_1610 = tpu.vector_load %arg5[%get3A_1609] {strides = array<i32>} : memref<3840xf32, #tpu.memory_space<vmem>>, vector<16xf32>,
        %bitcast3A_1611 = vector.bitcast %get3A_1610 : vector<16xf32> to vector<32xbf16>
        %unpack3A_1612 = tpu.unpack_subelements %bitcast3A_1611, 0 {pack_format = #tpu.pack_format<interleaved>} : vector<32xbf16> -> vector<16xf32>
        %unpack3A_1613 = tpu.unpack_subelements %bitcast3A_1611, 1 {pack_format = #tpu.pack_format<interleaved>} : vector<32xbf16> -> vector<16xf32>
        %mul3A_1614 = arith.constant 3 : i32
        %mul3A_1615 = arith.muli %add3A_1602, %mul3A_1614 : i32
        %add3A_1616 = arith.constant 1 : i32
        %add3A_1617 = arith.addi %mul3A_1615, %add3A_1616 : i32
        %mul3A_1618 = arith.constant 16 : i32
        %mul3A_1619 = arith.muli %add3A_1617, %mul3A_1618 : i32
        %get3A_1620 = arith.index_cast %mul3A_1619 : i32 to index
        %get3A_1621 = tpu.vector_load %arg5[%get3A_1620] {strides = array<i32>} : memref<3840xf32, #tpu.memory_space<vmem>>, vector<16xf32>,
        %bitcast3A_1622 = vector.bitcast %get3A_1621 : vector<16xf32> to vector<32xbf16>
        %unpack3A_1623 = tpu.unpack_subelements %bitcast3A_1622, 0 {pack_format = #tpu.pack_format<interleaved>} : vector<32xbf16> -> vector<16xf32>
        %unpack3A_1624 = tpu.unpack_subelements %bitcast3A_1622, 1 {pack_format = #tpu.pack_format<interleaved>} : vector<32xbf16> -> vector<16xf32>
        %mul3A_1625 = arith.constant 3 : i32
        %mul3A_1626 = arith.muli %add3A_1602, %mul3A_1625 : i32
        %add3A_1627 = arith.constant 2 : i32
        %add3A_1628 = arith.addi %mul3A_1626, %add3A_1627 : i32
        %mul3A_1629 = arith.constant 16 : i32
        %mul3A_1630 = arith.muli %add3A_1628, %mul3A_1629 : i32
        %get3A_1631 = arith.index_cast %mul3A_1630 : i32 to index
        %get3A_1632 = tpu.vector_load %arg5[%get3A_1631] {strides = array<i32>} : memref<3840xf32, #tpu.memory_space<vmem>>, vector<16xf32>,
        %bitcast3A_1633 = vector.bitcast %get3A_1632 : vector<16xf32> to vector<32xbf16>
        %unpack3A_1634 = tpu.unpack_subelements %bitcast3A_1633, 0 {pack_format = #tpu.pack_format<interleaved>} : vector<32xbf16> -> vector<16xf32>
        %unpack3A_1635 = tpu.unpack_subelements %bitcast3A_1633, 1 {pack_format = #tpu.pack_format<interleaved>} : vector<32xbf16> -> vector<16xf32>
        %slice3A_1636 = vector.extract_strided_slice %get3A_327 {offsets = [7], sizes = [1], strides = [1]} : vector<16xf32> to vector<1xf32>
        %squeeze3A_1637 = vector.extract %slice3A_1636[0] : f32 from vector<1xf32>
        %mul3A_1638 = vector.broadcast %squeeze3A_1637 : f32 to vector<16xf32>
        %mul3A_1639 = arith.mulf %mul3A_1638, %unpack3A_1612 : vector<16xf32>
        %add3A_1640 = arith.addf %add3A_1463, %mul3A_1639 : vector<16xf32>
        %mul3A_1641 = vector.broadcast %squeeze3A_1637 : f32 to vector<16xf32>
        %mul3A_1642 = arith.mulf %mul3A_1641, %unpack3A_1613 : vector<16xf32>
        %add3A_1643 = arith.addf %add3A_1466, %mul3A_1642 : vector<16xf32>
        %mul3A_1644 = vector.broadcast %squeeze3A_1637 : f32 to vector<16xf32>
        %mul3A_1645 = arith.mulf %mul3A_1644, %unpack3A_1623 : vector<16xf32>
        %add3A_1646 = arith.addf %add3A_1469, %mul3A_1645 : vector<16xf32>
        %mul3A_1647 = vector.broadcast %squeeze3A_1637 : f32 to vector<16xf32>
        %mul3A_1648 = arith.mulf %mul3A_1647, %unpack3A_1624 : vector<16xf32>
        %add3A_1649 = arith.addf %add3A_1472, %mul3A_1648 : vector<16xf32>
        %mul3A_1650 = vector.broadcast %squeeze3A_1637 : f32 to vector<16xf32>
        %mul3A_1651 = arith.mulf %mul3A_1650, %unpack3A_1634 : vector<16xf32>
        %add3A_1652 = arith.addf %add3A_1475, %mul3A_1651 : vector<16xf32>
        %mul3A_1653 = vector.broadcast %squeeze3A_1637 : f32 to vector<16xf32>
        %mul3A_1654 = arith.mulf %mul3A_1653, %unpack3A_1635 : vector<16xf32>
        %add3A_1655 = arith.addf %add3A_1478, %mul3A_1654 : vector<16xf32>
        %slice3A_1656 = vector.extract_strided_slice %get3A_333 {offsets = [7], sizes = [1], strides = [1]} : vector<16xf32> to vector<1xf32>
        %squeeze3A_1657 = vector.extract %slice3A_1656[0] : f32 from vector<1xf32>
        %mul3A_1658 = vector.broadcast %squeeze3A_1657 : f32 to vector<16xf32>
        %mul3A_1659 = arith.mulf %mul3A_1658, %unpack3A_1612 : vector<16xf32>
        %add3A_1660 = arith.addf %add3A_1483, %mul3A_1659 : vector<16xf32>
        %mul3A_1661 = vector.broadcast %squeeze3A_1657 : f32 to vector<16xf32>
        %mul3A_1662 = arith.mulf %mul3A_1661, %unpack3A_1613 : vector<16xf32>
        %add3A_1663 = arith.addf %add3A_1486, %mul3A_1662 : vector<16xf32>
        %mul3A_1664 = vector.broadcast %squeeze3A_1657 : f32 to vector<16xf32>
        %mul3A_1665 = arith.mulf %mul3A_1664, %unpack3A_1623 : vector<16xf32>
        %add3A_1666 = arith.addf %add3A_1489, %mul3A_1665 : vector<16xf32>
        %mul3A_1667 = vector.broadcast %squeeze3A_1657 : f32 to vector<16xf32>
        %mul3A_1668 = arith.mulf %mul3A_1667, %unpack3A_1624 : vector<16xf32>
        %add3A_1669 = arith.addf %add3A_1492, %mul3A_1668 : vector<16xf32>
        %mul3A_1670 = vector.broadcast %squeeze3A_1657 : f32 to vector<16xf32>
        %mul3A_1671 = arith.mulf %mul3A_1670, %unpack3A_1634 : vector<16xf32>
        %add3A_1672 = arith.addf %add3A_1495, %mul3A_1671 : vector<16xf32>
        %mul3A_1673 = vector.broadcast %squeeze3A_1657 : f32 to vector<16xf32>
        %mul3A_1674 = arith.mulf %mul3A_1673, %unpack3A_1635 : vector<16xf32>
        %add3A_1675 = arith.addf %add3A_1498, %mul3A_1674 : vector<16xf32>
        %slice3A_1676 = vector.extract_strided_slice %get3A_339 {offsets = [7], sizes = [1], strides = [1]} : vector<16xf32> to vector<1xf32>
        %squeeze3A_1677 = vector.extract %slice3A_1676[0] : f32 from vector<1xf32>
        %mul3A_1678 = vector.broadcast %squeeze3A_1677 : f32 to vector<16xf32>
        %mul3A_1679 = arith.mulf %mul3A_1678, %unpack3A_1612 : vector<16xf32>
        %add3A_1680 = arith.addf %add3A_1503, %mul3A_1679 : vector<16xf32>
        %mul3A_1681 = vector.broadcast %squeeze3A_1677 : f32 to vector<16xf32>
        %mul3A_1682 = arith.mulf %mul3A_1681, %unpack3A_1613 : vector<16xf32>
        %add3A_1683 = arith.addf %add3A_1506, %mul3A_1682 : vector<16xf32>
        %mul3A_1684 = vector.broadcast %squeeze3A_1677 : f32 to vector<16xf32>
        %mul3A_1685 = arith.mulf %mul3A_1684, %unpack3A_1623 : vector<16xf32>
        %add3A_1686 = arith.addf %add3A_1509, %mul3A_1685 : vector<16xf32>
        %mul3A_1687 = vector.broadcast %squeeze3A_1677 : f32 to vector<16xf32>
        %mul3A_1688 = arith.mulf %mul3A_1687, %unpack3A_1624 : vector<16xf32>
        %add3A_1689 = arith.addf %add3A_1512, %mul3A_1688 : vector<16xf32>
        %mul3A_1690 = vector.broadcast %squeeze3A_1677 : f32 to vector<16xf32>
        %mul3A_1691 = arith.mulf %mul3A_1690, %unpack3A_1634 : vector<16xf32>
        %add3A_1692 = arith.addf %add3A_1515, %mul3A_1691 : vector<16xf32>
        %mul3A_1693 = vector.broadcast %squeeze3A_1677 : f32 to vector<16xf32>
        %mul3A_1694 = arith.mulf %mul3A_1693, %unpack3A_1635 : vector<16xf32>
        %add3A_1695 = arith.addf %add3A_1518, %mul3A_1694 : vector<16xf32>
        %slice3A_1696 = vector.extract_strided_slice %get3A_345 {offsets = [7], sizes = [1], strides = [1]} : vector<16xf32> to vector<1xf32>
        %squeeze3A_1697 = vector.extract %slice3A_1696[0] : f32 from vector<1xf32>
        %mul3A_1698 = vector.broadcast %squeeze3A_1697 : f32 to vector<16xf32>
        %mul3A_1699 = arith.mulf %mul3A_1698, %unpack3A_1612 : vector<16xf32>
        %add3A_1700 = arith.addf %add3A_1523, %mul3A_1699 : vector<16xf32>
        %mul3A_1701 = vector.broadcast %squeeze3A_1697 : f32 to vector<16xf32>
        %mul3A_1702 = arith.mulf %mul3A_1701, %unpack3A_1613 : vector<16xf32>
        %add3A_1703 = arith.addf %add3A_1526, %mul3A_1702 : vector<16xf32>
        %mul3A_1704 = vector.broadcast %squeeze3A_1697 : f32 to vector<16xf32>
        %mul3A_1705 = arith.mulf %mul3A_1704, %unpack3A_1623 : vector<16xf32>
        %add3A_1706 = arith.addf %add3A_1529, %mul3A_1705 : vector<16xf32>
        %mul3A_1707 = vector.broadcast %squeeze3A_1697 : f32 to vector<16xf32>
        %mul3A_1708 = arith.mulf %mul3A_1707, %unpack3A_1624 : vector<16xf32>
        %add3A_1709 = arith.addf %add3A_1532, %mul3A_1708 : vector<16xf32>
        %mul3A_1710 = vector.broadcast %squeeze3A_1697 : f32 to vector<16xf32>
        %mul3A_1711 = arith.mulf %mul3A_1710, %unpack3A_1634 : vector<16xf32>
        %add3A_1712 = arith.addf %add3A_1535, %mul3A_1711 : vector<16xf32>
        %mul3A_1713 = vector.broadcast %squeeze3A_1697 : f32 to vector<16xf32>
        %mul3A_1714 = arith.mulf %mul3A_1713, %unpack3A_1635 : vector<16xf32>
        %add3A_1715 = arith.addf %add3A_1538, %mul3A_1714 : vector<16xf32>
        %slice3A_1716 = vector.extract_strided_slice %get3A_351 {offsets = [7], sizes = [1], strides = [1]} : vector<16xf32> to vector<1xf32>
        %squeeze3A_1717 = vector.extract %slice3A_1716[0] : f32 from vector<1xf32>
        %mul3A_1718 = vector.broadcast %squeeze3A_1717 : f32 to vector<16xf32>
        %mul3A_1719 = arith.mulf %mul3A_1718, %unpack3A_1612 : vector<16xf32>
        %add3A_1720 = arith.addf %add3A_1543, %mul3A_1719 : vector<16xf32>
        %mul3A_1721 = vector.broadcast %squeeze3A_1717 : f32 to vector<16xf32>
        %mul3A_1722 = arith.mulf %mul3A_1721, %unpack3A_1613 : vector<16xf32>
        %add3A_1723 = arith.addf %add3A_1546, %mul3A_1722 : vector<16xf32>
        %mul3A_1724 = vector.broadcast %squeeze3A_1717 : f32 to vector<16xf32>
        %mul3A_1725 = arith.mulf %mul3A_1724, %unpack3A_1623 : vector<16xf32>
        %add3A_1726 = arith.addf %add3A_1549, %mul3A_1725 : vector<16xf32>
        %mul3A_1727 = vector.broadcast %squeeze3A_1717 : f32 to vector<16xf32>
        %mul3A_1728 = arith.mulf %mul3A_1727, %unpack3A_1624 : vector<16xf32>
        %add3A_1729 = arith.addf %add3A_1552, %mul3A_1728 : vector<16xf32>
        %mul3A_1730 = vector.broadcast %squeeze3A_1717 : f32 to vector<16xf32>
        %mul3A_1731 = arith.mulf %mul3A_1730, %unpack3A_1634 : vector<16xf32>
        %add3A_1732 = arith.addf %add3A_1555, %mul3A_1731 : vector<16xf32>
        %mul3A_1733 = vector.broadcast %squeeze3A_1717 : f32 to vector<16xf32>
        %mul3A_1734 = arith.mulf %mul3A_1733, %unpack3A_1635 : vector<16xf32>
        %add3A_1735 = arith.addf %add3A_1558, %mul3A_1734 : vector<16xf32>
        %slice3A_1736 = vector.extract_strided_slice %get3A_357 {offsets = [7], sizes = [1], strides = [1]} : vector<16xf32> to vector<1xf32>
        %squeeze3A_1737 = vector.extract %slice3A_1736[0] : f32 from vector<1xf32>
        %mul3A_1738 = vector.broadcast %squeeze3A_1737 : f32 to vector<16xf32>
        %mul3A_1739 = arith.mulf %mul3A_1738, %unpack3A_1612 : vector<16xf32>
        %add3A_1740 = arith.addf %add3A_1563, %mul3A_1739 : vector<16xf32>
        %mul3A_1741 = vector.broadcast %squeeze3A_1737 : f32 to vector<16xf32>
        %mul3A_1742 = arith.mulf %mul3A_1741, %unpack3A_1613 : vector<16xf32>
        %add3A_1743 = arith.addf %add3A_1566, %mul3A_1742 : vector<16xf32>
        %mul3A_1744 = vector.broadcast %squeeze3A_1737 : f32 to vector<16xf32>
        %mul3A_1745 = arith.mulf %mul3A_1744, %unpack3A_1623 : vector<16xf32>
        %add3A_1746 = arith.addf %add3A_1569, %mul3A_1745 : vector<16xf32>
        %mul3A_1747 = vector.broadcast %squeeze3A_1737 : f32 to vector<16xf32>
        %mul3A_1748 = arith.mulf %mul3A_1747, %unpack3A_1624 : vector<16xf32>
        %add3A_1749 = arith.addf %add3A_1572, %mul3A_1748 : vector<16xf32>
        %mul3A_1750 = vector.broadcast %squeeze3A_1737 : f32 to vector<16xf32>
        %mul3A_1751 = arith.mulf %mul3A_1750, %unpack3A_1634 : vector<16xf32>
        %add3A_1752 = arith.addf %add3A_1575, %mul3A_1751 : vector<16xf32>
        %mul3A_1753 = vector.broadcast %squeeze3A_1737 : f32 to vector<16xf32>
        %mul3A_1754 = arith.mulf %mul3A_1753, %unpack3A_1635 : vector<16xf32>
        %add3A_1755 = arith.addf %add3A_1578, %mul3A_1754 : vector<16xf32>
        %slice3A_1756 = vector.extract_strided_slice %get3A_363 {offsets = [7], sizes = [1], strides = [1]} : vector<16xf32> to vector<1xf32>
        %squeeze3A_1757 = vector.extract %slice3A_1756[0] : f32 from vector<1xf32>
        %mul3A_1758 = vector.broadcast %squeeze3A_1757 : f32 to vector<16xf32>
        %mul3A_1759 = arith.mulf %mul3A_1758, %unpack3A_1612 : vector<16xf32>
        %add3A_1760 = arith.addf %add3A_1583, %mul3A_1759 : vector<16xf32>
        %mul3A_1761 = vector.broadcast %squeeze3A_1757 : f32 to vector<16xf32>
        %mul3A_1762 = arith.mulf %mul3A_1761, %unpack3A_1613 : vector<16xf32>
        %add3A_1763 = arith.addf %add3A_1586, %mul3A_1762 : vector<16xf32>
        %mul3A_1764 = vector.broadcast %squeeze3A_1757 : f32 to vector<16xf32>
        %mul3A_1765 = arith.mulf %mul3A_1764, %unpack3A_1623 : vector<16xf32>
        %add3A_1766 = arith.addf %add3A_1589, %mul3A_1765 : vector<16xf32>
        %mul3A_1767 = vector.broadcast %squeeze3A_1757 : f32 to vector<16xf32>
        %mul3A_1768 = arith.mulf %mul3A_1767, %unpack3A_1624 : vector<16xf32>
        %add3A_1769 = arith.addf %add3A_1592, %mul3A_1768 : vector<16xf32>
        %mul3A_1770 = vector.broadcast %squeeze3A_1757 : f32 to vector<16xf32>
        %mul3A_1771 = arith.mulf %mul3A_1770, %unpack3A_1634 : vector<16xf32>
        %add3A_1772 = arith.addf %add3A_1595, %mul3A_1771 : vector<16xf32>
        %mul3A_1773 = vector.broadcast %squeeze3A_1757 : f32 to vector<16xf32>
        %mul3A_1774 = arith.mulf %mul3A_1773, %unpack3A_1635 : vector<16xf32>
        %add3A_1775 = arith.addf %add3A_1598, %mul3A_1774 : vector<16xf32>
        %mul3A_1776 = arith.constant 16 : i32
        %mul3A_1777 = arith.muli %scan3A_279, %mul3A_1776 : i32
        %add3A_1778 = arith.constant 8 : i32
        %add3A_1779 = arith.addi %mul3A_1777, %add3A_1778 : i32
        %mul3A_1780 = arith.constant 3 : i32
        %mul3A_1781 = arith.muli %add3A_1779, %mul3A_1780 : i32
        %add3A_1782 = arith.constant 0 : i32
        %add3A_1783 = arith.addi %mul3A_1781, %add3A_1782 : i32
        %mul3A_1784 = arith.constant 16 : i32
        %mul3A_1785 = arith.muli %add3A_1783, %mul3A_1784 : i32
        %get3A_1786 = arith.index_cast %mul3A_1785 : i32 to index
        %get3A_1787 = tpu.vector_load %arg5[%get3A_1786] {strides = array<i32>} : memref<3840xf32, #tpu.memory_space<vmem>>, vector<16xf32>,
        %bitcast3A_1788 = vector.bitcast %get3A_1787 : vector<16xf32> to vector<32xbf16>
        %unpack3A_1789 = tpu.unpack_subelements %bitcast3A_1788, 0 {pack_format = #tpu.pack_format<interleaved>} : vector<32xbf16> -> vector<16xf32>
        %unpack3A_1790 = tpu.unpack_subelements %bitcast3A_1788, 1 {pack_format = #tpu.pack_format<interleaved>} : vector<32xbf16> -> vector<16xf32>
        %mul3A_1791 = arith.constant 3 : i32
        %mul3A_1792 = arith.muli %add3A_1779, %mul3A_1791 : i32
        %add3A_1793 = arith.constant 1 : i32
        %add3A_1794 = arith.addi %mul3A_1792, %add3A_1793 : i32
        %mul3A_1795 = arith.constant 16 : i32
        %mul3A_1796 = arith.muli %add3A_1794, %mul3A_1795 : i32
        %get3A_1797 = arith.index_cast %mul3A_1796 : i32 to index
        %get3A_1798 = tpu.vector_load %arg5[%get3A_1797] {strides = array<i32>} : memref<3840xf32, #tpu.memory_space<vmem>>, vector<16xf32>,
        %bitcast3A_1799 = vector.bitcast %get3A_1798 : vector<16xf32> to vector<32xbf16>
        %unpack3A_1800 = tpu.unpack_subelements %bitcast3A_1799, 0 {pack_format = #tpu.pack_format<interleaved>} : vector<32xbf16> -> vector<16xf32>
        %unpack3A_1801 = tpu.unpack_subelements %bitcast3A_1799, 1 {pack_format = #tpu.pack_format<interleaved>} : vector<32xbf16> -> vector<16xf32>
        %mul3A_1802 = arith.constant 3 : i32
        %mul3A_1803 = arith.muli %add3A_1779, %mul3A_1802 : i32
        %add3A_1804 = arith.constant 2 : i32
        %add3A_1805 = arith.addi %mul3A_1803, %add3A_1804 : i32
        %mul3A_1806 = arith.constant 16 : i32
        %mul3A_1807 = arith.muli %add3A_1805, %mul3A_1806 : i32
        %get3A_1808 = arith.index_cast %mul3A_1807 : i32 to index
        %get3A_1809 = tpu.vector_load %arg5[%get3A_1808] {strides = array<i32>} : memref<3840xf32, #tpu.memory_space<vmem>>, vector<16xf32>,
        %bitcast3A_1810 = vector.bitcast %get3A_1809 : vector<16xf32> to vector<32xbf16>
        %unpack3A_1811 = tpu.unpack_subelements %bitcast3A_1810, 0 {pack_format = #tpu.pack_format<interleaved>} : vector<32xbf16> -> vector<16xf32>
        %unpack3A_1812 = tpu.unpack_subelements %bitcast3A_1810, 1 {pack_format = #tpu.pack_format<interleaved>} : vector<32xbf16> -> vector<16xf32>
        %slice3A_1813 = vector.extract_strided_slice %get3A_327 {offsets = [8], sizes = [1], strides = [1]} : vector<16xf32> to vector<1xf32>
        %squeeze3A_1814 = vector.extract %slice3A_1813[0] : f32 from vector<1xf32>
        %mul3A_1815 = vector.broadcast %squeeze3A_1814 : f32 to vector<16xf32>
        %mul3A_1816 = arith.mulf %mul3A_1815, %unpack3A_1789 : vector<16xf32>
        %add3A_1817 = arith.addf %add3A_1640, %mul3A_1816 : vector<16xf32>
        %mul3A_1818 = vector.broadcast %squeeze3A_1814 : f32 to vector<16xf32>
        %mul3A_1819 = arith.mulf %mul3A_1818, %unpack3A_1790 : vector<16xf32>
        %add3A_1820 = arith.addf %add3A_1643, %mul3A_1819 : vector<16xf32>
        %mul3A_1821 = vector.broadcast %squeeze3A_1814 : f32 to vector<16xf32>
        %mul3A_1822 = arith.mulf %mul3A_1821, %unpack3A_1800 : vector<16xf32>
        %add3A_1823 = arith.addf %add3A_1646, %mul3A_1822 : vector<16xf32>
        %mul3A_1824 = vector.broadcast %squeeze3A_1814 : f32 to vector<16xf32>
        %mul3A_1825 = arith.mulf %mul3A_1824, %unpack3A_1801 : vector<16xf32>
        %add3A_1826 = arith.addf %add3A_1649, %mul3A_1825 : vector<16xf32>
        %mul3A_1827 = vector.broadcast %squeeze3A_1814 : f32 to vector<16xf32>
        %mul3A_1828 = arith.mulf %mul3A_1827, %unpack3A_1811 : vector<16xf32>
        %add3A_1829 = arith.addf %add3A_1652, %mul3A_1828 : vector<16xf32>
        %mul3A_1830 = vector.broadcast %squeeze3A_1814 : f32 to vector<16xf32>
        %mul3A_1831 = arith.mulf %mul3A_1830, %unpack3A_1812 : vector<16xf32>
        %add3A_1832 = arith.addf %add3A_1655, %mul3A_1831 : vector<16xf32>
        %slice3A_1833 = vector.extract_strided_slice %get3A_333 {offsets = [8], sizes = [1], strides = [1]} : vector<16xf32> to vector<1xf32>
        %squeeze3A_1834 = vector.extract %slice3A_1833[0] : f32 from vector<1xf32>
        %mul3A_1835 = vector.broadcast %squeeze3A_1834 : f32 to vector<16xf32>
        %mul3A_1836 = arith.mulf %mul3A_1835, %unpack3A_1789 : vector<16xf32>
        %add3A_1837 = arith.addf %add3A_1660, %mul3A_1836 : vector<16xf32>
        %mul3A_1838 = vector.broadcast %squeeze3A_1834 : f32 to vector<16xf32>
        %mul3A_1839 = arith.mulf %mul3A_1838, %unpack3A_1790 : vector<16xf32>
        %add3A_1840 = arith.addf %add3A_1663, %mul3A_1839 : vector<16xf32>
        %mul3A_1841 = vector.broadcast %squeeze3A_1834 : f32 to vector<16xf32>
        %mul3A_1842 = arith.mulf %mul3A_1841, %unpack3A_1800 : vector<16xf32>
        %add3A_1843 = arith.addf %add3A_1666, %mul3A_1842 : vector<16xf32>
        %mul3A_1844 = vector.broadcast %squeeze3A_1834 : f32 to vector<16xf32>
        %mul3A_1845 = arith.mulf %mul3A_1844, %unpack3A_1801 : vector<16xf32>
        %add3A_1846 = arith.addf %add3A_1669, %mul3A_1845 : vector<16xf32>
        %mul3A_1847 = vector.broadcast %squeeze3A_1834 : f32 to vector<16xf32>
        %mul3A_1848 = arith.mulf %mul3A_1847, %unpack3A_1811 : vector<16xf32>
        %add3A_1849 = arith.addf %add3A_1672, %mul3A_1848 : vector<16xf32>
        %mul3A_1850 = vector.broadcast %squeeze3A_1834 : f32 to vector<16xf32>
        %mul3A_1851 = arith.mulf %mul3A_1850, %unpack3A_1812 : vector<16xf32>
        %add3A_1852 = arith.addf %add3A_1675, %mul3A_1851 : vector<16xf32>
        %slice3A_1853 = vector.extract_strided_slice %get3A_339 {offsets = [8], sizes = [1], strides = [1]} : vector<16xf32> to vector<1xf32>
        %squeeze3A_1854 = vector.extract %slice3A_1853[0] : f32 from vector<1xf32>
        %mul3A_1855 = vector.broadcast %squeeze3A_1854 : f32 to vector<16xf32>
        %mul3A_1856 = arith.mulf %mul3A_1855, %unpack3A_1789 : vector<16xf32>
        %add3A_1857 = arith.addf %add3A_1680, %mul3A_1856 : vector<16xf32>
        %mul3A_1858 = vector.broadcast %squeeze3A_1854 : f32 to vector<16xf32>
        %mul3A_1859 = arith.mulf %mul3A_1858, %unpack3A_1790 : vector<16xf32>
        %add3A_1860 = arith.addf %add3A_1683, %mul3A_1859 : vector<16xf32>
        %mul3A_1861 = vector.broadcast %squeeze3A_1854 : f32 to vector<16xf32>
        %mul3A_1862 = arith.mulf %mul3A_1861, %unpack3A_1800 : vector<16xf32>
        %add3A_1863 = arith.addf %add3A_1686, %mul3A_1862 : vector<16xf32>
        %mul3A_1864 = vector.broadcast %squeeze3A_1854 : f32 to vector<16xf32>
        %mul3A_1865 = arith.mulf %mul3A_1864, %unpack3A_1801 : vector<16xf32>
        %add3A_1866 = arith.addf %add3A_1689, %mul3A_1865 : vector<16xf32>
        %mul3A_1867 = vector.broadcast %squeeze3A_1854 : f32 to vector<16xf32>
        %mul3A_1868 = arith.mulf %mul3A_1867, %unpack3A_1811 : vector<16xf32>
        %add3A_1869 = arith.addf %add3A_1692, %mul3A_1868 : vector<16xf32>
        %mul3A_1870 = vector.broadcast %squeeze3A_1854 : f32 to vector<16xf32>
        %mul3A_1871 = arith.mulf %mul3A_1870, %unpack3A_1812 : vector<16xf32>
        %add3A_1872 = arith.addf %add3A_1695, %mul3A_1871 : vector<16xf32>
        %slice3A_1873 = vector.extract_strided_slice %get3A_345 {offsets = [8], sizes = [1], strides = [1]} : vector<16xf32> to vector<1xf32>
        %squeeze3A_1874 = vector.extract %slice3A_1873[0] : f32 from vector<1xf32>
        %mul3A_1875 = vector.broadcast %squeeze3A_1874 : f32 to vector<16xf32>
        %mul3A_1876 = arith.mulf %mul3A_1875, %unpack3A_1789 : vector<16xf32>
        %add3A_1877 = arith.addf %add3A_1700, %mul3A_1876 : vector<16xf32>
        %mul3A_1878 = vector.broadcast %squeeze3A_1874 : f32 to vector<16xf32>
        %mul3A_1879 = arith.mulf %mul3A_1878, %unpack3A_1790 : vector<16xf32>
        %add3A_1880 = arith.addf %add3A_1703, %mul3A_1879 : vector<16xf32>
        %mul3A_1881 = vector.broadcast %squeeze3A_1874 : f32 to vector<16xf32>
        %mul3A_1882 = arith.mulf %mul3A_1881, %unpack3A_1800 : vector<16xf32>
        %add3A_1883 = arith.addf %add3A_1706, %mul3A_1882 : vector<16xf32>
        %mul3A_1884 = vector.broadcast %squeeze3A_1874 : f32 to vector<16xf32>
        %mul3A_1885 = arith.mulf %mul3A_1884, %unpack3A_1801 : vector<16xf32>
        %add3A_1886 = arith.addf %add3A_1709, %mul3A_1885 : vector<16xf32>
        %mul3A_1887 = vector.broadcast %squeeze3A_1874 : f32 to vector<16xf32>
        %mul3A_1888 = arith.mulf %mul3A_1887, %unpack3A_1811 : vector<16xf32>
        %add3A_1889 = arith.addf %add3A_1712, %mul3A_1888 : vector<16xf32>
        %mul3A_1890 = vector.broadcast %squeeze3A_1874 : f32 to vector<16xf32>
        %mul3A_1891 = arith.mulf %mul3A_1890, %unpack3A_1812 : vector<16xf32>
        %add3A_1892 = arith.addf %add3A_1715, %mul3A_1891 : vector<16xf32>
        %slice3A_1893 = vector.extract_strided_slice %get3A_351 {offsets = [8], sizes = [1], strides = [1]} : vector<16xf32> to vector<1xf32>
        %squeeze3A_1894 = vector.extract %slice3A_1893[0] : f32 from vector<1xf32>
        %mul3A_1895 = vector.broadcast %squeeze3A_1894 : f32 to vector<16xf32>
        %mul3A_1896 = arith.mulf %mul3A_1895, %unpack3A_1789 : vector<16xf32>
        %add3A_1897 = arith.addf %add3A_1720, %mul3A_1896 : vector<16xf32>
        %mul3A_1898 = vector.broadcast %squeeze3A_1894 : f32 to vector<16xf32>
        %mul3A_1899 = arith.mulf %mul3A_1898, %unpack3A_1790 : vector<16xf32>
        %add3A_1900 = arith.addf %add3A_1723, %mul3A_1899 : vector<16xf32>
        %mul3A_1901 = vector.broadcast %squeeze3A_1894 : f32 to vector<16xf32>
        %mul3A_1902 = arith.mulf %mul3A_1901, %unpack3A_1800 : vector<16xf32>
        %add3A_1903 = arith.addf %add3A_1726, %mul3A_1902 : vector<16xf32>
        %mul3A_1904 = vector.broadcast %squeeze3A_1894 : f32 to vector<16xf32>
        %mul3A_1905 = arith.mulf %mul3A_1904, %unpack3A_1801 : vector<16xf32>
        %add3A_1906 = arith.addf %add3A_1729, %mul3A_1905 : vector<16xf32>
        %mul3A_1907 = vector.broadcast %squeeze3A_1894 : f32 to vector<16xf32>
        %mul3A_1908 = arith.mulf %mul3A_1907, %unpack3A_1811 : vector<16xf32>
        %add3A_1909 = arith.addf %add3A_1732, %mul3A_1908 : vector<16xf32>
        %mul3A_1910 = vector.broadcast %squeeze3A_1894 : f32 to vector<16xf32>
        %mul3A_1911 = arith.mulf %mul3A_1910, %unpack3A_1812 : vector<16xf32>
        %add3A_1912 = arith.addf %add3A_1735, %mul3A_1911 : vector<16xf32>
        %slice3A_1913 = vector.extract_strided_slice %get3A_357 {offsets = [8], sizes = [1], strides = [1]} : vector<16xf32> to vector<1xf32>
        %squeeze3A_1914 = vector.extract %slice3A_1913[0] : f32 from vector<1xf32>
        %mul3A_1915 = vector.broadcast %squeeze3A_1914 : f32 to vector<16xf32>
        %mul3A_1916 = arith.mulf %mul3A_1915, %unpack3A_1789 : vector<16xf32>
        %add3A_1917 = arith.addf %add3A_1740, %mul3A_1916 : vector<16xf32>
        %mul3A_1918 = vector.broadcast %squeeze3A_1914 : f32 to vector<16xf32>
        %mul3A_1919 = arith.mulf %mul3A_1918, %unpack3A_1790 : vector<16xf32>
        %add3A_1920 = arith.addf %add3A_1743, %mul3A_1919 : vector<16xf32>
        %mul3A_1921 = vector.broadcast %squeeze3A_1914 : f32 to vector<16xf32>
        %mul3A_1922 = arith.mulf %mul3A_1921, %unpack3A_1800 : vector<16xf32>
        %add3A_1923 = arith.addf %add3A_1746, %mul3A_1922 : vector<16xf32>
        %mul3A_1924 = vector.broadcast %squeeze3A_1914 : f32 to vector<16xf32>
        %mul3A_1925 = arith.mulf %mul3A_1924, %unpack3A_1801 : vector<16xf32>
        %add3A_1926 = arith.addf %add3A_1749, %mul3A_1925 : vector<16xf32>
        %mul3A_1927 = vector.broadcast %squeeze3A_1914 : f32 to vector<16xf32>
        %mul3A_1928 = arith.mulf %mul3A_1927, %unpack3A_1811 : vector<16xf32>
        %add3A_1929 = arith.addf %add3A_1752, %mul3A_1928 : vector<16xf32>
        %mul3A_1930 = vector.broadcast %squeeze3A_1914 : f32 to vector<16xf32>
        %mul3A_1931 = arith.mulf %mul3A_1930, %unpack3A_1812 : vector<16xf32>
        %add3A_1932 = arith.addf %add3A_1755, %mul3A_1931 : vector<16xf32>
        %slice3A_1933 = vector.extract_strided_slice %get3A_363 {offsets = [8], sizes = [1], strides = [1]} : vector<16xf32> to vector<1xf32>
        %squeeze3A_1934 = vector.extract %slice3A_1933[0] : f32 from vector<1xf32>
        %mul3A_1935 = vector.broadcast %squeeze3A_1934 : f32 to vector<16xf32>
        %mul3A_1936 = arith.mulf %mul3A_1935, %unpack3A_1789 : vector<16xf32>
        %add3A_1937 = arith.addf %add3A_1760, %mul3A_1936 : vector<16xf32>
        %mul3A_1938 = vector.broadcast %squeeze3A_1934 : f32 to vector<16xf32>
        %mul3A_1939 = arith.mulf %mul3A_1938, %unpack3A_1790 : vector<16xf32>
        %add3A_1940 = arith.addf %add3A_1763, %mul3A_1939 : vector<16xf32>
        %mul3A_1941 = vector.broadcast %squeeze3A_1934 : f32 to vector<16xf32>
        %mul3A_1942 = arith.mulf %mul3A_1941, %unpack3A_1800 : vector<16xf32>
        %add3A_1943 = arith.addf %add3A_1766, %mul3A_1942 : vector<16xf32>
        %mul3A_1944 = vector.broadcast %squeeze3A_1934 : f32 to vector<16xf32>
        %mul3A_1945 = arith.mulf %mul3A_1944, %unpack3A_1801 : vector<16xf32>
        %add3A_1946 = arith.addf %add3A_1769, %mul3A_1945 : vector<16xf32>
        %mul3A_1947 = vector.broadcast %squeeze3A_1934 : f32 to vector<16xf32>
        %mul3A_1948 = arith.mulf %mul3A_1947, %unpack3A_1811 : vector<16xf32>
        %add3A_1949 = arith.addf %add3A_1772, %mul3A_1948 : vector<16xf32>
        %mul3A_1950 = vector.broadcast %squeeze3A_1934 : f32 to vector<16xf32>
        %mul3A_1951 = arith.mulf %mul3A_1950, %unpack3A_1812 : vector<16xf32>
        %add3A_1952 = arith.addf %add3A_1775, %mul3A_1951 : vector<16xf32>
        %mul3A_1953 = arith.constant 16 : i32
        %mul3A_1954 = arith.muli %scan3A_279, %mul3A_1953 : i32
        %add3A_1955 = arith.constant 9 : i32
        %add3A_1956 = arith.addi %mul3A_1954, %add3A_1955 : i32
        %mul3A_1957 = arith.constant 3 : i32
        %mul3A_1958 = arith.muli %add3A_1956, %mul3A_1957 : i32
        %add3A_1959 = arith.constant 0 : i32
        %add3A_1960 = arith.addi %mul3A_1958, %add3A_1959 : i32
        %mul3A_1961 = arith.constant 16 : i32
        %mul3A_1962 = arith.muli %add3A_1960, %mul3A_1961 : i32
        %get3A_1963 = arith.index_cast %mul3A_1962 : i32 to index
        %get3A_1964 = tpu.vector_load %arg5[%get3A_1963] {strides = array<i32>} : memref<3840xf32, #tpu.memory_space<vmem>>, vector<16xf32>,
        %bitcast3A_1965 = vector.bitcast %get3A_1964 : vector<16xf32> to vector<32xbf16>
        %unpack3A_1966 = tpu.unpack_subelements %bitcast3A_1965, 0 {pack_format = #tpu.pack_format<interleaved>} : vector<32xbf16> -> vector<16xf32>
        %unpack3A_1967 = tpu.unpack_subelements %bitcast3A_1965, 1 {pack_format = #tpu.pack_format<interleaved>} : vector<32xbf16> -> vector<16xf32>
        %mul3A_1968 = arith.constant 3 : i32
        %mul3A_1969 = arith.muli %add3A_1956, %mul3A_1968 : i32
        %add3A_1970 = arith.constant 1 : i32
        %add3A_1971 = arith.addi %mul3A_1969, %add3A_1970 : i32
        %mul3A_1972 = arith.constant 16 : i32
        %mul3A_1973 = arith.muli %add3A_1971, %mul3A_1972 : i32
        %get3A_1974 = arith.index_cast %mul3A_1973 : i32 to index
        %get3A_1975 = tpu.vector_load %arg5[%get3A_1974] {strides = array<i32>} : memref<3840xf32, #tpu.memory_space<vmem>>, vector<16xf32>,
        %bitcast3A_1976 = vector.bitcast %get3A_1975 : vector<16xf32> to vector<32xbf16>
        %unpack3A_1977 = tpu.unpack_subelements %bitcast3A_1976, 0 {pack_format = #tpu.pack_format<interleaved>} : vector<32xbf16> -> vector<16xf32>
        %unpack3A_1978 = tpu.unpack_subelements %bitcast3A_1976, 1 {pack_format = #tpu.pack_format<interleaved>} : vector<32xbf16> -> vector<16xf32>
        %mul3A_1979 = arith.constant 3 : i32
        %mul3A_1980 = arith.muli %add3A_1956, %mul3A_1979 : i32
        %add3A_1981 = arith.constant 2 : i32
        %add3A_1982 = arith.addi %mul3A_1980, %add3A_1981 : i32
        %mul3A_1983 = arith.constant 16 : i32
        %mul3A_1984 = arith.muli %add3A_1982, %mul3A_1983 : i32
        %get3A_1985 = arith.index_cast %mul3A_1984 : i32 to index
        %get3A_1986 = tpu.vector_load %arg5[%get3A_1985] {strides = array<i32>} : memref<3840xf32, #tpu.memory_space<vmem>>, vector<16xf32>,
        %bitcast3A_1987 = vector.bitcast %get3A_1986 : vector<16xf32> to vector<32xbf16>
        %unpack3A_1988 = tpu.unpack_subelements %bitcast3A_1987, 0 {pack_format = #tpu.pack_format<interleaved>} : vector<32xbf16> -> vector<16xf32>
        %unpack3A_1989 = tpu.unpack_subelements %bitcast3A_1987, 1 {pack_format = #tpu.pack_format<interleaved>} : vector<32xbf16> -> vector<16xf32>
        %slice3A_1990 = vector.extract_strided_slice %get3A_327 {offsets = [9], sizes = [1], strides = [1]} : vector<16xf32> to vector<1xf32>
        %squeeze3A_1991 = vector.extract %slice3A_1990[0] : f32 from vector<1xf32>
        %mul3A_1992 = vector.broadcast %squeeze3A_1991 : f32 to vector<16xf32>
        %mul3A_1993 = arith.mulf %mul3A_1992, %unpack3A_1966 : vector<16xf32>
        %add3A_1994 = arith.addf %add3A_1817, %mul3A_1993 : vector<16xf32>
        %mul3A_1995 = vector.broadcast %squeeze3A_1991 : f32 to vector<16xf32>
        %mul3A_1996 = arith.mulf %mul3A_1995, %unpack3A_1967 : vector<16xf32>
        %add3A_1997 = arith.addf %add3A_1820, %mul3A_1996 : vector<16xf32>
        %mul3A_1998 = vector.broadcast %squeeze3A_1991 : f32 to vector<16xf32>
        %mul3A_1999 = arith.mulf %mul3A_1998, %unpack3A_1977 : vector<16xf32>
        %add3A_2000 = arith.addf %add3A_1823, %mul3A_1999 : vector<16xf32>
        %mul3A_2001 = vector.broadcast %squeeze3A_1991 : f32 to vector<16xf32>
        %mul3A_2002 = arith.mulf %mul3A_2001, %unpack3A_1978 : vector<16xf32>
        %add3A_2003 = arith.addf %add3A_1826, %mul3A_2002 : vector<16xf32>
        %mul3A_2004 = vector.broadcast %squeeze3A_1991 : f32 to vector<16xf32>
        %mul3A_2005 = arith.mulf %mul3A_2004, %unpack3A_1988 : vector<16xf32>
        %add3A_2006 = arith.addf %add3A_1829, %mul3A_2005 : vector<16xf32>
        %mul3A_2007 = vector.broadcast %squeeze3A_1991 : f32 to vector<16xf32>
        %mul3A_2008 = arith.mulf %mul3A_2007, %unpack3A_1989 : vector<16xf32>
        %add3A_2009 = arith.addf %add3A_1832, %mul3A_2008 : vector<16xf32>
        %slice3A_2010 = vector.extract_strided_slice %get3A_333 {offsets = [9], sizes = [1], strides = [1]} : vector<16xf32> to vector<1xf32>
        %squeeze3A_2011 = vector.extract %slice3A_2010[0] : f32 from vector<1xf32>
        %mul3A_2012 = vector.broadcast %squeeze3A_2011 : f32 to vector<16xf32>
        %mul3A_2013 = arith.mulf %mul3A_2012, %unpack3A_1966 : vector<16xf32>
        %add3A_2014 = arith.addf %add3A_1837, %mul3A_2013 : vector<16xf32>
        %mul3A_2015 = vector.broadcast %squeeze3A_2011 : f32 to vector<16xf32>
        %mul3A_2016 = arith.mulf %mul3A_2015, %unpack3A_1967 : vector<16xf32>
        %add3A_2017 = arith.addf %add3A_1840, %mul3A_2016 : vector<16xf32>
        %mul3A_2018 = vector.broadcast %squeeze3A_2011 : f32 to vector<16xf32>
        %mul3A_2019 = arith.mulf %mul3A_2018, %unpack3A_1977 : vector<16xf32>
        %add3A_2020 = arith.addf %add3A_1843, %mul3A_2019 : vector<16xf32>
        %mul3A_2021 = vector.broadcast %squeeze3A_2011 : f32 to vector<16xf32>
        %mul3A_2022 = arith.mulf %mul3A_2021, %unpack3A_1978 : vector<16xf32>
        %add3A_2023 = arith.addf %add3A_1846, %mul3A_2022 : vector<16xf32>
        %mul3A_2024 = vector.broadcast %squeeze3A_2011 : f32 to vector<16xf32>
        %mul3A_2025 = arith.mulf %mul3A_2024, %unpack3A_1988 : vector<16xf32>
        %add3A_2026 = arith.addf %add3A_1849, %mul3A_2025 : vector<16xf32>
        %mul3A_2027 = vector.broadcast %squeeze3A_2011 : f32 to vector<16xf32>
        %mul3A_2028 = arith.mulf %mul3A_2027, %unpack3A_1989 : vector<16xf32>
        %add3A_2029 = arith.addf %add3A_1852, %mul3A_2028 : vector<16xf32>
        %slice3A_2030 = vector.extract_strided_slice %get3A_339 {offsets = [9], sizes = [1], strides = [1]} : vector<16xf32> to vector<1xf32>
        %squeeze3A_2031 = vector.extract %slice3A_2030[0] : f32 from vector<1xf32>
        %mul3A_2032 = vector.broadcast %squeeze3A_2031 : f32 to vector<16xf32>
        %mul3A_2033 = arith.mulf %mul3A_2032, %unpack3A_1966 : vector<16xf32>
        %add3A_2034 = arith.addf %add3A_1857, %mul3A_2033 : vector<16xf32>
        %mul3A_2035 = vector.broadcast %squeeze3A_2031 : f32 to vector<16xf32>
        %mul3A_2036 = arith.mulf %mul3A_2035, %unpack3A_1967 : vector<16xf32>
        %add3A_2037 = arith.addf %add3A_1860, %mul3A_2036 : vector<16xf32>
        %mul3A_2038 = vector.broadcast %squeeze3A_2031 : f32 to vector<16xf32>
        %mul3A_2039 = arith.mulf %mul3A_2038, %unpack3A_1977 : vector<16xf32>
        %add3A_2040 = arith.addf %add3A_1863, %mul3A_2039 : vector<16xf32>
        %mul3A_2041 = vector.broadcast %squeeze3A_2031 : f32 to vector<16xf32>
        %mul3A_2042 = arith.mulf %mul3A_2041, %unpack3A_1978 : vector<16xf32>
        %add3A_2043 = arith.addf %add3A_1866, %mul3A_2042 : vector<16xf32>
        %mul3A_2044 = vector.broadcast %squeeze3A_2031 : f32 to vector<16xf32>
        %mul3A_2045 = arith.mulf %mul3A_2044, %unpack3A_1988 : vector<16xf32>
        %add3A_2046 = arith.addf %add3A_1869, %mul3A_2045 : vector<16xf32>
        %mul3A_2047 = vector.broadcast %squeeze3A_2031 : f32 to vector<16xf32>
        %mul3A_2048 = arith.mulf %mul3A_2047, %unpack3A_1989 : vector<16xf32>
        %add3A_2049 = arith.addf %add3A_1872, %mul3A_2048 : vector<16xf32>
        %slice3A_2050 = vector.extract_strided_slice %get3A_345 {offsets = [9], sizes = [1], strides = [1]} : vector<16xf32> to vector<1xf32>
        %squeeze3A_2051 = vector.extract %slice3A_2050[0] : f32 from vector<1xf32>
        %mul3A_2052 = vector.broadcast %squeeze3A_2051 : f32 to vector<16xf32>
        %mul3A_2053 = arith.mulf %mul3A_2052, %unpack3A_1966 : vector<16xf32>
        %add3A_2054 = arith.addf %add3A_1877, %mul3A_2053 : vector<16xf32>
        %mul3A_2055 = vector.broadcast %squeeze3A_2051 : f32 to vector<16xf32>
        %mul3A_2056 = arith.mulf %mul3A_2055, %unpack3A_1967 : vector<16xf32>
        %add3A_2057 = arith.addf %add3A_1880, %mul3A_2056 : vector<16xf32>
        %mul3A_2058 = vector.broadcast %squeeze3A_2051 : f32 to vector<16xf32>
        %mul3A_2059 = arith.mulf %mul3A_2058, %unpack3A_1977 : vector<16xf32>
        %add3A_2060 = arith.addf %add3A_1883, %mul3A_2059 : vector<16xf32>
        %mul3A_2061 = vector.broadcast %squeeze3A_2051 : f32 to vector<16xf32>
        %mul3A_2062 = arith.mulf %mul3A_2061, %unpack3A_1978 : vector<16xf32>
        %add3A_2063 = arith.addf %add3A_1886, %mul3A_2062 : vector<16xf32>
        %mul3A_2064 = vector.broadcast %squeeze3A_2051 : f32 to vector<16xf32>
        %mul3A_2065 = arith.mulf %mul3A_2064, %unpack3A_1988 : vector<16xf32>
        %add3A_2066 = arith.addf %add3A_1889, %mul3A_2065 : vector<16xf32>
        %mul3A_2067 = vector.broadcast %squeeze3A_2051 : f32 to vector<16xf32>
        %mul3A_2068 = arith.mulf %mul3A_2067, %unpack3A_1989 : vector<16xf32>
        %add3A_2069 = arith.addf %add3A_1892, %mul3A_2068 : vector<16xf32>
        %slice3A_2070 = vector.extract_strided_slice %get3A_351 {offsets = [9], sizes = [1], strides = [1]} : vector<16xf32> to vector<1xf32>
        %squeeze3A_2071 = vector.extract %slice3A_2070[0] : f32 from vector<1xf32>
        %mul3A_2072 = vector.broadcast %squeeze3A_2071 : f32 to vector<16xf32>
        %mul3A_2073 = arith.mulf %mul3A_2072, %unpack3A_1966 : vector<16xf32>
        %add3A_2074 = arith.addf %add3A_1897, %mul3A_2073 : vector<16xf32>
        %mul3A_2075 = vector.broadcast %squeeze3A_2071 : f32 to vector<16xf32>
        %mul3A_2076 = arith.mulf %mul3A_2075, %unpack3A_1967 : vector<16xf32>
        %add3A_2077 = arith.addf %add3A_1900, %mul3A_2076 : vector<16xf32>
        %mul3A_2078 = vector.broadcast %squeeze3A_2071 : f32 to vector<16xf32>
        %mul3A_2079 = arith.mulf %mul3A_2078, %unpack3A_1977 : vector<16xf32>
        %add3A_2080 = arith.addf %add3A_1903, %mul3A_2079 : vector<16xf32>
        %mul3A_2081 = vector.broadcast %squeeze3A_2071 : f32 to vector<16xf32>
        %mul3A_2082 = arith.mulf %mul3A_2081, %unpack3A_1978 : vector<16xf32>
        %add3A_2083 = arith.addf %add3A_1906, %mul3A_2082 : vector<16xf32>
        %mul3A_2084 = vector.broadcast %squeeze3A_2071 : f32 to vector<16xf32>
        %mul3A_2085 = arith.mulf %mul3A_2084, %unpack3A_1988 : vector<16xf32>
        %add3A_2086 = arith.addf %add3A_1909, %mul3A_2085 : vector<16xf32>
        %mul3A_2087 = vector.broadcast %squeeze3A_2071 : f32 to vector<16xf32>
        %mul3A_2088 = arith.mulf %mul3A_2087, %unpack3A_1989 : vector<16xf32>
        %add3A_2089 = arith.addf %add3A_1912, %mul3A_2088 : vector<16xf32>
        %slice3A_2090 = vector.extract_strided_slice %get3A_357 {offsets = [9], sizes = [1], strides = [1]} : vector<16xf32> to vector<1xf32>
        %squeeze3A_2091 = vector.extract %slice3A_2090[0] : f32 from vector<1xf32>
        %mul3A_2092 = vector.broadcast %squeeze3A_2091 : f32 to vector<16xf32>
        %mul3A_2093 = arith.mulf %mul3A_2092, %unpack3A_1966 : vector<16xf32>
        %add3A_2094 = arith.addf %add3A_1917, %mul3A_2093 : vector<16xf32>
        %mul3A_2095 = vector.broadcast %squeeze3A_2091 : f32 to vector<16xf32>
        %mul3A_2096 = arith.mulf %mul3A_2095, %unpack3A_1967 : vector<16xf32>
        %add3A_2097 = arith.addf %add3A_1920, %mul3A_2096 : vector<16xf32>
        %mul3A_2098 = vector.broadcast %squeeze3A_2091 : f32 to vector<16xf32>
        %mul3A_2099 = arith.mulf %mul3A_2098, %unpack3A_1977 : vector<16xf32>
        %add3A_2100 = arith.addf %add3A_1923, %mul3A_2099 : vector<16xf32>
        %mul3A_2101 = vector.broadcast %squeeze3A_2091 : f32 to vector<16xf32>
        %mul3A_2102 = arith.mulf %mul3A_2101, %unpack3A_1978 : vector<16xf32>
        %add3A_2103 = arith.addf %add3A_1926, %mul3A_2102 : vector<16xf32>
        %mul3A_2104 = vector.broadcast %squeeze3A_2091 : f32 to vector<16xf32>
        %mul3A_2105 = arith.mulf %mul3A_2104, %unpack3A_1988 : vector<16xf32>
        %add3A_2106 = arith.addf %add3A_1929, %mul3A_2105 : vector<16xf32>
        %mul3A_2107 = vector.broadcast %squeeze3A_2091 : f32 to vector<16xf32>
        %mul3A_2108 = arith.mulf %mul3A_2107, %unpack3A_1989 : vector<16xf32>
        %add3A_2109 = arith.addf %add3A_1932, %mul3A_2108 : vector<16xf32>
        %slice3A_2110 = vector.extract_strided_slice %get3A_363 {offsets = [9], sizes = [1], strides = [1]} : vector<16xf32> to vector<1xf32>
        %squeeze3A_2111 = vector.extract %slice3A_2110[0] : f32 from vector<1xf32>
        %mul3A_2112 = vector.broadcast %squeeze3A_2111 : f32 to vector<16xf32>
        %mul3A_2113 = arith.mulf %mul3A_2112, %unpack3A_1966 : vector<16xf32>
        %add3A_2114 = arith.addf %add3A_1937, %mul3A_2113 : vector<16xf32>
        %mul3A_2115 = vector.broadcast %squeeze3A_2111 : f32 to vector<16xf32>
        %mul3A_2116 = arith.mulf %mul3A_2115, %unpack3A_1967 : vector<16xf32>
        %add3A_2117 = arith.addf %add3A_1940, %mul3A_2116 : vector<16xf32>
        %mul3A_2118 = vector.broadcast %squeeze3A_2111 : f32 to vector<16xf32>
        %mul3A_2119 = arith.mulf %mul3A_2118, %unpack3A_1977 : vector<16xf32>
        %add3A_2120 = arith.addf %add3A_1943, %mul3A_2119 : vector<16xf32>
        %mul3A_2121 = vector.broadcast %squeeze3A_2111 : f32 to vector<16xf32>
        %mul3A_2122 = arith.mulf %mul3A_2121, %unpack3A_1978 : vector<16xf32>
        %add3A_2123 = arith.addf %add3A_1946, %mul3A_2122 : vector<16xf32>
        %mul3A_2124 = vector.broadcast %squeeze3A_2111 : f32 to vector<16xf32>
        %mul3A_2125 = arith.mulf %mul3A_2124, %unpack3A_1988 : vector<16xf32>
        %add3A_2126 = arith.addf %add3A_1949, %mul3A_2125 : vector<16xf32>
        %mul3A_2127 = vector.broadcast %squeeze3A_2111 : f32 to vector<16xf32>
        %mul3A_2128 = arith.mulf %mul3A_2127, %unpack3A_1989 : vector<16xf32>
        %add3A_2129 = arith.addf %add3A_1952, %mul3A_2128 : vector<16xf32>
        %mul3A_2130 = arith.constant 16 : i32
        %mul3A_2131 = arith.muli %scan3A_279, %mul3A_2130 : i32
        %add3A_2132 = arith.constant 10 : i32
        %add3A_2133 = arith.addi %mul3A_2131, %add3A_2132 : i32
        %mul3A_2134 = arith.constant 3 : i32
        %mul3A_2135 = arith.muli %add3A_2133, %mul3A_2134 : i32
        %add3A_2136 = arith.constant 0 : i32
        %add3A_2137 = arith.addi %mul3A_2135, %add3A_2136 : i32
        %mul3A_2138 = arith.constant 16 : i32
        %mul3A_2139 = arith.muli %add3A_2137, %mul3A_2138 : i32
        %get3A_2140 = arith.index_cast %mul3A_2139 : i32 to index
        %get3A_2141 = tpu.vector_load %arg5[%get3A_2140] {strides = array<i32>} : memref<3840xf32, #tpu.memory_space<vmem>>, vector<16xf32>,
        %bitcast3A_2142 = vector.bitcast %get3A_2141 : vector<16xf32> to vector<32xbf16>
        %unpack3A_2143 = tpu.unpack_subelements %bitcast3A_2142, 0 {pack_format = #tpu.pack_format<interleaved>} : vector<32xbf16> -> vector<16xf32>
        %unpack3A_2144 = tpu.unpack_subelements %bitcast3A_2142, 1 {pack_format = #tpu.pack_format<interleaved>} : vector<32xbf16> -> vector<16xf32>
        %mul3A_2145 = arith.constant 3 : i32
        %mul3A_2146 = arith.muli %add3A_2133, %mul3A_2145 : i32
        %add3A_2147 = arith.constant 1 : i32
        %add3A_2148 = arith.addi %mul3A_2146, %add3A_2147 : i32
        %mul3A_2149 = arith.constant 16 : i32
        %mul3A_2150 = arith.muli %add3A_2148, %mul3A_2149 : i32
        %get3A_2151 = arith.index_cast %mul3A_2150 : i32 to index
        %get3A_2152 = tpu.vector_load %arg5[%get3A_2151] {strides = array<i32>} : memref<3840xf32, #tpu.memory_space<vmem>>, vector<16xf32>,
        %bitcast3A_2153 = vector.bitcast %get3A_2152 : vector<16xf32> to vector<32xbf16>
        %unpack3A_2154 = tpu.unpack_subelements %bitcast3A_2153, 0 {pack_format = #tpu.pack_format<interleaved>} : vector<32xbf16> -> vector<16xf32>
        %unpack3A_2155 = tpu.unpack_subelements %bitcast3A_2153, 1 {pack_format = #tpu.pack_format<interleaved>} : vector<32xbf16> -> vector<16xf32>
        %mul3A_2156 = arith.constant 3 : i32
        %mul3A_2157 = arith.muli %add3A_2133, %mul3A_2156 : i32
        %add3A_2158 = arith.constant 2 : i32
        %add3A_2159 = arith.addi %mul3A_2157, %add3A_2158 : i32
        %mul3A_2160 = arith.constant 16 : i32
        %mul3A_2161 = arith.muli %add3A_2159, %mul3A_2160 : i32
        %get3A_2162 = arith.index_cast %mul3A_2161 : i32 to index
        %get3A_2163 = tpu.vector_load %arg5[%get3A_2162] {strides = array<i32>} : memref<3840xf32, #tpu.memory_space<vmem>>, vector<16xf32>,
        %bitcast3A_2164 = vector.bitcast %get3A_2163 : vector<16xf32> to vector<32xbf16>
        %unpack3A_2165 = tpu.unpack_subelements %bitcast3A_2164, 0 {pack_format = #tpu.pack_format<interleaved>} : vector<32xbf16> -> vector<16xf32>
        %unpack3A_2166 = tpu.unpack_subelements %bitcast3A_2164, 1 {pack_format = #tpu.pack_format<interleaved>} : vector<32xbf16> -> vector<16xf32>
        %slice3A_2167 = vector.extract_strided_slice %get3A_327 {offsets = [10], sizes = [1], strides = [1]} : vector<16xf32> to vector<1xf32>
        %squeeze3A_2168 = vector.extract %slice3A_2167[0] : f32 from vector<1xf32>
        %mul3A_2169 = vector.broadcast %squeeze3A_2168 : f32 to vector<16xf32>
        %mul3A_2170 = arith.mulf %mul3A_2169, %unpack3A_2143 : vector<16xf32>
        %add3A_2171 = arith.addf %add3A_1994, %mul3A_2170 : vector<16xf32>
        %mul3A_2172 = vector.broadcast %squeeze3A_2168 : f32 to vector<16xf32>
        %mul3A_2173 = arith.mulf %mul3A_2172, %unpack3A_2144 : vector<16xf32>
        %add3A_2174 = arith.addf %add3A_1997, %mul3A_2173 : vector<16xf32>
        %mul3A_2175 = vector.broadcast %squeeze3A_2168 : f32 to vector<16xf32>
        %mul3A_2176 = arith.mulf %mul3A_2175, %unpack3A_2154 : vector<16xf32>
        %add3A_2177 = arith.addf %add3A_2000, %mul3A_2176 : vector<16xf32>
        %mul3A_2178 = vector.broadcast %squeeze3A_2168 : f32 to vector<16xf32>
        %mul3A_2179 = arith.mulf %mul3A_2178, %unpack3A_2155 : vector<16xf32>
        %add3A_2180 = arith.addf %add3A_2003, %mul3A_2179 : vector<16xf32>
        %mul3A_2181 = vector.broadcast %squeeze3A_2168 : f32 to vector<16xf32>
        %mul3A_2182 = arith.mulf %mul3A_2181, %unpack3A_2165 : vector<16xf32>
        %add3A_2183 = arith.addf %add3A_2006, %mul3A_2182 : vector<16xf32>
        %mul3A_2184 = vector.broadcast %squeeze3A_2168 : f32 to vector<16xf32>
        %mul3A_2185 = arith.mulf %mul3A_2184, %unpack3A_2166 : vector<16xf32>
        %add3A_2186 = arith.addf %add3A_2009, %mul3A_2185 : vector<16xf32>
        %slice3A_2187 = vector.extract_strided_slice %get3A_333 {offsets = [10], sizes = [1], strides = [1]} : vector<16xf32> to vector<1xf32>
        %squeeze3A_2188 = vector.extract %slice3A_2187[0] : f32 from vector<1xf32>
        %mul3A_2189 = vector.broadcast %squeeze3A_2188 : f32 to vector<16xf32>
        %mul3A_2190 = arith.mulf %mul3A_2189, %unpack3A_2143 : vector<16xf32>
        %add3A_2191 = arith.addf %add3A_2014, %mul3A_2190 : vector<16xf32>
        %mul3A_2192 = vector.broadcast %squeeze3A_2188 : f32 to vector<16xf32>
        %mul3A_2193 = arith.mulf %mul3A_2192, %unpack3A_2144 : vector<16xf32>
        %add3A_2194 = arith.addf %add3A_2017, %mul3A_2193 : vector<16xf32>
        %mul3A_2195 = vector.broadcast %squeeze3A_2188 : f32 to vector<16xf32>
        %mul3A_2196 = arith.mulf %mul3A_2195, %unpack3A_2154 : vector<16xf32>
        %add3A_2197 = arith.addf %add3A_2020, %mul3A_2196 : vector<16xf32>
        %mul3A_2198 = vector.broadcast %squeeze3A_2188 : f32 to vector<16xf32>
        %mul3A_2199 = arith.mulf %mul3A_2198, %unpack3A_2155 : vector<16xf32>
        %add3A_2200 = arith.addf %add3A_2023, %mul3A_2199 : vector<16xf32>
        %mul3A_2201 = vector.broadcast %squeeze3A_2188 : f32 to vector<16xf32>
        %mul3A_2202 = arith.mulf %mul3A_2201, %unpack3A_2165 : vector<16xf32>
        %add3A_2203 = arith.addf %add3A_2026, %mul3A_2202 : vector<16xf32>
        %mul3A_2204 = vector.broadcast %squeeze3A_2188 : f32 to vector<16xf32>
        %mul3A_2205 = arith.mulf %mul3A_2204, %unpack3A_2166 : vector<16xf32>
        %add3A_2206 = arith.addf %add3A_2029, %mul3A_2205 : vector<16xf32>
        %slice3A_2207 = vector.extract_strided_slice %get3A_339 {offsets = [10], sizes = [1], strides = [1]} : vector<16xf32> to vector<1xf32>
        %squeeze3A_2208 = vector.extract %slice3A_2207[0] : f32 from vector<1xf32>
        %mul3A_2209 = vector.broadcast %squeeze3A_2208 : f32 to vector<16xf32>
        %mul3A_2210 = arith.mulf %mul3A_2209, %unpack3A_2143 : vector<16xf32>
        %add3A_2211 = arith.addf %add3A_2034, %mul3A_2210 : vector<16xf32>
        %mul3A_2212 = vector.broadcast %squeeze3A_2208 : f32 to vector<16xf32>
        %mul3A_2213 = arith.mulf %mul3A_2212, %unpack3A_2144 : vector<16xf32>
        %add3A_2214 = arith.addf %add3A_2037, %mul3A_2213 : vector<16xf32>
        %mul3A_2215 = vector.broadcast %squeeze3A_2208 : f32 to vector<16xf32>
        %mul3A_2216 = arith.mulf %mul3A_2215, %unpack3A_2154 : vector<16xf32>
        %add3A_2217 = arith.addf %add3A_2040, %mul3A_2216 : vector<16xf32>
        %mul3A_2218 = vector.broadcast %squeeze3A_2208 : f32 to vector<16xf32>
        %mul3A_2219 = arith.mulf %mul3A_2218, %unpack3A_2155 : vector<16xf32>
        %add3A_2220 = arith.addf %add3A_2043, %mul3A_2219 : vector<16xf32>
        %mul3A_2221 = vector.broadcast %squeeze3A_2208 : f32 to vector<16xf32>
        %mul3A_2222 = arith.mulf %mul3A_2221, %unpack3A_2165 : vector<16xf32>
        %add3A_2223 = arith.addf %add3A_2046, %mul3A_2222 : vector<16xf32>
        %mul3A_2224 = vector.broadcast %squeeze3A_2208 : f32 to vector<16xf32>
        %mul3A_2225 = arith.mulf %mul3A_2224, %unpack3A_2166 : vector<16xf32>
        %add3A_2226 = arith.addf %add3A_2049, %mul3A_2225 : vector<16xf32>
        %slice3A_2227 = vector.extract_strided_slice %get3A_345 {offsets = [10], sizes = [1], strides = [1]} : vector<16xf32> to vector<1xf32>
        %squeeze3A_2228 = vector.extract %slice3A_2227[0] : f32 from vector<1xf32>
        %mul3A_2229 = vector.broadcast %squeeze3A_2228 : f32 to vector<16xf32>
        %mul3A_2230 = arith.mulf %mul3A_2229, %unpack3A_2143 : vector<16xf32>
        %add3A_2231 = arith.addf %add3A_2054, %mul3A_2230 : vector<16xf32>
        %mul3A_2232 = vector.broadcast %squeeze3A_2228 : f32 to vector<16xf32>
        %mul3A_2233 = arith.mulf %mul3A_2232, %unpack3A_2144 : vector<16xf32>
        %add3A_2234 = arith.addf %add3A_2057, %mul3A_2233 : vector<16xf32>
        %mul3A_2235 = vector.broadcast %squeeze3A_2228 : f32 to vector<16xf32>
        %mul3A_2236 = arith.mulf %mul3A_2235, %unpack3A_2154 : vector<16xf32>
        %add3A_2237 = arith.addf %add3A_2060, %mul3A_2236 : vector<16xf32>
        %mul3A_2238 = vector.broadcast %squeeze3A_2228 : f32 to vector<16xf32>
        %mul3A_2239 = arith.mulf %mul3A_2238, %unpack3A_2155 : vector<16xf32>
        %add3A_2240 = arith.addf %add3A_2063, %mul3A_2239 : vector<16xf32>
        %mul3A_2241 = vector.broadcast %squeeze3A_2228 : f32 to vector<16xf32>
        %mul3A_2242 = arith.mulf %mul3A_2241, %unpack3A_2165 : vector<16xf32>
        %add3A_2243 = arith.addf %add3A_2066, %mul3A_2242 : vector<16xf32>
        %mul3A_2244 = vector.broadcast %squeeze3A_2228 : f32 to vector<16xf32>
        %mul3A_2245 = arith.mulf %mul3A_2244, %unpack3A_2166 : vector<16xf32>
        %add3A_2246 = arith.addf %add3A_2069, %mul3A_2245 : vector<16xf32>
        %slice3A_2247 = vector.extract_strided_slice %get3A_351 {offsets = [10], sizes = [1], strides = [1]} : vector<16xf32> to vector<1xf32>
        %squeeze3A_2248 = vector.extract %slice3A_2247[0] : f32 from vector<1xf32>
        %mul3A_2249 = vector.broadcast %squeeze3A_2248 : f32 to vector<16xf32>
        %mul3A_2250 = arith.mulf %mul3A_2249, %unpack3A_2143 : vector<16xf32>
        %add3A_2251 = arith.addf %add3A_2074, %mul3A_2250 : vector<16xf32>
        %mul3A_2252 = vector.broadcast %squeeze3A_2248 : f32 to vector<16xf32>
        %mul3A_2253 = arith.mulf %mul3A_2252, %unpack3A_2144 : vector<16xf32>
        %add3A_2254 = arith.addf %add3A_2077, %mul3A_2253 : vector<16xf32>
        %mul3A_2255 = vector.broadcast %squeeze3A_2248 : f32 to vector<16xf32>
        %mul3A_2256 = arith.mulf %mul3A_2255, %unpack3A_2154 : vector<16xf32>
        %add3A_2257 = arith.addf %add3A_2080, %mul3A_2256 : vector<16xf32>
        %mul3A_2258 = vector.broadcast %squeeze3A_2248 : f32 to vector<16xf32>
        %mul3A_2259 = arith.mulf %mul3A_2258, %unpack3A_2155 : vector<16xf32>
        %add3A_2260 = arith.addf %add3A_2083, %mul3A_2259 : vector<16xf32>
        %mul3A_2261 = vector.broadcast %squeeze3A_2248 : f32 to vector<16xf32>
        %mul3A_2262 = arith.mulf %mul3A_2261, %unpack3A_2165 : vector<16xf32>
        %add3A_2263 = arith.addf %add3A_2086, %mul3A_2262 : vector<16xf32>
        %mul3A_2264 = vector.broadcast %squeeze3A_2248 : f32 to vector<16xf32>
        %mul3A_2265 = arith.mulf %mul3A_2264, %unpack3A_2166 : vector<16xf32>
        %add3A_2266 = arith.addf %add3A_2089, %mul3A_2265 : vector<16xf32>
        %slice3A_2267 = vector.extract_strided_slice %get3A_357 {offsets = [10], sizes = [1], strides = [1]} : vector<16xf32> to vector<1xf32>
        %squeeze3A_2268 = vector.extract %slice3A_2267[0] : f32 from vector<1xf32>
        %mul3A_2269 = vector.broadcast %squeeze3A_2268 : f32 to vector<16xf32>
        %mul3A_2270 = arith.mulf %mul3A_2269, %unpack3A_2143 : vector<16xf32>
        %add3A_2271 = arith.addf %add3A_2094, %mul3A_2270 : vector<16xf32>
        %mul3A_2272 = vector.broadcast %squeeze3A_2268 : f32 to vector<16xf32>
        %mul3A_2273 = arith.mulf %mul3A_2272, %unpack3A_2144 : vector<16xf32>
        %add3A_2274 = arith.addf %add3A_2097, %mul3A_2273 : vector<16xf32>
        %mul3A_2275 = vector.broadcast %squeeze3A_2268 : f32 to vector<16xf32>
        %mul3A_2276 = arith.mulf %mul3A_2275, %unpack3A_2154 : vector<16xf32>
        %add3A_2277 = arith.addf %add3A_2100, %mul3A_2276 : vector<16xf32>
        %mul3A_2278 = vector.broadcast %squeeze3A_2268 : f32 to vector<16xf32>
        %mul3A_2279 = arith.mulf %mul3A_2278, %unpack3A_2155 : vector<16xf32>
        %add3A_2280 = arith.addf %add3A_2103, %mul3A_2279 : vector<16xf32>
        %mul3A_2281 = vector.broadcast %squeeze3A_2268 : f32 to vector<16xf32>
        %mul3A_2282 = arith.mulf %mul3A_2281, %unpack3A_2165 : vector<16xf32>
        %add3A_2283 = arith.addf %add3A_2106, %mul3A_2282 : vector<16xf32>
        %mul3A_2284 = vector.broadcast %squeeze3A_2268 : f32 to vector<16xf32>
        %mul3A_2285 = arith.mulf %mul3A_2284, %unpack3A_2166 : vector<16xf32>
        %add3A_2286 = arith.addf %add3A_2109, %mul3A_2285 : vector<16xf32>
        %slice3A_2287 = vector.extract_strided_slice %get3A_363 {offsets = [10], sizes = [1], strides = [1]} : vector<16xf32> to vector<1xf32>
        %squeeze3A_2288 = vector.extract %slice3A_2287[0] : f32 from vector<1xf32>
        %mul3A_2289 = vector.broadcast %squeeze3A_2288 : f32 to vector<16xf32>
        %mul3A_2290 = arith.mulf %mul3A_2289, %unpack3A_2143 : vector<16xf32>
        %add3A_2291 = arith.addf %add3A_2114, %mul3A_2290 : vector<16xf32>
        %mul3A_2292 = vector.broadcast %squeeze3A_2288 : f32 to vector<16xf32>
        %mul3A_2293 = arith.mulf %mul3A_2292, %unpack3A_2144 : vector<16xf32>
        %add3A_2294 = arith.addf %add3A_2117, %mul3A_2293 : vector<16xf32>
        %mul3A_2295 = vector.broadcast %squeeze3A_2288 : f32 to vector<16xf32>
        %mul3A_2296 = arith.mulf %mul3A_2295, %unpack3A_2154 : vector<16xf32>
        %add3A_2297 = arith.addf %add3A_2120, %mul3A_2296 : vector<16xf32>
        %mul3A_2298 = vector.broadcast %squeeze3A_2288 : f32 to vector<16xf32>
        %mul3A_2299 = arith.mulf %mul3A_2298, %unpack3A_2155 : vector<16xf32>
        %add3A_2300 = arith.addf %add3A_2123, %mul3A_2299 : vector<16xf32>
        %mul3A_2301 = vector.broadcast %squeeze3A_2288 : f32 to vector<16xf32>
        %mul3A_2302 = arith.mulf %mul3A_2301, %unpack3A_2165 : vector<16xf32>
        %add3A_2303 = arith.addf %add3A_2126, %mul3A_2302 : vector<16xf32>
        %mul3A_2304 = vector.broadcast %squeeze3A_2288 : f32 to vector<16xf32>
        %mul3A_2305 = arith.mulf %mul3A_2304, %unpack3A_2166 : vector<16xf32>
        %add3A_2306 = arith.addf %add3A_2129, %mul3A_2305 : vector<16xf32>
        %mul3A_2307 = arith.constant 16 : i32
        %mul3A_2308 = arith.muli %scan3A_279, %mul3A_2307 : i32
        %add3A_2309 = arith.constant 11 : i32
        %add3A_2310 = arith.addi %mul3A_2308, %add3A_2309 : i32
        %mul3A_2311 = arith.constant 3 : i32
        %mul3A_2312 = arith.muli %add3A_2310, %mul3A_2311 : i32
        %add3A_2313 = arith.constant 0 : i32
        %add3A_2314 = arith.addi %mul3A_2312, %add3A_2313 : i32
        %mul3A_2315 = arith.constant 16 : i32
        %mul3A_2316 = arith.muli %add3A_2314, %mul3A_2315 : i32
        %get3A_2317 = arith.index_cast %mul3A_2316 : i32 to index
        %get3A_2318 = tpu.vector_load %arg5[%get3A_2317] {strides = array<i32>} : memref<3840xf32, #tpu.memory_space<vmem>>, vector<16xf32>,
        %bitcast3A_2319 = vector.bitcast %get3A_2318 : vector<16xf32> to vector<32xbf16>
        %unpack3A_2320 = tpu.unpack_subelements %bitcast3A_2319, 0 {pack_format = #tpu.pack_format<interleaved>} : vector<32xbf16> -> vector<16xf32>
        %unpack3A_2321 = tpu.unpack_subelements %bitcast3A_2319, 1 {pack_format = #tpu.pack_format<interleaved>} : vector<32xbf16> -> vector<16xf32>
        %mul3A_2322 = arith.constant 3 : i32
        %mul3A_2323 = arith.muli %add3A_2310, %mul3A_2322 : i32
        %add3A_2324 = arith.constant 1 : i32
        %add3A_2325 = arith.addi %mul3A_2323, %add3A_2324 : i32
        %mul3A_2326 = arith.constant 16 : i32
        %mul3A_2327 = arith.muli %add3A_2325, %mul3A_2326 : i32
        %get3A_2328 = arith.index_cast %mul3A_2327 : i32 to index
        %get3A_2329 = tpu.vector_load %arg5[%get3A_2328] {strides = array<i32>} : memref<3840xf32, #tpu.memory_space<vmem>>, vector<16xf32>,
        %bitcast3A_2330 = vector.bitcast %get3A_2329 : vector<16xf32> to vector<32xbf16>
        %unpack3A_2331 = tpu.unpack_subelements %bitcast3A_2330, 0 {pack_format = #tpu.pack_format<interleaved>} : vector<32xbf16> -> vector<16xf32>
        %unpack3A_2332 = tpu.unpack_subelements %bitcast3A_2330, 1 {pack_format = #tpu.pack_format<interleaved>} : vector<32xbf16> -> vector<16xf32>
        %mul3A_2333 = arith.constant 3 : i32
        %mul3A_2334 = arith.muli %add3A_2310, %mul3A_2333 : i32
        %add3A_2335 = arith.constant 2 : i32
        %add3A_2336 = arith.addi %mul3A_2334, %add3A_2335 : i32
        %mul3A_2337 = arith.constant 16 : i32
        %mul3A_2338 = arith.muli %add3A_2336, %mul3A_2337 : i32
        %get3A_2339 = arith.index_cast %mul3A_2338 : i32 to index
        %get3A_2340 = tpu.vector_load %arg5[%get3A_2339] {strides = array<i32>} : memref<3840xf32, #tpu.memory_space<vmem>>, vector<16xf32>,
        %bitcast3A_2341 = vector.bitcast %get3A_2340 : vector<16xf32> to vector<32xbf16>
        %unpack3A_2342 = tpu.unpack_subelements %bitcast3A_2341, 0 {pack_format = #tpu.pack_format<interleaved>} : vector<32xbf16> -> vector<16xf32>
        %unpack3A_2343 = tpu.unpack_subelements %bitcast3A_2341, 1 {pack_format = #tpu.pack_format<interleaved>} : vector<32xbf16> -> vector<16xf32>
        %slice3A_2344 = vector.extract_strided_slice %get3A_327 {offsets = [11], sizes = [1], strides = [1]} : vector<16xf32> to vector<1xf32>
        %squeeze3A_2345 = vector.extract %slice3A_2344[0] : f32 from vector<1xf32>
        %mul3A_2346 = vector.broadcast %squeeze3A_2345 : f32 to vector<16xf32>
        %mul3A_2347 = arith.mulf %mul3A_2346, %unpack3A_2320 : vector<16xf32>
        %add3A_2348 = arith.addf %add3A_2171, %mul3A_2347 : vector<16xf32>
        %mul3A_2349 = vector.broadcast %squeeze3A_2345 : f32 to vector<16xf32>
        %mul3A_2350 = arith.mulf %mul3A_2349, %unpack3A_2321 : vector<16xf32>
        %add3A_2351 = arith.addf %add3A_2174, %mul3A_2350 : vector<16xf32>
        %mul3A_2352 = vector.broadcast %squeeze3A_2345 : f32 to vector<16xf32>
        %mul3A_2353 = arith.mulf %mul3A_2352, %unpack3A_2331 : vector<16xf32>
        %add3A_2354 = arith.addf %add3A_2177, %mul3A_2353 : vector<16xf32>
        %mul3A_2355 = vector.broadcast %squeeze3A_2345 : f32 to vector<16xf32>
        %mul3A_2356 = arith.mulf %mul3A_2355, %unpack3A_2332 : vector<16xf32>
        %add3A_2357 = arith.addf %add3A_2180, %mul3A_2356 : vector<16xf32>
        %mul3A_2358 = vector.broadcast %squeeze3A_2345 : f32 to vector<16xf32>
        %mul3A_2359 = arith.mulf %mul3A_2358, %unpack3A_2342 : vector<16xf32>
        %add3A_2360 = arith.addf %add3A_2183, %mul3A_2359 : vector<16xf32>
        %mul3A_2361 = vector.broadcast %squeeze3A_2345 : f32 to vector<16xf32>
        %mul3A_2362 = arith.mulf %mul3A_2361, %unpack3A_2343 : vector<16xf32>
        %add3A_2363 = arith.addf %add3A_2186, %mul3A_2362 : vector<16xf32>
        %slice3A_2364 = vector.extract_strided_slice %get3A_333 {offsets = [11], sizes = [1], strides = [1]} : vector<16xf32> to vector<1xf32>
        %squeeze3A_2365 = vector.extract %slice3A_2364[0] : f32 from vector<1xf32>
        %mul3A_2366 = vector.broadcast %squeeze3A_2365 : f32 to vector<16xf32>
        %mul3A_2367 = arith.mulf %mul3A_2366, %unpack3A_2320 : vector<16xf32>
        %add3A_2368 = arith.addf %add3A_2191, %mul3A_2367 : vector<16xf32>
        %mul3A_2369 = vector.broadcast %squeeze3A_2365 : f32 to vector<16xf32>
        %mul3A_2370 = arith.mulf %mul3A_2369, %unpack3A_2321 : vector<16xf32>
        %add3A_2371 = arith.addf %add3A_2194, %mul3A_2370 : vector<16xf32>
        %mul3A_2372 = vector.broadcast %squeeze3A_2365 : f32 to vector<16xf32>
        %mul3A_2373 = arith.mulf %mul3A_2372, %unpack3A_2331 : vector<16xf32>
        %add3A_2374 = arith.addf %add3A_2197, %mul3A_2373 : vector<16xf32>
        %mul3A_2375 = vector.broadcast %squeeze3A_2365 : f32 to vector<16xf32>
        %mul3A_2376 = arith.mulf %mul3A_2375, %unpack3A_2332 : vector<16xf32>
        %add3A_2377 = arith.addf %add3A_2200, %mul3A_2376 : vector<16xf32>
        %mul3A_2378 = vector.broadcast %squeeze3A_2365 : f32 to vector<16xf32>
        %mul3A_2379 = arith.mulf %mul3A_2378, %unpack3A_2342 : vector<16xf32>
        %add3A_2380 = arith.addf %add3A_2203, %mul3A_2379 : vector<16xf32>
        %mul3A_2381 = vector.broadcast %squeeze3A_2365 : f32 to vector<16xf32>
        %mul3A_2382 = arith.mulf %mul3A_2381, %unpack3A_2343 : vector<16xf32>
        %add3A_2383 = arith.addf %add3A_2206, %mul3A_2382 : vector<16xf32>
        %slice3A_2384 = vector.extract_strided_slice %get3A_339 {offsets = [11], sizes = [1], strides = [1]} : vector<16xf32> to vector<1xf32>
        %squeeze3A_2385 = vector.extract %slice3A_2384[0] : f32 from vector<1xf32>
        %mul3A_2386 = vector.broadcast %squeeze3A_2385 : f32 to vector<16xf32>
        %mul3A_2387 = arith.mulf %mul3A_2386, %unpack3A_2320 : vector<16xf32>
        %add3A_2388 = arith.addf %add3A_2211, %mul3A_2387 : vector<16xf32>
        %mul3A_2389 = vector.broadcast %squeeze3A_2385 : f32 to vector<16xf32>
        %mul3A_2390 = arith.mulf %mul3A_2389, %unpack3A_2321 : vector<16xf32>
        %add3A_2391 = arith.addf %add3A_2214, %mul3A_2390 : vector<16xf32>
        %mul3A_2392 = vector.broadcast %squeeze3A_2385 : f32 to vector<16xf32>
        %mul3A_2393 = arith.mulf %mul3A_2392, %unpack3A_2331 : vector<16xf32>
        %add3A_2394 = arith.addf %add3A_2217, %mul3A_2393 : vector<16xf32>
        %mul3A_2395 = vector.broadcast %squeeze3A_2385 : f32 to vector<16xf32>
        %mul3A_2396 = arith.mulf %mul3A_2395, %unpack3A_2332 : vector<16xf32>
        %add3A_2397 = arith.addf %add3A_2220, %mul3A_2396 : vector<16xf32>
        %mul3A_2398 = vector.broadcast %squeeze3A_2385 : f32 to vector<16xf32>
        %mul3A_2399 = arith.mulf %mul3A_2398, %unpack3A_2342 : vector<16xf32>
        %add3A_2400 = arith.addf %add3A_2223, %mul3A_2399 : vector<16xf32>
        %mul3A_2401 = vector.broadcast %squeeze3A_2385 : f32 to vector<16xf32>
        %mul3A_2402 = arith.mulf %mul3A_2401, %unpack3A_2343 : vector<16xf32>
        %add3A_2403 = arith.addf %add3A_2226, %mul3A_2402 : vector<16xf32>
        %slice3A_2404 = vector.extract_strided_slice %get3A_345 {offsets = [11], sizes = [1], strides = [1]} : vector<16xf32> to vector<1xf32>
        %squeeze3A_2405 = vector.extract %slice3A_2404[0] : f32 from vector<1xf32>
        %mul3A_2406 = vector.broadcast %squeeze3A_2405 : f32 to vector<16xf32>
        %mul3A_2407 = arith.mulf %mul3A_2406, %unpack3A_2320 : vector<16xf32>
        %add3A_2408 = arith.addf %add3A_2231, %mul3A_2407 : vector<16xf32>
        %mul3A_2409 = vector.broadcast %squeeze3A_2405 : f32 to vector<16xf32>
        %mul3A_2410 = arith.mulf %mul3A_2409, %unpack3A_2321 : vector<16xf32>
        %add3A_2411 = arith.addf %add3A_2234, %mul3A_2410 : vector<16xf32>
        %mul3A_2412 = vector.broadcast %squeeze3A_2405 : f32 to vector<16xf32>
        %mul3A_2413 = arith.mulf %mul3A_2412, %unpack3A_2331 : vector<16xf32>
        %add3A_2414 = arith.addf %add3A_2237, %mul3A_2413 : vector<16xf32>
        %mul3A_2415 = vector.broadcast %squeeze3A_2405 : f32 to vector<16xf32>
        %mul3A_2416 = arith.mulf %mul3A_2415, %unpack3A_2332 : vector<16xf32>
        %add3A_2417 = arith.addf %add3A_2240, %mul3A_2416 : vector<16xf32>
        %mul3A_2418 = vector.broadcast %squeeze3A_2405 : f32 to vector<16xf32>
        %mul3A_2419 = arith.mulf %mul3A_2418, %unpack3A_2342 : vector<16xf32>
        %add3A_2420 = arith.addf %add3A_2243, %mul3A_2419 : vector<16xf32>
        %mul3A_2421 = vector.broadcast %squeeze3A_2405 : f32 to vector<16xf32>
        %mul3A_2422 = arith.mulf %mul3A_2421, %unpack3A_2343 : vector<16xf32>
        %add3A_2423 = arith.addf %add3A_2246, %mul3A_2422 : vector<16xf32>
        %slice3A_2424 = vector.extract_strided_slice %get3A_351 {offsets = [11], sizes = [1], strides = [1]} : vector<16xf32> to vector<1xf32>
        %squeeze3A_2425 = vector.extract %slice3A_2424[0] : f32 from vector<1xf32>
        %mul3A_2426 = vector.broadcast %squeeze3A_2425 : f32 to vector<16xf32>
        %mul3A_2427 = arith.mulf %mul3A_2426, %unpack3A_2320 : vector<16xf32>
        %add3A_2428 = arith.addf %add3A_2251, %mul3A_2427 : vector<16xf32>
        %mul3A_2429 = vector.broadcast %squeeze3A_2425 : f32 to vector<16xf32>
        %mul3A_2430 = arith.mulf %mul3A_2429, %unpack3A_2321 : vector<16xf32>
        %add3A_2431 = arith.addf %add3A_2254, %mul3A_2430 : vector<16xf32>
        %mul3A_2432 = vector.broadcast %squeeze3A_2425 : f32 to vector<16xf32>
        %mul3A_2433 = arith.mulf %mul3A_2432, %unpack3A_2331 : vector<16xf32>
        %add3A_2434 = arith.addf %add3A_2257, %mul3A_2433 : vector<16xf32>
        %mul3A_2435 = vector.broadcast %squeeze3A_2425 : f32 to vector<16xf32>
        %mul3A_2436 = arith.mulf %mul3A_2435, %unpack3A_2332 : vector<16xf32>
        %add3A_2437 = arith.addf %add3A_2260, %mul3A_2436 : vector<16xf32>
        %mul3A_2438 = vector.broadcast %squeeze3A_2425 : f32 to vector<16xf32>
        %mul3A_2439 = arith.mulf %mul3A_2438, %unpack3A_2342 : vector<16xf32>
        %add3A_2440 = arith.addf %add3A_2263, %mul3A_2439 : vector<16xf32>
        %mul3A_2441 = vector.broadcast %squeeze3A_2425 : f32 to vector<16xf32>
        %mul3A_2442 = arith.mulf %mul3A_2441, %unpack3A_2343 : vector<16xf32>
        %add3A_2443 = arith.addf %add3A_2266, %mul3A_2442 : vector<16xf32>
        %slice3A_2444 = vector.extract_strided_slice %get3A_357 {offsets = [11], sizes = [1], strides = [1]} : vector<16xf32> to vector<1xf32>
        %squeeze3A_2445 = vector.extract %slice3A_2444[0] : f32 from vector<1xf32>
        %mul3A_2446 = vector.broadcast %squeeze3A_2445 : f32 to vector<16xf32>
        %mul3A_2447 = arith.mulf %mul3A_2446, %unpack3A_2320 : vector<16xf32>
        %add3A_2448 = arith.addf %add3A_2271, %mul3A_2447 : vector<16xf32>
        %mul3A_2449 = vector.broadcast %squeeze3A_2445 : f32 to vector<16xf32>
        %mul3A_2450 = arith.mulf %mul3A_2449, %unpack3A_2321 : vector<16xf32>
        %add3A_2451 = arith.addf %add3A_2274, %mul3A_2450 : vector<16xf32>
        %mul3A_2452 = vector.broadcast %squeeze3A_2445 : f32 to vector<16xf32>
        %mul3A_2453 = arith.mulf %mul3A_2452, %unpack3A_2331 : vector<16xf32>
        %add3A_2454 = arith.addf %add3A_2277, %mul3A_2453 : vector<16xf32>
        %mul3A_2455 = vector.broadcast %squeeze3A_2445 : f32 to vector<16xf32>
        %mul3A_2456 = arith.mulf %mul3A_2455, %unpack3A_2332 : vector<16xf32>
        %add3A_2457 = arith.addf %add3A_2280, %mul3A_2456 : vector<16xf32>
        %mul3A_2458 = vector.broadcast %squeeze3A_2445 : f32 to vector<16xf32>
        %mul3A_2459 = arith.mulf %mul3A_2458, %unpack3A_2342 : vector<16xf32>
        %add3A_2460 = arith.addf %add3A_2283, %mul3A_2459 : vector<16xf32>
        %mul3A_2461 = vector.broadcast %squeeze3A_2445 : f32 to vector<16xf32>
        %mul3A_2462 = arith.mulf %mul3A_2461, %unpack3A_2343 : vector<16xf32>
        %add3A_2463 = arith.addf %add3A_2286, %mul3A_2462 : vector<16xf32>
        %slice3A_2464 = vector.extract_strided_slice %get3A_363 {offsets = [11], sizes = [1], strides = [1]} : vector<16xf32> to vector<1xf32>
        %squeeze3A_2465 = vector.extract %slice3A_2464[0] : f32 from vector<1xf32>
        %mul3A_2466 = vector.broadcast %squeeze3A_2465 : f32 to vector<16xf32>
        %mul3A_2467 = arith.mulf %mul3A_2466, %unpack3A_2320 : vector<16xf32>
        %add3A_2468 = arith.addf %add3A_2291, %mul3A_2467 : vector<16xf32>
        %mul3A_2469 = vector.broadcast %squeeze3A_2465 : f32 to vector<16xf32>
        %mul3A_2470 = arith.mulf %mul3A_2469, %unpack3A_2321 : vector<16xf32>
        %add3A_2471 = arith.addf %add3A_2294, %mul3A_2470 : vector<16xf32>
        %mul3A_2472 = vector.broadcast %squeeze3A_2465 : f32 to vector<16xf32>
        %mul3A_2473 = arith.mulf %mul3A_2472, %unpack3A_2331 : vector<16xf32>
        %add3A_2474 = arith.addf %add3A_2297, %mul3A_2473 : vector<16xf32>
        %mul3A_2475 = vector.broadcast %squeeze3A_2465 : f32 to vector<16xf32>
        %mul3A_2476 = arith.mulf %mul3A_2475, %unpack3A_2332 : vector<16xf32>
        %add3A_2477 = arith.addf %add3A_2300, %mul3A_2476 : vector<16xf32>
        %mul3A_2478 = vector.broadcast %squeeze3A_2465 : f32 to vector<16xf32>
        %mul3A_2479 = arith.mulf %mul3A_2478, %unpack3A_2342 : vector<16xf32>
        %add3A_2480 = arith.addf %add3A_2303, %mul3A_2479 : vector<16xf32>
        %mul3A_2481 = vector.broadcast %squeeze3A_2465 : f32 to vector<16xf32>
        %mul3A_2482 = arith.mulf %mul3A_2481, %unpack3A_2343 : vector<16xf32>
        %add3A_2483 = arith.addf %add3A_2306, %mul3A_2482 : vector<16xf32>
        %mul3A_2484 = arith.constant 16 : i32
        %mul3A_2485 = arith.muli %scan3A_279, %mul3A_2484 : i32
        %add3A_2486 = arith.constant 12 : i32
        %add3A_2487 = arith.addi %mul3A_2485, %add3A_2486 : i32
        %mul3A_2488 = arith.constant 3 : i32
        %mul3A_2489 = arith.muli %add3A_2487, %mul3A_2488 : i32
        %add3A_2490 = arith.constant 0 : i32
        %add3A_2491 = arith.addi %mul3A_2489, %add3A_2490 : i32
        %mul3A_2492 = arith.constant 16 : i32
        %mul3A_2493 = arith.muli %add3A_2491, %mul3A_2492 : i32
        %get3A_2494 = arith.index_cast %mul3A_2493 : i32 to index
        %get3A_2495 = tpu.vector_load %arg5[%get3A_2494] {strides = array<i32>} : memref<3840xf32, #tpu.memory_space<vmem>>, vector<16xf32>,
        %bitcast3A_2496 = vector.bitcast %get3A_2495 : vector<16xf32> to vector<32xbf16>
        %unpack3A_2497 = tpu.unpack_subelements %bitcast3A_2496, 0 {pack_format = #tpu.pack_format<interleaved>} : vector<32xbf16> -> vector<16xf32>
        %unpack3A_2498 = tpu.unpack_subelements %bitcast3A_2496, 1 {pack_format = #tpu.pack_format<interleaved>} : vector<32xbf16> -> vector<16xf32>
        %mul3A_2499 = arith.constant 3 : i32
        %mul3A_2500 = arith.muli %add3A_2487, %mul3A_2499 : i32
        %add3A_2501 = arith.constant 1 : i32
        %add3A_2502 = arith.addi %mul3A_2500, %add3A_2501 : i32
        %mul3A_2503 = arith.constant 16 : i32
        %mul3A_2504 = arith.muli %add3A_2502, %mul3A_2503 : i32
        %get3A_2505 = arith.index_cast %mul3A_2504 : i32 to index
        %get3A_2506 = tpu.vector_load %arg5[%get3A_2505] {strides = array<i32>} : memref<3840xf32, #tpu.memory_space<vmem>>, vector<16xf32>,
        %bitcast3A_2507 = vector.bitcast %get3A_2506 : vector<16xf32> to vector<32xbf16>
        %unpack3A_2508 = tpu.unpack_subelements %bitcast3A_2507, 0 {pack_format = #tpu.pack_format<interleaved>} : vector<32xbf16> -> vector<16xf32>
        %unpack3A_2509 = tpu.unpack_subelements %bitcast3A_2507, 1 {pack_format = #tpu.pack_format<interleaved>} : vector<32xbf16> -> vector<16xf32>
        %mul3A_2510 = arith.constant 3 : i32
        %mul3A_2511 = arith.muli %add3A_2487, %mul3A_2510 : i32
        %add3A_2512 = arith.constant 2 : i32
        %add3A_2513 = arith.addi %mul3A_2511, %add3A_2512 : i32
        %mul3A_2514 = arith.constant 16 : i32
        %mul3A_2515 = arith.muli %add3A_2513, %mul3A_2514 : i32
        %get3A_2516 = arith.index_cast %mul3A_2515 : i32 to index
        %get3A_2517 = tpu.vector_load %arg5[%get3A_2516] {strides = array<i32>} : memref<3840xf32, #tpu.memory_space<vmem>>, vector<16xf32>,
        %bitcast3A_2518 = vector.bitcast %get3A_2517 : vector<16xf32> to vector<32xbf16>
        %unpack3A_2519 = tpu.unpack_subelements %bitcast3A_2518, 0 {pack_format = #tpu.pack_format<interleaved>} : vector<32xbf16> -> vector<16xf32>
        %unpack3A_2520 = tpu.unpack_subelements %bitcast3A_2518, 1 {pack_format = #tpu.pack_format<interleaved>} : vector<32xbf16> -> vector<16xf32>
        %slice3A_2521 = vector.extract_strided_slice %get3A_327 {offsets = [12], sizes = [1], strides = [1]} : vector<16xf32> to vector<1xf32>
        %squeeze3A_2522 = vector.extract %slice3A_2521[0] : f32 from vector<1xf32>
        %mul3A_2523 = vector.broadcast %squeeze3A_2522 : f32 to vector<16xf32>
        %mul3A_2524 = arith.mulf %mul3A_2523, %unpack3A_2497 : vector<16xf32>
        %add3A_2525 = arith.addf %add3A_2348, %mul3A_2524 : vector<16xf32>
        %mul3A_2526 = vector.broadcast %squeeze3A_2522 : f32 to vector<16xf32>
        %mul3A_2527 = arith.mulf %mul3A_2526, %unpack3A_2498 : vector<16xf32>
        %add3A_2528 = arith.addf %add3A_2351, %mul3A_2527 : vector<16xf32>
        %mul3A_2529 = vector.broadcast %squeeze3A_2522 : f32 to vector<16xf32>
        %mul3A_2530 = arith.mulf %mul3A_2529, %unpack3A_2508 : vector<16xf32>
        %add3A_2531 = arith.addf %add3A_2354, %mul3A_2530 : vector<16xf32>
        %mul3A_2532 = vector.broadcast %squeeze3A_2522 : f32 to vector<16xf32>
        %mul3A_2533 = arith.mulf %mul3A_2532, %unpack3A_2509 : vector<16xf32>
        %add3A_2534 = arith.addf %add3A_2357, %mul3A_2533 : vector<16xf32>
        %mul3A_2535 = vector.broadcast %squeeze3A_2522 : f32 to vector<16xf32>
        %mul3A_2536 = arith.mulf %mul3A_2535, %unpack3A_2519 : vector<16xf32>
        %add3A_2537 = arith.addf %add3A_2360, %mul3A_2536 : vector<16xf32>
        %mul3A_2538 = vector.broadcast %squeeze3A_2522 : f32 to vector<16xf32>
        %mul3A_2539 = arith.mulf %mul3A_2538, %unpack3A_2520 : vector<16xf32>
        %add3A_2540 = arith.addf %add3A_2363, %mul3A_2539 : vector<16xf32>
        %slice3A_2541 = vector.extract_strided_slice %get3A_333 {offsets = [12], sizes = [1], strides = [1]} : vector<16xf32> to vector<1xf32>
        %squeeze3A_2542 = vector.extract %slice3A_2541[0] : f32 from vector<1xf32>
        %mul3A_2543 = vector.broadcast %squeeze3A_2542 : f32 to vector<16xf32>
        %mul3A_2544 = arith.mulf %mul3A_2543, %unpack3A_2497 : vector<16xf32>
        %add3A_2545 = arith.addf %add3A_2368, %mul3A_2544 : vector<16xf32>
        %mul3A_2546 = vector.broadcast %squeeze3A_2542 : f32 to vector<16xf32>
        %mul3A_2547 = arith.mulf %mul3A_2546, %unpack3A_2498 : vector<16xf32>
        %add3A_2548 = arith.addf %add3A_2371, %mul3A_2547 : vector<16xf32>
        %mul3A_2549 = vector.broadcast %squeeze3A_2542 : f32 to vector<16xf32>
        %mul3A_2550 = arith.mulf %mul3A_2549, %unpack3A_2508 : vector<16xf32>
        %add3A_2551 = arith.addf %add3A_2374, %mul3A_2550 : vector<16xf32>
        %mul3A_2552 = vector.broadcast %squeeze3A_2542 : f32 to vector<16xf32>
        %mul3A_2553 = arith.mulf %mul3A_2552, %unpack3A_2509 : vector<16xf32>
        %add3A_2554 = arith.addf %add3A_2377, %mul3A_2553 : vector<16xf32>
        %mul3A_2555 = vector.broadcast %squeeze3A_2542 : f32 to vector<16xf32>
        %mul3A_2556 = arith.mulf %mul3A_2555, %unpack3A_2519 : vector<16xf32>
        %add3A_2557 = arith.addf %add3A_2380, %mul3A_2556 : vector<16xf32>
        %mul3A_2558 = vector.broadcast %squeeze3A_2542 : f32 to vector<16xf32>
        %mul3A_2559 = arith.mulf %mul3A_2558, %unpack3A_2520 : vector<16xf32>
        %add3A_2560 = arith.addf %add3A_2383, %mul3A_2559 : vector<16xf32>
        %slice3A_2561 = vector.extract_strided_slice %get3A_339 {offsets = [12], sizes = [1], strides = [1]} : vector<16xf32> to vector<1xf32>
        %squeeze3A_2562 = vector.extract %slice3A_2561[0] : f32 from vector<1xf32>
        %mul3A_2563 = vector.broadcast %squeeze3A_2562 : f32 to vector<16xf32>
        %mul3A_2564 = arith.mulf %mul3A_2563, %unpack3A_2497 : vector<16xf32>
        %add3A_2565 = arith.addf %add3A_2388, %mul3A_2564 : vector<16xf32>
        %mul3A_2566 = vector.broadcast %squeeze3A_2562 : f32 to vector<16xf32>
        %mul3A_2567 = arith.mulf %mul3A_2566, %unpack3A_2498 : vector<16xf32>
        %add3A_2568 = arith.addf %add3A_2391, %mul3A_2567 : vector<16xf32>
        %mul3A_2569 = vector.broadcast %squeeze3A_2562 : f32 to vector<16xf32>
        %mul3A_2570 = arith.mulf %mul3A_2569, %unpack3A_2508 : vector<16xf32>
        %add3A_2571 = arith.addf %add3A_2394, %mul3A_2570 : vector<16xf32>
        %mul3A_2572 = vector.broadcast %squeeze3A_2562 : f32 to vector<16xf32>
        %mul3A_2573 = arith.mulf %mul3A_2572, %unpack3A_2509 : vector<16xf32>
        %add3A_2574 = arith.addf %add3A_2397, %mul3A_2573 : vector<16xf32>
        %mul3A_2575 = vector.broadcast %squeeze3A_2562 : f32 to vector<16xf32>
        %mul3A_2576 = arith.mulf %mul3A_2575, %unpack3A_2519 : vector<16xf32>
        %add3A_2577 = arith.addf %add3A_2400, %mul3A_2576 : vector<16xf32>
        %mul3A_2578 = vector.broadcast %squeeze3A_2562 : f32 to vector<16xf32>
        %mul3A_2579 = arith.mulf %mul3A_2578, %unpack3A_2520 : vector<16xf32>
        %add3A_2580 = arith.addf %add3A_2403, %mul3A_2579 : vector<16xf32>
        %slice3A_2581 = vector.extract_strided_slice %get3A_345 {offsets = [12], sizes = [1], strides = [1]} : vector<16xf32> to vector<1xf32>
        %squeeze3A_2582 = vector.extract %slice3A_2581[0] : f32 from vector<1xf32>
        %mul3A_2583 = vector.broadcast %squeeze3A_2582 : f32 to vector<16xf32>
        %mul3A_2584 = arith.mulf %mul3A_2583, %unpack3A_2497 : vector<16xf32>
        %add3A_2585 = arith.addf %add3A_2408, %mul3A_2584 : vector<16xf32>
        %mul3A_2586 = vector.broadcast %squeeze3A_2582 : f32 to vector<16xf32>
        %mul3A_2587 = arith.mulf %mul3A_2586, %unpack3A_2498 : vector<16xf32>
        %add3A_2588 = arith.addf %add3A_2411, %mul3A_2587 : vector<16xf32>
        %mul3A_2589 = vector.broadcast %squeeze3A_2582 : f32 to vector<16xf32>
        %mul3A_2590 = arith.mulf %mul3A_2589, %unpack3A_2508 : vector<16xf32>
        %add3A_2591 = arith.addf %add3A_2414, %mul3A_2590 : vector<16xf32>
        %mul3A_2592 = vector.broadcast %squeeze3A_2582 : f32 to vector<16xf32>
        %mul3A_2593 = arith.mulf %mul3A_2592, %unpack3A_2509 : vector<16xf32>
        %add3A_2594 = arith.addf %add3A_2417, %mul3A_2593 : vector<16xf32>
        %mul3A_2595 = vector.broadcast %squeeze3A_2582 : f32 to vector<16xf32>
        %mul3A_2596 = arith.mulf %mul3A_2595, %unpack3A_2519 : vector<16xf32>
        %add3A_2597 = arith.addf %add3A_2420, %mul3A_2596 : vector<16xf32>
        %mul3A_2598 = vector.broadcast %squeeze3A_2582 : f32 to vector<16xf32>
        %mul3A_2599 = arith.mulf %mul3A_2598, %unpack3A_2520 : vector<16xf32>
        %add3A_2600 = arith.addf %add3A_2423, %mul3A_2599 : vector<16xf32>
        %slice3A_2601 = vector.extract_strided_slice %get3A_351 {offsets = [12], sizes = [1], strides = [1]} : vector<16xf32> to vector<1xf32>
        %squeeze3A_2602 = vector.extract %slice3A_2601[0] : f32 from vector<1xf32>
        %mul3A_2603 = vector.broadcast %squeeze3A_2602 : f32 to vector<16xf32>
        %mul3A_2604 = arith.mulf %mul3A_2603, %unpack3A_2497 : vector<16xf32>
        %add3A_2605 = arith.addf %add3A_2428, %mul3A_2604 : vector<16xf32>
        %mul3A_2606 = vector.broadcast %squeeze3A_2602 : f32 to vector<16xf32>
        %mul3A_2607 = arith.mulf %mul3A_2606, %unpack3A_2498 : vector<16xf32>
        %add3A_2608 = arith.addf %add3A_2431, %mul3A_2607 : vector<16xf32>
        %mul3A_2609 = vector.broadcast %squeeze3A_2602 : f32 to vector<16xf32>
        %mul3A_2610 = arith.mulf %mul3A_2609, %unpack3A_2508 : vector<16xf32>
        %add3A_2611 = arith.addf %add3A_2434, %mul3A_2610 : vector<16xf32>
        %mul3A_2612 = vector.broadcast %squeeze3A_2602 : f32 to vector<16xf32>
        %mul3A_2613 = arith.mulf %mul3A_2612, %unpack3A_2509 : vector<16xf32>
        %add3A_2614 = arith.addf %add3A_2437, %mul3A_2613 : vector<16xf32>
        %mul3A_2615 = vector.broadcast %squeeze3A_2602 : f32 to vector<16xf32>
        %mul3A_2616 = arith.mulf %mul3A_2615, %unpack3A_2519 : vector<16xf32>
        %add3A_2617 = arith.addf %add3A_2440, %mul3A_2616 : vector<16xf32>
        %mul3A_2618 = vector.broadcast %squeeze3A_2602 : f32 to vector<16xf32>
        %mul3A_2619 = arith.mulf %mul3A_2618, %unpack3A_2520 : vector<16xf32>
        %add3A_2620 = arith.addf %add3A_2443, %mul3A_2619 : vector<16xf32>
        %slice3A_2621 = vector.extract_strided_slice %get3A_357 {offsets = [12], sizes = [1], strides = [1]} : vector<16xf32> to vector<1xf32>
        %squeeze3A_2622 = vector.extract %slice3A_2621[0] : f32 from vector<1xf32>
        %mul3A_2623 = vector.broadcast %squeeze3A_2622 : f32 to vector<16xf32>
        %mul3A_2624 = arith.mulf %mul3A_2623, %unpack3A_2497 : vector<16xf32>
        %add3A_2625 = arith.addf %add3A_2448, %mul3A_2624 : vector<16xf32>
        %mul3A_2626 = vector.broadcast %squeeze3A_2622 : f32 to vector<16xf32>
        %mul3A_2627 = arith.mulf %mul3A_2626, %unpack3A_2498 : vector<16xf32>
        %add3A_2628 = arith.addf %add3A_2451, %mul3A_2627 : vector<16xf32>
        %mul3A_2629 = vector.broadcast %squeeze3A_2622 : f32 to vector<16xf32>
        %mul3A_2630 = arith.mulf %mul3A_2629, %unpack3A_2508 : vector<16xf32>
        %add3A_2631 = arith.addf %add3A_2454, %mul3A_2630 : vector<16xf32>
        %mul3A_2632 = vector.broadcast %squeeze3A_2622 : f32 to vector<16xf32>
        %mul3A_2633 = arith.mulf %mul3A_2632, %unpack3A_2509 : vector<16xf32>
        %add3A_2634 = arith.addf %add3A_2457, %mul3A_2633 : vector<16xf32>
        %mul3A_2635 = vector.broadcast %squeeze3A_2622 : f32 to vector<16xf32>
        %mul3A_2636 = arith.mulf %mul3A_2635, %unpack3A_2519 : vector<16xf32>
        %add3A_2637 = arith.addf %add3A_2460, %mul3A_2636 : vector<16xf32>
        %mul3A_2638 = vector.broadcast %squeeze3A_2622 : f32 to vector<16xf32>
        %mul3A_2639 = arith.mulf %mul3A_2638, %unpack3A_2520 : vector<16xf32>
        %add3A_2640 = arith.addf %add3A_2463, %mul3A_2639 : vector<16xf32>
        %slice3A_2641 = vector.extract_strided_slice %get3A_363 {offsets = [12], sizes = [1], strides = [1]} : vector<16xf32> to vector<1xf32>
        %squeeze3A_2642 = vector.extract %slice3A_2641[0] : f32 from vector<1xf32>
        %mul3A_2643 = vector.broadcast %squeeze3A_2642 : f32 to vector<16xf32>
        %mul3A_2644 = arith.mulf %mul3A_2643, %unpack3A_2497 : vector<16xf32>
        %add3A_2645 = arith.addf %add3A_2468, %mul3A_2644 : vector<16xf32>
        %mul3A_2646 = vector.broadcast %squeeze3A_2642 : f32 to vector<16xf32>
        %mul3A_2647 = arith.mulf %mul3A_2646, %unpack3A_2498 : vector<16xf32>
        %add3A_2648 = arith.addf %add3A_2471, %mul3A_2647 : vector<16xf32>
        %mul3A_2649 = vector.broadcast %squeeze3A_2642 : f32 to vector<16xf32>
        %mul3A_2650 = arith.mulf %mul3A_2649, %unpack3A_2508 : vector<16xf32>
        %add3A_2651 = arith.addf %add3A_2474, %mul3A_2650 : vector<16xf32>
        %mul3A_2652 = vector.broadcast %squeeze3A_2642 : f32 to vector<16xf32>
        %mul3A_2653 = arith.mulf %mul3A_2652, %unpack3A_2509 : vector<16xf32>
        %add3A_2654 = arith.addf %add3A_2477, %mul3A_2653 : vector<16xf32>
        %mul3A_2655 = vector.broadcast %squeeze3A_2642 : f32 to vector<16xf32>
        %mul3A_2656 = arith.mulf %mul3A_2655, %unpack3A_2519 : vector<16xf32>
        %add3A_2657 = arith.addf %add3A_2480, %mul3A_2656 : vector<16xf32>
        %mul3A_2658 = vector.broadcast %squeeze3A_2642 : f32 to vector<16xf32>
        %mul3A_2659 = arith.mulf %mul3A_2658, %unpack3A_2520 : vector<16xf32>
        %add3A_2660 = arith.addf %add3A_2483, %mul3A_2659 : vector<16xf32>
        %mul3A_2661 = arith.constant 16 : i32
        %mul3A_2662 = arith.muli %scan3A_279, %mul3A_2661 : i32
        %add3A_2663 = arith.constant 13 : i32
        %add3A_2664 = arith.addi %mul3A_2662, %add3A_2663 : i32
        %mul3A_2665 = arith.constant 3 : i32
        %mul3A_2666 = arith.muli %add3A_2664, %mul3A_2665 : i32
        %add3A_2667 = arith.constant 0 : i32
        %add3A_2668 = arith.addi %mul3A_2666, %add3A_2667 : i32
        %mul3A_2669 = arith.constant 16 : i32
        %mul3A_2670 = arith.muli %add3A_2668, %mul3A_2669 : i32
        %get3A_2671 = arith.index_cast %mul3A_2670 : i32 to index
        %get3A_2672 = tpu.vector_load %arg5[%get3A_2671] {strides = array<i32>} : memref<3840xf32, #tpu.memory_space<vmem>>, vector<16xf32>,
        %bitcast3A_2673 = vector.bitcast %get3A_2672 : vector<16xf32> to vector<32xbf16>
        %unpack3A_2674 = tpu.unpack_subelements %bitcast3A_2673, 0 {pack_format = #tpu.pack_format<interleaved>} : vector<32xbf16> -> vector<16xf32>
        %unpack3A_2675 = tpu.unpack_subelements %bitcast3A_2673, 1 {pack_format = #tpu.pack_format<interleaved>} : vector<32xbf16> -> vector<16xf32>
        %mul3A_2676 = arith.constant 3 : i32
        %mul3A_2677 = arith.muli %add3A_2664, %mul3A_2676 : i32
        %add3A_2678 = arith.constant 1 : i32
        %add3A_2679 = arith.addi %mul3A_2677, %add3A_2678 : i32
        %mul3A_2680 = arith.constant 16 : i32
        %mul3A_2681 = arith.muli %add3A_2679, %mul3A_2680 : i32
        %get3A_2682 = arith.index_cast %mul3A_2681 : i32 to index
        %get3A_2683 = tpu.vector_load %arg5[%get3A_2682] {strides = array<i32>} : memref<3840xf32, #tpu.memory_space<vmem>>, vector<16xf32>,
        %bitcast3A_2684 = vector.bitcast %get3A_2683 : vector<16xf32> to vector<32xbf16>
        %unpack3A_2685 = tpu.unpack_subelements %bitcast3A_2684, 0 {pack_format = #tpu.pack_format<interleaved>} : vector<32xbf16> -> vector<16xf32>
        %unpack3A_2686 = tpu.unpack_subelements %bitcast3A_2684, 1 {pack_format = #tpu.pack_format<interleaved>} : vector<32xbf16> -> vector<16xf32>
        %mul3A_2687 = arith.constant 3 : i32
        %mul3A_2688 = arith.muli %add3A_2664, %mul3A_2687 : i32
        %add3A_2689 = arith.constant 2 : i32
        %add3A_2690 = arith.addi %mul3A_2688, %add3A_2689 : i32
        %mul3A_2691 = arith.constant 16 : i32
        %mul3A_2692 = arith.muli %add3A_2690, %mul3A_2691 : i32
        %get3A_2693 = arith.index_cast %mul3A_2692 : i32 to index
        %get3A_2694 = tpu.vector_load %arg5[%get3A_2693] {strides = array<i32>} : memref<3840xf32, #tpu.memory_space<vmem>>, vector<16xf32>,
        %bitcast3A_2695 = vector.bitcast %get3A_2694 : vector<16xf32> to vector<32xbf16>
        %unpack3A_2696 = tpu.unpack_subelements %bitcast3A_2695, 0 {pack_format = #tpu.pack_format<interleaved>} : vector<32xbf16> -> vector<16xf32>
        %unpack3A_2697 = tpu.unpack_subelements %bitcast3A_2695, 1 {pack_format = #tpu.pack_format<interleaved>} : vector<32xbf16> -> vector<16xf32>
        %slice3A_2698 = vector.extract_strided_slice %get3A_327 {offsets = [13], sizes = [1], strides = [1]} : vector<16xf32> to vector<1xf32>
        %squeeze3A_2699 = vector.extract %slice3A_2698[0] : f32 from vector<1xf32>
        %mul3A_2700 = vector.broadcast %squeeze3A_2699 : f32 to vector<16xf32>
        %mul3A_2701 = arith.mulf %mul3A_2700, %unpack3A_2674 : vector<16xf32>
        %add3A_2702 = arith.addf %add3A_2525, %mul3A_2701 : vector<16xf32>
        %mul3A_2703 = vector.broadcast %squeeze3A_2699 : f32 to vector<16xf32>
        %mul3A_2704 = arith.mulf %mul3A_2703, %unpack3A_2675 : vector<16xf32>
        %add3A_2705 = arith.addf %add3A_2528, %mul3A_2704 : vector<16xf32>
        %mul3A_2706 = vector.broadcast %squeeze3A_2699 : f32 to vector<16xf32>
        %mul3A_2707 = arith.mulf %mul3A_2706, %unpack3A_2685 : vector<16xf32>
        %add3A_2708 = arith.addf %add3A_2531, %mul3A_2707 : vector<16xf32>
        %mul3A_2709 = vector.broadcast %squeeze3A_2699 : f32 to vector<16xf32>
        %mul3A_2710 = arith.mulf %mul3A_2709, %unpack3A_2686 : vector<16xf32>
        %add3A_2711 = arith.addf %add3A_2534, %mul3A_2710 : vector<16xf32>
        %mul3A_2712 = vector.broadcast %squeeze3A_2699 : f32 to vector<16xf32>
        %mul3A_2713 = arith.mulf %mul3A_2712, %unpack3A_2696 : vector<16xf32>
        %add3A_2714 = arith.addf %add3A_2537, %mul3A_2713 : vector<16xf32>
        %mul3A_2715 = vector.broadcast %squeeze3A_2699 : f32 to vector<16xf32>
        %mul3A_2716 = arith.mulf %mul3A_2715, %unpack3A_2697 : vector<16xf32>
        %add3A_2717 = arith.addf %add3A_2540, %mul3A_2716 : vector<16xf32>
        %slice3A_2718 = vector.extract_strided_slice %get3A_333 {offsets = [13], sizes = [1], strides = [1]} : vector<16xf32> to vector<1xf32>
        %squeeze3A_2719 = vector.extract %slice3A_2718[0] : f32 from vector<1xf32>
        %mul3A_2720 = vector.broadcast %squeeze3A_2719 : f32 to vector<16xf32>
        %mul3A_2721 = arith.mulf %mul3A_2720, %unpack3A_2674 : vector<16xf32>
        %add3A_2722 = arith.addf %add3A_2545, %mul3A_2721 : vector<16xf32>
        %mul3A_2723 = vector.broadcast %squeeze3A_2719 : f32 to vector<16xf32>
        %mul3A_2724 = arith.mulf %mul3A_2723, %unpack3A_2675 : vector<16xf32>
        %add3A_2725 = arith.addf %add3A_2548, %mul3A_2724 : vector<16xf32>
        %mul3A_2726 = vector.broadcast %squeeze3A_2719 : f32 to vector<16xf32>
        %mul3A_2727 = arith.mulf %mul3A_2726, %unpack3A_2685 : vector<16xf32>
        %add3A_2728 = arith.addf %add3A_2551, %mul3A_2727 : vector<16xf32>
        %mul3A_2729 = vector.broadcast %squeeze3A_2719 : f32 to vector<16xf32>
        %mul3A_2730 = arith.mulf %mul3A_2729, %unpack3A_2686 : vector<16xf32>
        %add3A_2731 = arith.addf %add3A_2554, %mul3A_2730 : vector<16xf32>
        %mul3A_2732 = vector.broadcast %squeeze3A_2719 : f32 to vector<16xf32>
        %mul3A_2733 = arith.mulf %mul3A_2732, %unpack3A_2696 : vector<16xf32>
        %add3A_2734 = arith.addf %add3A_2557, %mul3A_2733 : vector<16xf32>
        %mul3A_2735 = vector.broadcast %squeeze3A_2719 : f32 to vector<16xf32>
        %mul3A_2736 = arith.mulf %mul3A_2735, %unpack3A_2697 : vector<16xf32>
        %add3A_2737 = arith.addf %add3A_2560, %mul3A_2736 : vector<16xf32>
        %slice3A_2738 = vector.extract_strided_slice %get3A_339 {offsets = [13], sizes = [1], strides = [1]} : vector<16xf32> to vector<1xf32>
        %squeeze3A_2739 = vector.extract %slice3A_2738[0] : f32 from vector<1xf32>
        %mul3A_2740 = vector.broadcast %squeeze3A_2739 : f32 to vector<16xf32>
        %mul3A_2741 = arith.mulf %mul3A_2740, %unpack3A_2674 : vector<16xf32>
        %add3A_2742 = arith.addf %add3A_2565, %mul3A_2741 : vector<16xf32>
        %mul3A_2743 = vector.broadcast %squeeze3A_2739 : f32 to vector<16xf32>
        %mul3A_2744 = arith.mulf %mul3A_2743, %unpack3A_2675 : vector<16xf32>
        %add3A_2745 = arith.addf %add3A_2568, %mul3A_2744 : vector<16xf32>
        %mul3A_2746 = vector.broadcast %squeeze3A_2739 : f32 to vector<16xf32>
        %mul3A_2747 = arith.mulf %mul3A_2746, %unpack3A_2685 : vector<16xf32>
        %add3A_2748 = arith.addf %add3A_2571, %mul3A_2747 : vector<16xf32>
        %mul3A_2749 = vector.broadcast %squeeze3A_2739 : f32 to vector<16xf32>
        %mul3A_2750 = arith.mulf %mul3A_2749, %unpack3A_2686 : vector<16xf32>
        %add3A_2751 = arith.addf %add3A_2574, %mul3A_2750 : vector<16xf32>
        %mul3A_2752 = vector.broadcast %squeeze3A_2739 : f32 to vector<16xf32>
        %mul3A_2753 = arith.mulf %mul3A_2752, %unpack3A_2696 : vector<16xf32>
        %add3A_2754 = arith.addf %add3A_2577, %mul3A_2753 : vector<16xf32>
        %mul3A_2755 = vector.broadcast %squeeze3A_2739 : f32 to vector<16xf32>
        %mul3A_2756 = arith.mulf %mul3A_2755, %unpack3A_2697 : vector<16xf32>
        %add3A_2757 = arith.addf %add3A_2580, %mul3A_2756 : vector<16xf32>
        %slice3A_2758 = vector.extract_strided_slice %get3A_345 {offsets = [13], sizes = [1], strides = [1]} : vector<16xf32> to vector<1xf32>
        %squeeze3A_2759 = vector.extract %slice3A_2758[0] : f32 from vector<1xf32>
        %mul3A_2760 = vector.broadcast %squeeze3A_2759 : f32 to vector<16xf32>
        %mul3A_2761 = arith.mulf %mul3A_2760, %unpack3A_2674 : vector<16xf32>
        %add3A_2762 = arith.addf %add3A_2585, %mul3A_2761 : vector<16xf32>
        %mul3A_2763 = vector.broadcast %squeeze3A_2759 : f32 to vector<16xf32>
        %mul3A_2764 = arith.mulf %mul3A_2763, %unpack3A_2675 : vector<16xf32>
        %add3A_2765 = arith.addf %add3A_2588, %mul3A_2764 : vector<16xf32>
        %mul3A_2766 = vector.broadcast %squeeze3A_2759 : f32 to vector<16xf32>
        %mul3A_2767 = arith.mulf %mul3A_2766, %unpack3A_2685 : vector<16xf32>
        %add3A_2768 = arith.addf %add3A_2591, %mul3A_2767 : vector<16xf32>
        %mul3A_2769 = vector.broadcast %squeeze3A_2759 : f32 to vector<16xf32>
        %mul3A_2770 = arith.mulf %mul3A_2769, %unpack3A_2686 : vector<16xf32>
        %add3A_2771 = arith.addf %add3A_2594, %mul3A_2770 : vector<16xf32>
        %mul3A_2772 = vector.broadcast %squeeze3A_2759 : f32 to vector<16xf32>
        %mul3A_2773 = arith.mulf %mul3A_2772, %unpack3A_2696 : vector<16xf32>
        %add3A_2774 = arith.addf %add3A_2597, %mul3A_2773 : vector<16xf32>
        %mul3A_2775 = vector.broadcast %squeeze3A_2759 : f32 to vector<16xf32>
        %mul3A_2776 = arith.mulf %mul3A_2775, %unpack3A_2697 : vector<16xf32>
        %add3A_2777 = arith.addf %add3A_2600, %mul3A_2776 : vector<16xf32>
        %slice3A_2778 = vector.extract_strided_slice %get3A_351 {offsets = [13], sizes = [1], strides = [1]} : vector<16xf32> to vector<1xf32>
        %squeeze3A_2779 = vector.extract %slice3A_2778[0] : f32 from vector<1xf32>
        %mul3A_2780 = vector.broadcast %squeeze3A_2779 : f32 to vector<16xf32>
        %mul3A_2781 = arith.mulf %mul3A_2780, %unpack3A_2674 : vector<16xf32>
        %add3A_2782 = arith.addf %add3A_2605, %mul3A_2781 : vector<16xf32>
        %mul3A_2783 = vector.broadcast %squeeze3A_2779 : f32 to vector<16xf32>
        %mul3A_2784 = arith.mulf %mul3A_2783, %unpack3A_2675 : vector<16xf32>
        %add3A_2785 = arith.addf %add3A_2608, %mul3A_2784 : vector<16xf32>
        %mul3A_2786 = vector.broadcast %squeeze3A_2779 : f32 to vector<16xf32>
        %mul3A_2787 = arith.mulf %mul3A_2786, %unpack3A_2685 : vector<16xf32>
        %add3A_2788 = arith.addf %add3A_2611, %mul3A_2787 : vector<16xf32>
        %mul3A_2789 = vector.broadcast %squeeze3A_2779 : f32 to vector<16xf32>
        %mul3A_2790 = arith.mulf %mul3A_2789, %unpack3A_2686 : vector<16xf32>
        %add3A_2791 = arith.addf %add3A_2614, %mul3A_2790 : vector<16xf32>
        %mul3A_2792 = vector.broadcast %squeeze3A_2779 : f32 to vector<16xf32>
        %mul3A_2793 = arith.mulf %mul3A_2792, %unpack3A_2696 : vector<16xf32>
        %add3A_2794 = arith.addf %add3A_2617, %mul3A_2793 : vector<16xf32>
        %mul3A_2795 = vector.broadcast %squeeze3A_2779 : f32 to vector<16xf32>
        %mul3A_2796 = arith.mulf %mul3A_2795, %unpack3A_2697 : vector<16xf32>
        %add3A_2797 = arith.addf %add3A_2620, %mul3A_2796 : vector<16xf32>
        %slice3A_2798 = vector.extract_strided_slice %get3A_357 {offsets = [13], sizes = [1], strides = [1]} : vector<16xf32> to vector<1xf32>
        %squeeze3A_2799 = vector.extract %slice3A_2798[0] : f32 from vector<1xf32>
        %mul3A_2800 = vector.broadcast %squeeze3A_2799 : f32 to vector<16xf32>
        %mul3A_2801 = arith.mulf %mul3A_2800, %unpack3A_2674 : vector<16xf32>
        %add3A_2802 = arith.addf %add3A_2625, %mul3A_2801 : vector<16xf32>
        %mul3A_2803 = vector.broadcast %squeeze3A_2799 : f32 to vector<16xf32>
        %mul3A_2804 = arith.mulf %mul3A_2803, %unpack3A_2675 : vector<16xf32>
        %add3A_2805 = arith.addf %add3A_2628, %mul3A_2804 : vector<16xf32>
        %mul3A_2806 = vector.broadcast %squeeze3A_2799 : f32 to vector<16xf32>
        %mul3A_2807 = arith.mulf %mul3A_2806, %unpack3A_2685 : vector<16xf32>
        %add3A_2808 = arith.addf %add3A_2631, %mul3A_2807 : vector<16xf32>
        %mul3A_2809 = vector.broadcast %squeeze3A_2799 : f32 to vector<16xf32>
        %mul3A_2810 = arith.mulf %mul3A_2809, %unpack3A_2686 : vector<16xf32>
        %add3A_2811 = arith.addf %add3A_2634, %mul3A_2810 : vector<16xf32>
        %mul3A_2812 = vector.broadcast %squeeze3A_2799 : f32 to vector<16xf32>
        %mul3A_2813 = arith.mulf %mul3A_2812, %unpack3A_2696 : vector<16xf32>
        %add3A_2814 = arith.addf %add3A_2637, %mul3A_2813 : vector<16xf32>
        %mul3A_2815 = vector.broadcast %squeeze3A_2799 : f32 to vector<16xf32>
        %mul3A_2816 = arith.mulf %mul3A_2815, %unpack3A_2697 : vector<16xf32>
        %add3A_2817 = arith.addf %add3A_2640, %mul3A_2816 : vector<16xf32>
        %slice3A_2818 = vector.extract_strided_slice %get3A_363 {offsets = [13], sizes = [1], strides = [1]} : vector<16xf32> to vector<1xf32>
        %squeeze3A_2819 = vector.extract %slice3A_2818[0] : f32 from vector<1xf32>
        %mul3A_2820 = vector.broadcast %squeeze3A_2819 : f32 to vector<16xf32>
        %mul3A_2821 = arith.mulf %mul3A_2820, %unpack3A_2674 : vector<16xf32>
        %add3A_2822 = arith.addf %add3A_2645, %mul3A_2821 : vector<16xf32>
        %mul3A_2823 = vector.broadcast %squeeze3A_2819 : f32 to vector<16xf32>
        %mul3A_2824 = arith.mulf %mul3A_2823, %unpack3A_2675 : vector<16xf32>
        %add3A_2825 = arith.addf %add3A_2648, %mul3A_2824 : vector<16xf32>
        %mul3A_2826 = vector.broadcast %squeeze3A_2819 : f32 to vector<16xf32>
        %mul3A_2827 = arith.mulf %mul3A_2826, %unpack3A_2685 : vector<16xf32>
        %add3A_2828 = arith.addf %add3A_2651, %mul3A_2827 : vector<16xf32>
        %mul3A_2829 = vector.broadcast %squeeze3A_2819 : f32 to vector<16xf32>
        %mul3A_2830 = arith.mulf %mul3A_2829, %unpack3A_2686 : vector<16xf32>
        %add3A_2831 = arith.addf %add3A_2654, %mul3A_2830 : vector<16xf32>
        %mul3A_2832 = vector.broadcast %squeeze3A_2819 : f32 to vector<16xf32>
        %mul3A_2833 = arith.mulf %mul3A_2832, %unpack3A_2696 : vector<16xf32>
        %add3A_2834 = arith.addf %add3A_2657, %mul3A_2833 : vector<16xf32>
        %mul3A_2835 = vector.broadcast %squeeze3A_2819 : f32 to vector<16xf32>
        %mul3A_2836 = arith.mulf %mul3A_2835, %unpack3A_2697 : vector<16xf32>
        %add3A_2837 = arith.addf %add3A_2660, %mul3A_2836 : vector<16xf32>
        %mul3A_2838 = arith.constant 16 : i32
        %mul3A_2839 = arith.muli %scan3A_279, %mul3A_2838 : i32
        %add3A_2840 = arith.constant 14 : i32
        %add3A_2841 = arith.addi %mul3A_2839, %add3A_2840 : i32
        %mul3A_2842 = arith.constant 3 : i32
        %mul3A_2843 = arith.muli %add3A_2841, %mul3A_2842 : i32
        %add3A_2844 = arith.constant 0 : i32
        %add3A_2845 = arith.addi %mul3A_2843, %add3A_2844 : i32
        %mul3A_2846 = arith.constant 16 : i32
        %mul3A_2847 = arith.muli %add3A_2845, %mul3A_2846 : i32
        %get3A_2848 = arith.index_cast %mul3A_2847 : i32 to index
        %get3A_2849 = tpu.vector_load %arg5[%get3A_2848] {strides = array<i32>} : memref<3840xf32, #tpu.memory_space<vmem>>, vector<16xf32>,
        %bitcast3A_2850 = vector.bitcast %get3A_2849 : vector<16xf32> to vector<32xbf16>
        %unpack3A_2851 = tpu.unpack_subelements %bitcast3A_2850, 0 {pack_format = #tpu.pack_format<interleaved>} : vector<32xbf16> -> vector<16xf32>
        %unpack3A_2852 = tpu.unpack_subelements %bitcast3A_2850, 1 {pack_format = #tpu.pack_format<interleaved>} : vector<32xbf16> -> vector<16xf32>
        %mul3A_2853 = arith.constant 3 : i32
        %mul3A_2854 = arith.muli %add3A_2841, %mul3A_2853 : i32
        %add3A_2855 = arith.constant 1 : i32
        %add3A_2856 = arith.addi %mul3A_2854, %add3A_2855 : i32
        %mul3A_2857 = arith.constant 16 : i32
        %mul3A_2858 = arith.muli %add3A_2856, %mul3A_2857 : i32
        %get3A_2859 = arith.index_cast %mul3A_2858 : i32 to index
        %get3A_2860 = tpu.vector_load %arg5[%get3A_2859] {strides = array<i32>} : memref<3840xf32, #tpu.memory_space<vmem>>, vector<16xf32>,
        %bitcast3A_2861 = vector.bitcast %get3A_2860 : vector<16xf32> to vector<32xbf16>
        %unpack3A_2862 = tpu.unpack_subelements %bitcast3A_2861, 0 {pack_format = #tpu.pack_format<interleaved>} : vector<32xbf16> -> vector<16xf32>
        %unpack3A_2863 = tpu.unpack_subelements %bitcast3A_2861, 1 {pack_format = #tpu.pack_format<interleaved>} : vector<32xbf16> -> vector<16xf32>
        %mul3A_2864 = arith.constant 3 : i32
        %mul3A_2865 = arith.muli %add3A_2841, %mul3A_2864 : i32
        %add3A_2866 = arith.constant 2 : i32
        %add3A_2867 = arith.addi %mul3A_2865, %add3A_2866 : i32
        %mul3A_2868 = arith.constant 16 : i32
        %mul3A_2869 = arith.muli %add3A_2867, %mul3A_2868 : i32
        %get3A_2870 = arith.index_cast %mul3A_2869 : i32 to index
        %get3A_2871 = tpu.vector_load %arg5[%get3A_2870] {strides = array<i32>} : memref<3840xf32, #tpu.memory_space<vmem>>, vector<16xf32>,
        %bitcast3A_2872 = vector.bitcast %get3A_2871 : vector<16xf32> to vector<32xbf16>
        %unpack3A_2873 = tpu.unpack_subelements %bitcast3A_2872, 0 {pack_format = #tpu.pack_format<interleaved>} : vector<32xbf16> -> vector<16xf32>
        %unpack3A_2874 = tpu.unpack_subelements %bitcast3A_2872, 1 {pack_format = #tpu.pack_format<interleaved>} : vector<32xbf16> -> vector<16xf32>
        %slice3A_2875 = vector.extract_strided_slice %get3A_327 {offsets = [14], sizes = [1], strides = [1]} : vector<16xf32> to vector<1xf32>
        %squeeze3A_2876 = vector.extract %slice3A_2875[0] : f32 from vector<1xf32>
        %mul3A_2877 = vector.broadcast %squeeze3A_2876 : f32 to vector<16xf32>
        %mul3A_2878 = arith.mulf %mul3A_2877, %unpack3A_2851 : vector<16xf32>
        %add3A_2879 = arith.addf %add3A_2702, %mul3A_2878 : vector<16xf32>
        %mul3A_2880 = vector.broadcast %squeeze3A_2876 : f32 to vector<16xf32>
        %mul3A_2881 = arith.mulf %mul3A_2880, %unpack3A_2852 : vector<16xf32>
        %add3A_2882 = arith.addf %add3A_2705, %mul3A_2881 : vector<16xf32>
        %mul3A_2883 = vector.broadcast %squeeze3A_2876 : f32 to vector<16xf32>
        %mul3A_2884 = arith.mulf %mul3A_2883, %unpack3A_2862 : vector<16xf32>
        %add3A_2885 = arith.addf %add3A_2708, %mul3A_2884 : vector<16xf32>
        %mul3A_2886 = vector.broadcast %squeeze3A_2876 : f32 to vector<16xf32>
        %mul3A_2887 = arith.mulf %mul3A_2886, %unpack3A_2863 : vector<16xf32>
        %add3A_2888 = arith.addf %add3A_2711, %mul3A_2887 : vector<16xf32>
        %mul3A_2889 = vector.broadcast %squeeze3A_2876 : f32 to vector<16xf32>
        %mul3A_2890 = arith.mulf %mul3A_2889, %unpack3A_2873 : vector<16xf32>
        %add3A_2891 = arith.addf %add3A_2714, %mul3A_2890 : vector<16xf32>
        %mul3A_2892 = vector.broadcast %squeeze3A_2876 : f32 to vector<16xf32>
        %mul3A_2893 = arith.mulf %mul3A_2892, %unpack3A_2874 : vector<16xf32>
        %add3A_2894 = arith.addf %add3A_2717, %mul3A_2893 : vector<16xf32>
        %slice3A_2895 = vector.extract_strided_slice %get3A_333 {offsets = [14], sizes = [1], strides = [1]} : vector<16xf32> to vector<1xf32>
        %squeeze3A_2896 = vector.extract %slice3A_2895[0] : f32 from vector<1xf32>
        %mul3A_2897 = vector.broadcast %squeeze3A_2896 : f32 to vector<16xf32>
        %mul3A_2898 = arith.mulf %mul3A_2897, %unpack3A_2851 : vector<16xf32>
        %add3A_2899 = arith.addf %add3A_2722, %mul3A_2898 : vector<16xf32>
        %mul3A_2900 = vector.broadcast %squeeze3A_2896 : f32 to vector<16xf32>
        %mul3A_2901 = arith.mulf %mul3A_2900, %unpack3A_2852 : vector<16xf32>
        %add3A_2902 = arith.addf %add3A_2725, %mul3A_2901 : vector<16xf32>
        %mul3A_2903 = vector.broadcast %squeeze3A_2896 : f32 to vector<16xf32>
        %mul3A_2904 = arith.mulf %mul3A_2903, %unpack3A_2862 : vector<16xf32>
        %add3A_2905 = arith.addf %add3A_2728, %mul3A_2904 : vector<16xf32>
        %mul3A_2906 = vector.broadcast %squeeze3A_2896 : f32 to vector<16xf32>
        %mul3A_2907 = arith.mulf %mul3A_2906, %unpack3A_2863 : vector<16xf32>
        %add3A_2908 = arith.addf %add3A_2731, %mul3A_2907 : vector<16xf32>
        %mul3A_2909 = vector.broadcast %squeeze3A_2896 : f32 to vector<16xf32>
        %mul3A_2910 = arith.mulf %mul3A_2909, %unpack3A_2873 : vector<16xf32>
        %add3A_2911 = arith.addf %add3A_2734, %mul3A_2910 : vector<16xf32>
        %mul3A_2912 = vector.broadcast %squeeze3A_2896 : f32 to vector<16xf32>
        %mul3A_2913 = arith.mulf %mul3A_2912, %unpack3A_2874 : vector<16xf32>
        %add3A_2914 = arith.addf %add3A_2737, %mul3A_2913 : vector<16xf32>
        %slice3A_2915 = vector.extract_strided_slice %get3A_339 {offsets = [14], sizes = [1], strides = [1]} : vector<16xf32> to vector<1xf32>
        %squeeze3A_2916 = vector.extract %slice3A_2915[0] : f32 from vector<1xf32>
        %mul3A_2917 = vector.broadcast %squeeze3A_2916 : f32 to vector<16xf32>
        %mul3A_2918 = arith.mulf %mul3A_2917, %unpack3A_2851 : vector<16xf32>
        %add3A_2919 = arith.addf %add3A_2742, %mul3A_2918 : vector<16xf32>
        %mul3A_2920 = vector.broadcast %squeeze3A_2916 : f32 to vector<16xf32>
        %mul3A_2921 = arith.mulf %mul3A_2920, %unpack3A_2852 : vector<16xf32>
        %add3A_2922 = arith.addf %add3A_2745, %mul3A_2921 : vector<16xf32>
        %mul3A_2923 = vector.broadcast %squeeze3A_2916 : f32 to vector<16xf32>
        %mul3A_2924 = arith.mulf %mul3A_2923, %unpack3A_2862 : vector<16xf32>
        %add3A_2925 = arith.addf %add3A_2748, %mul3A_2924 : vector<16xf32>
        %mul3A_2926 = vector.broadcast %squeeze3A_2916 : f32 to vector<16xf32>
        %mul3A_2927 = arith.mulf %mul3A_2926, %unpack3A_2863 : vector<16xf32>
        %add3A_2928 = arith.addf %add3A_2751, %mul3A_2927 : vector<16xf32>
        %mul3A_2929 = vector.broadcast %squeeze3A_2916 : f32 to vector<16xf32>
        %mul3A_2930 = arith.mulf %mul3A_2929, %unpack3A_2873 : vector<16xf32>
        %add3A_2931 = arith.addf %add3A_2754, %mul3A_2930 : vector<16xf32>
        %mul3A_2932 = vector.broadcast %squeeze3A_2916 : f32 to vector<16xf32>
        %mul3A_2933 = arith.mulf %mul3A_2932, %unpack3A_2874 : vector<16xf32>
        %add3A_2934 = arith.addf %add3A_2757, %mul3A_2933 : vector<16xf32>
        %slice3A_2935 = vector.extract_strided_slice %get3A_345 {offsets = [14], sizes = [1], strides = [1]} : vector<16xf32> to vector<1xf32>
        %squeeze3A_2936 = vector.extract %slice3A_2935[0] : f32 from vector<1xf32>
        %mul3A_2937 = vector.broadcast %squeeze3A_2936 : f32 to vector<16xf32>
        %mul3A_2938 = arith.mulf %mul3A_2937, %unpack3A_2851 : vector<16xf32>
        %add3A_2939 = arith.addf %add3A_2762, %mul3A_2938 : vector<16xf32>
        %mul3A_2940 = vector.broadcast %squeeze3A_2936 : f32 to vector<16xf32>
        %mul3A_2941 = arith.mulf %mul3A_2940, %unpack3A_2852 : vector<16xf32>
        %add3A_2942 = arith.addf %add3A_2765, %mul3A_2941 : vector<16xf32>
        %mul3A_2943 = vector.broadcast %squeeze3A_2936 : f32 to vector<16xf32>
        %mul3A_2944 = arith.mulf %mul3A_2943, %unpack3A_2862 : vector<16xf32>
        %add3A_2945 = arith.addf %add3A_2768, %mul3A_2944 : vector<16xf32>
        %mul3A_2946 = vector.broadcast %squeeze3A_2936 : f32 to vector<16xf32>
        %mul3A_2947 = arith.mulf %mul3A_2946, %unpack3A_2863 : vector<16xf32>
        %add3A_2948 = arith.addf %add3A_2771, %mul3A_2947 : vector<16xf32>
        %mul3A_2949 = vector.broadcast %squeeze3A_2936 : f32 to vector<16xf32>
        %mul3A_2950 = arith.mulf %mul3A_2949, %unpack3A_2873 : vector<16xf32>
        %add3A_2951 = arith.addf %add3A_2774, %mul3A_2950 : vector<16xf32>
        %mul3A_2952 = vector.broadcast %squeeze3A_2936 : f32 to vector<16xf32>
        %mul3A_2953 = arith.mulf %mul3A_2952, %unpack3A_2874 : vector<16xf32>
        %add3A_2954 = arith.addf %add3A_2777, %mul3A_2953 : vector<16xf32>
        %slice3A_2955 = vector.extract_strided_slice %get3A_351 {offsets = [14], sizes = [1], strides = [1]} : vector<16xf32> to vector<1xf32>
        %squeeze3A_2956 = vector.extract %slice3A_2955[0] : f32 from vector<1xf32>
        %mul3A_2957 = vector.broadcast %squeeze3A_2956 : f32 to vector<16xf32>
        %mul3A_2958 = arith.mulf %mul3A_2957, %unpack3A_2851 : vector<16xf32>
        %add3A_2959 = arith.addf %add3A_2782, %mul3A_2958 : vector<16xf32>
        %mul3A_2960 = vector.broadcast %squeeze3A_2956 : f32 to vector<16xf32>
        %mul3A_2961 = arith.mulf %mul3A_2960, %unpack3A_2852 : vector<16xf32>
        %add3A_2962 = arith.addf %add3A_2785, %mul3A_2961 : vector<16xf32>
        %mul3A_2963 = vector.broadcast %squeeze3A_2956 : f32 to vector<16xf32>
        %mul3A_2964 = arith.mulf %mul3A_2963, %unpack3A_2862 : vector<16xf32>
        %add3A_2965 = arith.addf %add3A_2788, %mul3A_2964 : vector<16xf32>
        %mul3A_2966 = vector.broadcast %squeeze3A_2956 : f32 to vector<16xf32>
        %mul3A_2967 = arith.mulf %mul3A_2966, %unpack3A_2863 : vector<16xf32>
        %add3A_2968 = arith.addf %add3A_2791, %mul3A_2967 : vector<16xf32>
        %mul3A_2969 = vector.broadcast %squeeze3A_2956 : f32 to vector<16xf32>
        %mul3A_2970 = arith.mulf %mul3A_2969, %unpack3A_2873 : vector<16xf32>
        %add3A_2971 = arith.addf %add3A_2794, %mul3A_2970 : vector<16xf32>
        %mul3A_2972 = vector.broadcast %squeeze3A_2956 : f32 to vector<16xf32>
        %mul3A_2973 = arith.mulf %mul3A_2972, %unpack3A_2874 : vector<16xf32>
        %add3A_2974 = arith.addf %add3A_2797, %mul3A_2973 : vector<16xf32>
        %slice3A_2975 = vector.extract_strided_slice %get3A_357 {offsets = [14], sizes = [1], strides = [1]} : vector<16xf32> to vector<1xf32>
        %squeeze3A_2976 = vector.extract %slice3A_2975[0] : f32 from vector<1xf32>
        %mul3A_2977 = vector.broadcast %squeeze3A_2976 : f32 to vector<16xf32>
        %mul3A_2978 = arith.mulf %mul3A_2977, %unpack3A_2851 : vector<16xf32>
        %add3A_2979 = arith.addf %add3A_2802, %mul3A_2978 : vector<16xf32>
        %mul3A_2980 = vector.broadcast %squeeze3A_2976 : f32 to vector<16xf32>
        %mul3A_2981 = arith.mulf %mul3A_2980, %unpack3A_2852 : vector<16xf32>
        %add3A_2982 = arith.addf %add3A_2805, %mul3A_2981 : vector<16xf32>
        %mul3A_2983 = vector.broadcast %squeeze3A_2976 : f32 to vector<16xf32>
        %mul3A_2984 = arith.mulf %mul3A_2983, %unpack3A_2862 : vector<16xf32>
        %add3A_2985 = arith.addf %add3A_2808, %mul3A_2984 : vector<16xf32>
        %mul3A_2986 = vector.broadcast %squeeze3A_2976 : f32 to vector<16xf32>
        %mul3A_2987 = arith.mulf %mul3A_2986, %unpack3A_2863 : vector<16xf32>
        %add3A_2988 = arith.addf %add3A_2811, %mul3A_2987 : vector<16xf32>
        %mul3A_2989 = vector.broadcast %squeeze3A_2976 : f32 to vector<16xf32>
        %mul3A_2990 = arith.mulf %mul3A_2989, %unpack3A_2873 : vector<16xf32>
        %add3A_2991 = arith.addf %add3A_2814, %mul3A_2990 : vector<16xf32>
        %mul3A_2992 = vector.broadcast %squeeze3A_2976 : f32 to vector<16xf32>
        %mul3A_2993 = arith.mulf %mul3A_2992, %unpack3A_2874 : vector<16xf32>
        %add3A_2994 = arith.addf %add3A_2817, %mul3A_2993 : vector<16xf32>
        %slice3A_2995 = vector.extract_strided_slice %get3A_363 {offsets = [14], sizes = [1], strides = [1]} : vector<16xf32> to vector<1xf32>
        %squeeze3A_2996 = vector.extract %slice3A_2995[0] : f32 from vector<1xf32>
        %mul3A_2997 = vector.broadcast %squeeze3A_2996 : f32 to vector<16xf32>
        %mul3A_2998 = arith.mulf %mul3A_2997, %unpack3A_2851 : vector<16xf32>
        %add3A_2999 = arith.addf %add3A_2822, %mul3A_2998 : vector<16xf32>
        %mul3A_3000 = vector.broadcast %squeeze3A_2996 : f32 to vector<16xf32>
        %mul3A_3001 = arith.mulf %mul3A_3000, %unpack3A_2852 : vector<16xf32>
        %add3A_3002 = arith.addf %add3A_2825, %mul3A_3001 : vector<16xf32>
        %mul3A_3003 = vector.broadcast %squeeze3A_2996 : f32 to vector<16xf32>
        %mul3A_3004 = arith.mulf %mul3A_3003, %unpack3A_2862 : vector<16xf32>
        %add3A_3005 = arith.addf %add3A_2828, %mul3A_3004 : vector<16xf32>
        %mul3A_3006 = vector.broadcast %squeeze3A_2996 : f32 to vector<16xf32>
        %mul3A_3007 = arith.mulf %mul3A_3006, %unpack3A_2863 : vector<16xf32>
        %add3A_3008 = arith.addf %add3A_2831, %mul3A_3007 : vector<16xf32>
        %mul3A_3009 = vector.broadcast %squeeze3A_2996 : f32 to vector<16xf32>
        %mul3A_3010 = arith.mulf %mul3A_3009, %unpack3A_2873 : vector<16xf32>
        %add3A_3011 = arith.addf %add3A_2834, %mul3A_3010 : vector<16xf32>
        %mul3A_3012 = vector.broadcast %squeeze3A_2996 : f32 to vector<16xf32>
        %mul3A_3013 = arith.mulf %mul3A_3012, %unpack3A_2874 : vector<16xf32>
        %add3A_3014 = arith.addf %add3A_2837, %mul3A_3013 : vector<16xf32>
        %mul3A_3015 = arith.constant 16 : i32
        %mul3A_3016 = arith.muli %scan3A_279, %mul3A_3015 : i32
        %add3A_3017 = arith.constant 15 : i32
        %add3A_3018 = arith.addi %mul3A_3016, %add3A_3017 : i32
        %mul3A_3019 = arith.constant 3 : i32
        %mul3A_3020 = arith.muli %add3A_3018, %mul3A_3019 : i32
        %add3A_3021 = arith.constant 0 : i32
        %add3A_3022 = arith.addi %mul3A_3020, %add3A_3021 : i32
        %mul3A_3023 = arith.constant 16 : i32
        %mul3A_3024 = arith.muli %add3A_3022, %mul3A_3023 : i32
        %get3A_3025 = arith.index_cast %mul3A_3024 : i32 to index
        %get3A_3026 = tpu.vector_load %arg5[%get3A_3025] {strides = array<i32>} : memref<3840xf32, #tpu.memory_space<vmem>>, vector<16xf32>,
        %bitcast3A_3027 = vector.bitcast %get3A_3026 : vector<16xf32> to vector<32xbf16>
        %unpack3A_3028 = tpu.unpack_subelements %bitcast3A_3027, 0 {pack_format = #tpu.pack_format<interleaved>} : vector<32xbf16> -> vector<16xf32>
        %unpack3A_3029 = tpu.unpack_subelements %bitcast3A_3027, 1 {pack_format = #tpu.pack_format<interleaved>} : vector<32xbf16> -> vector<16xf32>
        %mul3A_3030 = arith.constant 3 : i32
        %mul3A_3031 = arith.muli %add3A_3018, %mul3A_3030 : i32
        %add3A_3032 = arith.constant 1 : i32
        %add3A_3033 = arith.addi %mul3A_3031, %add3A_3032 : i32
        %mul3A_3034 = arith.constant 16 : i32
        %mul3A_3035 = arith.muli %add3A_3033, %mul3A_3034 : i32
        %get3A_3036 = arith.index_cast %mul3A_3035 : i32 to index
        %get3A_3037 = tpu.vector_load %arg5[%get3A_3036] {strides = array<i32>} : memref<3840xf32, #tpu.memory_space<vmem>>, vector<16xf32>,
        %bitcast3A_3038 = vector.bitcast %get3A_3037 : vector<16xf32> to vector<32xbf16>
        %unpack3A_3039 = tpu.unpack_subelements %bitcast3A_3038, 0 {pack_format = #tpu.pack_format<interleaved>} : vector<32xbf16> -> vector<16xf32>
        %unpack3A_3040 = tpu.unpack_subelements %bitcast3A_3038, 1 {pack_format = #tpu.pack_format<interleaved>} : vector<32xbf16> -> vector<16xf32>
        %mul3A_3041 = arith.constant 3 : i32
        %mul3A_3042 = arith.muli %add3A_3018, %mul3A_3041 : i32
        %add3A_3043 = arith.constant 2 : i32
        %add3A_3044 = arith.addi %mul3A_3042, %add3A_3043 : i32
        %mul3A_3045 = arith.constant 16 : i32
        %mul3A_3046 = arith.muli %add3A_3044, %mul3A_3045 : i32
        %get3A_3047 = arith.index_cast %mul3A_3046 : i32 to index
        %get3A_3048 = tpu.vector_load %arg5[%get3A_3047] {strides = array<i32>} : memref<3840xf32, #tpu.memory_space<vmem>>, vector<16xf32>,
        %bitcast3A_3049 = vector.bitcast %get3A_3048 : vector<16xf32> to vector<32xbf16>
        %unpack3A_3050 = tpu.unpack_subelements %bitcast3A_3049, 0 {pack_format = #tpu.pack_format<interleaved>} : vector<32xbf16> -> vector<16xf32>
        %unpack3A_3051 = tpu.unpack_subelements %bitcast3A_3049, 1 {pack_format = #tpu.pack_format<interleaved>} : vector<32xbf16> -> vector<16xf32>
        %slice3A_3052 = vector.extract_strided_slice %get3A_327 {offsets = [15], sizes = [1], strides = [1]} : vector<16xf32> to vector<1xf32>
        %squeeze3A_3053 = vector.extract %slice3A_3052[0] : f32 from vector<1xf32>
        %mul3A_3054 = vector.broadcast %squeeze3A_3053 : f32 to vector<16xf32>
        %mul3A_3055 = arith.mulf %mul3A_3054, %unpack3A_3028 : vector<16xf32>
        %add3A_3056 = arith.addf %add3A_2879, %mul3A_3055 : vector<16xf32>
        %mul3A_3057 = vector.broadcast %squeeze3A_3053 : f32 to vector<16xf32>
        %mul3A_3058 = arith.mulf %mul3A_3057, %unpack3A_3029 : vector<16xf32>
        %add3A_3059 = arith.addf %add3A_2882, %mul3A_3058 : vector<16xf32>
        %mul3A_3060 = vector.broadcast %squeeze3A_3053 : f32 to vector<16xf32>
        %mul3A_3061 = arith.mulf %mul3A_3060, %unpack3A_3039 : vector<16xf32>
        %add3A_3062 = arith.addf %add3A_2885, %mul3A_3061 : vector<16xf32>
        %mul3A_3063 = vector.broadcast %squeeze3A_3053 : f32 to vector<16xf32>
        %mul3A_3064 = arith.mulf %mul3A_3063, %unpack3A_3040 : vector<16xf32>
        %add3A_3065 = arith.addf %add3A_2888, %mul3A_3064 : vector<16xf32>
        %mul3A_3066 = vector.broadcast %squeeze3A_3053 : f32 to vector<16xf32>
        %mul3A_3067 = arith.mulf %mul3A_3066, %unpack3A_3050 : vector<16xf32>
        %add3A_3068 = arith.addf %add3A_2891, %mul3A_3067 : vector<16xf32>
        %mul3A_3069 = vector.broadcast %squeeze3A_3053 : f32 to vector<16xf32>
        %mul3A_3070 = arith.mulf %mul3A_3069, %unpack3A_3051 : vector<16xf32>
        %add3A_3071 = arith.addf %add3A_2894, %mul3A_3070 : vector<16xf32>
        %slice3A_3072 = vector.extract_strided_slice %get3A_333 {offsets = [15], sizes = [1], strides = [1]} : vector<16xf32> to vector<1xf32>
        %squeeze3A_3073 = vector.extract %slice3A_3072[0] : f32 from vector<1xf32>
        %mul3A_3074 = vector.broadcast %squeeze3A_3073 : f32 to vector<16xf32>
        %mul3A_3075 = arith.mulf %mul3A_3074, %unpack3A_3028 : vector<16xf32>
        %add3A_3076 = arith.addf %add3A_2899, %mul3A_3075 : vector<16xf32>
        %mul3A_3077 = vector.broadcast %squeeze3A_3073 : f32 to vector<16xf32>
        %mul3A_3078 = arith.mulf %mul3A_3077, %unpack3A_3029 : vector<16xf32>
        %add3A_3079 = arith.addf %add3A_2902, %mul3A_3078 : vector<16xf32>
        %mul3A_3080 = vector.broadcast %squeeze3A_3073 : f32 to vector<16xf32>
        %mul3A_3081 = arith.mulf %mul3A_3080, %unpack3A_3039 : vector<16xf32>
        %add3A_3082 = arith.addf %add3A_2905, %mul3A_3081 : vector<16xf32>
        %mul3A_3083 = vector.broadcast %squeeze3A_3073 : f32 to vector<16xf32>
        %mul3A_3084 = arith.mulf %mul3A_3083, %unpack3A_3040 : vector<16xf32>
        %add3A_3085 = arith.addf %add3A_2908, %mul3A_3084 : vector<16xf32>
        %mul3A_3086 = vector.broadcast %squeeze3A_3073 : f32 to vector<16xf32>
        %mul3A_3087 = arith.mulf %mul3A_3086, %unpack3A_3050 : vector<16xf32>
        %add3A_3088 = arith.addf %add3A_2911, %mul3A_3087 : vector<16xf32>
        %mul3A_3089 = vector.broadcast %squeeze3A_3073 : f32 to vector<16xf32>
        %mul3A_3090 = arith.mulf %mul3A_3089, %unpack3A_3051 : vector<16xf32>
        %add3A_3091 = arith.addf %add3A_2914, %mul3A_3090 : vector<16xf32>
        %slice3A_3092 = vector.extract_strided_slice %get3A_339 {offsets = [15], sizes = [1], strides = [1]} : vector<16xf32> to vector<1xf32>
        %squeeze3A_3093 = vector.extract %slice3A_3092[0] : f32 from vector<1xf32>
        %mul3A_3094 = vector.broadcast %squeeze3A_3093 : f32 to vector<16xf32>
        %mul3A_3095 = arith.mulf %mul3A_3094, %unpack3A_3028 : vector<16xf32>
        %add3A_3096 = arith.addf %add3A_2919, %mul3A_3095 : vector<16xf32>
        %mul3A_3097 = vector.broadcast %squeeze3A_3093 : f32 to vector<16xf32>
        %mul3A_3098 = arith.mulf %mul3A_3097, %unpack3A_3029 : vector<16xf32>
        %add3A_3099 = arith.addf %add3A_2922, %mul3A_3098 : vector<16xf32>
        %mul3A_3100 = vector.broadcast %squeeze3A_3093 : f32 to vector<16xf32>
        %mul3A_3101 = arith.mulf %mul3A_3100, %unpack3A_3039 : vector<16xf32>
        %add3A_3102 = arith.addf %add3A_2925, %mul3A_3101 : vector<16xf32>
        %mul3A_3103 = vector.broadcast %squeeze3A_3093 : f32 to vector<16xf32>
        %mul3A_3104 = arith.mulf %mul3A_3103, %unpack3A_3040 : vector<16xf32>
        %add3A_3105 = arith.addf %add3A_2928, %mul3A_3104 : vector<16xf32>
        %mul3A_3106 = vector.broadcast %squeeze3A_3093 : f32 to vector<16xf32>
        %mul3A_3107 = arith.mulf %mul3A_3106, %unpack3A_3050 : vector<16xf32>
        %add3A_3108 = arith.addf %add3A_2931, %mul3A_3107 : vector<16xf32>
        %mul3A_3109 = vector.broadcast %squeeze3A_3093 : f32 to vector<16xf32>
        %mul3A_3110 = arith.mulf %mul3A_3109, %unpack3A_3051 : vector<16xf32>
        %add3A_3111 = arith.addf %add3A_2934, %mul3A_3110 : vector<16xf32>
        %slice3A_3112 = vector.extract_strided_slice %get3A_345 {offsets = [15], sizes = [1], strides = [1]} : vector<16xf32> to vector<1xf32>
        %squeeze3A_3113 = vector.extract %slice3A_3112[0] : f32 from vector<1xf32>
        %mul3A_3114 = vector.broadcast %squeeze3A_3113 : f32 to vector<16xf32>
        %mul3A_3115 = arith.mulf %mul3A_3114, %unpack3A_3028 : vector<16xf32>
        %add3A_3116 = arith.addf %add3A_2939, %mul3A_3115 : vector<16xf32>
        %mul3A_3117 = vector.broadcast %squeeze3A_3113 : f32 to vector<16xf32>
        %mul3A_3118 = arith.mulf %mul3A_3117, %unpack3A_3029 : vector<16xf32>
        %add3A_3119 = arith.addf %add3A_2942, %mul3A_3118 : vector<16xf32>
        %mul3A_3120 = vector.broadcast %squeeze3A_3113 : f32 to vector<16xf32>
        %mul3A_3121 = arith.mulf %mul3A_3120, %unpack3A_3039 : vector<16xf32>
        %add3A_3122 = arith.addf %add3A_2945, %mul3A_3121 : vector<16xf32>
        %mul3A_3123 = vector.broadcast %squeeze3A_3113 : f32 to vector<16xf32>
        %mul3A_3124 = arith.mulf %mul3A_3123, %unpack3A_3040 : vector<16xf32>
        %add3A_3125 = arith.addf %add3A_2948, %mul3A_3124 : vector<16xf32>
        %mul3A_3126 = vector.broadcast %squeeze3A_3113 : f32 to vector<16xf32>
        %mul3A_3127 = arith.mulf %mul3A_3126, %unpack3A_3050 : vector<16xf32>
        %add3A_3128 = arith.addf %add3A_2951, %mul3A_3127 : vector<16xf32>
        %mul3A_3129 = vector.broadcast %squeeze3A_3113 : f32 to vector<16xf32>
        %mul3A_3130 = arith.mulf %mul3A_3129, %unpack3A_3051 : vector<16xf32>
        %add3A_3131 = arith.addf %add3A_2954, %mul3A_3130 : vector<16xf32>
        %slice3A_3132 = vector.extract_strided_slice %get3A_351 {offsets = [15], sizes = [1], strides = [1]} : vector<16xf32> to vector<1xf32>
        %squeeze3A_3133 = vector.extract %slice3A_3132[0] : f32 from vector<1xf32>
        %mul3A_3134 = vector.broadcast %squeeze3A_3133 : f32 to vector<16xf32>
        %mul3A_3135 = arith.mulf %mul3A_3134, %unpack3A_3028 : vector<16xf32>
        %add3A_3136 = arith.addf %add3A_2959, %mul3A_3135 : vector<16xf32>
        %mul3A_3137 = vector.broadcast %squeeze3A_3133 : f32 to vector<16xf32>
        %mul3A_3138 = arith.mulf %mul3A_3137, %unpack3A_3029 : vector<16xf32>
        %add3A_3139 = arith.addf %add3A_2962, %mul3A_3138 : vector<16xf32>
        %mul3A_3140 = vector.broadcast %squeeze3A_3133 : f32 to vector<16xf32>
        %mul3A_3141 = arith.mulf %mul3A_3140, %unpack3A_3039 : vector<16xf32>
        %add3A_3142 = arith.addf %add3A_2965, %mul3A_3141 : vector<16xf32>
        %mul3A_3143 = vector.broadcast %squeeze3A_3133 : f32 to vector<16xf32>
        %mul3A_3144 = arith.mulf %mul3A_3143, %unpack3A_3040 : vector<16xf32>
        %add3A_3145 = arith.addf %add3A_2968, %mul3A_3144 : vector<16xf32>
        %mul3A_3146 = vector.broadcast %squeeze3A_3133 : f32 to vector<16xf32>
        %mul3A_3147 = arith.mulf %mul3A_3146, %unpack3A_3050 : vector<16xf32>
        %add3A_3148 = arith.addf %add3A_2971, %mul3A_3147 : vector<16xf32>
        %mul3A_3149 = vector.broadcast %squeeze3A_3133 : f32 to vector<16xf32>
        %mul3A_3150 = arith.mulf %mul3A_3149, %unpack3A_3051 : vector<16xf32>
        %add3A_3151 = arith.addf %add3A_2974, %mul3A_3150 : vector<16xf32>
        %slice3A_3152 = vector.extract_strided_slice %get3A_357 {offsets = [15], sizes = [1], strides = [1]} : vector<16xf32> to vector<1xf32>
        %squeeze3A_3153 = vector.extract %slice3A_3152[0] : f32 from vector<1xf32>
        %mul3A_3154 = vector.broadcast %squeeze3A_3153 : f32 to vector<16xf32>
        %mul3A_3155 = arith.mulf %mul3A_3154, %unpack3A_3028 : vector<16xf32>
        %add3A_3156 = arith.addf %add3A_2979, %mul3A_3155 : vector<16xf32>
        %mul3A_3157 = vector.broadcast %squeeze3A_3153 : f32 to vector<16xf32>
        %mul3A_3158 = arith.mulf %mul3A_3157, %unpack3A_3029 : vector<16xf32>
        %add3A_3159 = arith.addf %add3A_2982, %mul3A_3158 : vector<16xf32>
        %mul3A_3160 = vector.broadcast %squeeze3A_3153 : f32 to vector<16xf32>
        %mul3A_3161 = arith.mulf %mul3A_3160, %unpack3A_3039 : vector<16xf32>
        %add3A_3162 = arith.addf %add3A_2985, %mul3A_3161 : vector<16xf32>
        %mul3A_3163 = vector.broadcast %squeeze3A_3153 : f32 to vector<16xf32>
        %mul3A_3164 = arith.mulf %mul3A_3163, %unpack3A_3040 : vector<16xf32>
        %add3A_3165 = arith.addf %add3A_2988, %mul3A_3164 : vector<16xf32>
        %mul3A_3166 = vector.broadcast %squeeze3A_3153 : f32 to vector<16xf32>
        %mul3A_3167 = arith.mulf %mul3A_3166, %unpack3A_3050 : vector<16xf32>
        %add3A_3168 = arith.addf %add3A_2991, %mul3A_3167 : vector<16xf32>
        %mul3A_3169 = vector.broadcast %squeeze3A_3153 : f32 to vector<16xf32>
        %mul3A_3170 = arith.mulf %mul3A_3169, %unpack3A_3051 : vector<16xf32>
        %add3A_3171 = arith.addf %add3A_2994, %mul3A_3170 : vector<16xf32>
        %slice3A_3172 = vector.extract_strided_slice %get3A_363 {offsets = [15], sizes = [1], strides = [1]} : vector<16xf32> to vector<1xf32>
        %squeeze3A_3173 = vector.extract %slice3A_3172[0] : f32 from vector<1xf32>
        %mul3A_3174 = vector.broadcast %squeeze3A_3173 : f32 to vector<16xf32>
        %mul3A_3175 = arith.mulf %mul3A_3174, %unpack3A_3028 : vector<16xf32>
        %add3A_3176 = arith.addf %add3A_2999, %mul3A_3175 : vector<16xf32>
        %mul3A_3177 = vector.broadcast %squeeze3A_3173 : f32 to vector<16xf32>
        %mul3A_3178 = arith.mulf %mul3A_3177, %unpack3A_3029 : vector<16xf32>
        %add3A_3179 = arith.addf %add3A_3002, %mul3A_3178 : vector<16xf32>
        %mul3A_3180 = vector.broadcast %squeeze3A_3173 : f32 to vector<16xf32>
        %mul3A_3181 = arith.mulf %mul3A_3180, %unpack3A_3039 : vector<16xf32>
        %add3A_3182 = arith.addf %add3A_3005, %mul3A_3181 : vector<16xf32>
        %mul3A_3183 = vector.broadcast %squeeze3A_3173 : f32 to vector<16xf32>
        %mul3A_3184 = arith.mulf %mul3A_3183, %unpack3A_3040 : vector<16xf32>
        %add3A_3185 = arith.addf %add3A_3008, %mul3A_3184 : vector<16xf32>
        %mul3A_3186 = vector.broadcast %squeeze3A_3173 : f32 to vector<16xf32>
        %mul3A_3187 = arith.mulf %mul3A_3186, %unpack3A_3050 : vector<16xf32>
        %add3A_3188 = arith.addf %add3A_3011, %mul3A_3187 : vector<16xf32>
        %mul3A_3189 = vector.broadcast %squeeze3A_3173 : f32 to vector<16xf32>
        %mul3A_3190 = arith.mulf %mul3A_3189, %unpack3A_3051 : vector<16xf32>
        %add3A_3191 = arith.addf %add3A_3014, %mul3A_3190 : vector<16xf32>
        scf.yield %add3A_3056, %add3A_3059, %add3A_3062, %add3A_3065, %add3A_3068, %add3A_3071, %add3A_3076, %add3A_3079, %add3A_3082, %add3A_3085, %add3A_3088, %add3A_3091, %add3A_3096, %add3A_3099, %add3A_3102, %add3A_3105, %add3A_3108, %add3A_3111, %add3A_3116, %add3A_3119, %add3A_3122, %add3A_3125, %add3A_3128, %add3A_3131, %add3A_3136, %add3A_3139, %add3A_3142, %add3A_3145, %add3A_3148, %add3A_3151, %add3A_3156, %add3A_3159, %add3A_3162, %add3A_3165, %add3A_3168, %add3A_3171, %add3A_3176, %add3A_3179, %add3A_3182, %add3A_3185, %add3A_3188, %add3A_3191 : vector<16xf32>, vector<16xf32>, vector<16xf32>, vector<16xf32>, vector<16xf32>, vector<16xf32>, vector<16xf32>, vector<16xf32>, vector<16xf32>, vector<16xf32>, vector<16xf32>, vector<16xf32>, vector<16xf32>, vector<16xf32>, vector<16xf32>, vector<16xf32>, vector<16xf32>, vector<16xf32>, vector<16xf32>, vector<16xf32>, vector<16xf32>, vector<16xf32>, vector<16xf32>, vector<16xf32>, vector<16xf32>, vector<16xf32>, vector<16xf32>, vector<16xf32>, vector<16xf32>, vector<16xf32>, vector<16xf32>, vector<16xf32>, vector<16xf32>, vector<16xf32>, vector<16xf32>, vector<16xf32>, vector<16xf32>, vector<16xf32>, vector<16xf32>, vector<16xf32>, vector<16xf32>, vector<16xf32>
      }
      %scan3A_31 = arith.constant 5 : i32
      %swap3A = arith.constant 0 : index
      %swap3A_32 = tpu.vector_load %arg8[%swap3A] {strides = array<i32>} : memref<576xf32, #tpu.memory_space<vmem>>, vector<16xf32>,
      tpu.vector_store %arg8[%swap3A], %scan3A_30#0 {strides = array<i32>} : memref<576xf32, #tpu.memory_space<vmem>>, vector<16xf32>,
      %swap3A_33 = arith.constant 16 : index
      %swap3A_34 = tpu.vector_load %arg8[%swap3A_33] {strides = array<i32>} : memref<576xf32, #tpu.memory_space<vmem>>, vector<16xf32>,
      tpu.vector_store %arg8[%swap3A_33], %scan3A_30#1 {strides = array<i32>} : memref<576xf32, #tpu.memory_space<vmem>>, vector<16xf32>,
      %swap3A_35 = arith.constant 32 : index
      %swap3A_36 = tpu.vector_load %arg8[%swap3A_35] {strides = array<i32>} : memref<576xf32, #tpu.memory_space<vmem>>, vector<16xf32>,
      tpu.vector_store %arg8[%swap3A_35], %scan3A_30#2 {strides = array<i32>} : memref<576xf32, #tpu.memory_space<vmem>>, vector<16xf32>,
      %swap3A_37 = arith.constant 48 : index
      %swap3A_38 = tpu.vector_load %arg8[%swap3A_37] {strides = array<i32>} : memref<576xf32, #tpu.memory_space<vmem>>, vector<16xf32>,
      tpu.vector_store %arg8[%swap3A_37], %scan3A_30#3 {strides = array<i32>} : memref<576xf32, #tpu.memory_space<vmem>>, vector<16xf32>,
      %swap3A_39 = arith.constant 64 : index
      %swap3A_40 = tpu.vector_load %arg8[%swap3A_39] {strides = array<i32>} : memref<576xf32, #tpu.memory_space<vmem>>, vector<16xf32>,
      tpu.vector_store %arg8[%swap3A_39], %scan3A_30#4 {strides = array<i32>} : memref<576xf32, #tpu.memory_space<vmem>>, vector<16xf32>,
      %swap3A_41 = arith.constant 80 : index
      %swap3A_42 = tpu.vector_load %arg8[%swap3A_41] {strides = array<i32>} : memref<576xf32, #tpu.memory_space<vmem>>, vector<16xf32>,
      tpu.vector_store %arg8[%swap3A_41], %scan3A_30#5 {strides = array<i32>} : memref<576xf32, #tpu.memory_space<vmem>>, vector<16xf32>,
      %swap3A_43 = arith.constant 96 : index
      %swap3A_44 = tpu.vector_load %arg8[%swap3A_43] {strides = array<i32>} : memref<576xf32, #tpu.memory_space<vmem>>, vector<16xf32>,
      tpu.vector_store %arg8[%swap3A_43], %scan3A_30#6 {strides = array<i32>} : memref<576xf32, #tpu.memory_space<vmem>>, vector<16xf32>,
      %swap3A_45 = arith.constant 112 : index
      %swap3A_46 = tpu.vector_load %arg8[%swap3A_45] {strides = array<i32>} : memref<576xf32, #tpu.memory_space<vmem>>, vector<16xf32>,
      tpu.vector_store %arg8[%swap3A_45], %scan3A_30#7 {strides = array<i32>} : memref<576xf32, #tpu.memory_space<vmem>>, vector<16xf32>,
      %swap3A_47 = arith.constant 128 : index
      %swap3A_48 = tpu.vector_load %arg8[%swap3A_47] {strides = array<i32>} : memref<576xf32, #tpu.memory_space<vmem>>, vector<16xf32>,
      tpu.vector_store %arg8[%swap3A_47], %scan3A_30#8 {strides = array<i32>} : memref<576xf32, #tpu.memory_space<vmem>>, vector<16xf32>,
      %swap3A_49 = arith.constant 144 : index
      %swap3A_50 = tpu.vector_load %arg8[%swap3A_49] {strides = array<i32>} : memref<576xf32, #tpu.memory_space<vmem>>, vector<16xf32>,
      tpu.vector_store %arg8[%swap3A_49], %scan3A_30#9 {strides = array<i32>} : memref<576xf32, #tpu.memory_space<vmem>>, vector<16xf32>,
      %swap3A_51 = arith.constant 160 : index
      %swap3A_52 = tpu.vector_load %arg8[%swap3A_51] {strides = array<i32>} : memref<576xf32, #tpu.memory_space<vmem>>, vector<16xf32>,
      tpu.vector_store %arg8[%swap3A_51], %scan3A_30#10 {strides = array<i32>} : memref<576xf32, #tpu.memory_space<vmem>>, vector<16xf32>,
      %swap3A_53 = arith.constant 176 : index
      %swap3A_54 = tpu.vector_load %arg8[%swap3A_53] {strides = array<i32>} : memref<576xf32, #tpu.memory_space<vmem>>, vector<16xf32>,
      tpu.vector_store %arg8[%swap3A_53], %scan3A_30#11 {strides = array<i32>} : memref<576xf32, #tpu.memory_space<vmem>>, vector<16xf32>,
      %swap3A_55 = arith.constant 192 : index
      %swap3A_56 = tpu.vector_load %arg8[%swap3A_55] {strides = array<i32>} : memref<576xf32, #tpu.memory_space<vmem>>, vector<16xf32>,
      tpu.vector_store %arg8[%swap3A_55], %scan3A_30#12 {strides = array<i32>} : memref<576xf32, #tpu.memory_space<vmem>>, vector<16xf32>,
      %swap3A_57 = arith.constant 208 : index
      %swap3A_58 = tpu.vector_load %arg8[%swap3A_57] {strides = array<i32>} : memref<576xf32, #tpu.memory_space<vmem>>, vector<16xf32>,
      tpu.vector_store %arg8[%swap3A_57], %scan3A_30#13 {strides = array<i32>} : memref<576xf32, #tpu.memory_space<vmem>>, vector<16xf32>,
      %swap3A_59 = arith.constant 224 : index
      %swap3A_60 = tpu.vector_load %arg8[%swap3A_59] {strides = array<i32>} : memref<576xf32, #tpu.memory_space<vmem>>, vector<16xf32>,
      tpu.vector_store %arg8[%swap3A_59], %scan3A_30#14 {strides = array<i32>} : memref<576xf32, #tpu.memory_space<vmem>>, vector<16xf32>,
      %swap3A_61 = arith.constant 240 : index
      %swap3A_62 = tpu.vector_load %arg8[%swap3A_61] {strides = array<i32>} : memref<576xf32, #tpu.memory_space<vmem>>, vector<16xf32>,
      tpu.vector_store %arg8[%swap3A_61], %scan3A_30#15 {strides = array<i32>} : memref<576xf32, #tpu.memory_space<vmem>>, vector<16xf32>,
      %swap3A_63 = arith.constant 256 : index
      %swap3A_64 = tpu.vector_load %arg8[%swap3A_63] {strides = array<i32>} : memref<576xf32, #tpu.memory_space<vmem>>, vector<16xf32>,
      tpu.vector_store %arg8[%swap3A_63], %scan3A_30#16 {strides = array<i32>} : memref<576xf32, #tpu.memory_space<vmem>>, vector<16xf32>,
      %swap3A_65 = arith.constant 272 : index
      %swap3A_66 = tpu.vector_load %arg8[%swap3A_65] {strides = array<i32>} : memref<576xf32, #tpu.memory_space<vmem>>, vector<16xf32>,
      tpu.vector_store %arg8[%swap3A_65], %scan3A_30#17 {strides = array<i32>} : memref<576xf32, #tpu.memory_space<vmem>>, vector<16xf32>,
      %swap3A_67 = arith.constant 288 : index
      %swap3A_68 = tpu.vector_load %arg8[%swap3A_67] {strides = array<i32>} : memref<576xf32, #tpu.memory_space<vmem>>, vector<16xf32>,
      tpu.vector_store %arg8[%swap3A_67], %scan3A_30#18 {strides = array<i32>} : memref<576xf32, #tpu.memory_space<vmem>>, vector<16xf32>,
      %swap3A_69 = arith.constant 304 : index
      %swap3A_70 = tpu.vector_load %arg8[%swap3A_69] {strides = array<i32>} : memref<576xf32, #tpu.memory_space<vmem>>, vector<16xf32>,
      tpu.vector_store %arg8[%swap3A_69], %scan3A_30#19 {strides = array<i32>} : memref<576xf32, #tpu.memory_space<vmem>>, vector<16xf32>,
      %swap3A_71 = arith.constant 320 : index
      %swap3A_72 = tpu.vector_load %arg8[%swap3A_71] {strides = array<i32>} : memref<576xf32, #tpu.memory_space<vmem>>, vector<16xf32>,
      tpu.vector_store %arg8[%swap3A_71], %scan3A_30#20 {strides = array<i32>} : memref<576xf32, #tpu.memory_space<vmem>>, vector<16xf32>,
      %swap3A_73 = arith.constant 336 : index
      %swap3A_74 = tpu.vector_load %arg8[%swap3A_73] {strides = array<i32>} : memref<576xf32, #tpu.memory_space<vmem>>, vector<16xf32>,
      tpu.vector_store %arg8[%swap3A_73], %scan3A_30#21 {strides = array<i32>} : memref<576xf32, #tpu.memory_space<vmem>>, vector<16xf32>,
      %swap3A_75 = arith.constant 352 : index
      %swap3A_76 = tpu.vector_load %arg8[%swap3A_75] {strides = array<i32>} : memref<576xf32, #tpu.memory_space<vmem>>, vector<16xf32>,
      tpu.vector_store %arg8[%swap3A_75], %scan3A_30#22 {strides = array<i32>} : memref<576xf32, #tpu.memory_space<vmem>>, vector<16xf32>,
      %swap3A_77 = arith.constant 368 : index
      %swap3A_78 = tpu.vector_load %arg8[%swap3A_77] {strides = array<i32>} : memref<576xf32, #tpu.memory_space<vmem>>, vector<16xf32>,
      tpu.vector_store %arg8[%swap3A_77], %scan3A_30#23 {strides = array<i32>} : memref<576xf32, #tpu.memory_space<vmem>>, vector<16xf32>,
      %swap3A_79 = arith.constant 384 : index
      %swap3A_80 = tpu.vector_load %arg8[%swap3A_79] {strides = array<i32>} : memref<576xf32, #tpu.memory_space<vmem>>, vector<16xf32>,
      tpu.vector_store %arg8[%swap3A_79], %scan3A_30#24 {strides = array<i32>} : memref<576xf32, #tpu.memory_space<vmem>>, vector<16xf32>,
      %swap3A_81 = arith.constant 400 : index
      %swap3A_82 = tpu.vector_load %arg8[%swap3A_81] {strides = array<i32>} : memref<576xf32, #tpu.memory_space<vmem>>, vector<16xf32>,
      tpu.vector_store %arg8[%swap3A_81], %scan3A_30#25 {strides = array<i32>} : memref<576xf32, #tpu.memory_space<vmem>>, vector<16xf32>,
      %swap3A_83 = arith.constant 416 : index
      %swap3A_84 = tpu.vector_load %arg8[%swap3A_83] {strides = array<i32>} : memref<576xf32, #tpu.memory_space<vmem>>, vector<16xf32>,
      tpu.vector_store %arg8[%swap3A_83], %scan3A_30#26 {strides = array<i32>} : memref<576xf32, #tpu.memory_space<vmem>>, vector<16xf32>,
      %swap3A_85 = arith.constant 432 : index
      %swap3A_86 = tpu.vector_load %arg8[%swap3A_85] {strides = array<i32>} : memref<576xf32, #tpu.memory_space<vmem>>, vector<16xf32>,
      tpu.vector_store %arg8[%swap3A_85], %scan3A_30#27 {strides = array<i32>} : memref<576xf32, #tpu.memory_space<vmem>>, vector<16xf32>,
      %swap3A_87 = arith.constant 448 : index
      %swap3A_88 = tpu.vector_load %arg8[%swap3A_87] {strides = array<i32>} : memref<576xf32, #tpu.memory_space<vmem>>, vector<16xf32>,
      tpu.vector_store %arg8[%swap3A_87], %scan3A_30#28 {strides = array<i32>} : memref<576xf32, #tpu.memory_space<vmem>>, vector<16xf32>,
      %swap3A_89 = arith.constant 464 : index
      %swap3A_90 = tpu.vector_load %arg8[%swap3A_89] {strides = array<i32>} : memref<576xf32, #tpu.memory_space<vmem>>, vector<16xf32>,
      tpu.vector_store %arg8[%swap3A_89], %scan3A_30#29 {strides = array<i32>} : memref<576xf32, #tpu.memory_space<vmem>>, vector<16xf32>,
      %swap3A_91 = arith.constant 480 : index
      %swap3A_92 = tpu.vector_load %arg8[%swap3A_91] {strides = array<i32>} : memref<576xf32, #tpu.memory_space<vmem>>, vector<16xf32>,
      tpu.vector_store %arg8[%swap3A_91], %scan3A_30#30 {strides = array<i32>} : memref<576xf32, #tpu.memory_space<vmem>>, vector<16xf32>,
      %swap3A_93 = arith.constant 496 : index
      %swap3A_94 = tpu.vector_load %arg8[%swap3A_93] {strides = array<i32>} : memref<576xf32, #tpu.memory_space<vmem>>, vector<16xf32>,
      tpu.vector_store %arg8[%swap3A_93], %scan3A_30#31 {strides = array<i32>} : memref<576xf32, #tpu.memory_space<vmem>>, vector<16xf32>,
      %swap3A_95 = arith.constant 512 : index
      %swap3A_96 = tpu.vector_load %arg8[%swap3A_95] {strides = array<i32>} : memref<576xf32, #tpu.memory_space<vmem>>, vector<16xf32>,
      tpu.vector_store %arg8[%swap3A_95], %scan3A_30#32 {strides = array<i32>} : memref<576xf32, #tpu.memory_space<vmem>>, vector<16xf32>,
      %swap3A_97 = arith.constant 528 : index
      %swap3A_98 = tpu.vector_load %arg8[%swap3A_97] {strides = array<i32>} : memref<576xf32, #tpu.memory_space<vmem>>, vector<16xf32>,
      tpu.vector_store %arg8[%swap3A_97], %scan3A_30#33 {strides = array<i32>} : memref<576xf32, #tpu.memory_space<vmem>>, vector<16xf32>,
      %swap3A_99 = arith.constant 544 : index
      %swap3A_100 = tpu.vector_load %arg8[%swap3A_99] {strides = array<i32>} : memref<576xf32, #tpu.memory_space<vmem>>, vector<16xf32>,
      tpu.vector_store %arg8[%swap3A_99], %scan3A_30#34 {strides = array<i32>} : memref<576xf32, #tpu.memory_space<vmem>>, vector<16xf32>,
      %swap3A_101 = arith.constant 560 : index
      %swap3A_102 = tpu.vector_load %arg8[%swap3A_101] {strides = array<i32>} : memref<576xf32, #tpu.memory_space<vmem>>, vector<16xf32>,
      tpu.vector_store %arg8[%swap3A_101], %scan3A_30#35 {strides = array<i32>} : memref<576xf32, #tpu.memory_space<vmem>>, vector<16xf32>,
      %broadcast_in_dim3A_103 = arith.constant 0.000000e+00 : f32
      %broadcast_in_dim3A_104 = vector.broadcast %broadcast_in_dim3A_103 : f32 to vector<16xf32>
      %bitcast_convert_type3A = tpu.bitcast %scan3A_30#36 : vector<16xf32> -> vector<16xi32>
      %add3A_105 = arith.constant 32767 : i32
      %add3A_106 = vector.broadcast %add3A_105 : i32 to vector<16xi32>
      %add3A_107 = arith.addi %bitcast_convert_type3A, %add3A_106 : vector<16xi32>
      %shift_right_logical3A = arith.constant 16 : i32
      %shift_right_logical3A_108 = vector.broadcast %shift_right_logical3A : i32 to vector<16xi32>
      %shift_right_logical3A_109 = arith.shrui %bitcast_convert_type3A, %shift_right_logical3A_108 : vector<16xi32>
      %and3A = arith.constant 1 : i32
      %and3A_110 = vector.broadcast %and3A : i32 to vector<16xi32>
      %and3A_111 = arith.andi %shift_right_logical3A_109, %and3A_110 : vector<16xi32>
      %add3A_112 = arith.addi %add3A_107, %and3A_111 : vector<16xi32>
      %and3A_113 = arith.constant -65536 : i32
      %and3A_114 = vector.broadcast %and3A_113 : i32 to vector<16xi32>
      %and3A_115 = arith.andi %add3A_112, %and3A_114 : vector<16xi32>
      %bitcast_convert_type3A_116 = tpu.bitcast %and3A_115 : vector<16xi32> -> vector<16xf32>
      %get3A = arith.constant 0 : index
      %get3A_117 = tpu.vector_load %arg6[%get3A] {strides = array<i32>} : memref<272xf32, #tpu.memory_space<vmem>>, vector<16xf32>,
      %mul3A_118 = arith.mulf %bitcast_convert_type3A_116, %get3A_117 : vector<16xf32>
      %add3A_119 = arith.addf %broadcast_in_dim3A_104, %mul3A_118 : vector<16xf32>
      %bitcast_convert_type3A_120 = tpu.bitcast %scan3A_30#37 : vector<16xf32> -> vector<16xi32>
      %add3A_121 = arith.constant 32767 : i32
      %add3A_122 = vector.broadcast %add3A_121 : i32 to vector<16xi32>
      %add3A_123 = arith.addi %bitcast_convert_type3A_120, %add3A_122 : vector<16xi32>
      %shift_right_logical3A_124 = arith.constant 16 : i32
      %shift_right_logical3A_125 = vector.broadcast %shift_right_logical3A_124 : i32 to vector<16xi32>
      %shift_right_logical3A_126 = arith.shrui %bitcast_convert_type3A_120, %shift_right_logical3A_125 : vector<16xi32>
      %and3A_127 = arith.constant 1 : i32
      %and3A_128 = vector.broadcast %and3A_127 : i32 to vector<16xi32>
      %and3A_129 = arith.andi %shift_right_logical3A_126, %and3A_128 : vector<16xi32>
      %add3A_130 = arith.addi %add3A_123, %and3A_129 : vector<16xi32>
      %and3A_131 = arith.constant -65536 : i32
      %and3A_132 = vector.broadcast %and3A_131 : i32 to vector<16xi32>
      %and3A_133 = arith.andi %add3A_130, %and3A_132 : vector<16xi32>
      %bitcast_convert_type3A_134 = tpu.bitcast %and3A_133 : vector<16xi32> -> vector<16xf32>
      %get3A_135 = arith.constant 16 : index
      %get3A_136 = tpu.vector_load %arg6[%get3A_135] {strides = array<i32>} : memref<272xf32, #tpu.memory_space<vmem>>, vector<16xf32>,
      %mul3A_137 = arith.mulf %bitcast_convert_type3A_134, %get3A_136 : vector<16xf32>
      %add3A_138 = arith.addf %add3A_119, %mul3A_137 : vector<16xf32>
      %bitcast_convert_type3A_139 = tpu.bitcast %scan3A_30#38 : vector<16xf32> -> vector<16xi32>
      %add3A_140 = arith.constant 32767 : i32
      %add3A_141 = vector.broadcast %add3A_140 : i32 to vector<16xi32>
      %add3A_142 = arith.addi %bitcast_convert_type3A_139, %add3A_141 : vector<16xi32>
      %shift_right_logical3A_143 = arith.constant 16 : i32
      %shift_right_logical3A_144 = vector.broadcast %shift_right_logical3A_143 : i32 to vector<16xi32>
      %shift_right_logical3A_145 = arith.shrui %bitcast_convert_type3A_139, %shift_right_logical3A_144 : vector<16xi32>
      %and3A_146 = arith.constant 1 : i32
      %and3A_147 = vector.broadcast %and3A_146 : i32 to vector<16xi32>
      %and3A_148 = arith.andi %shift_right_logical3A_145, %and3A_147 : vector<16xi32>
      %add3A_149 = arith.addi %add3A_142, %and3A_148 : vector<16xi32>
      %and3A_150 = arith.constant -65536 : i32
      %and3A_151 = vector.broadcast %and3A_150 : i32 to vector<16xi32>
      %and3A_152 = arith.andi %add3A_149, %and3A_151 : vector<16xi32>
      %bitcast_convert_type3A_153 = tpu.bitcast %and3A_152 : vector<16xi32> -> vector<16xf32>
      %get3A_154 = arith.constant 32 : index
      %get3A_155 = tpu.vector_load %arg6[%get3A_154] {strides = array<i32>} : memref<272xf32, #tpu.memory_space<vmem>>, vector<16xf32>,
      %mul3A_156 = arith.mulf %bitcast_convert_type3A_153, %get3A_155 : vector<16xf32>
      %add3A_157 = arith.addf %add3A_138, %mul3A_156 : vector<16xf32>
      %bitcast_convert_type3A_158 = tpu.bitcast %scan3A_30#39 : vector<16xf32> -> vector<16xi32>
      %add3A_159 = arith.constant 32767 : i32
      %add3A_160 = vector.broadcast %add3A_159 : i32 to vector<16xi32>
      %add3A_161 = arith.addi %bitcast_convert_type3A_158, %add3A_160 : vector<16xi32>
      %shift_right_logical3A_162 = arith.constant 16 : i32
      %shift_right_logical3A_163 = vector.broadcast %shift_right_logical3A_162 : i32 to vector<16xi32>
      %shift_right_logical3A_164 = arith.shrui %bitcast_convert_type3A_158, %shift_right_logical3A_163 : vector<16xi32>
      %and3A_165 = arith.constant 1 : i32
      %and3A_166 = vector.broadcast %and3A_165 : i32 to vector<16xi32>
      %and3A_167 = arith.andi %shift_right_logical3A_164, %and3A_166 : vector<16xi32>
      %add3A_168 = arith.addi %add3A_161, %and3A_167 : vector<16xi32>
      %and3A_169 = arith.constant -65536 : i32
      %and3A_170 = vector.broadcast %and3A_169 : i32 to vector<16xi32>
      %and3A_171 = arith.andi %add3A_168, %and3A_170 : vector<16xi32>
      %bitcast_convert_type3A_172 = tpu.bitcast %and3A_171 : vector<16xi32> -> vector<16xf32>
      %get3A_173 = arith.constant 48 : index
      %get3A_174 = tpu.vector_load %arg6[%get3A_173] {strides = array<i32>} : memref<272xf32, #tpu.memory_space<vmem>>, vector<16xf32>,
      %mul3A_175 = arith.mulf %bitcast_convert_type3A_172, %get3A_174 : vector<16xf32>
      %add3A_176 = arith.addf %add3A_157, %mul3A_175 : vector<16xf32>
      %bitcast_convert_type3A_177 = tpu.bitcast %scan3A_30#40 : vector<16xf32> -> vector<16xi32>
      %add3A_178 = arith.constant 32767 : i32
      %add3A_179 = vector.broadcast %add3A_178 : i32 to vector<16xi32>
      %add3A_180 = arith.addi %bitcast_convert_type3A_177, %add3A_179 : vector<16xi32>
      %shift_right_logical3A_181 = arith.constant 16 : i32
      %shift_right_logical3A_182 = vector.broadcast %shift_right_logical3A_181 : i32 to vector<16xi32>
      %shift_right_logical3A_183 = arith.shrui %bitcast_convert_type3A_177, %shift_right_logical3A_182 : vector<16xi32>
      %and3A_184 = arith.constant 1 : i32
      %and3A_185 = vector.broadcast %and3A_184 : i32 to vector<16xi32>
      %and3A_186 = arith.andi %shift_right_logical3A_183, %and3A_185 : vector<16xi32>
      %add3A_187 = arith.addi %add3A_180, %and3A_186 : vector<16xi32>
      %and3A_188 = arith.constant -65536 : i32
      %and3A_189 = vector.broadcast %and3A_188 : i32 to vector<16xi32>
      %and3A_190 = arith.andi %add3A_187, %and3A_189 : vector<16xi32>
      %bitcast_convert_type3A_191 = tpu.bitcast %and3A_190 : vector<16xi32> -> vector<16xf32>
      %get3A_192 = arith.constant 64 : index
      %get3A_193 = tpu.vector_load %arg6[%get3A_192] {strides = array<i32>} : memref<272xf32, #tpu.memory_space<vmem>>, vector<16xf32>,
      %mul3A_194 = arith.mulf %bitcast_convert_type3A_191, %get3A_193 : vector<16xf32>
      %add3A_195 = arith.addf %add3A_176, %mul3A_194 : vector<16xf32>
      %bitcast_convert_type3A_196 = tpu.bitcast %scan3A_30#41 : vector<16xf32> -> vector<16xi32>
      %add3A_197 = arith.constant 32767 : i32
      %add3A_198 = vector.broadcast %add3A_197 : i32 to vector<16xi32>
      %add3A_199 = arith.addi %bitcast_convert_type3A_196, %add3A_198 : vector<16xi32>
      %shift_right_logical3A_200 = arith.constant 16 : i32
      %shift_right_logical3A_201 = vector.broadcast %shift_right_logical3A_200 : i32 to vector<16xi32>
      %shift_right_logical3A_202 = arith.shrui %bitcast_convert_type3A_196, %shift_right_logical3A_201 : vector<16xi32>
      %and3A_203 = arith.constant 1 : i32
      %and3A_204 = vector.broadcast %and3A_203 : i32 to vector<16xi32>
      %and3A_205 = arith.andi %shift_right_logical3A_202, %and3A_204 : vector<16xi32>
      %add3A_206 = arith.addi %add3A_199, %and3A_205 : vector<16xi32>
      %and3A_207 = arith.constant -65536 : i32
      %and3A_208 = vector.broadcast %and3A_207 : i32 to vector<16xi32>
      %and3A_209 = arith.andi %add3A_206, %and3A_208 : vector<16xi32>
      %bitcast_convert_type3A_210 = tpu.bitcast %and3A_209 : vector<16xi32> -> vector<16xf32>
      %get3A_211 = arith.constant 80 : index
      %get3A_212 = tpu.vector_load %arg6[%get3A_211] {strides = array<i32>} : memref<272xf32, #tpu.memory_space<vmem>>, vector<16xf32>,
      %mul3A_213 = arith.mulf %bitcast_convert_type3A_210, %get3A_212 : vector<16xf32>
      %add3A_214 = arith.addf %add3A_195, %mul3A_213 : vector<16xf32>
      %iota3A = tpu.iota {dimensions = array<i32: 0>} : vector<16xi32>
      %xor3A = arith.constant 8 : i32
      %xor3A_215 = vector.broadcast %xor3A : i32 to vector<16xi32>
      %xor3A_216 = arith.xori %iota3A, %xor3A_215 : vector<16xi32>
      %lt3A_217 = arith.constant 0 : i32
      %lt3A_218 = vector.broadcast %lt3A_217 : i32 to vector<16xi32>
      %lt3A_219 = arith.cmpi slt, %xor3A_216, %lt3A_218 : vector<16xi32>
      %add3A_220 = arith.constant 16 : i32
      %add3A_221 = vector.broadcast %add3A_220 : i32 to vector<16xi32>
      %add3A_222 = arith.addi %xor3A_216, %add3A_221 : vector<16xi32>
      %select_n3A = arith.select %lt3A_219, %add3A_222, %xor3A_216 : vector<16xi1>, vector<16xi32>
      %broadcast_in_dim3A_223 = vector.shape_cast %select_n3A : vector<16xi32> to vector<16x1xi32>
      %gather3A = vector.shape_cast %broadcast_in_dim3A_223 : vector<16x1xi32> to vector<16xi32>
      %gather3A_224 = tpu.dynamic_gather %add3A_214[%gather3A] in [0] : vector<16xf32>, vector<16xi32> -> vector<16xf32>
      %add3A_225 = arith.addf %add3A_214, %gather3A_224 : vector<16xf32>
      %xor3A_226 = arith.constant 4 : i32
      %xor3A_227 = vector.broadcast %xor3A_226 : i32 to vector<16xi32>
      %xor3A_228 = arith.xori %iota3A, %xor3A_227 : vector<16xi32>
      %lt3A_229 = arith.constant 0 : i32
      %lt3A_230 = vector.broadcast %lt3A_229 : i32 to vector<16xi32>
      %lt3A_231 = arith.cmpi slt, %xor3A_228, %lt3A_230 : vector<16xi32>
      %add3A_232 = arith.constant 16 : i32
      %add3A_233 = vector.broadcast %add3A_232 : i32 to vector<16xi32>
      %add3A_234 = arith.addi %xor3A_228, %add3A_233 : vector<16xi32>
      %select_n3A_235 = arith.select %lt3A_231, %add3A_234, %xor3A_228 : vector<16xi1>, vector<16xi32>
      %broadcast_in_dim3A_236 = vector.shape_cast %select_n3A_235 : vector<16xi32> to vector<16x1xi32>
      %gather3A_237 = vector.shape_cast %broadcast_in_dim3A_236 : vector<16x1xi32> to vector<16xi32>
      %gather3A_238 = tpu.dynamic_gather %add3A_225[%gather3A_237] in [0] : vector<16xf32>, vector<16xi32> -> vector<16xf32>
      %add3A_239 = arith.addf %add3A_225, %gather3A_238 : vector<16xf32>
      %xor3A_240 = arith.constant 2 : i32
      %xor3A_241 = vector.broadcast %xor3A_240 : i32 to vector<16xi32>
      %xor3A_242 = arith.xori %iota3A, %xor3A_241 : vector<16xi32>
      %lt3A_243 = arith.constant 0 : i32
      %lt3A_244 = vector.broadcast %lt3A_243 : i32 to vector<16xi32>
      %lt3A_245 = arith.cmpi slt, %xor3A_242, %lt3A_244 : vector<16xi32>
      %add3A_246 = arith.constant 16 : i32
      %add3A_247 = vector.broadcast %add3A_246 : i32 to vector<16xi32>
      %add3A_248 = arith.addi %xor3A_242, %add3A_247 : vector<16xi32>
      %select_n3A_249 = arith.select %lt3A_245, %add3A_248, %xor3A_242 : vector<16xi1>, vector<16xi32>
      %broadcast_in_dim3A_250 = vector.shape_cast %select_n3A_249 : vector<16xi32> to vector<16x1xi32>
      %gather3A_251 = vector.shape_cast %broadcast_in_dim3A_250 : vector<16x1xi32> to vector<16xi32>
      %gather3A_252 = tpu.dynamic_gather %add3A_239[%gather3A_251] in [0] : vector<16xf32>, vector<16xi32> -> vector<16xf32>
      %add3A_253 = arith.addf %add3A_239, %gather3A_252 : vector<16xf32>
      %xor3A_254 = arith.constant 1 : i32
      %xor3A_255 = vector.broadcast %xor3A_254 : i32 to vector<16xi32>
      %xor3A_256 = arith.xori %iota3A, %xor3A_255 : vector<16xi32>
      %lt3A_257 = arith.constant 0 : i32
      %lt3A_258 = vector.broadcast %lt3A_257 : i32 to vector<16xi32>
      %lt3A_259 = arith.cmpi slt, %xor3A_256, %lt3A_258 : vector<16xi32>
      %add3A_260 = arith.constant 16 : i32
      %add3A_261 = vector.broadcast %add3A_260 : i32 to vector<16xi32>
      %add3A_262 = arith.addi %xor3A_256, %add3A_261 : vector<16xi32>
      %select_n3A_263 = arith.select %lt3A_259, %add3A_262, %xor3A_256 : vector<16xi1>, vector<16xi32>
      %broadcast_in_dim3A_264 = vector.shape_cast %select_n3A_263 : vector<16xi32> to vector<16x1xi32>
      %gather3A_265 = vector.shape_cast %broadcast_in_dim3A_264 : vector<16x1xi32> to vector<16xi32>
      %gather3A_266 = tpu.dynamic_gather %add3A_253[%gather3A_265] in [0] : vector<16xf32>, vector<16xi32> -> vector<16xf32>
      %add3A_267 = arith.addf %add3A_253, %gather3A_266 : vector<16xf32>
      %iota3A_268 = tpu.iota {dimensions = array<i32: 0>} : vector<16xi32>
      %scan3A_269 = arith.constant 0 : i32
      %scan3A_270 = arith.constant 6 : i32
      %scan3A_271 = arith.addi %scan3A_269, %scan3A_270 : i32
      %scan3A_272 = arith.constant 1 : i32
      %scan3A_273 = scf.for %scan3A_279 = %scan3A_269 to %scan3A_271 step %scan3A_272 iter_args(%scan3A_280 = %broadcast_in_dim3A_26) -> (vector<16xf32>)  : i32 {
        %broadcast_in_dim3A_281 = arith.constant 0.000000e+00 : f32
        %broadcast_in_dim3A_282 = vector.broadcast %broadcast_in_dim3A_281 : f32 to vector<16xf32>
        %mul3A_283 = arith.constant 96 : i32
        %mul3A_284 = arith.muli %scan3A_279, %mul3A_283 : i32
        %add3A_285 = arith.constant 0 : i32
        %add3A_286 = arith.addi %mul3A_284, %add3A_285 : i32
        %get3A_287 = arith.index_cast %add3A_286 : i32 to index
        %get3A_288 = tpu.vector_load %arg8[%get3A_287] {strides = array<i32>} : memref<576xf32, #tpu.memory_space<vmem>>, vector<16xf32>,
        %bitcast_convert_type3A_289 = tpu.bitcast %get3A_288 : vector<16xf32> -> vector<16xi32>
        %add3A_290 = arith.constant 32767 : i32
        %add3A_291 = vector.broadcast %add3A_290 : i32 to vector<16xi32>
        %add3A_292 = arith.addi %bitcast_convert_type3A_289, %add3A_291 : vector<16xi32>
        %shift_right_logical3A_293 = arith.constant 16 : i32
        %shift_right_logical3A_294 = vector.broadcast %shift_right_logical3A_293 : i32 to vector<16xi32>
        %shift_right_logical3A_295 = arith.shrui %bitcast_convert_type3A_289, %shift_right_logical3A_294 : vector<16xi32>
        %and3A_296 = arith.constant 1 : i32
        %and3A_297 = vector.broadcast %and3A_296 : i32 to vector<16xi32>
        %and3A_298 = arith.andi %shift_right_logical3A_295, %and3A_297 : vector<16xi32>
        %add3A_299 = arith.addi %add3A_292, %and3A_298 : vector<16xi32>
        %and3A_300 = arith.constant -65536 : i32
        %and3A_301 = vector.broadcast %and3A_300 : i32 to vector<16xi32>
        %and3A_302 = arith.andi %add3A_299, %and3A_301 : vector<16xi32>
        %bitcast_convert_type3A_303 = tpu.bitcast %and3A_302 : vector<16xi32> -> vector<16xf32>
        %get3A_304 = arith.constant 96 : index
        %get3A_305 = tpu.vector_load %arg6[%get3A_304] {strides = array<i32>} : memref<272xf32, #tpu.memory_space<vmem>>, vector<16xf32>,
        %mul3A_306 = arith.mulf %bitcast_convert_type3A_303, %get3A_305 : vector<16xf32>
        %add3A_307 = arith.addf %broadcast_in_dim3A_282, %mul3A_306 : vector<16xf32>
        %mul3A_308 = arith.constant 96 : i32
        %mul3A_309 = arith.muli %scan3A_279, %mul3A_308 : i32
        %add3A_310 = arith.constant 16 : i32
        %add3A_311 = arith.addi %mul3A_309, %add3A_310 : i32
        %get3A_312 = arith.index_cast %add3A_311 : i32 to index
        %get3A_313 = tpu.vector_load %arg8[%get3A_312] {strides = array<i32>} : memref<576xf32, #tpu.memory_space<vmem>>, vector<16xf32>,
        %bitcast_convert_type3A_314 = tpu.bitcast %get3A_313 : vector<16xf32> -> vector<16xi32>
        %add3A_315 = arith.constant 32767 : i32
        %add3A_316 = vector.broadcast %add3A_315 : i32 to vector<16xi32>
        %add3A_317 = arith.addi %bitcast_convert_type3A_314, %add3A_316 : vector<16xi32>
        %shift_right_logical3A_318 = arith.constant 16 : i32
        %shift_right_logical3A_319 = vector.broadcast %shift_right_logical3A_318 : i32 to vector<16xi32>
        %shift_right_logical3A_320 = arith.shrui %bitcast_convert_type3A_314, %shift_right_logical3A_319 : vector<16xi32>
        %and3A_321 = arith.constant 1 : i32
        %and3A_322 = vector.broadcast %and3A_321 : i32 to vector<16xi32>
        %and3A_323 = arith.andi %shift_right_logical3A_320, %and3A_322 : vector<16xi32>
        %add3A_324 = arith.addi %add3A_317, %and3A_323 : vector<16xi32>
        %and3A_325 = arith.constant -65536 : i32
        %and3A_326 = vector.broadcast %and3A_325 : i32 to vector<16xi32>
        %and3A_327 = arith.andi %add3A_324, %and3A_326 : vector<16xi32>
        %bitcast_convert_type3A_328 = tpu.bitcast %and3A_327 : vector<16xi32> -> vector<16xf32>
        %get3A_329 = arith.constant 112 : index
        %get3A_330 = tpu.vector_load %arg6[%get3A_329] {strides = array<i32>} : memref<272xf32, #tpu.memory_space<vmem>>, vector<16xf32>,
        %mul3A_331 = arith.mulf %bitcast_convert_type3A_328, %get3A_330 : vector<16xf32>
        %add3A_332 = arith.addf %add3A_307, %mul3A_331 : vector<16xf32>
        %mul3A_333 = arith.constant 96 : i32
        %mul3A_334 = arith.muli %scan3A_279, %mul3A_333 : i32
        %add3A_335 = arith.constant 32 : i32
        %add3A_336 = arith.addi %mul3A_334, %add3A_335 : i32
        %get3A_337 = arith.index_cast %add3A_336 : i32 to index
        %get3A_338 = tpu.vector_load %arg8[%get3A_337] {strides = array<i32>} : memref<576xf32, #tpu.memory_space<vmem>>, vector<16xf32>,
        %bitcast_convert_type3A_339 = tpu.bitcast %get3A_338 : vector<16xf32> -> vector<16xi32>
        %add3A_340 = arith.constant 32767 : i32
        %add3A_341 = vector.broadcast %add3A_340 : i32 to vector<16xi32>
        %add3A_342 = arith.addi %bitcast_convert_type3A_339, %add3A_341 : vector<16xi32>
        %shift_right_logical3A_343 = arith.constant 16 : i32
        %shift_right_logical3A_344 = vector.broadcast %shift_right_logical3A_343 : i32 to vector<16xi32>
        %shift_right_logical3A_345 = arith.shrui %bitcast_convert_type3A_339, %shift_right_logical3A_344 : vector<16xi32>
        %and3A_346 = arith.constant 1 : i32
        %and3A_347 = vector.broadcast %and3A_346 : i32 to vector<16xi32>
        %and3A_348 = arith.andi %shift_right_logical3A_345, %and3A_347 : vector<16xi32>
        %add3A_349 = arith.addi %add3A_342, %and3A_348 : vector<16xi32>
        %and3A_350 = arith.constant -65536 : i32
        %and3A_351 = vector.broadcast %and3A_350 : i32 to vector<16xi32>
        %and3A_352 = arith.andi %add3A_349, %and3A_351 : vector<16xi32>
        %bitcast_convert_type3A_353 = tpu.bitcast %and3A_352 : vector<16xi32> -> vector<16xf32>
        %get3A_354 = arith.constant 128 : index
        %get3A_355 = tpu.vector_load %arg6[%get3A_354] {strides = array<i32>} : memref<272xf32, #tpu.memory_space<vmem>>, vector<16xf32>,
        %mul3A_356 = arith.mulf %bitcast_convert_type3A_353, %get3A_355 : vector<16xf32>
        %add3A_357 = arith.addf %add3A_332, %mul3A_356 : vector<16xf32>
        %mul3A_358 = arith.constant 96 : i32
        %mul3A_359 = arith.muli %scan3A_279, %mul3A_358 : i32
        %add3A_360 = arith.constant 48 : i32
        %add3A_361 = arith.addi %mul3A_359, %add3A_360 : i32
        %get3A_362 = arith.index_cast %add3A_361 : i32 to index
        %get3A_363 = tpu.vector_load %arg8[%get3A_362] {strides = array<i32>} : memref<576xf32, #tpu.memory_space<vmem>>, vector<16xf32>,
        %bitcast_convert_type3A_364 = tpu.bitcast %get3A_363 : vector<16xf32> -> vector<16xi32>
        %add3A_365 = arith.constant 32767 : i32
        %add3A_366 = vector.broadcast %add3A_365 : i32 to vector<16xi32>
        %add3A_367 = arith.addi %bitcast_convert_type3A_364, %add3A_366 : vector<16xi32>
        %shift_right_logical3A_368 = arith.constant 16 : i32
        %shift_right_logical3A_369 = vector.broadcast %shift_right_logical3A_368 : i32 to vector<16xi32>
        %shift_right_logical3A_370 = arith.shrui %bitcast_convert_type3A_364, %shift_right_logical3A_369 : vector<16xi32>
        %and3A_371 = arith.constant 1 : i32
        %and3A_372 = vector.broadcast %and3A_371 : i32 to vector<16xi32>
        %and3A_373 = arith.andi %shift_right_logical3A_370, %and3A_372 : vector<16xi32>
        %add3A_374 = arith.addi %add3A_367, %and3A_373 : vector<16xi32>
        %and3A_375 = arith.constant -65536 : i32
        %and3A_376 = vector.broadcast %and3A_375 : i32 to vector<16xi32>
        %and3A_377 = arith.andi %add3A_374, %and3A_376 : vector<16xi32>
        %bitcast_convert_type3A_378 = tpu.bitcast %and3A_377 : vector<16xi32> -> vector<16xf32>
        %get3A_379 = arith.constant 144 : index
        %get3A_380 = tpu.vector_load %arg6[%get3A_379] {strides = array<i32>} : memref<272xf32, #tpu.memory_space<vmem>>, vector<16xf32>,
        %mul3A_381 = arith.mulf %bitcast_convert_type3A_378, %get3A_380 : vector<16xf32>
        %add3A_382 = arith.addf %add3A_357, %mul3A_381 : vector<16xf32>
        %mul3A_383 = arith.constant 96 : i32
        %mul3A_384 = arith.muli %scan3A_279, %mul3A_383 : i32
        %add3A_385 = arith.constant 64 : i32
        %add3A_386 = arith.addi %mul3A_384, %add3A_385 : i32
        %get3A_387 = arith.index_cast %add3A_386 : i32 to index
        %get3A_388 = tpu.vector_load %arg8[%get3A_387] {strides = array<i32>} : memref<576xf32, #tpu.memory_space<vmem>>, vector<16xf32>,
        %bitcast_convert_type3A_389 = tpu.bitcast %get3A_388 : vector<16xf32> -> vector<16xi32>
        %add3A_390 = arith.constant 32767 : i32
        %add3A_391 = vector.broadcast %add3A_390 : i32 to vector<16xi32>
        %add3A_392 = arith.addi %bitcast_convert_type3A_389, %add3A_391 : vector<16xi32>
        %shift_right_logical3A_393 = arith.constant 16 : i32
        %shift_right_logical3A_394 = vector.broadcast %shift_right_logical3A_393 : i32 to vector<16xi32>
        %shift_right_logical3A_395 = arith.shrui %bitcast_convert_type3A_389, %shift_right_logical3A_394 : vector<16xi32>
        %and3A_396 = arith.constant 1 : i32
        %and3A_397 = vector.broadcast %and3A_396 : i32 to vector<16xi32>
        %and3A_398 = arith.andi %shift_right_logical3A_395, %and3A_397 : vector<16xi32>
        %add3A_399 = arith.addi %add3A_392, %and3A_398 : vector<16xi32>
        %and3A_400 = arith.constant -65536 : i32
        %and3A_401 = vector.broadcast %and3A_400 : i32 to vector<16xi32>
        %and3A_402 = arith.andi %add3A_399, %and3A_401 : vector<16xi32>
        %bitcast_convert_type3A_403 = tpu.bitcast %and3A_402 : vector<16xi32> -> vector<16xf32>
        %get3A_404 = arith.constant 160 : index
        %get3A_405 = tpu.vector_load %arg6[%get3A_404] {strides = array<i32>} : memref<272xf32, #tpu.memory_space<vmem>>, vector<16xf32>,
        %mul3A_406 = arith.mulf %bitcast_convert_type3A_403, %get3A_405 : vector<16xf32>
        %add3A_407 = arith.addf %add3A_382, %mul3A_406 : vector<16xf32>
        %mul3A_408 = arith.constant 96 : i32
        %mul3A_409 = arith.muli %scan3A_279, %mul3A_408 : i32
        %add3A_410 = arith.constant 80 : i32
        %add3A_411 = arith.addi %mul3A_409, %add3A_410 : i32
        %get3A_412 = arith.index_cast %add3A_411 : i32 to index
        %get3A_413 = tpu.vector_load %arg8[%get3A_412] {strides = array<i32>} : memref<576xf32, #tpu.memory_space<vmem>>, vector<16xf32>,
        %bitcast_convert_type3A_414 = tpu.bitcast %get3A_413 : vector<16xf32> -> vector<16xi32>
        %add3A_415 = arith.constant 32767 : i32
        %add3A_416 = vector.broadcast %add3A_415 : i32 to vector<16xi32>
        %add3A_417 = arith.addi %bitcast_convert_type3A_414, %add3A_416 : vector<16xi32>
        %shift_right_logical3A_418 = arith.constant 16 : i32
        %shift_right_logical3A_419 = vector.broadcast %shift_right_logical3A_418 : i32 to vector<16xi32>
        %shift_right_logical3A_420 = arith.shrui %bitcast_convert_type3A_414, %shift_right_logical3A_419 : vector<16xi32>
        %and3A_421 = arith.constant 1 : i32
        %and3A_422 = vector.broadcast %and3A_421 : i32 to vector<16xi32>
        %and3A_423 = arith.andi %shift_right_logical3A_420, %and3A_422 : vector<16xi32>
        %add3A_424 = arith.addi %add3A_417, %and3A_423 : vector<16xi32>
        %and3A_425 = arith.constant -65536 : i32
        %and3A_426 = vector.broadcast %and3A_425 : i32 to vector<16xi32>
        %and3A_427 = arith.andi %add3A_424, %and3A_426 : vector<16xi32>
        %bitcast_convert_type3A_428 = tpu.bitcast %and3A_427 : vector<16xi32> -> vector<16xf32>
        %get3A_429 = arith.constant 176 : index
        %get3A_430 = tpu.vector_load %arg6[%get3A_429] {strides = array<i32>} : memref<272xf32, #tpu.memory_space<vmem>>, vector<16xf32>,
        %mul3A_431 = arith.mulf %bitcast_convert_type3A_428, %get3A_430 : vector<16xf32>
        %add3A_432 = arith.addf %add3A_407, %mul3A_431 : vector<16xf32>
        %iota3A_433 = tpu.iota {dimensions = array<i32: 0>} : vector<16xi32>
        %xor3A_434 = arith.constant 8 : i32
        %xor3A_435 = vector.broadcast %xor3A_434 : i32 to vector<16xi32>
        %xor3A_436 = arith.xori %iota3A_433, %xor3A_435 : vector<16xi32>
        %lt3A_437 = arith.constant 0 : i32
        %lt3A_438 = vector.broadcast %lt3A_437 : i32 to vector<16xi32>
        %lt3A_439 = arith.cmpi slt, %xor3A_436, %lt3A_438 : vector<16xi32>
        %add3A_440 = arith.constant 16 : i32
        %add3A_441 = vector.broadcast %add3A_440 : i32 to vector<16xi32>
        %add3A_442 = arith.addi %xor3A_436, %add3A_441 : vector<16xi32>
        %select_n3A_443 = arith.select %lt3A_439, %add3A_442, %xor3A_436 : vector<16xi1>, vector<16xi32>
        %broadcast_in_dim3A_444 = vector.shape_cast %select_n3A_443 : vector<16xi32> to vector<16x1xi32>
        %gather3A_445 = vector.shape_cast %broadcast_in_dim3A_444 : vector<16x1xi32> to vector<16xi32>
        %gather3A_446 = tpu.dynamic_gather %add3A_432[%gather3A_445] in [0] : vector<16xf32>, vector<16xi32> -> vector<16xf32>
        %add3A_447 = arith.addf %add3A_432, %gather3A_446 : vector<16xf32>
        %xor3A_448 = arith.constant 4 : i32
        %xor3A_449 = vector.broadcast %xor3A_448 : i32 to vector<16xi32>
        %xor3A_450 = arith.xori %iota3A_433, %xor3A_449 : vector<16xi32>
        %lt3A_451 = arith.constant 0 : i32
        %lt3A_452 = vector.broadcast %lt3A_451 : i32 to vector<16xi32>
        %lt3A_453 = arith.cmpi slt, %xor3A_450, %lt3A_452 : vector<16xi32>
        %add3A_454 = arith.constant 16 : i32
        %add3A_455 = vector.broadcast %add3A_454 : i32 to vector<16xi32>
        %add3A_456 = arith.addi %xor3A_450, %add3A_455 : vector<16xi32>
        %select_n3A_457 = arith.select %lt3A_453, %add3A_456, %xor3A_450 : vector<16xi1>, vector<16xi32>
        %broadcast_in_dim3A_458 = vector.shape_cast %select_n3A_457 : vector<16xi32> to vector<16x1xi32>
        %gather3A_459 = vector.shape_cast %broadcast_in_dim3A_458 : vector<16x1xi32> to vector<16xi32>
        %gather3A_460 = tpu.dynamic_gather %add3A_447[%gather3A_459] in [0] : vector<16xf32>, vector<16xi32> -> vector<16xf32>
        %add3A_461 = arith.addf %add3A_447, %gather3A_460 : vector<16xf32>
        %xor3A_462 = arith.constant 2 : i32
        %xor3A_463 = vector.broadcast %xor3A_462 : i32 to vector<16xi32>
        %xor3A_464 = arith.xori %iota3A_433, %xor3A_463 : vector<16xi32>
        %lt3A_465 = arith.constant 0 : i32
        %lt3A_466 = vector.broadcast %lt3A_465 : i32 to vector<16xi32>
        %lt3A_467 = arith.cmpi slt, %xor3A_464, %lt3A_466 : vector<16xi32>
        %add3A_468 = arith.constant 16 : i32
        %add3A_469 = vector.broadcast %add3A_468 : i32 to vector<16xi32>
        %add3A_470 = arith.addi %xor3A_464, %add3A_469 : vector<16xi32>
        %select_n3A_471 = arith.select %lt3A_467, %add3A_470, %xor3A_464 : vector<16xi1>, vector<16xi32>
        %broadcast_in_dim3A_472 = vector.shape_cast %select_n3A_471 : vector<16xi32> to vector<16x1xi32>
        %gather3A_473 = vector.shape_cast %broadcast_in_dim3A_472 : vector<16x1xi32> to vector<16xi32>
        %gather3A_474 = tpu.dynamic_gather %add3A_461[%gather3A_473] in [0] : vector<16xf32>, vector<16xi32> -> vector<16xf32>
        %add3A_475 = arith.addf %add3A_461, %gather3A_474 : vector<16xf32>
        %xor3A_476 = arith.constant 1 : i32
        %xor3A_477 = vector.broadcast %xor3A_476 : i32 to vector<16xi32>
        %xor3A_478 = arith.xori %iota3A_433, %xor3A_477 : vector<16xi32>
        %lt3A_479 = arith.constant 0 : i32
        %lt3A_480 = vector.broadcast %lt3A_479 : i32 to vector<16xi32>
        %lt3A_481 = arith.cmpi slt, %xor3A_478, %lt3A_480 : vector<16xi32>
        %add3A_482 = arith.constant 16 : i32
        %add3A_483 = vector.broadcast %add3A_482 : i32 to vector<16xi32>
        %add3A_484 = arith.addi %xor3A_478, %add3A_483 : vector<16xi32>
        %select_n3A_485 = arith.select %lt3A_481, %add3A_484, %xor3A_478 : vector<16xi1>, vector<16xi32>
        %broadcast_in_dim3A_486 = vector.shape_cast %select_n3A_485 : vector<16xi32> to vector<16x1xi32>
        %gather3A_487 = vector.shape_cast %broadcast_in_dim3A_486 : vector<16x1xi32> to vector<16xi32>
        %gather3A_488 = tpu.dynamic_gather %add3A_475[%gather3A_487] in [0] : vector<16xf32>, vector<16xi32> -> vector<16xf32>
        %add3A_489 = arith.addf %add3A_475, %gather3A_488 : vector<16xf32>
        %add3A_490 = arith.addf %add3A_489, %add3A_267 : vector<16xf32>
        %ge3A = arith.constant 0.000000e+00 : f32
        %ge3A_491 = vector.broadcast %ge3A : f32 to vector<16xf32>
        %ge3A_492 = arith.cmpf oge, %add3A_490, %ge3A_491 : vector<16xf32>
        %mul3A_493 = arith.constant 2.000000e-01 : f32
        %mul3A_494 = vector.broadcast %mul3A_493 : f32 to vector<16xf32>
        %mul3A_495 = arith.mulf %mul3A_494, %add3A_490 : vector<16xf32>
        %select_n3A_496 = arith.select %ge3A_492, %add3A_490, %mul3A_495 : vector<16xi1>, vector<16xf32>
        %eq3A = vector.broadcast %scan3A_279 : i32 to vector<16xi32>
        %eq3A_497 = arith.cmpi eq, %iota3A_268, %eq3A : vector<16xi32>
        %select_n3A_498 = arith.select %eq3A_497, %select_n3A_496, %scan3A_280 : vector<16xi1>, vector<16xf32>
        scf.yield %select_n3A_498 : vector<16xf32>
      }
      %scan3A_274 = arith.constant 6 : i32
      %swap3A_275 = arith.constant 0 : index
      %swap3A_276 = tpu.vector_load %arg7[%swap3A_275] {strides = array<i32>} : memref<16xf32, #tpu.memory_space<vmem>>, vector<16xf32>,
      tpu.vector_store %arg7[%swap3A_275], %scan3A_273 {strides = array<i32>} : memref<16xf32, #tpu.memory_space<vmem>>, vector<16xf32>,
      %mul3A_277 = arith.constant 16 : i32
      %mul3A_278 = arith.muli %arg1, %mul3A_277 : i32
      "tpu.region"() ({
        %run_scoped3A = tpu.sem_alloc : memref<!tpu.dma_semaphore, #tpu.memory_space<semaphore_mem>>
        %dma_start3A_279 = tpu.memref_slice %arg3[%mul3A_278] : memref<208xf32, #tpu.memory_space<hbm>> -> memref<16xf32, #tpu.memory_space<hbm>>
        %dma_start3A_280 = tpu.memref_slice %arg3[%mul3A_278] : memref<208xf32, #tpu.memory_space<hbm>> -> memref<16xf32, #tpu.memory_space<hbm>>
        tpu.enqueue_dma source(%arg7 : memref<16xf32, #tpu.memory_space<vmem>>) target(%dma_start3A_280 : memref<16xf32, #tpu.memory_space<hbm>>) target_semaphore(%run_scoped3A : memref<!tpu.dma_semaphore, #tpu.memory_space<semaphore_mem>>)
        %dma_wait3A_281 = tpu.memref_slice %arg3[%mul3A_278] : memref<208xf32, #tpu.memory_space<hbm>> -> memref<16xf32, #tpu.memory_space<hbm>>
        %dma_wait3A_282 = tpu.memref_slice %arg3[%mul3A_278] : memref<208xf32, #tpu.memory_space<hbm>> -> memref<16xf32, #tpu.memory_space<hbm>>
        tpu.wait_dma2 semaphore(%run_scoped3A : memref<!tpu.dma_semaphore, #tpu.memory_space<semaphore_mem>>) src(%arg7 : memref<16xf32, #tpu.memory_space<vmem>>) dst(%dma_wait3A_282 : memref<16xf32, #tpu.memory_space<hbm>>)
        tpu.yield
      }) : () -> ()
    } else {
    }
    return
  }
}

</mosaic_0001>

<sc_bundles>
// kernel: similarity_sc.3.cloned.1.call-start
scs
__scs_entry_jumppad:
0x0: {  	(pc) =	sbr.rel $0x88, $3  }
0x1: {  	(tag) =	ssettag $0x0;
	lr =	simm.s32 $0x1  }
0x2: {  	[smem:$0x3F9E] =	sst lr;
	_ =	strace $0xD0000000  }
0x3: {  	_ = 	snop  }
0x4: {  	_ = 	snop  }
0x5: {  	_ = 	snop  }
0x6: {  	_ = 	snop  }
0x7: {  	_ = 	snop  }
__scs_overlays_trampoline_lowered:
0x8: {  	[smem:$0x3FAD] =	sst s0  }
0x9: {  	[smem:$0x3FAE] =	sst s1  }
0xa: {  	[smem:$0x3FAF] =	sst s2  }
0xb: {  	[smem:$0x3FB0] =	sst s3  }
0xc: {  	[smem:$0x3FB1] =	sst s4  }
0xd: {  	[smem:$0x3FB2] =	sst s5  }
0xe: {  	[smem:$0x3FB3] =	sst s6  }
0xf: {  	[smem:$0x3FB4] =	sst s7  }
0x10: {  	[smem:$0x3FB5] =	sst s8  }
0x11: {  	[smem:$0x3FB6] =	sst s9;
	s0 =	simm.s32 @!p0 $0x0  }
0x12: {  	s1 =	sld [smem:$0x3F9C];
	s0 =	simm.s32 @p0 $0x1  }
0x13: {  	[smem:$0x3FB7] =	sst s0;
	s0 =	simm.s32 @!p1 $0x0  }
0x14: {  	s2 =	sld [smem:$0x3F9B];
	s0 =	simm.s32 @p1 $0x1  }
0x15: {  	[smem:$0x3FB8] =	sst s0;
	s0 =	simm.s32 @!p2 $0x0  }
0x16: {  	s3 =	sld [smem:$0x3FDB];
	s0 =	simm.s32 @p2 $0x1  }
0x17: {  	s4 =	simm.s32 $0x1BF5;
	[smem:$0x3FBA] =	sst s0  }
0x18: {  	s0 =	sld [smem:$0x3F9D];
	_ =	swait.ge [sflag:s4], $0x0  }
0x19: {  	s7 =	sld [smem:$0x3F9E]  }
0x1a: {  	s8 =	sadd.s32 $0xFFFFE003, lr  }
0x1b: {  	s9 =	sadd.s32 $0xFFFFFEF7, lr;
	s5 =	simm.s32 $0xFFFFFFFF;
	p2 =	slt.u32 s8, $0xFFFFF086  }
0x1c: {  	p1 =	slt.u32 s9, $0xF7A;
	s5 =	simm.s32 @!p2 $0x0  }
0x1d: {  	s5 =	simm.s32 @p1 $0x1;
	p0 =	seq.s32 s7, s2  }
0x1e: {  	s7 =	smul.u32 @!p0 $0xF7A, s2;
	p2 =	seq.s32 @!p0 s5, $0x0  }
0x1f: {  	s9 =	smul.u32 $0xF7A, s1;
	s8 =	simm.s32 @!p0 $0x1BF5;
	p2 =	por !p2, p0  }
0x20: {  	[sflag:s8] =	ssyncset.s32 @!p0 $0xFFFFF086;
	s6 =	sadd.s32 @!p0 s3, s7;
	s7 =	simm.s32 @!p0 $0x108  }
0x21: {  	s3 =	sadd.s32 s3, s9;
	s6 =	sadd.s32 @!p0 $0x88, s6;
	s7 =	simm.s32 @p2 $0x1082  }
0x22: {  	[simem:s7], [sflag:s8] =	dma.local @!p0 [hbm:s6], $0xF7A  }
0x23: {  	s9 =	sor.u32 $0xD0000000, s2;
	s6 =	simm.s32 $0x108;
	_ =	swait.ge @!p0 [sflag:s8], $0x0  }
0x24: {  	s3 =	sadd.s32 $0x88, s3;
	s6 =	simm.s32 @!p1 $0x1082;
	[sflag:s4] =	ssyncset.s32 $0xFFFFF086  }
0x25: {  	[simem:s6], [sflag:s4] =	dma.local [hbm:s3], $0xF7A  }
0x26: {  	[smem:$0x3F9E] =	sst s1;
	(tag) =	ssettag s2;
	_ =	strace s9  }
0x27: {  	s1 =	sld [smem:$0x3FAE]  }
0x28: {  	s2 =	sld [smem:$0x3FAF]  }
0x29: {  	s4 =	sld [smem:$0x3FB1]  }
0x2a: {  	p0 =	seq.s32 s5, $0x0;
	s5 =	sld [smem:$0x3FB2]  }
0x2b: {  	s6 =	sld [smem:$0x3FB3]  }
0x2c: {  	s7 =	sld [smem:$0x3FB4]  }
0x2d: {  	s3 =	simm.s32 $0x108;
	s8 =	sld [smem:$0x3FB5]  }
0x2e: {  	s3 =	simm.s32 @!p0 $0x1082;
	s9 =	sld [smem:$0x3FB6]  }
0x2f: {  	lr =	sadd.s32 s0, s3;
	s0 =	sld [smem:$0x3FAD]  }
0x30: {  	s3 =	sld [smem:$0x3FB0]  }
0x31: {  	[smem:$0x3FB9] =	sst s10  }
0x32: {  	s10 =	sld [smem:$0x3FB7];
	_ =	sdelay $0x3  }
0x33: {  	p0 =	seq.s32 s10, $0x1;
	s10 =	sld [smem:$0x3FB9];
	_ =	sdelay $0x3  }
0x34: {  	[smem:$0x3FB9] =	sst s10  }
0x35: {  	s10 =	sld [smem:$0x3FB8];
	_ =	sdelay $0x3  }
0x36: {  	p1 =	seq.s32 s10, $0x1;
	s10 =	sld [smem:$0x3FB9];
	_ =	sdelay $0x3  }
0x37: {  	[smem:$0x3FB9] =	sst s10  }
0x38: {  	s10 =	sld [smem:$0x3FBA]  }
0x39: {  	_ = 	snop;
	(pc) =	sbr.ind lr, $3  }
0x3a: {  	_ = 	snop  }
0x3b: {  	_ = 	snop  }
0x3c: {  	p2 =	seq.s32 s10, $0x1;
	s10 =	sld [smem:$0x3FB9]  }
0x3d: {  	_ =	shalt  }
0x3e: {  	_ =	shalt  }
0x3f: {  	_ =	shalt  }
0x40: {  	_ =	shalt  }
0x41: {  	_ =	shalt  }
0x42: {  	_ =	shalt  }
0x43: {  	_ =	shalt  }
0x44: {  	_ =	shalt  }
0x45: {  	_ =	shalt  }
0x46: {  	_ =	shalt  }
0x47: {  	_ =	shalt  }
0x48: {  	_ =	shalt  }
0x49: {  	_ =	shalt  }
0x4a: {  	_ =	shalt  }
0x4b: {  	_ =	shalt  }
0x4c: {  	_ =	shalt  }
0x4d: {  	_ =	shalt  }
0x4e: {  	_ =	shalt  }
0x4f: {  	_ =	shalt  }
0x50: {  	_ =	shalt  }
0x51: {  	_ =	shalt  }
0x52: {  	_ =	shalt  }
0x53: {  	_ =	shalt  }
0x54: {  	_ =	shalt  }
0x55: {  	_ =	shalt  }
0x56: {  	_ =	shalt  }
0x57: {  	_ =	shalt  }
0x58: {  	_ =	shalt  }
0x59: {  	_ =	shalt  }
0x5a: {  	_ =	shalt  }
0x5b: {  	_ =	shalt  }
0x5c: {  	_ =	shalt  }
0x5d: {  	_ =	shalt  }
0x5e: {  	_ =	shalt  }
0x5f: {  	_ =	shalt  }
0x60: {  	_ =	shalt  }
0x61: {  	_ =	shalt  }
0x62: {  	_ =	shalt  }
0x63: {  	_ =	shalt  }
0x64: {  	_ =	shalt  }
0x65: {  	_ =	shalt  }
0x66: {  	_ =	shalt  }
0x67: {  	_ =	shalt  }
0x68: {  	_ =	shalt  }
0x69: {  	_ =	shalt  }
0x6a: {  	_ =	shalt  }
0x6b: {  	_ =	shalt  }
0x6c: {  	_ =	shalt  }
0x6d: {  	_ =	shalt  }
0x6e: {  	_ =	shalt  }
0x6f: {  	_ =	shalt  }
0x70: {  	_ =	shalt  }
0x71: {  	_ =	shalt  }
0x72: {  	_ =	shalt  }
0x73: {  	_ =	shalt  }
0x74: {  	_ =	shalt  }
0x75: {  	_ =	shalt  }
0x76: {  	_ =	shalt  }
0x77: {  	_ =	shalt  }
0x78: {  	_ =	shalt  }
0x79: {  	_ =	shalt  }
0x7a: {  	_ =	shalt  }
0x7b: {  	_ =	shalt  }
0x7c: {  	_ =	shalt  }
0x7d: {  	_ =	shalt  }
0x7e: {  	_ =	shalt  }
0x7f: {  	_ =	shalt  }
0x80: {  	_ =	shalt  }
0x81: {  	_ =	shalt  }
0x82: {  	_ =	shalt  }
0x83: {  	_ =	shalt  }
0x84: {  	_ =	shalt  }
0x85: {  	_ =	shalt  }
0x86: {  	_ =	shalt  }
0x87: {  	_ =	shalt  }
.Lfunc_end0:
.L_simem_size_0:
called_computation_lowered:
.L_overlay_start_0:
0x88: {  	s0 =	sld [smem:$0x3FD9]  }
0x89: {  	s1 =	sld [smem:$0x3FFE];
	_ =	sdelay $0x3  }
0x8a: {  	s0 =	sadd.s32 s1, s0  }
0x8b: {  	[smem:$0x3FC5] =	sst s0  }
0x8c: {  	_ = 	snop  }
0x8d: {  	(tm) =	ssettm $0x1  }
0x8e: {  	s15 =	sld [smem:$0x3FFB];
	_ =	sdelay $0x3  }
0x8f: {  	_ =	strace s15  }
0x90: {  	s0 =	sld [smem:$0x3FFC];
	_ =	sdelay $0x3  }
0x91: {  	_ =	strace s0  }
0x92: {  	s0 =	sld [smem:$0x3FFD];
	_ =	sdelay $0x3  }
0x93: {  	_ =	strace s0  }
0x94: {  	_ =	strace $0x8FFFFFFF  }
0x95: {  	s16 =	sld [smem:$0x3FDB];
	_ =	sdelay $0x1  }
0x96: {  	s17 =	simm.s32 $_scs_section_size  }
0x97: {  	s2 =	simm.s32 $_size__tile_overlayer_lowered;
	s3 =	simm.s32 $_tile_overlayer_lowered  }
0x98: {  	s20 =	simm.s32 $0x1BFF;
	s19 =	sshll.u32 s3, $0x1;
	s0 =	sadd.s32 s17, s16  }
0x99: {  	s4 =	simm.s32 $0x0;
	s18 =	sshll.u32 s2, $0x1;
	s2 =	sadd.s32 s19, s0  }
0x9a: {  	[timem:s4], [sflag:s20] =	dma.local [hbm:s2], s18  }
0x9b: {  	_ =	swait.ge [sflag:s20], s18  }
0x9c: {  	s1 =	ssub.s32 $0x0, s18;
	[sflag:s20] =	ssyncset.done $0x0  }
0x9d: {  	[sflag:s20] =	ssyncadd.s32 s1;
	_ =	sdelay $0x1  }
0x9e: {  	s21 =	simm.s32 $0x1B8B  }
0x9f: {  	_ =	swait.ge [sflag:s21], $0x1  }
0xa0: {  	[sflag:s21] =	ssyncset.done $0x0  }
0xa1: {  	s23 =	simm.s32 $0x1B8E;
	s22 =	sld [smem:$0x3FFE];
	[sflag:s21] =	ssyncadd.s32 $0xFFFFFFFF  }
0xa2: {  	s24 =	simm.s32 $execute0_lowered;
	[smem:$0x3FD2] =	sst s23  }
0xa3: {  	s2 =	sshll.u32 s24, $0x1;
	_ =	strace $0x80000046;
	[dreg:$0x1] =	wrdreg $0xFFFFFFFF  }
0xa4: {  	s25 =	simm.s32 $_size_execute0_lowered;
	s0 =	sadd.s32 s0, s2;
	[dreg:$0x0] =	wrdreg $0x0  }
0xa5: {  	s2 =	sshll.u32 s25, $0x1;
	[dreg:$0x2] =	wrdreg s0  }
0xa6: {  	[dreg:$0x3] =	wrdreg s2  }
0xa7: {  	[dreg:$0x4] =	wrdreg $0xC0  }
0xa8: {  	_ =	task [dreg:s4], $0x5FFFF  }
0xa9: {  	[dreg:$0x1] =	wrdreg $0xFFFFFFFF  }
0xaa: {  	[dreg:$0x0] =	wrdreg $0x60  }
0xab: {  	[dreg:$0x2] =	wrdreg s22  }
0xac: {  	[dreg:$0x3] =	wrdreg $0x9  }
0xad: {  	_ =	task.clear_ibuf [dreg:s4], $0x4FFFF;
	_ =	strace $0x90000046  }
0xae: {  	s26 =	simm.s32 $0x9;
	_ =	strace $0x80000048  }
0xaf: {  	_ =	swait.ge [sflag:s26], $0x1  }
0xb0: {  	[sflag:s26] =	ssyncadd.s32 $0xFFFFFFFF  }
0xb1: {  	_ =	strace $0x90000048  }
0xb2: {  	_ =	sfence  }
0xb3: {  	s28 =	sld [smem:$0x0];
	_ =	sdelay $0x1  }
0xb4: {  	s29 =	srdreg.scid  }
0xb5: {  	s30 =	sshll.u32 s29, $0xD;
	s31 =	sshrl.u32 s29, $0x2  }
0xb6: {  	s1 =	sand.u32 $0x1, s29;
	s2 =	sand.u32 $0x4000, s30;
	s0 =	sadd.s32 s31, s28  }
0xb7: {  	s1 =	sor.u32 s2, s1;
	s0 =	sshll.u32 s0, $0x11  }
0xb8: {  	s0 =	sor.u32 s0, s1  }
0xb9: {  	s0 =	sadd.s32 $0x8F2B, s0  }
0xba: {  	[sflag:s0] =	ssyncadd.remote.s32 $0x1  }
0xbb: {  	_ =	sfence.sel $0xFFFF  }
0xbc: {  	[dreg:$0x0] =	wrdreg $0xFFFFFFFF;
	(pc) =	sbr.abs _section_cstart, $3  }
0xbd: {  	[dreg:$0x1] =	wrdreg $0xFFFFFFFF  }
0xbe: {  	_ =	task.clear_ibuf [dreg:s4], $0x2FFFF;
	_ =	strace $0x9FFFFFFF  }
0xbf: {  	(tm) =	ssettm $0x7FFFFFFF  }
tec
execute0_lowered:
.L_overlay_start_1:
0x0: {  	(tag) =	ssettag $0x1  }
0x1: {  	s1 =	stileid.u32  }
0x2: {  	p0 =	sgt.u32 s1, $0xC  }
.Ltmp0:
0x3: {  	_ = 	snop;
	(pc) =	sbr.rel @p0 .LBB2_6-.Ltmp0, $4  }
0x4: {  	_ = 	snop  }
0x5: {  	s2 =	rddreg [dreg:$0x0];
	s3 =	simm.s32 $0x0  }
0x6: {  	[smem:$0x7FF] =	sst s3  }
0x7: {  	s0 =	rddreg [dreg:$0x1];
	_ =	strace $0x80000047  }
0x8: {  	s4 =	smul.u32 $0x1E0, s1;
	_ =	sdelay $0x1  }
0x9: {  	s4 =	sshrl.u32 s4, $0x3  }
0xa: {  	s4 =	sadd.s32 s2, s4  }
0xb: {  	s4 =	sadd.s32 $0xA, s4  }
0xc: {  	v13 =	vimm.f32 $0.0e+00;
	v17 =	vimm.f32 $0.0e+00;
	v20 =	vimm.f32 $0.0e+00;
	[tilespmem:s3], [sflag:$0x1] =	stream.linear.gather [hbm4b:s4+s3], $0x1E0, $0x38;
	[tilespmem:$0x1580] =	vst v63  }
0xd: {  	s25 =	sadd.s32 $0x320, s2;
	s5 =	simm.s32 $0x200;
	v24 =	vimm.f32 $0.0e+00;
	v27 =	vimm.f32 $0.0e+00;
	v30 =	vimm.f32 $0.0e+00  }
0xe: {  	v7 =	vimm.f32 $0.0e+00;
	v8 =	vimm.f32 $0.0e+00;
	v9 =	vimm.f32 $0.0e+00;
	[tilespmem:s5], [sflag:$0x1] =	stream.linear.gather [hbm4b:s25+s3], $0xF00, $0x38;
	[tilespmem:$0x1580] =	vst v63  }
0xf: {  	s26 =	sadd.s32 $0x500, s2;
	s28 =	simm.s32 $0x1100;
	s29 =	simm.s32 $0x1;
	v10 =	vimm.f32 $0.0e+00;
	v11 =	vimm.f32 $0.0e+00;
	v12 =	vimm.f32 $0.0e+00  }
0x10: {  	v14 =	vimm.f32 $0.0e+00;
	v15 =	vimm.f32 $0.0e+00;
	v16 =	vimm.f32 $0.0e+00;
	[tilespmem:s28], [sflag:$0x1] =	stream.linear.gather [hbm4b:s26+s3], $0x110, $0x38;
	[tilespmem:$0x1580] =	vst v63  }
0x11: {  	v18 =	vimm.f32 $0.0e+00;
	v19 =	vimm.f32 $0.0e+00;
	v21 =	vimm.f32 $0.0e+00;
	_ =	swait.ge [sflag:s29], $0x1E0  }
0x12: {  	v22 =	vimm.f32 $0.0e+00;
	v23 =	vimm.f32 $0.0e+00;
	v25 =	vimm.f32 $0.0e+00;
	[sflag:s29] =	ssyncset.done $0x0  }
0x13: {  	v26 =	vimm.f32 $0.0e+00;
	v28 =	vimm.f32 $0.0e+00;
	v29 =	vimm.f32 $0.0e+00;
	[sflag:s29] =	ssyncadd.s32 $0xFFFFFE20  }
0x14: {  	v31 =	vimm.f32 $0.0e+00;
	v32 =	vimm.f32 $0.0e+00;
	v33 =	vimm.f32 $0.0e+00;
	_ =	swait.ge [sflag:s29], $0xF00  }
0x15: {  	v34 =	vimm.f32 $0.0e+00;
	v35 =	vimm.f32 $0.0e+00;
	v36 =	vimm.f32 $0.0e+00;
	[sflag:s29] =	ssyncset.done $0x0  }
0x16: {  	s30 =	sshll.u32 s1, $0x1;
	v37 =	vimm.f32 $0.0e+00;
	v38 =	vimm.f32 $0.0e+00;
	v39 =	vimm.f32 $0.0e+00;
	[sflag:s29] =	ssyncadd.s32 $0xFFFFF100  }
0x17: {  	v40 =	vimm.f32 $0.0e+00;
	v41 =	vimm.f32 $0.0e+00;
	v42 =	vimm.f32 $0.0e+00;
	s6 =	simm.s32 $0x380;
	s31 =	sadd.s32 s30, s2;
	_ =	swait.ge [sflag:s29], $0x110  }
0x18: {  	v43 =	vimm.f32 $0.0e+00;
	v44 =	vimm.f32 $0.0e+00;
	v45 =	vimm.f32 $0.0e+00;
	s2 =	sadd.s32 $0x600, s31;
	s4 =	simm.s32 $0xF0;
	[sflag:s29] =	ssyncset.done $0x0  }
0x19: {  	v46 =	vimm.f32 $0.0e+00;
	v47 =	vimm.f32 $0.0e+00;
	v48 =	vimm.f32 $0.0e+00;
	s5 =	simm.s32 $0x11C0;
	s3 =	simm.s32 $0x2D0;
	[sflag:s29] =	ssyncadd.s32 $0xFFFFFEF0  }
.LBB2_2:
0x1a: {  	v6 =	vld [tilespmem:s4+$0xFFFFFF10]  }
0x1b: {  	v0 =	vld [tilespmem:s6+$0xFFFFFE80]  }
0x1c: {  	v1 =	vld [tilespmem:s6+$0xFFFFFE90]  }
0x1d: {  	v2 =	vld [tilespmem:s4+$0xFFFFFF60]  }
0x1e: {  	v3 =	vld [tilespmem:s6+$0xFFFFFEA0];
	_ =	sdelay $0x2  }
0x1f: {  	v4 =	vbroadcast v6, $0x0;
	v49 =	vunpack.i.u.bf16.f32 v0;
	v50 =	vunpack.i.l.bf16.f32 v0  }
0x20: {  	v51 =	vunpack.i.u.bf16.f32 v1;
	v52 =	vunpack.i.l.bf16.f32 v1;
	v55 =	vbroadcast v2, $0x0  }
0x21: {  	v53 =	vunpack.i.u.bf16.f32 v3;
	v0 =	vmul.f32 v50, v4;
	v58 =	vmul.f32 v49, v4  }
0x22: {  	v54 =	vunpack.i.l.bf16.f32 v3;
	v1 =	vld [tilespmem:s4+$0xFFFFFFB0];
	v5 =	vmul.f32 v52, v4;
	v59 =	vmul.f32 v51, v4  }
0x23: {  	v3 =	vld [tilespmem:s4+$0x0];
	v60 =	vmul.f32 v54, v4;
	v4 =	vmul.f32 v53, v4;
	v48 =	vadd.f32 v0, v48  }
0x24: {  	v61 =	vmul.f32 v50, v55;
	v47 =	vadd.f32 v58, v47;
	v46 =	vadd.f32 v5, v46  }
0x25: {  	v62 =	vmul.f32 v52, v55;
	v45 =	vadd.f32 v59, v45;
	v44 =	vadd.f32 v60, v44  }
0x26: {  	v43 =	vadd.f32 v4, v43;
	v4 =	vmul.f32 v49, v55;
	v42 =	vadd.f32 v61, v42  }
0x27: {  	v5 =	vmul.f32 v51, v55;
	v40 =	vadd.f32 v62, v40;
	v56 =	vbroadcast v1, $0x0  }
0x28: {  	v58 =	vbroadcast v3, $0x0;
	v41 =	vadd.f32 v4, v41;
	v4 =	vmul.f32 v54, v55  }
0x29: {  	v0 =	vld [tilespmem:s4+$0x50];
	v39 =	vadd.f32 v5, v39;
	v5 =	vmul.f32 v53, v55;
	v63 =	vmul.f32 v49, v56  }
0x2a: {  	v57 =	vmul.f32 v51, v56;
	v38 =	vadd.f32 v4, v38;
	v4 =	vmul.f32 v50, v56  }
0x2b: {  	v60 =	vmul.f32 v50, v58;
	v37 =	vadd.f32 v5, v37;
	v5 =	vmul.f32 v52, v56  }
0x2c: {  	v61 =	vmul.f32 v52, v58;
	v62 =	vmul.f32 v51, v58;
	v36 =	vadd.f32 v4, v36  }
0x2d: {  	v4 =	vmul.f32 v54, v56;
	v34 =	vadd.f32 v5, v34;
	v5 =	vmul.f32 v53, v56  }
0x2e: {  	v35 =	vadd.f32 v63, v35;
	v33 =	vadd.f32 v57, v33;
	v57 =	vbroadcast v0, $0x0  }
0x2f: {  	v32 =	vadd.f32 v4, v32;
	v31 =	vadd.f32 v5, v31;
	v5 =	vmul.f32 v49, v58;
	v4 =	vld [tilespmem:s4+$0xA0]  }
0x30: {  	v29 =	vadd.f32 v60, v29;
	v26 =	vadd.f32 v61, v26;
	v63 =	vmul.f32 v50, v57  }
0x31: {  	v60 =	vmul.f32 v49, v57;
	v28 =	vadd.f32 v5, v28;
	v5 =	vmul.f32 v54, v58  }
0x32: {  	v25 =	vadd.f32 v62, v25;
	v61 =	vmul.f32 v52, v57;
	v21 =	vadd.f32 v63, v21  }
0x33: {  	v62 =	vmul.f32 v51, v57;
	v19 =	vadd.f32 v60, v19;
	v23 =	vadd.f32 v5, v23;
	v5 =	vld [tilespmem:s5+$0x0]  }
0x34: {  	v63 =	vmul.f32 v54, v57;
	v18 =	vadd.f32 v61, v18;
	v59 =	vbroadcast v4, $0x0  }
0x35: {  	v16 =	vadd.f32 v62, v16;
	v60 =	vmul.f32 v53, v57;
	v58 =	vmul.f32 v53, v58  }
0x36: {  	v15 =	vadd.f32 v63, v15;
	v61 =	vmul.f32 v50, v59;
	v57 =	vmul.f32 v49, v59  }
0x37: {  	v22 =	vadd.f32 v58, v22;
	v55 =	vmul.f32 v52, v59;
	v58 =	vmul.f32 v51, v59  }
0x38: {  	v14 =	vadd.f32 v60, v14;
	v56 =	vmul.f32 v54, v59;
	v60 =	vbroadcast v5, $0x0  }
0x39: {  	v63 =	vld [tilespmem:s6+$0xFFFFFEB0];
	v62 =	vmul.f32 v53, v59;
	v12 =	vadd.f32 v61, v12;
	v11 =	vadd.f32 v57, v11  }
0x3a: {  	v10 =	vadd.f32 v55, v10;
	v9 =	vadd.f32 v58, v9;
	v50 =	vmul.f32 v50, v60  }
0x3b: {  	v8 =	vadd.f32 v56, v8;
	v57 =	vld [tilespmem:s6+$0xFFFFFEC0];
	v49 =	vmul.f32 v49, v60;
	v52 =	vmul.f32 v52, v60  }
0x3c: {  	v7 =	vadd.f32 v62, v7;
	v61 =	vld [tilespmem:s6+$0xFFFFFED0];
	v58 =	vmul.f32 v51, v60;
	v59 =	vmul.f32 v54, v60  }
0x3d: {  	v62 =	vmul.f32 v53, v60;
	v30 =	vadd.f32 v50, v30;
	v27 =	vadd.f32 v49, v27  }
0x3e: {  	v51 =	vunpack.i.l.bf16.f32 v63;
	v24 =	vadd.f32 v52, v24;
	v17 =	vadd.f32 v59, v17  }
0x3f: {  	v50 =	vbroadcast v6, $0x1;
	v13 =	vadd.f32 v62, v13;
	v49 =	vunpack.i.u.bf16.f32 v63  }
0x40: {  	v59 =	vbroadcast v2, $0x1;
	v52 =	vunpack.i.u.bf16.f32 v57;
	v53 =	vunpack.i.l.bf16.f32 v57  }
0x41: {  	v56 =	vunpack.i.u.bf16.f32 v61;
	v63 =	vmul.f32 v51, v50;
	v60 =	vmul.f32 v49, v50  }
0x42: {  	v54 =	vunpack.i.l.bf16.f32 v61;
	v61 =	vmul.f32 v53, v50;
	v62 =	vmul.f32 v52, v50  }
0x43: {  	v20 =	vadd.f32 v58, v20;
	v57 =	vmul.f32 v49, v59;
	v58 =	vmul.f32 v52, v59  }
0x44: {  	v55 =	vmul.f32 v54, v59;
	v48 =	vadd.f32 v63, v48;
	v47 =	vadd.f32 v60, v47  }
0x45: {  	v63 =	vmul.f32 v54, v50;
	v46 =	vadd.f32 v61, v46;
	v45 =	vadd.f32 v62, v45  }
0x46: {  	v50 =	vmul.f32 v56, v50;
	v60 =	vmul.f32 v51, v59;
	v41 =	vadd.f32 v57, v41  }
0x47: {  	v61 =	vmul.f32 v56, v59;
	v39 =	vadd.f32 v58, v39;
	v38 =	vadd.f32 v55, v38  }
0x48: {  	v58 =	vbroadcast v3, $0x1;
	v42 =	vadd.f32 v60, v42;
	v60 =	vbroadcast v1, $0x1  }
0x49: {  	v43 =	vadd.f32 v50, v43;
	v50 =	vmul.f32 v53, v59;
	v59 =	vbroadcast v0, $0x1  }
0x4a: {  	v44 =	vadd.f32 v63, v44;
	v62 =	vmul.f32 v51, v60;
	v63 =	vmul.f32 v49, v60  }
0x4b: {  	v37 =	vadd.f32 v61, v37;
	v61 =	vmul.f32 v53, v60;
	v57 =	vmul.f32 v49, v59  }
0x4c: {  	v40 =	vadd.f32 v50, v40;
	v55 =	vmul.f32 v53, v59;
	v50 =	vmul.f32 v54, v59  }
0x4d: {  	v36 =	vadd.f32 v62, v36;
	v62 =	vmul.f32 v52, v60;
	v35 =	vadd.f32 v63, v35  }
0x4e: {  	v63 =	vmul.f32 v54, v60;
	v34 =	vadd.f32 v61, v34;
	v19 =	vadd.f32 v57, v19  }
0x4f: {  	v60 =	vmul.f32 v56, v60;
	v18 =	vadd.f32 v55, v18;
	v15 =	vadd.f32 v50, v15  }
0x50: {  	v61 =	vmul.f32 v51, v58;
	v33 =	vadd.f32 v62, v33;
	v32 =	vadd.f32 v63, v32  }
0x51: {  	v31 =	vadd.f32 v60, v31;
	v62 =	vmul.f32 v49, v58;
	v63 =	vmul.f32 v53, v58  }
0x52: {  	v29 =	vadd.f32 v61, v29;
	v60 =	vmul.f32 v52, v58;
	v61 =	vmul.f32 v54, v58  }
0x53: {  	v28 =	vadd.f32 v62, v28;
	v26 =	vadd.f32 v63, v26;
	v62 =	vmul.f32 v56, v58  }
0x54: {  	v25 =	vadd.f32 v60, v25;
	v63 =	vmul.f32 v51, v59;
	v60 =	vbroadcast v4, $0x1  }
0x55: {  	v23 =	vadd.f32 v61, v23;
	v58 =	vmul.f32 v52, v59;
	v59 =	vmul.f32 v56, v59  }
0x56: {  	v22 =	vadd.f32 v62, v22;
	v21 =	vadd.f32 v63, v21;
	v61 =	vmul.f32 v51, v60  }
0x57: {  	v16 =	vadd.f32 v58, v16;
	v62 =	vmul.f32 v49, v60;
	v57 =	vmul.f32 v53, v60  }
0x58: {  	s7 =	sadd.s32 $0xFFFFFD90, s3;
	v14 =	vadd.f32 v59, v14;
	v63 =	vmul.f32 v52, v60;
	v58 =	vbroadcast v5, $0x1  }
0x59: {  	s7 =	sor.u32 $0x70, s7;
	v12 =	vadd.f32 v61, v12;
	v11 =	vadd.f32 v62, v11;
	v61 =	vmul.f32 v54, v60  }
0x5a: {  	v59 =	vld [tilespmem:s7+$0x200];
	v62 =	vmul.f32 v56, v60;
	v9 =	vadd.f32 v63, v9;
	v63 =	vmul.f32 v51, v58  }
0x5b: {  	v10 =	vadd.f32 v57, v10;
	v49 =	vmul.f32 v49, v58;
	v52 =	vmul.f32 v52, v58  }
0x5c: {  	v60 =	vmul.f32 v54, v58;
	v8 =	vadd.f32 v61, v8;
	v7 =	vadd.f32 v62, v7  }
0x5d: {  	v57 =	vld [tilespmem:s6+$0xFFFFFEE0];
	v30 =	vadd.f32 v63, v30;
	v62 =	vmul.f32 v53, v58;
	v27 =	vadd.f32 v49, v27  }
0x5e: {  	v61 =	vmul.f32 v56, v58;
	v20 =	vadd.f32 v52, v20;
	v17 =	vadd.f32 v60, v17  }
0x5f: {  	v49 =	vbroadcast v6, $0x2;
	v58 =	vbroadcast v1, $0x2;
	v52 =	vunpack.i.u.bf16.f32 v59  }
0x60: {  	v63 =	vld [tilespmem:s6+$0xFFFFFF00];
	v54 =	vunpack.i.l.bf16.f32 v59;
	v59 =	vbroadcast v2, $0x2;
	v24 =	vadd.f32 v62, v24  }
0x61: {  	v13 =	vadd.f32 v61, v13;
	v60 =	vmul.f32 v54, v49;
	v61 =	vmul.f32 v52, v49  }
0x62: {  	v56 =	vmul.f32 v54, v58;
	v50 =	vunpack.i.u.bf16.f32 v57;
	v51 =	vunpack.i.l.bf16.f32 v57  }
0x63: {  	v62 =	vmul.f32 v51, v49;
	v46 =	vadd.f32 v60, v46;
	v60 =	vmul.f32 v50, v59  }
0x64: {  	v45 =	vadd.f32 v61, v45;
	v61 =	vmul.f32 v54, v59;
	v57 =	vmul.f32 v50, v58  }
0x65: {  	v34 =	vadd.f32 v56, v34;
	v55 =	vunpack.i.u.bf16.f32 v63;
	v53 =	vunpack.i.l.bf16.f32 v63  }
0x66: {  	v63 =	vmul.f32 v50, v49;
	v48 =	vadd.f32 v62, v48;
	v62 =	vmul.f32 v53, v49  }
0x67: {  	v49 =	vmul.f32 v55, v49;
	v41 =	vadd.f32 v60, v41;
	v40 =	vadd.f32 v61, v40  }
0x68: {  	v60 =	vmul.f32 v55, v59;
	v61 =	vmul.f32 v51, v58;
	v35 =	vadd.f32 v57, v35  }
0x69: {  	v47 =	vadd.f32 v63, v47;
	v63 =	vmul.f32 v51, v59;
	v44 =	vadd.f32 v62, v44  }
0x6a: {  	v43 =	vadd.f32 v49, v43;
	v62 =	vmul.f32 v52, v59;
	v37 =	vadd.f32 v60, v37  }
0x6b: {  	v36 =	vadd.f32 v61, v36;
	v49 =	vmul.f32 v53, v58;
	v60 =	vbroadcast v3, $0x2  }
0x6c: {  	v42 =	vadd.f32 v63, v42;
	v63 =	vmul.f32 v53, v59;
	v59 =	vmul.f32 v52, v58  }
0x6d: {  	v39 =	vadd.f32 v62, v39;
	v62 =	vmul.f32 v55, v58;
	v61 =	vmul.f32 v50, v60  }
0x6e: {  	v57 =	vmul.f32 v54, v60;
	v58 =	vbroadcast v0, $0x2;
	v38 =	vadd.f32 v63, v38  }
0x6f: {  	v33 =	vadd.f32 v59, v33;
	v63 =	vmul.f32 v51, v60;
	v59 =	vbroadcast v4, $0x2  }
0x70: {  	v31 =	vadd.f32 v62, v31;
	v62 =	vmul.f32 v52, v60;
	v28 =	vadd.f32 v61, v28  }
0x71: {  	v61 =	vmul.f32 v55, v60;
	v29 =	vadd.f32 v63, v29;
	v63 =	vmul.f32 v53, v60  }
0x72: {  	v26 =	vadd.f32 v57, v26;
	v60 =	vmul.f32 v54, v58;
	v57 =	vmul.f32 v50, v59  }
0x73: {  	v32 =	vadd.f32 v49, v32;
	v49 =	vmul.f32 v54, v59;
	v56 =	vmul.f32 v53, v59  }
0x74: {  	v25 =	vadd.f32 v62, v25;
	v62 =	vmul.f32 v51, v58;
	v22 =	vadd.f32 v61, v22  }
0x75: {  	v61 =	vmul.f32 v52, v58;
	v23 =	vadd.f32 v63, v23;
	v18 =	vadd.f32 v60, v18  }
0x76: {  	v63 =	vmul.f32 v50, v58;
	v11 =	vadd.f32 v57, v11;
	v10 =	vadd.f32 v49, v10  }
0x77: {  	v60 =	vmul.f32 v51, v59;
	v8 =	vadd.f32 v56, v8;
	v21 =	vadd.f32 v62, v21  }
0x78: {  	v56 =	vld [tilespmem:s6+$0xFFFFFF10];
	v62 =	vmul.f32 v53, v58;
	v16 =	vadd.f32 v61, v16;
	v19 =	vadd.f32 v63, v19  }
0x79: {  	v57 =	vld [tilespmem:s6+$0xFFFFFF20];
	v63 =	vmul.f32 v55, v58;
	v12 =	vadd.f32 v60, v12;
	v60 =	vbroadcast v5, $0x2  }
0x7a: {  	v61 =	vmul.f32 v55, v59;
	v58 =	vmul.f32 v52, v59;
	v15 =	vadd.f32 v62, v15  }
0x7b: {  	s21 =	sadd.s32 $0xFFFFFDC0, s3;
	v14 =	vadd.f32 v63, v14;
	v51 =	vmul.f32 v51, v60;
	v62 =	vmul.f32 v50, v60  }
0x7c: {  	s7 =	sor.u32 $0x30, s21;
	v9 =	vadd.f32 v58, v9;
	v63 =	vmul.f32 v54, v60;
	v58 =	vmul.f32 v52, v60  }
0x7d: {  	v7 =	vadd.f32 v61, v7;
	v61 =	vld [tilespmem:s7+$0x200];
	v59 =	vmul.f32 v53, v60;
	v50 =	vbroadcast v6, $0x3  }
0x7e: {  	v49 =	vunpack.i.u.bf16.f32 v56;
	v52 =	vunpack.i.u.bf16.f32 v57;
	v30 =	vadd.f32 v51, v30  }
0x7f: {  	v54 =	vunpack.i.l.bf16.f32 v57;
	v27 =	vadd.f32 v62, v27;
	v24 =	vadd.f32 v63, v24  }
0x80: {  	v62 =	vmul.f32 v55, v60;
	v20 =	vadd.f32 v58, v20;
	v17 =	vadd.f32 v59, v17  }
0x81: {  	v51 =	vunpack.i.l.bf16.f32 v56;
	v60 =	vmul.f32 v49, v50;
	v59 =	vbroadcast v2, $0x3  }
0x82: {  	v63 =	vmul.f32 v51, v50;
	v13 =	vadd.f32 v62, v13;
	v56 =	vunpack.i.u.bf16.f32 v61  }
0x83: {  	v53 =	vunpack.i.l.bf16.f32 v61;
	v61 =	vmul.f32 v54, v50;
	v62 =	vmul.f32 v52, v50  }
0x84: {  	v47 =	vadd.f32 v60, v47;
	v60 =	vmul.f32 v51, v59;
	v57 =	vmul.f32 v49, v59  }
0x85: {  	v58 =	vmul.f32 v52, v59;
	v48 =	vadd.f32 v63, v48;
	v63 =	vmul.f32 v53, v50  }
0x86: {  	v50 =	vmul.f32 v56, v50;
	v55 =	vmul.f32 v53, v59;
	v46 =	vadd.f32 v61, v46  }
0x87: {  	v45 =	vadd.f32 v62, v45;
	v42 =	vadd.f32 v60, v42;
	v60 =	vbroadcast v1, $0x3  }
0x88: {  	v41 =	vadd.f32 v57, v41;
	v61 =	vmul.f32 v56, v59;
	v39 =	vadd.f32 v58, v39  }
0x89: {  	v58 =	vbroadcast v3, $0x3;
	v44 =	vadd.f32 v63, v44;
	v43 =	vadd.f32 v50, v43  }
0x8a: {  	v50 =	vmul.f32 v54, v59;
	v38 =	vadd.f32 v55, v38;
	v59 =	vbroadcast v0, $0x3  }
0x8b: {  	v62 =	vmul.f32 v51, v60;
	v37 =	vadd.f32 v61, v37;
	v63 =	vmul.f32 v49, v60  }
0x8c: {  	v61 =	vmul.f32 v54, v60;
	v40 =	vadd.f32 v50, v40;
	v57 =	vmul.f32 v49, v59  }
0x8d: {  	v55 =	vmul.f32 v54, v59;
	v50 =	vmul.f32 v53, v59;
	v36 =	vadd.f32 v62, v36  }
0x8e: {  	v62 =	vmul.f32 v52, v60;
	v35 =	vadd.f32 v63, v35;
	v63 =	vmul.f32 v53, v60  }
0x8f: {  	v60 =	vmul.f32 v56, v60;
	v34 =	vadd.f32 v61, v34;
	v19 =	vadd.f32 v57, v19  }
0x90: {  	v61 =	vmul.f32 v51, v58;
	v18 =	vadd.f32 v55, v18;
	v15 =	vadd.f32 v50, v15  }
0x91: {  	v33 =	vadd.f32 v62, v33;
	v32 =	vadd.f32 v63, v32;
	v62 =	vmul.f32 v49, v58  }
0x92: {  	v31 =	vadd.f32 v60, v31;
	v29 =	vadd.f32 v61, v29;
	v63 =	vmul.f32 v54, v58  }
0x93: {  	v60 =	vmul.f32 v52, v58;
	v61 =	vmul.f32 v53, v58;
	v28 =	vadd.f32 v62, v28  }
0x94: {  	v26 =	vadd.f32 v63, v26;
	v62 =	vmul.f32 v56, v58;
	v63 =	vmul.f32 v51, v59  }
0x95: {  	v25 =	vadd.f32 v60, v25;
	v58 =	vmul.f32 v52, v59;
	v60 =	vbroadcast v4, $0x3  }
0x96: {  	v23 =	vadd.f32 v61, v23;
	v59 =	vmul.f32 v56, v59;
	v22 =	vadd.f32 v62, v22  }
0x97: {  	v21 =	vadd.f32 v63, v21;
	v16 =	vadd.f32 v58, v16;
	v61 =	vmul.f32 v51, v60  }
0x98: {  	v14 =	vadd.f32 v59, v14;
	v62 =	vmul.f32 v49, v60;
	v57 =	vmul.f32 v54, v60  }
0x99: {  	s22 =	sadd.s32 $0xFFFFFDF0, s3;
	v63 =	vmul.f32 v52, v60;
	v58 =	vbroadcast v5, $0x3;
	v12 =	vadd.f32 v61, v12  }
0x9a: {  	s8 =	sor.u32 $0x50, s22;
	v11 =	vadd.f32 v62, v11;
	v61 =	vmul.f32 v53, v60;
	v62 =	vmul.f32 v56, v60  }
0x9b: {  	v59 =	vld [tilespmem:s8+$0x200];
	v10 =	vadd.f32 v57, v10;
	v9 =	vadd.f32 v63, v9;
	v63 =	vmul.f32 v51, v58  }
0x9c: {  	v49 =	vmul.f32 v49, v58;
	v52 =	vmul.f32 v52, v58;
	v8 =	vadd.f32 v61, v8  }
0x9d: {  	v57 =	vld [tilespmem:s6+$0xFFFFFF40];
	v60 =	vmul.f32 v53, v58;
	v7 =	vadd.f32 v62, v7;
	v30 =	vadd.f32 v63, v30  }
0x9e: {  	v62 =	vmul.f32 v54, v58;
	v27 =	vadd.f32 v49, v27;
	v61 =	vmul.f32 v56, v58  }
0x9f: {  	v20 =	vadd.f32 v52, v20;
	v17 =	vadd.f32 v60, v17;
	v49 =	vbroadcast v6, $0x4  }
0xa0: {  	s7 =	sor.u32 $0x60, s22;
	v58 =	vbroadcast v1, $0x4;
	v52 =	vunpack.i.u.bf16.f32 v59;
	v53 =	vunpack.i.l.bf16.f32 v59  }
0xa1: {  	v63 =	vld [tilespmem:s7+$0x200];
	v59 =	vbroadcast v2, $0x4;
	v24 =	vadd.f32 v62, v24;
	v13 =	vadd.f32 v61, v13  }
0xa2: {  	v60 =	vmul.f32 v53, v49;
	v61 =	vmul.f32 v52, v49;
	v51 =	vunpack.i.l.bf16.f32 v57  }
0xa3: {  	v56 =	vmul.f32 v53, v58;
	v50 =	vunpack.i.u.bf16.f32 v57;
	v62 =	vmul.f32 v51, v49  }
0xa4: {  	v46 =	vadd.f32 v60, v46;
	v45 =	vadd.f32 v61, v45;
	v60 =	vmul.f32 v50, v59  }
0xa5: {  	v61 =	vmul.f32 v53, v59;
	v57 =	vmul.f32 v50, v58;
	v34 =	vadd.f32 v56, v34  }
0xa6: {  	v55 =	vunpack.i.u.bf16.f32 v63;
	v54 =	vunpack.i.l.bf16.f32 v63;
	v63 =	vmul.f32 v50, v49  }
0xa7: {  	v48 =	vadd.f32 v62, v48;
	v62 =	vmul.f32 v54, v49;
	v49 =	vmul.f32 v55, v49  }
0xa8: {  	v41 =	vadd.f32 v60, v41;
	v40 =	vadd.f32 v61, v40;
	v60 =	vmul.f32 v55, v59  }
0xa9: {  	v61 =	vmul.f32 v51, v58;
	v35 =	vadd.f32 v57, v35;
	v47 =	vadd.f32 v63, v47  }
0xaa: {  	v63 =	vmul.f32 v51, v59;
	v44 =	vadd.f32 v62, v44;
	v43 =	vadd.f32 v49, v43  }
0xab: {  	v62 =	vmul.f32 v52, v59;
	v37 =	vadd.f32 v60, v37;
	v36 =	vadd.f32 v61, v36  }
0xac: {  	v49 =	vmul.f32 v54, v58;
	v60 =	vbroadcast v3, $0x4;
	v42 =	vadd.f32 v63, v42  }
0xad: {  	v63 =	vmul.f32 v54, v59;
	v59 =	vmul.f32 v52, v58;
	v39 =	vadd.f32 v62, v39  }
0xae: {  	v62 =	vmul.f32 v55, v58;
	v32 =	vadd.f32 v49, v32;
	v61 =	vmul.f32 v50, v60  }
0xaf: {  	v57 =	vmul.f32 v53, v60;
	v58 =	vbroadcast v0, $0x4;
	v38 =	vadd.f32 v63, v38  }
0xb0: {  	v33 =	vadd.f32 v59, v33;
	v63 =	vmul.f32 v51, v60;
	v59 =	vbroadcast v4, $0x4  }
0xb1: {  	v31 =	vadd.f32 v62, v31;
	v62 =	vmul.f32 v52, v60;
	v28 =	vadd.f32 v61, v28  }
0xb2: {  	v61 =	vmul.f32 v55, v60;
	v29 =	vadd.f32 v63, v29;
	v63 =	vmul.f32 v54, v60  }
0xb3: {  	v26 =	vadd.f32 v57, v26;
	v60 =	vmul.f32 v53, v58;
	v57 =	vmul.f32 v50, v59  }
0xb4: {  	v49 =	vmul.f32 v53, v59;
	v56 =	vmul.f32 v54, v59;
	v25 =	vadd.f32 v62, v25  }
0xb5: {  	v62 =	vmul.f32 v51, v58;
	v22 =	vadd.f32 v61, v22;
	v61 =	vmul.f32 v52, v58  }
0xb6: {  	v23 =	vadd.f32 v63, v23;
	v63 =	vmul.f32 v50, v58;
	v18 =	vadd.f32 v60, v18  }
0xb7: {  	v60 =	vmul.f32 v51, v59;
	v11 =	vadd.f32 v57, v11;
	v10 =	vadd.f32 v49, v10  }
0xb8: {  	v8 =	vadd.f32 v56, v8;
	v21 =	vadd.f32 v62, v21;
	v62 =	vmul.f32 v54, v58  }
0xb9: {  	v56 =	vld [tilespmem:s6+$0xFFFFFF70];
	v16 =	vadd.f32 v61, v16;
	v61 =	vmul.f32 v55, v59;
	v19 =	vadd.f32 v63, v19  }
0xba: {  	v57 =	vld [tilespmem:s6+$0xFFFFFF80];
	v63 =	vmul.f32 v55, v58;
	v12 =	vadd.f32 v60, v12;
	v60 =	vbroadcast v5, $0x4  }
0xbb: {  	v58 =	vmul.f32 v52, v59;
	v15 =	vadd.f32 v62, v15;
	v7 =	vadd.f32 v61, v7  }
0xbc: {  	v14 =	vadd.f32 v63, v14;
	v51 =	vmul.f32 v51, v60;
	v62 =	vmul.f32 v50, v60  }
0xbd: {  	v9 =	vadd.f32 v58, v9;
	v63 =	vmul.f32 v53, v60;
	v58 =	vmul.f32 v52, v60  }
0xbe: {  	v61 =	vld [tilespmem:s6+$0xFFFFFF90];
	v59 =	vmul.f32 v54, v60;
	v50 =	vbroadcast v6, $0x5;
	v49 =	vunpack.i.u.bf16.f32 v56  }
0xbf: {  	v52 =	vunpack.i.u.bf16.f32 v57;
	v53 =	vunpack.i.l.bf16.f32 v57;
	v30 =	vadd.f32 v51, v30  }
0xc0: {  	v27 =	vadd.f32 v62, v27;
	v24 =	vadd.f32 v63, v24;
	v62 =	vmul.f32 v55, v60  }
0xc1: {  	v17 =	vadd.f32 v59, v17;
	v51 =	vunpack.i.l.bf16.f32 v56;
	v60 =	vmul.f32 v49, v50  }
0xc2: {  	v59 =	vbroadcast v2, $0x5;
	v63 =	vmul.f32 v51, v50;
	v13 =	vadd.f32 v62, v13  }
0xc3: {  	v56 =	vunpack.i.u.bf16.f32 v61;
	v54 =	vunpack.i.l.bf16.f32 v61;
	v61 =	vmul.f32 v53, v50  }
0xc4: {  	v62 =	vmul.f32 v52, v50;
	v47 =	vadd.f32 v60, v47;
	v60 =	vmul.f32 v51, v59  }
0xc5: {  	v20 =	vadd.f32 v58, v20;
	v57 =	vmul.f32 v49, v59;
	v58 =	vmul.f32 v52, v59  }
0xc6: {  	v48 =	vadd.f32 v63, v48;
	v63 =	vmul.f32 v54, v50;
	v50 =	vmul.f32 v56, v50  }
0xc7: {  	v55 =	vmul.f32 v54, v59;
	v46 =	vadd.f32 v61, v46;
	v45 =	vadd.f32 v62, v45  }
0xc8: {  	v42 =	vadd.f32 v60, v42;
	v60 =	vbroadcast v1, $0x5;
	v41 =	vadd.f32 v57, v41  }
0xc9: {  	v61 =	vmul.f32 v56, v59;
	v39 =	vadd.f32 v58, v39;
	v58 =	vbroadcast v3, $0x5  }
0xca: {  	v44 =	vadd.f32 v63, v44;
	v43 =	vadd.f32 v50, v43;
	v50 =	vmul.f32 v53, v59  }
0xcb: {  	v38 =	vadd.f32 v55, v38;
	v59 =	vbroadcast v0, $0x5;
	v62 =	vmul.f32 v51, v60  }
0xcc: {  	v37 =	vadd.f32 v61, v37;
	v63 =	vmul.f32 v49, v60;
	v61 =	vmul.f32 v53, v60  }
0xcd: {  	v40 =	vadd.f32 v50, v40;
	v57 =	vmul.f32 v49, v59;
	v55 =	vmul.f32 v53, v59  }
0xce: {  	v50 =	vmul.f32 v54, v59;
	v36 =	vadd.f32 v62, v36;
	v62 =	vmul.f32 v52, v60  }
0xcf: {  	v35 =	vadd.f32 v63, v35;
	v63 =	vmul.f32 v54, v60;
	v34 =	vadd.f32 v61, v34  }
0xd0: {  	v60 =	vmul.f32 v56, v60;
	v19 =	vadd.f32 v57, v19;
	v18 =	vadd.f32 v55, v18  }
0xd1: {  	v61 =	vmul.f32 v51, v58;
	v15 =	vadd.f32 v50, v15;
	v33 =	vadd.f32 v62, v33  }
0xd2: {  	v32 =	vadd.f32 v63, v32;
	v62 =	vmul.f32 v49, v58;
	v63 =	vmul.f32 v53, v58  }
0xd3: {  	v31 =	vadd.f32 v60, v31;
	v29 =	vadd.f32 v61, v29;
	v60 =	vmul.f32 v52, v58  }
0xd4: {  	v61 =	vmul.f32 v54, v58;
	v28 =	vadd.f32 v62, v28;
	v26 =	vadd.f32 v63, v26  }
0xd5: {  	v25 =	vadd.f32 v60, v25;
	v62 =	vmul.f32 v56, v58;
	v63 =	vmul.f32 v51, v59  }
0xd6: {  	v23 =	vadd.f32 v61, v23;
	v58 =	vmul.f32 v52, v59;
	v60 =	vbroadcast v4, $0x5  }
0xd7: {  	v59 =	vmul.f32 v56, v59;
	v22 =	vadd.f32 v62, v22;
	v21 =	vadd.f32 v63, v21  }
0xd8: {  	v16 =	vadd.f32 v58, v16;
	v61 =	vmul.f32 v51, v60;
	v62 =	vmul.f32 v49, v60  }
0xd9: {  	v14 =	vadd.f32 v59, v14;
	v57 =	vmul.f32 v53, v60;
	v63 =	vmul.f32 v52, v60  }
0xda: {  	s23 =	sadd.s32 $0xFFFFFE50, s3;
	v58 =	vbroadcast v5, $0x5;
	v12 =	vadd.f32 v61, v12;
	v11 =	vadd.f32 v62, v11  }
0xdb: {  	s7 =	sor.u32 $0x30, s23;
	v61 =	vmul.f32 v54, v60;
	v62 =	vmul.f32 v56, v60;
	v10 =	vadd.f32 v57, v10  }
0xdc: {  	v59 =	vld [tilespmem:s7+$0x200];
	v9 =	vadd.f32 v63, v9;
	v63 =	vmul.f32 v51, v58;
	v49 =	vmul.f32 v49, v58  }
0xdd: {  	v52 =	vmul.f32 v52, v58;
	v60 =	vmul.f32 v54, v58;
	v8 =	vadd.f32 v61, v8  }
0xde: {  	v57 =	vld [tilespmem:s6+$0xFFFFFFA0];
	v7 =	vadd.f32 v62, v7;
	v30 =	vadd.f32 v63, v30;
	v62 =	vmul.f32 v53, v58  }
0xdf: {  	v27 =	vadd.f32 v49, v27;
	v61 =	vmul.f32 v56, v58;
	v20 =	vadd.f32 v52, v20  }
0xe0: {  	v17 =	vadd.f32 v60, v17;
	v49 =	vbroadcast v6, $0x6;
	v58 =	vbroadcast v1, $0x6  }
0xe1: {  	v63 =	vld [tilespmem:s6+$0xFFFFFFC0];
	v52 =	vunpack.i.u.bf16.f32 v59;
	v54 =	vunpack.i.l.bf16.f32 v59;
	v59 =	vbroadcast v2, $0x6  }
0xe2: {  	v24 =	vadd.f32 v62, v24;
	v13 =	vadd.f32 v61, v13;
	v60 =	vmul.f32 v54, v49  }
0xe3: {  	v61 =	vmul.f32 v52, v49;
	v56 =	vmul.f32 v54, v58;
	v51 =	vunpack.i.l.bf16.f32 v57  }
0xe4: {  	v50 =	vunpack.i.u.bf16.f32 v57;
	v62 =	vmul.f32 v51, v49;
	v46 =	vadd.f32 v60, v46  }
0xe5: {  	v45 =	vadd.f32 v61, v45;
	v60 =	vmul.f32 v50, v59;
	v61 =	vmul.f32 v54, v59  }
0xe6: {  	v57 =	vmul.f32 v50, v58;
	v34 =	vadd.f32 v56, v34;
	v55 =	vunpack.i.u.bf16.f32 v63  }
0xe7: {  	v53 =	vunpack.i.l.bf16.f32 v63;
	v63 =	vmul.f32 v50, v49;
	v48 =	vadd.f32 v62, v48  }
0xe8: {  	v62 =	vmul.f32 v53, v49;
	v49 =	vmul.f32 v55, v49;
	v41 =	vadd.f32 v60, v41  }
0xe9: {  	v40 =	vadd.f32 v61, v40;
	v60 =	vmul.f32 v55, v59;
	v61 =	vmul.f32 v51, v58  }
0xea: {  	v35 =	vadd.f32 v57, v35;
	v47 =	vadd.f32 v63, v47;
	v63 =	vmul.f32 v51, v59  }
0xeb: {  	v44 =	vadd.f32 v62, v44;
	v43 =	vadd.f32 v49, v43;
	v62 =	vmul.f32 v52, v59  }
0xec: {  	v37 =	vadd.f32 v60, v37;
	v36 =	vadd.f32 v61, v36;
	v49 =	vmul.f32 v53, v58  }
0xed: {  	v60 =	vbroadcast v3, $0x6;
	v42 =	vadd.f32 v63, v42;
	v63 =	vmul.f32 v53, v59  }
0xee: {  	v59 =	vmul.f32 v52, v58;
	v39 =	vadd.f32 v62, v39;
	v62 =	vmul.f32 v55, v58  }
0xef: {  	v32 =	vadd.f32 v49, v32;
	v61 =	vmul.f32 v50, v60;
	v57 =	vmul.f32 v54, v60  }
0xf0: {  	v58 =	vbroadcast v0, $0x6;
	v38 =	vadd.f32 v63, v38;
	v33 =	vadd.f32 v59, v33  }
0xf1: {  	v63 =	vmul.f32 v51, v60;
	v59 =	vbroadcast v4, $0x6;
	v31 =	vadd.f32 v62, v31  }
0xf2: {  	v62 =	vmul.f32 v52, v60;
	v28 =	vadd.f32 v61, v28;
	v61 =	vmul.f32 v55, v60  }
0xf3: {  	v29 =	vadd.f32 v63, v29;
	v63 =	vmul.f32 v53, v60;
	v60 =	vmul.f32 v54, v58  }
0xf4: {  	v26 =	vadd.f32 v57, v26;
	v57 =	vmul.f32 v50, v59;
	v49 =	vmul.f32 v54, v59  }
0xf5: {  	v56 =	vmul.f32 v53, v59;
	v25 =	vadd.f32 v62, v25;
	v62 =	vmul.f32 v51, v58  }
0xf6: {  	v22 =	vadd.f32 v61, v22;
	v61 =	vmul.f32 v52, v58;
	v23 =	vadd.f32 v63, v23  }
0xf7: {  	v63 =	vmul.f32 v50, v58;
	v18 =	vadd.f32 v60, v18;
	v11 =	vadd.f32 v57, v11  }
0xf8: {  	v60 =	vmul.f32 v51, v59;
	v10 =	vadd.f32 v49, v10;
	v8 =	vadd.f32 v56, v8  }
0xf9: {  	v56 =	vld [tilespmem:s6+$0xFFFFFFD0];
	v21 =	vadd.f32 v62, v21;
	v62 =	vmul.f32 v53, v58;
	v16 =	vadd.f32 v61, v16  }
0xfa: {  	v57 =	vld [tilespmem:s6+$0xFFFFFFE0];
	v61 =	vmul.f32 v55, v59;
	v12 =	vadd.f32 v60, v12;
	v60 =	vbroadcast v5, $0x6  }
0xfb: {  	v19 =	vadd.f32 v63, v19;
	v63 =	vmul.f32 v55, v58;
	v58 =	vmul.f32 v52, v59  }
0xfc: {  	v15 =	vadd.f32 v62, v15;
	v7 =	vadd.f32 v61, v7;
	v51 =	vmul.f32 v51, v60  }
0xfd: {  	s24 =	sadd.s32 $0xFFFFFE80, s3;
	v14 =	vadd.f32 v63, v14;
	v62 =	vmul.f32 v50, v60;
	v63 =	vmul.f32 v54, v60  }
0xfe: {  	s7 =	sor.u32 $0x70, s24;
	v9 =	vadd.f32 v58, v9;
	v58 =	vmul.f32 v52, v60;
	v59 =	vmul.f32 v53, v60  }
0xff: {  	v61 =	vld [tilespmem:s7+$0x200];
	v50 =	vbroadcast v6, $0x7;
	v49 =	vunpack.i.u.bf16.f32 v56;
	v52 =	vunpack.i.u.bf16.f32 v57  }
0x100: {  	v54 =	vunpack.i.l.bf16.f32 v57;
	v30 =	vadd.f32 v51, v30;
	v27 =	vadd.f32 v62, v27  }
0x101: {  	v24 =	vadd.f32 v63, v24;
	v62 =	vmul.f32 v55, v60;
	v20 =	vadd.f32 v58, v20  }
0x102: {  	v17 =	vadd.f32 v59, v17;
	v51 =	vunpack.i.l.bf16.f32 v56;
	v60 =	vmul.f32 v49, v50  }
0x103: {  	v59 =	vbroadcast v2, $0x7;
	v63 =	vmul.f32 v51, v50;
	v13 =	vadd.f32 v62, v13  }
0x104: {  	v56 =	vunpack.i.u.bf16.f32 v61;
	v53 =	vunpack.i.l.bf16.f32 v61;
	v61 =	vmul.f32 v54, v50  }
0x105: {  	v62 =	vmul.f32 v52, v50;
	v47 =	vadd.f32 v60, v47;
	v60 =	vmul.f32 v51, v59  }
0x106: {  	v57 =	vmul.f32 v49, v59;
	v58 =	vmul.f32 v52, v59;
	v48 =	vadd.f32 v63, v48  }
0x107: {  	v63 =	vmul.f32 v53, v50;
	v50 =	vmul.f32 v56, v50;
	v46 =	vadd.f32 v61, v46  }
0x108: {  	v55 =	vmul.f32 v53, v59;
	v45 =	vadd.f32 v62, v45;
	v42 =	vadd.f32 v60, v42  }
0x109: {  	v60 =	vbroadcast v1, $0x7;
	v41 =	vadd.f32 v57, v41;
	v61 =	vmul.f32 v56, v59  }
0x10a: {  	v39 =	vadd.f32 v58, v39;
	v58 =	vbroadcast v3, $0x7;
	v44 =	vadd.f32 v63, v44  }
0x10b: {  	v43 =	vadd.f32 v50, v43;
	v50 =	vmul.f32 v54, v59;
	v59 =	vbroadcast v0, $0x7  }
0x10c: {  	v38 =	vadd.f32 v55, v38;
	v62 =	vmul.f32 v51, v60;
	v63 =	vmul.f32 v49, v60  }
0x10d: {  	v37 =	vadd.f32 v61, v37;
	v61 =	vmul.f32 v54, v60;
	v57 =	vmul.f32 v49, v59  }
0x10e: {  	v40 =	vadd.f32 v50, v40;
	v55 =	vmul.f32 v54, v59;
	v50 =	vmul.f32 v53, v59  }
0x10f: {  	v36 =	vadd.f32 v62, v36;
	v62 =	vmul.f32 v52, v60;
	v35 =	vadd.f32 v63, v35  }
0x110: {  	v63 =	vmul.f32 v53, v60;
	v34 =	vadd.f32 v61, v34;
	v19 =	vadd.f32 v57, v19  }
0x111: {  	v60 =	vmul.f32 v56, v60;
	v18 =	vadd.f32 v55, v18;
	v15 =	vadd.f32 v50, v15  }
0x112: {  	v61 =	vmul.f32 v51, v58;
	v33 =	vadd.f32 v62, v33;
	v32 =	vadd.f32 v63, v32  }
0x113: {  	v31 =	vadd.f32 v60, v31;
	v62 =	vmul.f32 v49, v58;
	v63 =	vmul.f32 v54, v58  }
0x114: {  	v29 =	vadd.f32 v61, v29;
	v60 =	vmul.f32 v52, v58;
	v61 =	vmul.f32 v53, v58  }
0x115: {  	v28 =	vadd.f32 v62, v28;
	v26 =	vadd.f32 v63, v26;
	v62 =	vmul.f32 v56, v58  }
0x116: {  	v25 =	vadd.f32 v60, v25;
	v63 =	vmul.f32 v51, v59;
	v60 =	vbroadcast v4, $0x7  }
0x117: {  	v23 =	vadd.f32 v61, v23;
	v58 =	vmul.f32 v52, v59;
	v59 =	vmul.f32 v56, v59  }
0x118: {  	v22 =	vadd.f32 v62, v22;
	v21 =	vadd.f32 v63, v21;
	v61 =	vmul.f32 v51, v60  }
0x119: {  	v16 =	vadd.f32 v58, v16;
	v62 =	vmul.f32 v49, v60;
	v57 =	vmul.f32 v54, v60  }
0x11a: {  	v14 =	vadd.f32 v59, v14;
	v63 =	vmul.f32 v52, v60;
	v58 =	vbroadcast v5, $0x7  }
0x11b: {  	v12 =	vadd.f32 v61, v12;
	v11 =	vadd.f32 v62, v11;
	v61 =	vmul.f32 v53, v60  }
0x11c: {  	v59 =	vld [tilespmem:s6+$0x10];
	v62 =	vmul.f32 v56, v60;
	v9 =	vadd.f32 v63, v9;
	v63 =	vmul.f32 v51, v58  }
0x11d: {  	v10 =	vadd.f32 v57, v10;
	v49 =	vmul.f32 v49, v58;
	v52 =	vmul.f32 v52, v58  }
0x11e: {  	v60 =	vmul.f32 v53, v58;
	v8 =	vadd.f32 v61, v8;
	v7 =	vadd.f32 v62, v7  }
0x11f: {  	v57 =	vld [tilespmem:s6+$0x0];
	v30 =	vadd.f32 v63, v30;
	v62 =	vmul.f32 v54, v58;
	v27 =	vadd.f32 v49, v27  }
0x120: {  	v61 =	vmul.f32 v56, v58;
	v20 =	vadd.f32 v52, v20;
	v17 =	vadd.f32 v60, v17  }
0x121: {  	v49 =	vbroadcast v6, $0x8;
	v58 =	vbroadcast v1, $0x8;
	v52 =	vunpack.i.u.bf16.f32 v59  }
0x122: {  	v63 =	vld [tilespmem:s6+$0x20];
	v53 =	vunpack.i.l.bf16.f32 v59;
	v59 =	vbroadcast v2, $0x8;
	v24 =	vadd.f32 v62, v24  }
0x123: {  	v13 =	vadd.f32 v61, v13;
	v60 =	vmul.f32 v53, v49;
	v61 =	vmul.f32 v52, v49  }
0x124: {  	v56 =	vmul.f32 v53, v58;
	v50 =	vunpack.i.u.bf16.f32 v57;
	v51 =	vunpack.i.l.bf16.f32 v57  }
0x125: {  	v62 =	vmul.f32 v51, v49;
	v46 =	vadd.f32 v60, v46;
	v60 =	vmul.f32 v50, v59  }
0x126: {  	v45 =	vadd.f32 v61, v45;
	v61 =	vmul.f32 v53, v59;
	v57 =	vmul.f32 v50, v58  }
0x127: {  	v34 =	vadd.f32 v56, v34;
	v55 =	vunpack.i.u.bf16.f32 v63;
	v54 =	vunpack.i.l.bf16.f32 v63  }
0x128: {  	v63 =	vmul.f32 v50, v49;
	v48 =	vadd.f32 v62, v48;
	v62 =	vmul.f32 v54, v49  }
0x129: {  	v49 =	vmul.f32 v55, v49;
	v41 =	vadd.f32 v60, v41;
	v40 =	vadd.f32 v61, v40  }
0x12a: {  	v60 =	vmul.f32 v55, v59;
	v61 =	vmul.f32 v51, v58;
	v35 =	vadd.f32 v57, v35  }
0x12b: {  	v47 =	vadd.f32 v63, v47;
	v63 =	vmul.f32 v51, v59;
	v44 =	vadd.f32 v62, v44  }
0x12c: {  	v43 =	vadd.f32 v49, v43;
	v62 =	vmul.f32 v52, v59;
	v37 =	vadd.f32 v60, v37  }
0x12d: {  	v36 =	vadd.f32 v61, v36;
	v49 =	vmul.f32 v54, v58;
	v60 =	vbroadcast v3, $0x8  }
0x12e: {  	v42 =	vadd.f32 v63, v42;
	v63 =	vmul.f32 v54, v59;
	v59 =	vmul.f32 v52, v58  }
0x12f: {  	v39 =	vadd.f32 v62, v39;
	v62 =	vmul.f32 v55, v58;
	v61 =	vmul.f32 v50, v60  }
0x130: {  	v57 =	vmul.f32 v53, v60;
	v58 =	vbroadcast v0, $0x8;
	v38 =	vadd.f32 v63, v38  }
0x131: {  	v33 =	vadd.f32 v59, v33;
	v63 =	vmul.f32 v51, v60;
	v59 =	vbroadcast v4, $0x8  }
0x132: {  	v31 =	vadd.f32 v62, v31;
	v62 =	vmul.f32 v52, v60;
	v28 =	vadd.f32 v61, v28  }
0x133: {  	v61 =	vmul.f32 v55, v60;
	v29 =	vadd.f32 v63, v29;
	v63 =	vmul.f32 v54, v60  }
0x134: {  	v26 =	vadd.f32 v57, v26;
	v60 =	vmul.f32 v53, v58;
	v57 =	vmul.f32 v50, v59  }
0x135: {  	v32 =	vadd.f32 v49, v32;
	v49 =	vmul.f32 v53, v59;
	v56 =	vmul.f32 v54, v59  }
0x136: {  	v25 =	vadd.f32 v62, v25;
	v62 =	vmul.f32 v51, v58;
	v22 =	vadd.f32 v61, v22  }
0x137: {  	v61 =	vmul.f32 v52, v58;
	v23 =	vadd.f32 v63, v23;
	v18 =	vadd.f32 v60, v18  }
0x138: {  	v63 =	vmul.f32 v50, v58;
	v11 =	vadd.f32 v57, v11;
	v10 =	vadd.f32 v49, v10  }
0x139: {  	v60 =	vmul.f32 v51, v59;
	v8 =	vadd.f32 v56, v8;
	v21 =	vadd.f32 v62, v21  }
0x13a: {  	v56 =	vld [tilespmem:s6+$0x30];
	v62 =	vmul.f32 v54, v58;
	v16 =	vadd.f32 v61, v16;
	v19 =	vadd.f32 v63, v19  }
0x13b: {  	v57 =	vld [tilespmem:s6+$0x40];
	v63 =	vmul.f32 v55, v58;
	v12 =	vadd.f32 v60, v12;
	v60 =	vbroadcast v5, $0x8  }
0x13c: {  	v61 =	vmul.f32 v55, v59;
	v58 =	vmul.f32 v52, v59;
	v15 =	vadd.f32 v62, v15  }
0x13d: {  	v14 =	vadd.f32 v63, v14;
	v51 =	vmul.f32 v51, v60;
	v62 =	vmul.f32 v50, v60  }
0x13e: {  	v9 =	vadd.f32 v58, v9;
	v63 =	vmul.f32 v53, v60;
	v58 =	vmul.f32 v52, v60  }
0x13f: {  	v7 =	vadd.f32 v61, v7;
	v61 =	vld [tilespmem:s6+$0x50];
	v59 =	vmul.f32 v54, v60;
	v50 =	vbroadcast v6, $0x9  }
0x140: {  	v49 =	vunpack.i.u.bf16.f32 v56;
	v52 =	vunpack.i.u.bf16.f32 v57;
	v30 =	vadd.f32 v51, v30  }
0x141: {  	v53 =	vunpack.i.l.bf16.f32 v57;
	v27 =	vadd.f32 v62, v27;
	v24 =	vadd.f32 v63, v24  }
0x142: {  	v62 =	vmul.f32 v55, v60;
	v20 =	vadd.f32 v58, v20;
	v17 =	vadd.f32 v59, v17  }
0x143: {  	v51 =	vunpack.i.l.bf16.f32 v56;
	v60 =	vmul.f32 v49, v50;
	v59 =	vbroadcast v2, $0x9  }
0x144: {  	v63 =	vmul.f32 v51, v50;
	v13 =	vadd.f32 v62, v13;
	v56 =	vunpack.i.u.bf16.f32 v61  }
0x145: {  	v54 =	vunpack.i.l.bf16.f32 v61;
	v61 =	vmul.f32 v53, v50;
	v62 =	vmul.f32 v52, v50  }
0x146: {  	v47 =	vadd.f32 v60, v47;
	v60 =	vmul.f32 v51, v59;
	v57 =	vmul.f32 v49, v59  }
0x147: {  	v58 =	vmul.f32 v52, v59;
	v48 =	vadd.f32 v63, v48;
	v63 =	vmul.f32 v54, v50  }
0x148: {  	v50 =	vmul.f32 v56, v50;
	v55 =	vmul.f32 v54, v59;
	v46 =	vadd.f32 v61, v46  }
0x149: {  	v45 =	vadd.f32 v62, v45;
	v42 =	vadd.f32 v60, v42;
	v60 =	vbroadcast v1, $0x9  }
0x14a: {  	v41 =	vadd.f32 v57, v41;
	v61 =	vmul.f32 v56, v59;
	v39 =	vadd.f32 v58, v39  }
0x14b: {  	v58 =	vbroadcast v3, $0x9;
	v44 =	vadd.f32 v63, v44;
	v43 =	vadd.f32 v50, v43  }
0x14c: {  	v50 =	vmul.f32 v53, v59;
	v38 =	vadd.f32 v55, v38;
	v59 =	vbroadcast v0, $0x9  }
0x14d: {  	v62 =	vmul.f32 v51, v60;
	v37 =	vadd.f32 v61, v37;
	v63 =	vmul.f32 v49, v60  }
0x14e: {  	v61 =	vmul.f32 v53, v60;
	v40 =	vadd.f32 v50, v40;
	v57 =	vmul.f32 v49, v59  }
0x14f: {  	v55 =	vmul.f32 v53, v59;
	v50 =	vmul.f32 v54, v59;
	v36 =	vadd.f32 v62, v36  }
0x150: {  	v62 =	vmul.f32 v52, v60;
	v35 =	vadd.f32 v63, v35;
	v63 =	vmul.f32 v54, v60  }
0x151: {  	v60 =	vmul.f32 v56, v60;
	v34 =	vadd.f32 v61, v34;
	v19 =	vadd.f32 v57, v19  }
0x152: {  	v61 =	vmul.f32 v51, v58;
	v18 =	vadd.f32 v55, v18;
	v15 =	vadd.f32 v50, v15  }
0x153: {  	v33 =	vadd.f32 v62, v33;
	v32 =	vadd.f32 v63, v32;
	v62 =	vmul.f32 v49, v58  }
0x154: {  	v31 =	vadd.f32 v60, v31;
	v29 =	vadd.f32 v61, v29;
	v63 =	vmul.f32 v53, v58  }
0x155: {  	v60 =	vmul.f32 v52, v58;
	v61 =	vmul.f32 v54, v58;
	v28 =	vadd.f32 v62, v28  }
0x156: {  	v26 =	vadd.f32 v63, v26;
	v62 =	vmul.f32 v56, v58;
	v63 =	vmul.f32 v51, v59  }
0x157: {  	v25 =	vadd.f32 v60, v25;
	v58 =	vmul.f32 v52, v59;
	v60 =	vbroadcast v4, $0x9  }
0x158: {  	v23 =	vadd.f32 v61, v23;
	v59 =	vmul.f32 v56, v59;
	v22 =	vadd.f32 v62, v22  }
0x159: {  	v21 =	vadd.f32 v63, v21;
	v16 =	vadd.f32 v58, v16;
	v61 =	vmul.f32 v51, v60  }
0x15a: {  	v14 =	vadd.f32 v59, v14;
	v62 =	vmul.f32 v49, v60;
	v57 =	vmul.f32 v53, v60  }
0x15b: {  	s25 =	sadd.s32 $0xFFFFFF10, s3;
	v63 =	vmul.f32 v52, v60;
	v58 =	vbroadcast v5, $0x9;
	v12 =	vadd.f32 v61, v12  }
0x15c: {  	s7 =	sor.u32 $0x70, s25;
	v11 =	vadd.f32 v62, v11;
	v61 =	vmul.f32 v54, v60;
	v62 =	vmul.f32 v56, v60  }
0x15d: {  	v59 =	vld [tilespmem:s7+$0x200];
	v10 =	vadd.f32 v57, v10;
	v9 =	vadd.f32 v63, v9;
	v63 =	vmul.f32 v51, v58  }
0x15e: {  	v49 =	vmul.f32 v49, v58;
	v52 =	vmul.f32 v52, v58;
	v8 =	vadd.f32 v61, v8  }
0x15f: {  	v57 =	vld [tilespmem:s6+$0x60];
	v60 =	vmul.f32 v54, v58;
	v7 =	vadd.f32 v62, v7;
	v30 =	vadd.f32 v63, v30  }
0x160: {  	v62 =	vmul.f32 v53, v58;
	v27 =	vadd.f32 v49, v27;
	v61 =	vmul.f32 v56, v58  }
0x161: {  	v20 =	vadd.f32 v52, v20;
	v17 =	vadd.f32 v60, v17;
	v49 =	vbroadcast v6, $0xA  }
0x162: {  	v58 =	vbroadcast v1, $0xA;
	v52 =	vunpack.i.u.bf16.f32 v59;
	v54 =	vunpack.i.l.bf16.f32 v59  }
0x163: {  	v63 =	vld [tilespmem:s6+$0x80];
	v59 =	vbroadcast v2, $0xA;
	v24 =	vadd.f32 v62, v24;
	v13 =	vadd.f32 v61, v13  }
0x164: {  	v60 =	vmul.f32 v54, v49;
	v61 =	vmul.f32 v52, v49;
	v51 =	vunpack.i.l.bf16.f32 v57  }
0x165: {  	v56 =	vmul.f32 v54, v58;
	v50 =	vunpack.i.u.bf16.f32 v57;
	v62 =	vmul.f32 v51, v49  }
0x166: {  	v46 =	vadd.f32 v60, v46;
	v45 =	vadd.f32 v61, v45;
	v60 =	vmul.f32 v50, v59  }
0x167: {  	v61 =	vmul.f32 v54, v59;
	v57 =	vmul.f32 v50, v58;
	v34 =	vadd.f32 v56, v34  }
0x168: {  	v55 =	vunpack.i.u.bf16.f32 v63;
	v53 =	vunpack.i.l.bf16.f32 v63;
	v63 =	vmul.f32 v50, v49  }
0x169: {  	v48 =	vadd.f32 v62, v48;
	v62 =	vmul.f32 v53, v49;
	v49 =	vmul.f32 v55, v49  }
0x16a: {  	v41 =	vadd.f32 v60, v41;
	v40 =	vadd.f32 v61, v40;
	v60 =	vmul.f32 v55, v59  }
0x16b: {  	v61 =	vmul.f32 v51, v58;
	v35 =	vadd.f32 v57, v35;
	v47 =	vadd.f32 v63, v47  }
0x16c: {  	v63 =	vmul.f32 v51, v59;
	v44 =	vadd.f32 v62, v44;
	v43 =	vadd.f32 v49, v43  }
0x16d: {  	v62 =	vmul.f32 v52, v59;
	v37 =	vadd.f32 v60, v37;
	v36 =	vadd.f32 v61, v36  }
0x16e: {  	v49 =	vmul.f32 v53, v58;
	v60 =	vbroadcast v3, $0xA;
	v42 =	vadd.f32 v63, v42  }
0x16f: {  	v63 =	vmul.f32 v53, v59;
	v59 =	vmul.f32 v52, v58;
	v39 =	vadd.f32 v62, v39  }
0x170: {  	v62 =	vmul.f32 v55, v58;
	v32 =	vadd.f32 v49, v32;
	v61 =	vmul.f32 v50, v60  }
0x171: {  	v57 =	vmul.f32 v54, v60;
	v58 =	vbroadcast v0, $0xA;
	v38 =	vadd.f32 v63, v38  }
0x172: {  	v33 =	vadd.f32 v59, v33;
	v63 =	vmul.f32 v51, v60;
	v59 =	vbroadcast v4, $0xA  }
0x173: {  	v31 =	vadd.f32 v62, v31;
	v62 =	vmul.f32 v52, v60;
	v28 =	vadd.f32 v61, v28  }
0x174: {  	v61 =	vmul.f32 v55, v60;
	v29 =	vadd.f32 v63, v29;
	v63 =	vmul.f32 v53, v60  }
0x175: {  	v26 =	vadd.f32 v57, v26;
	v60 =	vmul.f32 v54, v58;
	v57 =	vmul.f32 v50, v59  }
0x176: {  	v49 =	vmul.f32 v54, v59;
	v56 =	vmul.f32 v53, v59;
	v25 =	vadd.f32 v62, v25  }
0x177: {  	v62 =	vmul.f32 v51, v58;
	v22 =	vadd.f32 v61, v22;
	v61 =	vmul.f32 v52, v58  }
0x178: {  	v23 =	vadd.f32 v63, v23;
	v63 =	vmul.f32 v50, v58;
	v18 =	vadd.f32 v60, v18  }
0x179: {  	v60 =	vmul.f32 v51, v59;
	v11 =	vadd.f32 v57, v11;
	v10 =	vadd.f32 v49, v10  }
0x17a: {  	v8 =	vadd.f32 v56, v8;
	v21 =	vadd.f32 v62, v21;
	v62 =	vmul.f32 v53, v58  }
0x17b: {  	v56 =	vld [tilespmem:s6+$0x90];
	v16 =	vadd.f32 v61, v16;
	v61 =	vmul.f32 v55, v59;
	v19 =	vadd.f32 v63, v19  }
0x17c: {  	v57 =	vld [tilespmem:s6+$0xA0];
	v63 =	vmul.f32 v55, v58;
	v12 =	vadd.f32 v60, v12;
	v60 =	vbroadcast v5, $0xA  }
0x17d: {  	v58 =	vmul.f32 v52, v59;
	v15 =	vadd.f32 v62, v15;
	v7 =	vadd.f32 v61, v7  }
0x17e: {  	s26 =	sadd.s32 $0xFFFFFF40, s3;
	v14 =	vadd.f32 v63, v14;
	v51 =	vmul.f32 v51, v60;
	v62 =	vmul.f32 v50, v60  }
0x17f: {  	s7 =	sor.u32 $0x30, s26;
	v9 =	vadd.f32 v58, v9;
	v63 =	vmul.f32 v54, v60;
	v58 =	vmul.f32 v52, v60  }
0x180: {  	v61 =	vld [tilespmem:s7+$0x200];
	v59 =	vmul.f32 v53, v60;
	v50 =	vbroadcast v6, $0xB;
	v49 =	vunpack.i.u.bf16.f32 v56  }
0x181: {  	v52 =	vunpack.i.u.bf16.f32 v57;
	v54 =	vunpack.i.l.bf16.f32 v57;
	v30 =	vadd.f32 v51, v30  }
0x182: {  	v27 =	vadd.f32 v62, v27;
	v24 =	vadd.f32 v63, v24;
	v62 =	vmul.f32 v55, v60  }
0x183: {  	v17 =	vadd.f32 v59, v17;
	v51 =	vunpack.i.l.bf16.f32 v56;
	v60 =	vmul.f32 v49, v50  }
0x184: {  	v59 =	vbroadcast v2, $0xB;
	v63 =	vmul.f32 v51, v50;
	v13 =	vadd.f32 v62, v13  }
0x185: {  	v56 =	vunpack.i.u.bf16.f32 v61;
	v53 =	vunpack.i.l.bf16.f32 v61;
	v61 =	vmul.f32 v54, v50  }
0x186: {  	v62 =	vmul.f32 v52, v50;
	v47 =	vadd.f32 v60, v47;
	v60 =	vmul.f32 v51, v59  }
0x187: {  	v20 =	vadd.f32 v58, v20;
	v57 =	vmul.f32 v49, v59;
	v58 =	vmul.f32 v52, v59  }
0x188: {  	v48 =	vadd.f32 v63, v48;
	v63 =	vmul.f32 v53, v50;
	v50 =	vmul.f32 v56, v50  }
0x189: {  	v55 =	vmul.f32 v53, v59;
	v46 =	vadd.f32 v61, v46;
	v45 =	vadd.f32 v62, v45  }
0x18a: {  	v42 =	vadd.f32 v60, v42;
	v60 =	vbroadcast v1, $0xB;
	v41 =	vadd.f32 v57, v41  }
0x18b: {  	v61 =	vmul.f32 v56, v59;
	v39 =	vadd.f32 v58, v39;
	v58 =	vbroadcast v3, $0xB  }
0x18c: {  	v44 =	vadd.f32 v63, v44;
	v43 =	vadd.f32 v50, v43;
	v50 =	vmul.f32 v54, v59  }
0x18d: {  	v38 =	vadd.f32 v55, v38;
	v59 =	vbroadcast v0, $0xB;
	v62 =	vmul.f32 v51, v60  }
0x18e: {  	v37 =	vadd.f32 v61, v37;
	v63 =	vmul.f32 v49, v60;
	v61 =	vmul.f32 v54, v60  }
0x18f: {  	v40 =	vadd.f32 v50, v40;
	v57 =	vmul.f32 v49, v59;
	v55 =	vmul.f32 v54, v59  }
0x190: {  	v50 =	vmul.f32 v53, v59;
	v36 =	vadd.f32 v62, v36;
	v62 =	vmul.f32 v52, v60  }
0x191: {  	v35 =	vadd.f32 v63, v35;
	v63 =	vmul.f32 v53, v60;
	v34 =	vadd.f32 v61, v34  }
0x192: {  	v60 =	vmul.f32 v56, v60;
	v19 =	vadd.f32 v57, v19;
	v18 =	vadd.f32 v55, v18  }
0x193: {  	v61 =	vmul.f32 v51, v58;
	v15 =	vadd.f32 v50, v15;
	v33 =	vadd.f32 v62, v33  }
0x194: {  	v32 =	vadd.f32 v63, v32;
	v62 =	vmul.f32 v49, v58;
	v63 =	vmul.f32 v54, v58  }
0x195: {  	v31 =	vadd.f32 v60, v31;
	v29 =	vadd.f32 v61, v29;
	v60 =	vmul.f32 v52, v58  }
0x196: {  	v61 =	vmul.f32 v53, v58;
	v28 =	vadd.f32 v62, v28;
	v26 =	vadd.f32 v63, v26  }
0x197: {  	v25 =	vadd.f32 v60, v25;
	v62 =	vmul.f32 v56, v58;
	v63 =	vmul.f32 v51, v59  }
0x198: {  	v23 =	vadd.f32 v61, v23;
	v58 =	vmul.f32 v52, v59;
	v60 =	vbroadcast v4, $0xB  }
0x199: {  	v59 =	vmul.f32 v56, v59;
	v22 =	vadd.f32 v62, v22;
	v21 =	vadd.f32 v63, v21  }
0x19a: {  	v16 =	vadd.f32 v58, v16;
	v61 =	vmul.f32 v51, v60;
	v62 =	vmul.f32 v49, v60  }
0x19b: {  	v14 =	vadd.f32 v59, v14;
	v57 =	vmul.f32 v54, v60;
	v63 =	vmul.f32 v52, v60  }
0x19c: {  	s28 =	sadd.s32 $0xFFFFFF70, s3;
	v58 =	vbroadcast v5, $0xB;
	v12 =	vadd.f32 v61, v12;
	v11 =	vadd.f32 v62, v11  }
0x19d: {  	s29 =	sor.u32 $0x50, s28;
	v61 =	vmul.f32 v53, v60;
	v62 =	vmul.f32 v56, v60;
	v10 =	vadd.f32 v57, v10  }
0x19e: {  	v59 =	vld [tilespmem:s29+$0x200];
	v9 =	vadd.f32 v63, v9;
	v63 =	vmul.f32 v51, v58;
	v49 =	vmul.f32 v49, v58  }
0x19f: {  	v52 =	vmul.f32 v52, v58;
	v60 =	vmul.f32 v53, v58;
	v8 =	vadd.f32 v61, v8  }
0x1a0: {  	v57 =	vld [tilespmem:s6+$0xC0];
	v7 =	vadd.f32 v62, v7;
	v30 =	vadd.f32 v63, v30;
	v62 =	vmul.f32 v54, v58  }
0x1a1: {  	v27 =	vadd.f32 v49, v27;
	v61 =	vmul.f32 v56, v58;
	v20 =	vadd.f32 v52, v20  }
0x1a2: {  	s7 =	sor.u32 $0x60, s28;
	v17 =	vadd.f32 v60, v17;
	v49 =	vbroadcast v6, $0xC;
	v58 =	vbroadcast v1, $0xC  }
0x1a3: {  	v63 =	vld [tilespmem:s7+$0x200];
	v52 =	vunpack.i.u.bf16.f32 v59;
	v53 =	vunpack.i.l.bf16.f32 v59;
	v59 =	vbroadcast v2, $0xC  }
0x1a4: {  	v24 =	vadd.f32 v62, v24;
	v13 =	vadd.f32 v61, v13;
	v60 =	vmul.f32 v53, v49  }
0x1a5: {  	v61 =	vmul.f32 v52, v49;
	v56 =	vmul.f32 v53, v58;
	v51 =	vunpack.i.l.bf16.f32 v57  }
0x1a6: {  	v50 =	vunpack.i.u.bf16.f32 v57;
	v62 =	vmul.f32 v51, v49;
	v46 =	vadd.f32 v60, v46  }
0x1a7: {  	v45 =	vadd.f32 v61, v45;
	v60 =	vmul.f32 v50, v59;
	v61 =	vmul.f32 v53, v59  }
0x1a8: {  	v57 =	vmul.f32 v50, v58;
	v34 =	vadd.f32 v56, v34;
	v55 =	vunpack.i.u.bf16.f32 v63  }
0x1a9: {  	v54 =	vunpack.i.l.bf16.f32 v63;
	v63 =	vmul.f32 v50, v49;
	v48 =	vadd.f32 v62, v48  }
0x1aa: {  	v62 =	vmul.f32 v54, v49;
	v49 =	vmul.f32 v55, v49;
	v41 =	vadd.f32 v60, v41  }
0x1ab: {  	v40 =	vadd.f32 v61, v40;
	v60 =	vmul.f32 v55, v59;
	v61 =	vmul.f32 v51, v58  }
0x1ac: {  	v35 =	vadd.f32 v57, v35;
	v47 =	vadd.f32 v63, v47;
	v63 =	vmul.f32 v51, v59  }
0x1ad: {  	v44 =	vadd.f32 v62, v44;
	v43 =	vadd.f32 v49, v43;
	v62 =	vmul.f32 v52, v59  }
0x1ae: {  	v37 =	vadd.f32 v60, v37;
	v36 =	vadd.f32 v61, v36;
	v49 =	vmul.f32 v54, v58  }
0x1af: {  	v60 =	vbroadcast v3, $0xC;
	v42 =	vadd.f32 v63, v42;
	v63 =	vmul.f32 v54, v59  }
0x1b0: {  	v59 =	vmul.f32 v52, v58;
	v39 =	vadd.f32 v62, v39;
	v62 =	vmul.f32 v55, v58  }
0x1b1: {  	v32 =	vadd.f32 v49, v32;
	v61 =	vmul.f32 v50, v60;
	v57 =	vmul.f32 v53, v60  }
0x1b2: {  	v58 =	vbroadcast v0, $0xC;
	v38 =	vadd.f32 v63, v38;
	v33 =	vadd.f32 v59, v33  }
0x1b3: {  	v63 =	vmul.f32 v51, v60;
	v59 =	vbroadcast v4, $0xC;
	v31 =	vadd.f32 v62, v31  }
0x1b4: {  	v62 =	vmul.f32 v52, v60;
	v28 =	vadd.f32 v61, v28;
	v61 =	vmul.f32 v55, v60  }
0x1b5: {  	v29 =	vadd.f32 v63, v29;
	v63 =	vmul.f32 v54, v60;
	v60 =	vmul.f32 v53, v58  }
0x1b6: {  	v26 =	vadd.f32 v57, v26;
	v57 =	vmul.f32 v50, v59;
	v49 =	vmul.f32 v53, v59  }
0x1b7: {  	v56 =	vmul.f32 v54, v59;
	v25 =	vadd.f32 v62, v25;
	v62 =	vmul.f32 v51, v58  }
0x1b8: {  	v22 =	vadd.f32 v61, v22;
	v61 =	vmul.f32 v52, v58;
	v23 =	vadd.f32 v63, v23  }
0x1b9: {  	v63 =	vmul.f32 v50, v58;
	v18 =	vadd.f32 v60, v18;
	v11 =	vadd.f32 v57, v11  }
0x1ba: {  	v60 =	vmul.f32 v51, v59;
	v10 =	vadd.f32 v49, v10;
	v8 =	vadd.f32 v56, v8  }
0x1bb: {  	v56 =	vld [tilespmem:s6+$0xF0];
	v21 =	vadd.f32 v62, v21;
	v62 =	vmul.f32 v54, v58;
	v16 =	vadd.f32 v61, v16  }
0x1bc: {  	v57 =	vld [tilespmem:s6+$0x100];
	v61 =	vmul.f32 v55, v59;
	v12 =	vadd.f32 v60, v12;
	v60 =	vbroadcast v5, $0xC  }
0x1bd: {  	v19 =	vadd.f32 v63, v19;
	v63 =	vmul.f32 v55, v58;
	v58 =	vmul.f32 v52, v59  }
0x1be: {  	v15 =	vadd.f32 v62, v15;
	v7 =	vadd.f32 v61, v7;
	v51 =	vmul.f32 v51, v60  }
0x1bf: {  	v14 =	vadd.f32 v63, v14;
	v62 =	vmul.f32 v50, v60;
	v63 =	vmul.f32 v53, v60  }
0x1c0: {  	v9 =	vadd.f32 v58, v9;
	v58 =	vmul.f32 v52, v60;
	v59 =	vmul.f32 v54, v60  }
0x1c1: {  	v61 =	vld [tilespmem:s6+$0x110];
	v50 =	vbroadcast v6, $0xD;
	v49 =	vunpack.i.u.bf16.f32 v56;
	v52 =	vunpack.i.u.bf16.f32 v57  }
0x1c2: {  	v53 =	vunpack.i.l.bf16.f32 v57;
	v30 =	vadd.f32 v51, v30;
	v27 =	vadd.f32 v62, v27  }
0x1c3: {  	v24 =	vadd.f32 v63, v24;
	v62 =	vmul.f32 v55, v60;
	v20 =	vadd.f32 v58, v20  }
0x1c4: {  	v17 =	vadd.f32 v59, v17;
	v51 =	vunpack.i.l.bf16.f32 v56;
	v60 =	vmul.f32 v49, v50  }
0x1c5: {  	v59 =	vbroadcast v2, $0xD;
	v63 =	vmul.f32 v51, v50;
	v13 =	vadd.f32 v62, v13  }
0x1c6: {  	v56 =	vunpack.i.u.bf16.f32 v61;
	v54 =	vunpack.i.l.bf16.f32 v61;
	v61 =	vmul.f32 v53, v50  }
0x1c7: {  	v62 =	vmul.f32 v52, v50;
	v47 =	vadd.f32 v60, v47;
	v60 =	vmul.f32 v51, v59  }
0x1c8: {  	v57 =	vmul.f32 v49, v59;
	v58 =	vmul.f32 v52, v59;
	v48 =	vadd.f32 v63, v48  }
0x1c9: {  	v63 =	vmul.f32 v54, v50;
	v50 =	vmul.f32 v56, v50;
	v46 =	vadd.f32 v61, v46  }
0x1ca: {  	v55 =	vmul.f32 v54, v59;
	v45 =	vadd.f32 v62, v45;
	v42 =	vadd.f32 v60, v42  }
0x1cb: {  	v60 =	vbroadcast v1, $0xD;
	v41 =	vadd.f32 v57, v41;
	v61 =	vmul.f32 v56, v59  }
0x1cc: {  	v39 =	vadd.f32 v58, v39;
	v58 =	vbroadcast v3, $0xD;
	v44 =	vadd.f32 v63, v44  }
0x1cd: {  	v43 =	vadd.f32 v50, v43;
	v50 =	vmul.f32 v53, v59;
	v59 =	vbroadcast v0, $0xD  }
0x1ce: {  	v38 =	vadd.f32 v55, v38;
	v62 =	vmul.f32 v51, v60;
	v63 =	vmul.f32 v49, v60  }
0x1cf: {  	v37 =	vadd.f32 v61, v37;
	v61 =	vmul.f32 v53, v60;
	v57 =	vmul.f32 v49, v59  }
0x1d0: {  	v40 =	vadd.f32 v50, v40;
	v55 =	vmul.f32 v53, v59;
	v50 =	vmul.f32 v54, v59  }
0x1d1: {  	v36 =	vadd.f32 v62, v36;
	v62 =	vmul.f32 v52, v60;
	v35 =	vadd.f32 v63, v35  }
0x1d2: {  	v63 =	vmul.f32 v54, v60;
	v34 =	vadd.f32 v61, v34;
	v19 =	vadd.f32 v57, v19  }
0x1d3: {  	v60 =	vmul.f32 v56, v60;
	v18 =	vadd.f32 v55, v18;
	v15 =	vadd.f32 v50, v15  }
0x1d4: {  	v61 =	vmul.f32 v51, v58;
	v33 =	vadd.f32 v62, v33;
	v32 =	vadd.f32 v63, v32  }
0x1d5: {  	v31 =	vadd.f32 v60, v31;
	v62 =	vmul.f32 v49, v58;
	v63 =	vmul.f32 v53, v58  }
0x1d6: {  	v29 =	vadd.f32 v61, v29;
	v60 =	vmul.f32 v52, v58;
	v61 =	vmul.f32 v54, v58  }
0x1d7: {  	v28 =	vadd.f32 v62, v28;
	v26 =	vadd.f32 v63, v26;
	v62 =	vmul.f32 v56, v58  }
0x1d8: {  	v25 =	vadd.f32 v60, v25;
	v63 =	vmul.f32 v51, v59;
	v60 =	vbroadcast v4, $0xD  }
0x1d9: {  	v23 =	vadd.f32 v61, v23;
	v58 =	vmul.f32 v52, v59;
	v59 =	vmul.f32 v56, v59  }
0x1da: {  	v22 =	vadd.f32 v62, v22;
	v21 =	vadd.f32 v63, v21;
	v61 =	vmul.f32 v51, v60  }
0x1db: {  	v16 =	vadd.f32 v58, v16;
	v62 =	vmul.f32 v49, v60;
	v57 =	vmul.f32 v53, v60  }
0x1dc: {  	v14 =	vadd.f32 v59, v14;
	v63 =	vmul.f32 v52, v60;
	v58 =	vbroadcast v5, $0xD  }
0x1dd: {  	v12 =	vadd.f32 v61, v12;
	v11 =	vadd.f32 v62, v11;
	v61 =	vmul.f32 v54, v60  }
0x1de: {  	v62 =	vmul.f32 v56, v60;
	v9 =	vadd.f32 v63, v9;
	v63 =	vmul.f32 v51, v58  }
0x1df: {  	s30 =	sadd.s32 $0xFFFFFFD0, s3;
	v10 =	vadd.f32 v57, v10;
	v49 =	vmul.f32 v49, v58;
	v52 =	vmul.f32 v52, v58  }
0x1e0: {  	s7 =	sor.u32 $0x30, s30;
	v57 =	vld [tilespmem:s6+$0x120];
	v59 =	vmul.f32 v54, v58;
	v60 =	vmul.f32 v56, v58;
	v8 =	vadd.f32 v61, v8  }
0x1e1: {  	v7 =	vadd.f32 v62, v7;
	v61 =	vld [tilespmem:s7+$0x200];
	v30 =	vadd.f32 v63, v30;
	v62 =	vmul.f32 v53, v58  }
0x1e2: {  	v63 =	vld [tilespmem:s6+$0x140];
	v27 =	vadd.f32 v49, v27;
	v20 =	vadd.f32 v52, v20;
	v49 =	vbroadcast v6, $0xE  }
0x1e3: {  	v17 =	vadd.f32 v59, v17;
	v59 =	vbroadcast v2, $0xE;
	v58 =	vbroadcast v1, $0xE  }
0x1e4: {  	v13 =	vadd.f32 v60, v13;
	v6 =	vbroadcast v6, $0xF;
	v2 =	vbroadcast v2, $0xF  }
0x1e5: {  	v1 =	vbroadcast v1, $0xF;
	v24 =	vadd.f32 v62, v24;
	v50 =	vunpack.i.u.bf16.f32 v57  }
0x1e6: {  	v51 =	vunpack.i.l.bf16.f32 v57;
	v62 =	vmul.f32 v50, v49;
	v57 =	vmul.f32 v50, v58  }
0x1e7: {  	v52 =	vunpack.i.u.bf16.f32 v61;
	v54 =	vunpack.i.l.bf16.f32 v61;
	v55 =	vunpack.i.u.bf16.f32 v63  }
0x1e8: {  	v61 =	vmul.f32 v51, v49;
	v53 =	vunpack.i.l.bf16.f32 v63;
	v63 =	vmul.f32 v54, v49  }
0x1e9: {  	v60 =	vmul.f32 v52, v49;
	v47 =	vadd.f32 v62, v47;
	v62 =	vmul.f32 v51, v59  }
0x1ea: {  	v56 =	vmul.f32 v54, v58;
	v35 =	vadd.f32 v57, v35;
	v48 =	vadd.f32 v61, v48  }
0x1eb: {  	v61 =	vmul.f32 v53, v49;
	v49 =	vmul.f32 v55, v49;
	v46 =	vadd.f32 v63, v46  }
0x1ec: {  	v45 =	vadd.f32 v60, v45;
	v63 =	vmul.f32 v50, v59;
	v42 =	vadd.f32 v62, v42  }
0x1ed: {  	v60 =	vmul.f32 v54, v59;
	v62 =	vmul.f32 v53, v59;
	v34 =	vadd.f32 v56, v34  }
0x1ee: {  	v44 =	vadd.f32 v61, v44;
	v43 =	vadd.f32 v49, v43;
	v61 =	vmul.f32 v52, v59  }
0x1ef: {  	v49 =	vmul.f32 v53, v58;
	v41 =	vadd.f32 v63, v41;
	v40 =	vadd.f32 v60, v40  }
0x1f0: {  	v63 =	vmul.f32 v55, v59;
	v38 =	vadd.f32 v62, v38;
	v60 =	vmul.f32 v51, v58  }
0x1f1: {  	v59 =	vmul.f32 v52, v58;
	v39 =	vadd.f32 v61, v39;
	v61 =	vmul.f32 v55, v58  }
0x1f2: {  	v58 =	vbroadcast v0, $0xE;
	v0 =	vbroadcast v0, $0xF;
	v36 =	vadd.f32 v60, v36  }
0x1f3: {  	v60 =	vbroadcast v3, $0xE;
	v33 =	vadd.f32 v59, v33;
	v59 =	vbroadcast v4, $0xE  }
0x1f4: {  	v32 =	vadd.f32 v49, v32;
	v3 =	vbroadcast v3, $0xF;
	v4 =	vbroadcast v4, $0xF  }
0x1f5: {  	v37 =	vadd.f32 v63, v37;
	v62 =	vmul.f32 v51, v60;
	v63 =	vmul.f32 v50, v60  }
0x1f6: {  	v31 =	vadd.f32 v61, v31;
	v57 =	vmul.f32 v54, v60;
	v61 =	vmul.f32 v52, v60  }
0x1f7: {  	v49 =	vmul.f32 v54, v59;
	v56 =	vmul.f32 v53, v59;
	v29 =	vadd.f32 v62, v29  }
0x1f8: {  	v28 =	vadd.f32 v63, v28;
	v62 =	vmul.f32 v53, v60;
	v63 =	vmul.f32 v55, v60  }
0x1f9: {  	v26 =	vadd.f32 v57, v26;
	v25 =	vadd.f32 v61, v25;
	v60 =	vmul.f32 v51, v58  }
0x1fa: {  	v61 =	vmul.f32 v50, v58;
	v10 =	vadd.f32 v49, v10;
	v8 =	vadd.f32 v56, v8  }
0x1fb: {  	v57 =	vmul.f32 v50, v59;
	v23 =	vadd.f32 v62, v23;
	v22 =	vadd.f32 v63, v22  }
0x1fc: {  	v56 =	vld [tilespmem:s6+$0x150];
	v21 =	vadd.f32 v60, v21;
	v62 =	vmul.f32 v54, v58;
	v63 =	vmul.f32 v52, v58  }
0x1fd: {  	v19 =	vadd.f32 v61, v19;
	v60 =	vmul.f32 v53, v58;
	v61 =	vmul.f32 v55, v58  }
0x1fe: {  	v58 =	vmul.f32 v52, v59;
	v11 =	vadd.f32 v57, v11;
	v18 =	vadd.f32 v62, v18  }
0x1ff: {  	v16 =	vadd.f32 v63, v16;
	v15 =	vadd.f32 v60, v15;
	v60 =	vbroadcast v5, $0xE  }
0x200: {  	s31 =	sor.u32 $0x70, s3;
	v62 =	vmul.f32 v51, v59;
	v14 =	vadd.f32 v61, v14;
	v63 =	vmul.f32 v55, v59  }
0x201: {  	v9 =	vadd.f32 v58, v9;
	v58 =	vld [tilespmem:s31+$0x200];
	v49 =	vunpack.i.u.bf16.f32 v56;
	v51 =	vmul.f32 v51, v60  }
0x202: {  	v12 =	vadd.f32 v62, v12;
	v59 =	vmul.f32 v50, v60;
	v61 =	vmul.f32 v54, v60  }
0x203: {  	v7 =	vadd.f32 v63, v7;
	v63 =	vmul.f32 v52, v60;
	v57 =	vmul.f32 v53, v60  }
0x204: {  	v50 =	vunpack.i.l.bf16.f32 v56;
	v30 =	vadd.f32 v51, v30;
	v27 =	vadd.f32 v59, v27  }
0x205: {  	v62 =	vld [tilespmem:s6+$0x160];
	v24 =	vadd.f32 v61, v24;
	v59 =	vmul.f32 v55, v60;
	v60 =	vmul.f32 v50, v6  }
0x206: {  	v17 =	vadd.f32 v57, v17;
	v61 =	vmul.f32 v49, v6;
	v55 =	vunpack.i.u.bf16.f32 v58  }
0x207: {  	v53 =	vunpack.i.l.bf16.f32 v58;
	v58 =	vmul.f32 v50, v0;
	v48 =	vadd.f32 v60, v48  }
0x208: {  	v47 =	vadd.f32 v61, v47;
	v60 =	vmul.f32 v53, v6;
	v61 =	vmul.f32 v50, v2  }
0x209: {  	v13 =	vadd.f32 v59, v13;
	v59 =	vmul.f32 v53, v2;
	v56 =	vmul.f32 v53, v3  }
0x20a: {  	v57 =	vmul.f32 v55, v3;
	v51 =	vunpack.i.u.bf16.f32 v62;
	v52 =	vunpack.i.l.bf16.f32 v62  }
0x20b: {  	v21 =	vadd.f32 v58, v21;
	v58 =	vmul.f32 v53, v4;
	v62 =	vmul.f32 v52, v6  }
0x20c: {  	v20 =	vadd.f32 v63, v20;
	v63 =	vmul.f32 v51, v6;
	v6 =	vmul.f32 v55, v6  }
0x20d: {  	v44 =	vadd.f32 v60, v44;
	v42 =	vadd.f32 v61, v42;
	v60 =	vmul.f32 v49, v1  }
0x20e: {  	v38 =	vadd.f32 v59, v38;
	v61 =	vmul.f32 v52, v1;
	v54 =	vmul.f32 v52, v3  }
0x20f: {  	v23 =	vadd.f32 v56, v23;
	v59 =	vmul.f32 v49, v0;
	v22 =	vadd.f32 v57, v22  }
0x210: {  	v56 =	vmul.f32 v51, v4;
	v57 =	vbroadcast v5, $0xF;
	v8 =	vadd.f32 v58, v8  }
0x211: {  	v46 =	vadd.f32 v62, v46;
	v45 =	vadd.f32 v63, v45;
	v62 =	vmul.f32 v49, v2  }
0x212: {  	v43 =	vadd.f32 v6, v43;
	v6 =	vmul.f32 v52, v2;
	v63 =	vmul.f32 v51, v2  }
0x213: {  	v2 =	vmul.f32 v55, v2;
	v35 =	vadd.f32 v60, v35;
	v34 =	vadd.f32 v61, v34  }
0x214: {  	v26 =	vadd.f32 v54, v26;
	v60 =	vmul.f32 v52, v0;
	v61 =	vmul.f32 v53, v0  }
0x215: {  	v19 =	vadd.f32 v59, v19;
	v54 =	vmul.f32 v52, v4;
	v9 =	vadd.f32 v56, v9  }
0x216: {  	v59 =	vmul.f32 v50, v57;
	v41 =	vadd.f32 v62, v41;
	v40 =	vadd.f32 v6, v40  }
0x217: {  	v39 =	vadd.f32 v63, v39;
	v6 =	vmul.f32 v50, v1;
	v37 =	vadd.f32 v2, v37  }
0x218: {  	v62 =	vmul.f32 v53, v1;
	v63 =	vmul.f32 v49, v3;
	v18 =	vadd.f32 v60, v18  }
0x219: {  	v15 =	vadd.f32 v61, v15;
	v10 =	vadd.f32 v54, v10;
	v60 =	vmul.f32 v49, v57  }
0x21a: {  	v30 =	vadd.f32 v59, v30;
	v61 =	vmul.f32 v52, v57;
	v36 =	vadd.f32 v6, v36  }
0x21b: {  	v6 =	vmul.f32 v51, v1;
	v1 =	vmul.f32 v55, v1;
	v32 =	vadd.f32 v62, v32  }
0x21c: {  	v28 =	vadd.f32 v63, v28;
	v62 =	vmul.f32 v50, v4;
	v63 =	vmul.f32 v49, v4  }
0x21d: {  	v4 =	vmul.f32 v55, v4;
	v27 =	vadd.f32 v60, v27;
	v24 =	vadd.f32 v61, v24  }
0x21e: {  	v33 =	vadd.f32 v6, v33;
	v6 =	vmul.f32 v50, v3;
	v31 =	vadd.f32 v1, v31  }
0x21f: {  	p0 =	sne.s32 s3, $0xED0;
	v12 =	vadd.f32 v62, v12;
	v11 =	vadd.f32 v63, v11;
	v62 =	vmul.f32 v51, v57  }
.Ltmp1:
0x220: {  	v7 =	vadd.f32 v4, v7;
	v29 =	vadd.f32 v6, v29;
	v6 =	vmul.f32 v51, v3;
	(pc) =	sbr.rel @p0 .LBB2_2-.Ltmp1, $4  }
0x221: {  	v63 =	vmul.f32 v53, v57;
	v3 =	vmul.f32 v55, v57;
	v20 =	vadd.f32 v62, v20  }
0x222: {  	v25 =	vadd.f32 v6, v25;
	v6 =	vmul.f32 v51, v0;
	v0 =	vmul.f32 v55, v0  }
0x223: {  	s3 =	sadd.s32 $0x300, s3;
	v17 =	vadd.f32 v63, v17;
	v13 =	vadd.f32 v3, v13  }
0x224: {  	s4 =	sadd.s32 $0x10, s4;
	s5 =	sadd.s32 $0x10, s5;
	s6 =	sadd.s32 $0x300, s6;
	v16 =	vadd.f32 v6, v16;
	v14 =	vadd.f32 v0, v14  }
0x225: {  	[tilespmem:$0x1300] =	vst v48  }
0x226: {  	[tilespmem:$0x1310] =	vst v47  }
0x227: {  	[tilespmem:$0x1320] =	vst v46  }
0x228: {  	[tilespmem:$0x1330] =	vst v45  }
0x229: {  	[tilespmem:$0x1340] =	vst v44  }
0x22a: {  	[tilespmem:$0x1350] =	vst v43  }
0x22b: {  	[tilespmem:$0x1360] =	vst v42  }
0x22c: {  	[tilespmem:$0x1370] =	vst v41;
	v0 =	vshrl.u32 v30, $0x10;
	v1 =	vld [tilespmem:$0x1100]  }
0x22d: {  	[tilespmem:$0x1380] =	vst v40;
	v0 =	vand.u32 $0x1, v0  }
0x22e: {  	[tilespmem:$0x1390] =	vst v39;
	v0 =	vadd.s32 v0, v30  }
0x22f: {  	[tilespmem:$0x13A0] =	vst v38;
	v2 =	vshrl.u32 v27, $0x10;
	v3 =	vld [tilespmem:$0x1110];
	v0 =	vadd.s32 $0x7FFF, v0  }
0x230: {  	[tilespmem:$0x13B0] =	vst v37;
	v2 =	vand.u32 $0x1, v2;
	v0 =	vand.u32 $0xFFFF0000, v0  }
0x231: {  	[tilespmem:$0x13C0] =	vst v36;
	v0 =	vmul.f32 v0, v1;
	v1 =	vadd.s32 v2, v27  }
0x232: {  	[tilespmem:$0x13D0] =	vst v35;
	v4 =	vld [tilespmem:$0x1120];
	v2 =	vshrl.u32 v24, $0x10;
	v1 =	vadd.s32 $0x7FFF, v1  }
0x233: {  	[tilespmem:$0x13E0] =	vst v34;
	v2 =	vand.u32 $0x1, v2;
	v0 =	vadd.f32 $0.0e+00, v0;
	v1 =	vand.u32 $0xFFFF0000, v1  }
0x234: {  	[tilespmem:$0x13F0] =	vst v33;
	v5 =	vld [tilespmem:$0x1130];
	v2 =	vadd.s32 v2, v24;
	v1 =	vmul.f32 v1, v3;
	v3 =	vshrl.u32 v20, $0x10  }
0x235: {  	[tilespmem:$0x1400] =	vst v32;
	v2 =	vadd.s32 $0x7FFF, v2;
	v3 =	vand.u32 $0x1, v3  }
0x236: {  	[tilespmem:$0x1410] =	vst v31;
	v0 =	vadd.f32 v1, v0;
	v1 =	vand.u32 $0xFFFF0000, v2;
	v2 =	vadd.s32 v3, v20  }
0x237: {  	[tilespmem:$0x1420] =	vst v29;
	v3 =	vshrl.u32 v17, $0x10;
	v1 =	vmul.f32 v1, v4;
	v2 =	vadd.s32 $0x7FFF, v2;
	v4 =	vld [tilespmem:$0x1140]  }
0x238: {  	[tilespmem:$0x1430] =	vst v28;
	v3 =	vand.u32 $0x1, v3;
	v2 =	vand.u32 $0xFFFF0000, v2  }
0x239: {  	[tilespmem:$0x1440] =	vst v26;
	v0 =	vadd.f32 v1, v0;
	v1 =	vmul.f32 v2, v5;
	v2 =	vadd.s32 v3, v17  }
0x23a: {  	[tilespmem:$0x1450] =	vst v25;
	v3 =	vshrl.u32 v13, $0x10;
	v5 =	vld [tilespmem:$0x1150];
	v2 =	vadd.s32 $0x7FFF, v2  }
0x23b: {  	[tilespmem:$0x1460] =	vst v23;
	v0 =	vadd.f32 v1, v0;
	v1 =	vand.u32 $0xFFFF0000, v2;
	v2 =	vand.u32 $0x1, v3  }
0x23c: {  	[tilespmem:$0x1470] =	vst v22;
	v3 =	vimm.s32 $0xFEDCBA98;
	v1 =	vmul.f32 v1, v4;
	v2 =	vadd.s32 v2, v13  }
0x23d: {  	[tilespmem:$0x1480] =	vst v21;
	v4 =	vimm.s32 $0x76543210;
	v3 =	vunpack.c.l.s4.s8 v3;
	v2 =	vadd.s32 $0x7FFF, v2  }
0x23e: {  	[tilespmem:$0x1490] =	vst v19;
	v4 =	vunpack.c.l.s4.s8 v4;
	v2 =	vand.u32 $0xFFFF0000, v2  }
0x23f: {  	[tilespmem:$0x14A0] =	vst v18;
	v0 =	vadd.f32 v1, v0;
	v1 =	vmul.f32 v2, v5;
	v2 =	vunpack.c.0.s8.s32 v3  }
0x240: {  	[tilespmem:$0x14C0] =	vst v15;
	v3 =	vunpack.c.0.s8.s32 v4  }
0x241: {  	[tilespmem:$0x14E0] =	vst v12;
	v1 =	vadd.f32 v1, v0;
	v0 =	vand.u32 $0xF, v2  }
0x242: {  	[tilespmem:$0x14F0] =	vst v11;
	v2 =	vimm.s32 $0xBA98FEDC;
	v0 =	vcombine.low v0, v3;
	v3 =	vimm.s32 $0x32107654  }
0x243: {  	[tilespmem:$0x1500] =	vst v10;
	v2 =	vunpack.c.l.s4.s8 v2;
	v3 =	vunpack.c.l.s4.s8 v3  }
0x244: {  	[tilespmem:$0x1510] =	vst v9;
	v4 =	vperm.xlane v1, v0  }
0x245: {  	[tilespmem:$0x1520] =	vst v8;
	v2 =	vunpack.c.0.s8.s32 v2;
	v3 =	vunpack.c.0.s8.s32 v3  }
0x246: {  	v6 =	vimm.s32 $0x54761032;
	[tilespmem:$0x1530] =	vst v7;
	v5 =	vimm.s32 $0xDCFE98BA;
	v4 =	vadd.f32 v1, v4  }
0x247: {  	[tilespmem:$0x14B0] =	vst v16;
	v1 =	vcombine.low v3, v2;
	v2 =	vunpack.c.l.s4.s8 v5;
	v3 =	vunpack.c.l.s4.s8 v6  }
0x248: {  	s3 =	simm.s32 $0x1330;
	[tilespmem:$0x14D0] =	vst v14  }
0x249: {  	v10 =	vld [tilespmem:s3+$0x20];
	v5 =	vperm.xlane v4, v1;
	v2 =	vunpack.c.0.s8.s32 v2;
	v3 =	vunpack.c.0.s8.s32 v3  }
0x24a: {  	v6 =	vld [tilespmem:s3+$0xFFFFFFD0]  }
0x24b: {  	v9 =	vimm.s32 $0x67452301;
	v12 =	vld [tilespmem:s3+$0x0];
	v4 =	vadd.f32 v4, v5;
	v2 =	vcombine.low v3, v2  }
0x24c: {  	v9 =	vunpack.c.l.s4.s8 v9;
	v8 =	vld [tilespmem:s3+$0xFFFFFFE0];
	v5 =	vimm.s32 $0xEFCDAB89  }
0x24d: {  	v5 =	vunpack.c.l.s4.s8 v5;
	v7 =	vperm.xlane v4, v2  }
0x24e: {  	v11 =	vld [tilespmem:s3+$0xFFFFFFF0];
	v14 =	vunpack.c.0.s8.s32 v9  }
0x24f: {  	v13 =	vadd.f32 v4, v7;
	v4 =	vunpack.c.0.s8.s32 v5;
	v7 =	vld [tilespmem:$0x1160];
	v5 =	vshrl.u32 v6, $0x10  }
0x250: {  	v16 =	vshrl.u32 v10, $0x10;
	v19 =	vshrl.u32 v12, $0x10;
	v15 =	vand.u32 $0x1, v5  }
0x251: {  	v19 =	vand.u32 $0x1, v19;
	v17 =	vshrl.u32 v8, $0x10;
	v5 =	vld [tilespmem:$0x1170];
	v6 =	vadd.s32 v15, v6  }
0x252: {  	v16 =	vand.u32 $0x1, v16;
	v17 =	vand.u32 $0x1, v17;
	v3 =	vld [tilespmem:s3+$0x10];
	v18 =	vadd.s32 $0x7FFF, v6  }
0x253: {  	v8 =	vadd.s32 v17, v8;
	v15 =	vshrl.u32 v11, $0x10;
	v6 =	vld [tilespmem:$0x1180];
	v18 =	vand.u32 $0xFFFF0000, v18  }
0x254: {  	v15 =	vand.u32 $0x1, v15;
	v17 =	vmul.f32 v18, v7;
	v18 =	vadd.s32 $0x7FFF, v8  }
0x255: {  	v12 =	vadd.s32 v19, v12;
	v11 =	vadd.s32 v15, v11;
	v8 =	vld [tilespmem:$0x1190];
	v18 =	vand.u32 $0xFFFF0000, v18  }
0x256: {  	v15 =	vadd.f32 $0.0e+00, v17;
	v17 =	vmul.f32 v18, v5;
	v18 =	vadd.s32 $0x7FFF, v11  }
0x257: {  	v12 =	vadd.s32 $0x7FFF, v12;
	v9 =	vshrl.u32 v3, $0x10;
	v11 =	vld [tilespmem:$0x11A0];
	v18 =	vand.u32 $0xFFFF0000, v18  }
0x258: {  	v20 =	vand.u32 $0x1, v9;
	v15 =	vadd.f32 v17, v15;
	v17 =	vmul.f32 v18, v6  }
0x259: {  	s31 =	simm.s32 $0x1390;
	v12 =	vand.u32 $0xFFFF0000, v12;
	v9 =	vld [tilespmem:$0x11B0];
	v4 =	vcombine.low v14, v4;
	v3 =	vadd.s32 v20, v3  }
0x25a: {  	v14 =	vld [tilespmem:s31+$0x0];
	v3 =	vadd.s32 $0x7FFF, v3;
	v12 =	vmul.f32 v12, v8;
	v15 =	vadd.f32 v17, v15  }
0x25b: {  	v10 =	vadd.s32 v16, v10;
	v20 =	vld [tilespmem:s31+$0xFFFFFFE0];
	v3 =	vand.u32 $0xFFFF0000, v3  }
0x25c: {  	v10 =	vadd.s32 $0x7FFF, v10;
	v3 =	vmul.f32 v3, v11;
	v12 =	vadd.f32 v12, v15  }
0x25d: {  	v10 =	vand.u32 $0xFFFF0000, v10;
	v15 =	vld [tilespmem:s31+$0xFFFFFFD0]  }
0x25e: {  	v22 =	vmul.f32 v10, v9;
	v17 =	vperm.xlane v13, v4;
	v21 =	vadd.f32 v3, v12  }
0x25f: {  	v23 =	vshrl.u32 v14, $0x10  }
0x260: {  	v59 =	vshrl.u32 v20, $0x10;
	v12 =	vadd.f32 v13, v17;
	v13 =	vadd.f32 v22, v21  }
0x261: {  	v16 =	vld [tilespmem:s31+$0xFFFFFFF0];
	v10 =	vimm.f32 $0.0e+00;
	v23 =	vand.u32 $0x1, v23;
	v60 =	vand.u32 $0x1, v59  }
0x262: {  	v14 =	vadd.s32 v23, v14;
	v57 =	vshrl.u32 v15, $0x10;
	v58 =	vperm.xlane v13, v0  }
0x263: {  	v20 =	vadd.s32 v60, v20;
	v14 =	vadd.s32 $0x7FFF, v14;
	v24 =	vand.u32 $0x1, v57  }
0x264: {  	v19 =	vld [tilespmem:s31+$0x10];
	v20 =	vadd.s32 $0x7FFF, v20;
	v15 =	vadd.s32 v24, v15;
	v13 =	vadd.f32 v13, v58  }
0x265: {  	v62 =	vand.u32 $0xFFFF0000, v14;
	v20 =	vand.u32 $0xFFFF0000, v20;
	v15 =	vadd.s32 $0x7FFF, v15  }
0x266: {  	v18 =	vld [tilespmem:s31+$0x20];
	v22 =	vshrl.u32 v16, $0x10;
	v15 =	vand.u32 $0xFFFF0000, v15;
	v61 =	vperm.xlane v13, v1  }
0x267: {  	v20 =	vmul.f32 v20, v5;
	v22 =	vand.u32 $0x1, v22;
	v15 =	vmul.f32 v15, v7  }
0x268: {  	v3 =	vlaneseq.u32;
	v16 =	vadd.s32 v22, v16;
	v22 =	vadd.f32 v13, v61  }
0x269: {  	s5 =	simm.s32 $0x13F0;
	v17 =	vshrl.u32 v19, $0x10;
	v15 =	vadd.f32 $0.0e+00, v15;
	v13 =	vadd.s32 $0x7FFF, v16  }
0x26a: {  	v14 =	vld [tilespmem:s5+$0x0];
	v17 =	vand.u32 $0x1, v17;
	v16 =	vand.u32 $0xFFFF0000, v13;
	v23 =	vperm.xlane v22, v2  }
0x26b: {  	v21 =	vshrl.u32 v18, $0x10;
	v13 =	vld [tilespmem:s5+$0x20];
	v20 =	vadd.f32 v20, v15;
	v16 =	vmul.f32 v16, v6  }
0x26c: {  	v17 =	vadd.s32 v17, v19;
	v21 =	vand.u32 $0x1, v21;
	v15 =	vld [tilespmem:s5+$0x10];
	v19 =	vadd.f32 v22, v23  }
0x26d: {  	v17 =	vadd.s32 $0x7FFF, v17;
	v20 =	vadd.f32 v16, v20;
	v22 =	vmul.f32 v62, v8;
	v16 =	vld [tilespmem:s5+$0xFFFFFFF0]  }
0x26e: {  	v17 =	vand.u32 $0xFFFF0000, v17;
	v23 =	vadd.s32 v21, v18;
	v18 =	vld [tilespmem:s5+$0xFFFFFFE0];
	v63 =	vperm.xlane v19, v4  }
0x26f: {  	s7 =	simm.s32 $0x0;
	v21 =	vmul.f32 v17, v11;
	v17 =	vadd.s32 $0x7FFF, v23;
	v23 =	vld [tilespmem:s5+$0xFFFFFFD0];
	v20 =	vadd.f32 v22, v20  }
0x270: {  	s4 =	simm.s32 $0x1;
	s6 =	simm.s32 $0x3;
	s3 =	simm.s32 $0x2;
	v22 =	vand.u32 $0xFFFF0000, v17;
	v17 =	vmov s7;
	v19 =	vadd.f32 v19, v63  }
.LBB2_4:
0x271: {  	p0 =	sne.s32 s6, $0x5;
	v20 =	vadd.f32 v21, v20;
	v21 =	vmul.f32 v22, v9;
	vm0 =	veq.s32 v17, v3  }
0x272: {  	v17 =	vshrl.u32 v15, $0x10;
	v22 =	vshrl.u32 v13, $0x10;
	v19 =	vadd.f32 v19, v12  }
0x273: {  	v25 =	vshrl.u32 v14, $0x10;
	v24 =	vshrl.u32 v16, $0x10;
	v20 =	vadd.f32 v21, v20  }
0x274: {  	v26 =	vshrl.u32 v18, $0x10;
	v21 =	vshrl.u32 v23, $0x10;
	v27 =	vmul.f32 $2.000000030e-01, v19  }
0x275: {  	v22 =	vand.u32 $0x1, v22;
	vm1 =	vge.f32 v19, $0.0e+00;
	v28 =	vperm.xlane v20, v0  }
0x276: {  	v17 =	vand.u32 $0x1, v17;
	v21 =	vand.u32 $0x1, v21;
	v19 =	vsel vm1, v19, v27  }
0x277: {  	v21 =	vadd.s32 v21, v23;
	v20 =	vadd.f32 v20, v28;
	v10 =	vsel vm0, v19, v10  }
0x278: {  	v23 =	vand.u32 $0x1, v25;
	v19 =	vadd.s32 $0x7FFF, v21;
	v21 =	vand.u32 $0x1, v26  }
0x279: {  	v19 =	vand.u32 $0xFFFF0000, v19;
	v18 =	vadd.s32 v21, v18;
	v21 =	vperm.xlane v20, v1  }
0x27a: {  	v24 =	vand.u32 $0x1, v24;
	v19 =	vmul.f32 v19, v7;
	v18 =	vadd.s32 $0x7FFF, v18  }
0x27b: {  	v16 =	vadd.s32 v24, v16;
	v18 =	vand.u32 $0xFFFF0000, v18;
	v20 =	vadd.f32 v20, v21  }
0x27c: {  	s5 =	sadd.s32 $0x60, s5;
	v16 =	vadd.s32 $0x7FFF, v16;
	v19 =	vadd.f32 $0.0e+00, v19;
	v18 =	vmul.f32 v18, v5  }
0x27d: {  	v16 =	vand.u32 $0xFFFF0000, v16;
	v14 =	vadd.s32 v23, v14;
	v24 =	vld [tilespmem:s5+$0x20];
	v21 =	vperm.xlane v20, v2  }
0x27e: {  	v18 =	vadd.f32 v18, v19;
	v19 =	vmul.f32 v16, v6;
	v16 =	vadd.s32 $0x7FFF, v14;
	v25 =	vld [tilespmem:s5+$0x10]  }
.Ltmp2:
0x27f: {  	v15 =	vadd.s32 v17, v15;
	v23 =	vand.u32 $0xFFFF0000, v16;
	v14 =	vld [tilespmem:s5+$0x0];
	v17 =	vadd.f32 v20, v21;
	(pc) =	sbr.rel @p0 .LBB2_4-.Ltmp2, $4  }
0x280: {  	v15 =	vadd.s32 $0x7FFF, v15;
	v19 =	vadd.f32 v19, v18;
	v20 =	vmul.f32 v23, v8;
	v16 =	vld [tilespmem:s5+$0xFFFFFFF0]  }
0x281: {  	v22 =	vadd.s32 v22, v13;
	v28 =	vand.u32 $0xFFFF0000, v15;
	v18 =	vld [tilespmem:s5+$0xFFFFFFE0];
	v26 =	vperm.xlane v17, v4  }
0x282: {  	v27 =	vadd.s32 $0x7FFF, v22;
	v21 =	vmul.f32 v28, v11;
	v20 =	vadd.f32 v20, v19;
	v23 =	vld [tilespmem:s5+$0xFFFFFFD0];
	v13 =	vmovc v24  }
0x283: {  	v22 =	vand.u32 $0xFFFF0000, v27;
	v19 =	vadd.f32 v17, v26;
	v17 =	vmov s4;
	v15 =	vmovc v25;
	s4 =	smov.u32 s3;
	s3 =	smov.u32 s6;
	s6 =	sadd.s32 $0x1, s6  }
0x284: {  	_ =	sdelay $0x2  }
0x285: {  	v24 =	vshrl.u32 v23, $0x10  }
0x286: {  	v25 =	vshrl.u32 v15, $0x10;
	v24 =	vand.u32 $0x1, v24  }
0x287: {  	v26 =	vshrl.u32 v13, $0x10;
	v27 =	vshrl.u32 v18, $0x10;
	v62 =	vadd.s32 v24, v23  }
0x288: {  	v28 =	vshrl.u32 v14, $0x10;
	v27 =	vand.u32 $0x1, v27;
	v23 =	vadd.s32 $0x7FFF, v62  }
0x289: {  	v63 =	vshrl.u32 v16, $0x10;
	v32 =	vadd.s32 v27, v18;
	v23 =	vand.u32 $0xFFFF0000, v23  }
0x28a: {  	v33 =	vand.u32 $0x1, v63;
	v18 =	vadd.s32 $0x7FFF, v32;
	v7 =	vmul.f32 v23, v7  }
0x28b: {  	v34 =	vand.u32 $0x1, v28;
	v35 =	vadd.s32 v33, v16;
	v18 =	vand.u32 $0xFFFF0000, v18  }
0x28c: {  	v16 =	vadd.s32 $0x7FFF, v35;
	v5 =	vmul.f32 v18, v5;
	v7 =	vadd.f32 $0.0e+00, v7  }
0x28d: {  	v36 =	vand.u32 $0x1, v25;
	v37 =	vadd.s32 v34, v14;
	v16 =	vand.u32 $0xFFFF0000, v16  }
0x28e: {  	v38 =	vadd.s32 $0x7FFF, v37;
	v6 =	vmul.f32 v16, v6;
	v5 =	vadd.f32 v5, v7  }
0x28f: {  	v39 =	vand.u32 $0x1, v26;
	v40 =	vadd.s32 v36, v15;
	v7 =	vand.u32 $0xFFFF0000, v38  }
0x290: {  	v42 =	vadd.s32 $0x7FFF, v40;
	v41 =	vmul.f32 v7, v8;
	v5 =	vadd.f32 v6, v5  }
0x291: {  	v43 =	vadd.s32 v39, v13;
	v7 =	vand.u32 $0xFFFF0000, v42  }
0x292: {  	v45 =	vadd.s32 $0x7FFF, v43;
	v44 =	vmul.f32 v7, v11;
	v5 =	vadd.f32 v41, v5  }
0x293: {  	v46 =	vadd.f32 v21, v20;
	v47 =	vmul.f32 v22, v9;
	v7 =	vand.u32 $0xFFFF0000, v45  }
0x294: {  	v48 =	vmul.f32 v7, v9;
	v5 =	vadd.f32 v44, v5  }
0x295: {  	v49 =	vadd.f32 v47, v46  }
0x296: {  	v5 =	vadd.f32 v48, v5  }
0x297: {  	v50 =	vperm.xlane v49, v0  }
0x298: {  	v51 =	vperm.xlane v5, v0  }
0x299: {  	v6 =	vadd.f32 v49, v50  }
0x29a: {  	v0 =	vadd.f32 v5, v51  }
0x29b: {  	v52 =	vperm.xlane v6, v1  }
0x29c: {  	v53 =	vperm.xlane v0, v1  }
0x29d: {  	v5 =	vadd.f32 v6, v52  }
0x29e: {  	v0 =	vadd.f32 v0, v53  }
0x29f: {  	v54 =	vperm.xlane v5, v2  }
0x2a0: {  	v55 =	vperm.xlane v0, v2  }
0x2a1: {  	v1 =	vadd.f32 v5, v54  }
0x2a2: {  	v0 =	vadd.f32 v0, v55  }
0x2a3: {  	v56 =	vperm.xlane v1, v4  }
0x2a4: {  	v58 =	vperm.xlane v0, v4  }
0x2a5: {  	v1 =	vadd.f32 v1, v56  }
0x2a6: {  	v57 =	vadd.f32 v19, v12;
	v0 =	vadd.f32 v0, v58  }
0x2a7: {  	vm1 =	veq.s32 v17, v3;
	v60 =	vmov s4;
	v1 =	vadd.f32 v1, v12  }
0x2a8: {  	vm12 =	veq.s32 v60, v3;
	v59 =	vmul.f32 $2.000000030e-01, v57;
	v0 =	vadd.f32 v0, v12  }
0x2a9: {  	v63 =	vmov s3;
	vm0 =	vge.f32 v57, $0.0e+00;
	v61 =	vmul.f32 $2.000000030e-01, v1  }
0x2aa: {  	v2 =	vsel vm0, v57, v59;
	vm13 =	vge.f32 v1, $0.0e+00;
	v62 =	vmul.f32 $2.000000030e-01, v0  }
0x2ab: {  	v2 =	vsel vm1, v2, v10;
	v1 =	vsel vm13, v1, v61;
	vm14 =	vge.f32 v0, $0.0e+00  }
0x2ac: {  	vm15 =	veq.s32 v63, v3;
	v1 =	vsel vm12, v1, v2;
	v0 =	vsel vm14, v0, v62  }
0x2ad: {  	v0 =	vsel vm15, v0, v1  }
0x2ae: {  	s29 =	simm.s32 $0x0;
	s30 =	simm.s32 $0x1280;
	s31 =	simm.s32 $0x2;
	[tilespmem:$0x1280] =	vst v0  }
0x2af: {  	[hbm4b:s2+s29] =	stream.linear.scatter [tilespmem:s30], [sflag:$0x2], $0x10, $0x38;
	[tilespmem:$0x1580] =	vst v63  }
0x2b0: {  	_ =	swait.ge [sflag:s31], $0x10  }
0x2b1: {  	[sflag:s31] =	ssyncset.done $0x0  }
0x2b2: {  	[sflag:s31] =	ssyncadd.s32 $0xFFFFFFF0  }
.LBB2_6:
0x2b3: {  	_ =	sfence.sel $0x180000  }
0x2b4: {  	[bflag:$0x0] =	sbarrier.arrive $0xFFFF  }
0x2b5: {  	p0 =	sne.s32 s1, $0x0;
	_ =	strace $0x90000047  }
0x2b6: {  	s0 =	sadd.s32 @!p0 $0x100000, s0;
	[bflag:$0x2] =	sbarrier.arrive $0xFFFF  }
0x2b7: {  	[sflag:s0] =	ssyncadd.tile.s32 @!p0 $0x1;
	_ =	shalt  }
.Lfunc_end2:
_tile_overlayer_lowered:
.L_overlay_start_2:
0x2b8: {  	(tag) =	ssettag $0x2  }
0x2b9: {  	s0 =	rddreg [dreg:$0x0];
	s2 =	stileid.u32  }
0x2ba: {  	s1 =	rddreg [dreg:$0x1];
	p0 =	sne.s32 s2, $0x0  }
0x2bb: {  	s3 =	rddreg [dreg:$0x2];
	[bflag:$0x3] =	sbarrier.arrive $0xFFFF;
	s2 =	simm.s32 @!p0 $0x1C02  }
0x2bc: {  	[timem:s3], [sflag:s2] =	dma.local @!p0 [hbm:s0], s1  }
0x2bd: {  	s0 =	simm.s32 @!p0 $0x2  }
0x2be: {  	_ =	swait.ge @!p0 [sflag:s0], s1  }
0x2bf: {  	s1 =	ssub.s32 @!p0 $0x0, s1;
	[sflag:s0] =	ssyncset.done @!p0 $0x0  }
0x2c0: {  	[sflag:s0] =	ssyncadd.s32 @!p0 s1  }
0x2c1: {  	[bflag:$0x3] =	sbarrier.arrive $0xFFFF  }
0x2c2: {  	_ =	shalt  }

</sc_bundles>
